<compile_context>
chip_gen: v7x
topology: tpu7x:2x2x1
jax: 0.10.2.dev20260603
libtpu: 0.0.44.dev20260713+nightly
codegen_flags: <defaults>
</compile_context>

<pallas_src>
import functools

import jax
import jax.numpy as jnp
from jax import lax
from jax.experimental import pallas as pl
from jax.experimental.pallas import tpu as pltpu
from jax.experimental.pallas import tpu_sc as plsc

L = 3
N = 100000
D = 128
E = 16384
H0 = 256
H1 = 128

NW = 32
EPW = E // NW
CH = 64
NCH = EPW // CH
NSUB = CH // 16
NQ = 2 * 2 * L


def _sc_features(z1f, z2f, el, wv1, wv2):
    mesh = plsc.VectorSubcoreMesh(core_axis_name="c", subcore_axis_name="s")

    @functools.partial(
        pl.kernel,
        mesh=mesh,
        out_type=jax.ShapeDtypeStruct((NW * NQ * EPW,), jnp.float32),
        compiler_params=pltpu.CompilerParams(needs_layout_passes=False),
        scratch_types=[
            pltpu.VMEM((EPW, 2), jnp.int32),
            pltpu.VMEM((L, 2 * EPW), jnp.int32),
            pltpu.VMEM((2, D), jnp.float32),
            pltpu.VMEM((CH, D), jnp.float32),
            pltpu.VMEM((CH, D), jnp.float32),
            pltpu.VMEM((CH, D), jnp.float32),
            pltpu.VMEM((CH, D), jnp.float32),
            pltpu.VMEM((CH, D), jnp.float32),
            pltpu.VMEM((CH, D), jnp.float32),
            pltpu.VMEM((NQ * EPW,), jnp.float32),
            pltpu.SemaphoreType.DMA,
            pltpu.SemaphoreType.DMA,
            pltpu.SemaphoreType.DMA,
        ],
    )
    def sck(z1_h, z2_h, el_h, wv1_h, wv2_h, out_h,
            el_v, idxc_v, w_v, bufA1, bufA2, bufB1, bufB2, bufC1, bufC2,
            out_v, semA, semB, semC):
        wid = lax.axis_index("s") * 2 + lax.axis_index("c")
        pltpu.sync_copy(el_h.at[pl.ds(wid * EPW, EPW)], el_v)
        pltpu.sync_copy(wv1_h, w_v.at[pl.ds(0, 1)])
        pltpu.sync_copy(wv2_h, w_v.at[pl.ds(1, 1)])

        zero = jnp.zeros((16,), jnp.float32)
        iota16 = lax.iota(jnp.int32, 16)
        wid16 = tuple((iota16 + di) & 15 for di in range(16))
        NU = 2 * L * NCH

        for t in range(2):
            for k in range(D // 16):
                v = w_v[t, pl.ds(k * 16, 16)]
                w_v[t, pl.ds(k * 16, 16)] = v * v

        for l in range(L):
            for ep in range(2):
                epcol = jnp.full((16,), ep, jnp.int32)

                def blk_body(jb, _, l=l, ep=ep, epcol=epcol):
                    rows = jb * 16 + iota16
                    v = plsc.load_gather(el_v, [rows, epcol])
                    off = ((jb // (CH // 16)) * 2 * CH + ep * CH
                           + lax.rem(jb, CH // 16) * 16)
                    idxc_v[l, pl.ds(off, 16)] = v + l * N
                    return 0

                lax.fori_loop(0, EPW // 16, blk_body, 0)

        def issue(u, b1, b2, sem):
            lc = lax.rem(u, L * NCH)
            l = lc // NCH
            c = lax.rem(lc, NCH)
            src1 = idxc_v.at[l, pl.ds(c * 2 * CH, CH)]
            src2 = idxc_v.at[l, pl.ds(c * 2 * CH + CH, CH)]

            @pl.when(u < L * NCH)
            def _():
                pltpu.async_copy(z1_h.at[src1], b1, sem)
                pltpu.async_copy(z1_h.at[src2], b2, sem)

            @pl.when(u >= L * NCH)
            def _():
                pltpu.async_copy(z2_h.at[src1], b1, sem)
                pltpu.async_copy(z2_h.at[src2], b2, sem)

        def drain(b1, b2, sem):
            dummy = z1_h.at[pl.ds(0, CH)]
            pltpu.make_async_copy(dummy, b1, sem).wait()
            pltpu.make_async_copy(dummy, b2, sem).wait()

        def compute(u, b1, b2):
            t = u // (L * NCH)
            lc = lax.rem(u, L * NCH)
            l = lc // NCH
            c = lax.rem(lc, NCH)
            q = 2 * (t * L + l)

            def sub_body(sub, _):
                rowi = sub * 16 + iota16

                def dbody(db, accs):
                    wblk = w_v[t, pl.ds(db * 16, 16)]
                    db16 = db * 16
                    d0, d1, n0, n1, m0, m1 = accs
                    for di in range(16):
                        widx = wid16[di]
                        dcol = db16 + widx
                        wv = wblk[widx]
                        c1 = plsc.load_gather(b1, [rowi, dcol])
                        c2 = plsc.load_gather(b2, [rowi, dcol])
                        a1 = wv * c1
                        a2 = wv * c2
                        if di % 2 == 0:
                            d0 += a1 * c2
                            n0 += a1 * c1
                            m0 += a2 * c2
                        else:
                            d1 += a1 * c2
                            n1 += a1 * c1
                            m1 += a2 * c2
                    return (d0, d1, n0, n1, m0, m1)

                d0, d1, n0, n1, m0, m1 = lax.fori_loop(
                    0, D // 16, dbody, (zero,) * 6)
                off = c * CH + sub * 16
                out_v[pl.ds(q * EPW + off, 16)] = d0 + d1
                out_v[pl.ds((q + 1) * EPW + off, 16)] = (
                    (n0 + n1) * (m0 + m1))
                return 0

            lax.fori_loop(0, NSUB, sub_body, 0)

        issue(jnp.int32(0), bufA1, bufA2, semA)
        issue(jnp.int32(1), bufB1, bufB2, semB)

        slots = ((bufA1, bufA2, semA),
                 (bufB1, bufB2, semB),
                 (bufC1, bufC2, semC))

        def tri_body(p, _):
            u = 3 * p
            for k in range(3):
                b1, b2, sem = slots[(k + 2) % 3]

                @pl.when(u + k + 2 < NU)
                def _(b1=b1, b2=b2, sem=sem, uk=u + k + 2):
                    issue(uk, b1, b2, sem)

                b1, b2, sem = slots[k]
                drain(b1, b2, sem)
                compute(u + k, b1, b2)
            return 0

        lax.fori_loop(0, NU // 3, tri_body, 0)

        pltpu.sync_copy(out_v, out_h.at[pl.ds(wid * NQ * EPW, NQ * EPW)])

    return sck(z1f, z2f, el, wv1, wv2)


TPB = 4
EB = TPB * EPW


def _mlp_body(f_ref, w0_ref, b0_ref, w1_ref, b1_ref, wp_ref, bp_ref, o_ref):
    def row(q):
        segs = [f_ref[pl.ds(k * NQ * EPW + q * EPW, EPW)]
                for k in range(TPB)]
        return jnp.concatenate(segs, axis=0).reshape(1, EB)

    rows = []
    for l in range(L):
        d1 = row(2 * l)
        p1 = row(2 * l + 1)
        d2 = row(2 * L + 2 * l)
        p2 = row(2 * L + 2 * l + 1)
        s1 = (d1 / jnp.sqrt(jnp.maximum(p1, 1e-16))
              + d2 / jnp.sqrt(jnp.maximum(p2, 1e-16)))
        s2 = d1 + d2
        rows.append(s1)
        rows.append(s2)
    x = jnp.concatenate(rows, axis=0)
    h = jnp.maximum(
        jnp.dot(w0_ref[...], x, preferred_element_type=jnp.float32)
        + b0_ref[...], 0.0)
    h = jnp.maximum(
        jnp.dot(w1_ref[...], h, preferred_element_type=jnp.float32)
        + b1_ref[...], 0.0)
    pred = (jnp.dot(wp_ref[...], h, preferred_element_type=jnp.float32)
            + bp_ref[...])
    o_ref[...] = pred[0]


def _mlp(feat, W0, b0, W1, b1, Wp, bp):
    return pl.pallas_call(
        _mlp_body,
        grid=(NW // TPB,),
        in_specs=[
            pl.BlockSpec((TPB * NQ * EPW,), lambda i: (i,)),
            pl.BlockSpec((H0, 2 * L), lambda i: (0, 0)),
            pl.BlockSpec((H0, 1), lambda i: (0, 0)),
            pl.BlockSpec((H1, H0), lambda i: (0, 0)),
            pl.BlockSpec((H1, 1), lambda i: (0, 0)),
            pl.BlockSpec((1, H1), lambda i: (0, 0)),
            pl.BlockSpec((1, 1), lambda i: (0, 0)),
        ],
        out_specs=pl.BlockSpec((EB,), lambda i: (i,)),
        out_shape=jax.ShapeDtypeStruct((E,), jnp.float32),
    )(feat, W0, b0, W1, b1, Wp, bp)


def kernel(edge_list, z1_trains, z2_trains, weight_vec1, weight_vec2,
           W0, b0, W1, b1, Wp, bp, device):
    z1f = z1_trains.reshape(L * N, D)
    z2f = z2_trains.reshape(L * N, D)
    feat = _sc_features(z1f, z2f, edge_list, weight_vec1, weight_vec2)
    pred = _mlp(feat, W0, b0.reshape(H0, 1), W1, b1.reshape(H1, 1),
                Wp, bp.reshape(1, 1))
    return pred.reshape(-1)

# --- scband reference (transcript-rebuilt; emitter-appended) ---
"""Pipeline reference for scband-mlp-mia-white2-65300682768664 (READ-ONLY COPY).

The authoritative reference and input builder live on the scoring server;
editing this copy changes nothing except your own understanding.
"""

import jax, jax.numpy as jnp
import numpy as np

L = 3
N = 100000
D = 128
E = 16384
H0 = 256
H1 = 128
IN_DIM = 2 * L  # 2*(lay_1_dim-1)


def setup_inputs(seed: int = 0) -> dict:
    key = jax.random.key(seed)
    ks = jax.random.split(key, 12)
    edge_list = jax.random.randint(ks[0], (E, 2), 0, N, dtype=jnp.int32)
    z1_trains = jax.random.normal(ks[1], (L, N, D), dtype=jnp.float32)
    z2_trains = jax.random.normal(ks[2], (L, N, D), dtype=jnp.float32)
    weight_vec1 = jax.random.normal(ks[3], (1, D), dtype=jnp.float32)
    weight_vec2 = jax.random.normal(ks[4], (1, D), dtype=jnp.float32)
    W0 = jax.random.normal(ks[5], (H0, IN_DIM), dtype=jnp.float32) * 0.1
    b0 = jnp.zeros((H0,), dtype=jnp.float32)
    W1 = jax.random.normal(ks[6], (H1, H0), dtype=jnp.float32) * 0.1
    b1 = jnp.zeros((H1,), dtype=jnp.float32)
    Wp = jax.random.normal(ks[7], (1, H1), dtype=jnp.float32) * 0.1
    bp = jnp.zeros((1,), dtype=jnp.float32)
    return {
        'edge_list': edge_list,
        'z1_trains': z1_trains,
        'z2_trains': z2_trains,
        'weight_vec1': weight_vec1,
        'weight_vec2': weight_vec2,
        'W0': W0, 'b0': b0, 'W1': W1, 'b1': b1, 'Wp': Wp, 'bp': bp,
        'device': 0,
    }


def _cos(a, b):
    dot = jnp.sum(a * b, axis=-1)
    na = jnp.sqrt(jnp.sum(a * a, axis=-1))
    nb = jnp.sqrt(jnp.sum(b * b, axis=-1))
    return dot / jnp.maximum(na * nb, 1e-8)


def _sim_block(z, wv, n1, n2):
    # z: [L, N, D]; gather both endpoints -> [L, E, D]
    e1 = z[:, n1, :]
    e2 = z[:, n2, :]
    a = wv * e1
    b = wv * e2
    s1 = _cos(a, b)                 # [L, E]
    s2 = jnp.sum(a * b, axis=-1)    # [L, E]
    st = jnp.stack([s1, s2], axis=-1)        # [L, E, 2]
    st = jnp.transpose(st, (1, 0, 2))        # [E, L, 2]
    return st.reshape(st.shape[0], 2 * L)    # [E, 2L] interleaved per layer


def reference(edge_list, z1_trains, z2_trains, weight_vec1, weight_vec2,
              W0, b0, W1, b1, Wp, bp, device):
    n1 = edge_list[:, 0]
    n2 = edge_list[:, 1]
    sim1 = _sim_block(z1_trains, weight_vec1, n1, n2)
    sim2 = _sim_block(z2_trains, weight_vec2, n1, n2)
    sim = sim1 + sim2
    # torch code detaches the similarity features before the MLP
    sim = jax.lax.stop_gradient(sim)
    # dropout p=0.0 (eval) -> identity
    h = jax.nn.relu(sim @ W0.T + b0)
    h = jax.nn.relu(h @ W1.T + b1)
    pred = h @ Wp.T + bp
    return pred.reshape(-1)

if __name__ == "__main__":
    import jax
    _d = setup_inputs()
    print(jax.jit(kernel)(*tuple(_d.values())))

</pallas_src>

<mosaic_0001>
#map = affine_map<(d0, d1) -> (0, 0)>
#map1 = affine_map<(d0, d1) -> (0)>
module attributes {stable_mosaic.version = 14 : i64} {
  func.func @sck(%arg0: i32, %arg1: i32, %arg2: memref<300000x128xf32, #tpu.memory_space<hbm>>, %arg3: memref<300000x128xf32, #tpu.memory_space<hbm>>, %arg4: memref<16384x2xi32, #tpu.memory_space<hbm>>, %arg5: memref<1x128xf32, #tpu.memory_space<hbm>>, %arg6: memref<1x128xf32, #tpu.memory_space<hbm>>, %arg7: memref<196608xf32, #tpu.memory_space<hbm>>, %arg8: memref<512x2xi32, #tpu.memory_space<vmem>>, %arg9: memref<3x1024xi32, #tpu.memory_space<vmem>>, %arg10: memref<2x128xf32, #tpu.memory_space<vmem>>, %arg11: memref<64x128xf32, #tpu.memory_space<vmem>>, %arg12: memref<64x128xf32, #tpu.memory_space<vmem>>, %arg13: memref<64x128xf32, #tpu.memory_space<vmem>>, %arg14: memref<64x128xf32, #tpu.memory_space<vmem>>, %arg15: memref<64x128xf32, #tpu.memory_space<vmem>>, %arg16: memref<64x128xf32, #tpu.memory_space<vmem>>, %arg17: memref<6144xf32, #tpu.memory_space<vmem>>, %arg18: memref<!tpu.dma_semaphore, #tpu.memory_space<semaphore_mem>>, %arg19: memref<!tpu.dma_semaphore, #tpu.memory_space<semaphore_mem>>, %arg20: memref<!tpu.dma_semaphore, #tpu.memory_space<semaphore_mem>>) attributes {dimension_semantics = [#tpu.dimension_semantics<core_parallel>, #tpu.dimension_semantics<subcore_parallel>], iteration_bounds = array<i64: 2, 16>, scalar_prefetch = 0 : i64, scratch_operands = 13 : i64, tpu.core_type = #tpu.core_type<sc_vector_subcore>, window_params = [{transform_indices = #map}, {transform_indices = #map}, {transform_indices = #map}, {transform_indices = #map}, {transform_indices = #map}, {transform_indices = #map1}]} {
    %mul3A = arith.constant 2 : i32
    %mul3A_0 = arith.muli %arg1, %mul3A : i32
    %add3A = arith.addi %mul3A_0, %arg0 : i32
    %mul3A_1 = arith.constant 512 : i32
    %mul3A_2 = arith.muli %add3A, %mul3A_1 : i32
    "tpu.region"() ({
      %run_scoped3A = tpu.sem_alloc : memref<!tpu.dma_semaphore, #tpu.memory_space<semaphore_mem>>
      %dma_start3A = arith.constant 0 : i32
      %dma_start3A_396 = tpu.memref_slice %arg4[%mul3A_2, %dma_start3A] : memref<16384x2xi32, #tpu.memory_space<hbm>> -> memref<512x2xi32, #tpu.memory_space<hbm>>
      %dma_start3A_397 = arith.constant 0 : i32
      %dma_start3A_398 = tpu.memref_slice %arg4[%mul3A_2, %dma_start3A_397] : memref<16384x2xi32, #tpu.memory_space<hbm>> -> memref<512x2xi32, #tpu.memory_space<hbm>>
      tpu.enqueue_dma source(%dma_start3A_398 : memref<512x2xi32, #tpu.memory_space<hbm>>) target(%arg8 : memref<512x2xi32, #tpu.memory_space<vmem>>) target_semaphore(%run_scoped3A : memref<!tpu.dma_semaphore, #tpu.memory_space<semaphore_mem>>)
      %dma_wait3A = arith.constant 0 : i32
      %dma_wait3A_399 = tpu.memref_slice %arg4[%mul3A_2, %dma_wait3A] : memref<16384x2xi32, #tpu.memory_space<hbm>> -> memref<512x2xi32, #tpu.memory_space<hbm>>
      %dma_wait3A_400 = arith.constant 0 : i32
      %dma_wait3A_401 = tpu.memref_slice %arg4[%mul3A_2, %dma_wait3A_400] : memref<16384x2xi32, #tpu.memory_space<hbm>> -> memref<512x2xi32, #tpu.memory_space<hbm>>
      tpu.wait_dma2 semaphore(%run_scoped3A : memref<!tpu.dma_semaphore, #tpu.memory_space<semaphore_mem>>) src(%dma_wait3A_401 : memref<512x2xi32, #tpu.memory_space<hbm>>) dst(%arg8 : memref<512x2xi32, #tpu.memory_space<vmem>>)
      tpu.yield
    }) : () -> ()
    "tpu.region"() ({
      %run_scoped3A = tpu.sem_alloc : memref<!tpu.dma_semaphore, #tpu.memory_space<semaphore_mem>>
      %dma_start3A = arith.constant 0 : i32
      %dma_start3A_396 = arith.constant 0 : i32
      %dma_start3A_397 = tpu.memref_slice %arg10[%dma_start3A, %dma_start3A_396] : memref<2x128xf32, #tpu.memory_space<vmem>> -> memref<1x128xf32, #tpu.memory_space<vmem>>
      %dma_start3A_398 = arith.constant 0 : i32
      %dma_start3A_399 = arith.constant 0 : i32
      %dma_start3A_400 = tpu.memref_slice %arg10[%dma_start3A_398, %dma_start3A_399] : memref<2x128xf32, #tpu.memory_space<vmem>> -> memref<1x128xf32, #tpu.memory_space<vmem>>
      tpu.enqueue_dma source(%arg5 : memref<1x128xf32, #tpu.memory_space<hbm>>) target(%dma_start3A_400 : memref<1x128xf32, #tpu.memory_space<vmem>>) target_semaphore(%run_scoped3A : memref<!tpu.dma_semaphore, #tpu.memory_space<semaphore_mem>>)
      %dma_wait3A = arith.constant 0 : i32
      %dma_wait3A_401 = arith.constant 0 : i32
      %dma_wait3A_402 = tpu.memref_slice %arg10[%dma_wait3A, %dma_wait3A_401] : memref<2x128xf32, #tpu.memory_space<vmem>> -> memref<1x128xf32, #tpu.memory_space<vmem>>
      %dma_wait3A_403 = arith.constant 0 : i32
      %dma_wait3A_404 = arith.constant 0 : i32
      %dma_wait3A_405 = tpu.memref_slice %arg10[%dma_wait3A_403, %dma_wait3A_404] : memref<2x128xf32, #tpu.memory_space<vmem>> -> memref<1x128xf32, #tpu.memory_space<vmem>>
      tpu.wait_dma2 semaphore(%run_scoped3A : memref<!tpu.dma_semaphore, #tpu.memory_space<semaphore_mem>>) src(%arg5 : memref<1x128xf32, #tpu.memory_space<hbm>>) dst(%dma_wait3A_405 : memref<1x128xf32, #tpu.memory_space<vmem>>)
      tpu.yield
    }) : () -> ()
    "tpu.region"() ({
      %run_scoped3A = tpu.sem_alloc : memref<!tpu.dma_semaphore, #tpu.memory_space<semaphore_mem>>
      %dma_start3A = arith.constant 1 : i32
      %dma_start3A_396 = arith.constant 0 : i32
      %dma_start3A_397 = tpu.memref_slice %arg10[%dma_start3A, %dma_start3A_396] : memref<2x128xf32, #tpu.memory_space<vmem>> -> memref<1x128xf32, #tpu.memory_space<vmem>>
      %dma_start3A_398 = arith.constant 1 : i32
      %dma_start3A_399 = arith.constant 0 : i32
      %dma_start3A_400 = tpu.memref_slice %arg10[%dma_start3A_398, %dma_start3A_399] : memref<2x128xf32, #tpu.memory_space<vmem>> -> memref<1x128xf32, #tpu.memory_space<vmem>>
      tpu.enqueue_dma source(%arg6 : memref<1x128xf32, #tpu.memory_space<hbm>>) target(%dma_start3A_400 : memref<1x128xf32, #tpu.memory_space<vmem>>) target_semaphore(%run_scoped3A : memref<!tpu.dma_semaphore, #tpu.memory_space<semaphore_mem>>)
      %dma_wait3A = arith.constant 1 : i32
      %dma_wait3A_401 = arith.constant 0 : i32
      %dma_wait3A_402 = tpu.memref_slice %arg10[%dma_wait3A, %dma_wait3A_401] : memref<2x128xf32, #tpu.memory_space<vmem>> -> memref<1x128xf32, #tpu.memory_space<vmem>>
      %dma_wait3A_403 = arith.constant 1 : i32
      %dma_wait3A_404 = arith.constant 0 : i32
      %dma_wait3A_405 = tpu.memref_slice %arg10[%dma_wait3A_403, %dma_wait3A_404] : memref<2x128xf32, #tpu.memory_space<vmem>> -> memref<1x128xf32, #tpu.memory_space<vmem>>
      tpu.wait_dma2 semaphore(%run_scoped3A : memref<!tpu.dma_semaphore, #tpu.memory_space<semaphore_mem>>) src(%arg6 : memref<1x128xf32, #tpu.memory_space<hbm>>) dst(%dma_wait3A_405 : memref<1x128xf32, #tpu.memory_space<vmem>>)
      tpu.yield
    }) : () -> ()
    %broadcast_in_dim3A = arith.constant 0.000000e+00 : f32
    %broadcast_in_dim3A_3 = vector.broadcast %broadcast_in_dim3A : f32 to vector<16xf32>
    %iota3A = tpu.iota {dimensions = array<i32: 0>} : vector<16xi32>
    %add3A_4 = arith.constant 0 : i32
    %add3A_5 = vector.broadcast %add3A_4 : i32 to vector<16xi32>
    %add3A_6 = arith.addi %iota3A, %add3A_5 : vector<16xi32>
    %and3A = arith.constant 15 : i32
    %and3A_7 = vector.broadcast %and3A : i32 to vector<16xi32>
    %and3A_8 = arith.andi %add3A_6, %and3A_7 : vector<16xi32>
    %add3A_9 = arith.constant 1 : i32
    %add3A_10 = vector.broadcast %add3A_9 : i32 to vector<16xi32>
    %add3A_11 = arith.addi %iota3A, %add3A_10 : vector<16xi32>
    %and3A_12 = arith.constant 15 : i32
    %and3A_13 = vector.broadcast %and3A_12 : i32 to vector<16xi32>
    %and3A_14 = arith.andi %add3A_11, %and3A_13 : vector<16xi32>
    %add3A_15 = arith.constant 2 : i32
    %add3A_16 = vector.broadcast %add3A_15 : i32 to vector<16xi32>
    %add3A_17 = arith.addi %iota3A, %add3A_16 : vector<16xi32>
    %and3A_18 = arith.constant 15 : i32
    %and3A_19 = vector.broadcast %and3A_18 : i32 to vector<16xi32>
    %and3A_20 = arith.andi %add3A_17, %and3A_19 : vector<16xi32>
    %add3A_21 = arith.constant 3 : i32
    %add3A_22 = vector.broadcast %add3A_21 : i32 to vector<16xi32>
    %add3A_23 = arith.addi %iota3A, %add3A_22 : vector<16xi32>
    %and3A_24 = arith.constant 15 : i32
    %and3A_25 = vector.broadcast %and3A_24 : i32 to vector<16xi32>
    %and3A_26 = arith.andi %add3A_23, %and3A_25 : vector<16xi32>
    %add3A_27 = arith.constant 4 : i32
    %add3A_28 = vector.broadcast %add3A_27 : i32 to vector<16xi32>
    %add3A_29 = arith.addi %iota3A, %add3A_28 : vector<16xi32>
    %and3A_30 = arith.constant 15 : i32
    %and3A_31 = vector.broadcast %and3A_30 : i32 to vector<16xi32>
    %and3A_32 = arith.andi %add3A_29, %and3A_31 : vector<16xi32>
    %add3A_33 = arith.constant 5 : i32
    %add3A_34 = vector.broadcast %add3A_33 : i32 to vector<16xi32>
    %add3A_35 = arith.addi %iota3A, %add3A_34 : vector<16xi32>
    %and3A_36 = arith.constant 15 : i32
    %and3A_37 = vector.broadcast %and3A_36 : i32 to vector<16xi32>
    %and3A_38 = arith.andi %add3A_35, %and3A_37 : vector<16xi32>
    %add3A_39 = arith.constant 6 : i32
    %add3A_40 = vector.broadcast %add3A_39 : i32 to vector<16xi32>
    %add3A_41 = arith.addi %iota3A, %add3A_40 : vector<16xi32>
    %and3A_42 = arith.constant 15 : i32
    %and3A_43 = vector.broadcast %and3A_42 : i32 to vector<16xi32>
    %and3A_44 = arith.andi %add3A_41, %and3A_43 : vector<16xi32>
    %add3A_45 = arith.constant 7 : i32
    %add3A_46 = vector.broadcast %add3A_45 : i32 to vector<16xi32>
    %add3A_47 = arith.addi %iota3A, %add3A_46 : vector<16xi32>
    %and3A_48 = arith.constant 15 : i32
    %and3A_49 = vector.broadcast %and3A_48 : i32 to vector<16xi32>
    %and3A_50 = arith.andi %add3A_47, %and3A_49 : vector<16xi32>
    %add3A_51 = arith.constant 8 : i32
    %add3A_52 = vector.broadcast %add3A_51 : i32 to vector<16xi32>
    %add3A_53 = arith.addi %iota3A, %add3A_52 : vector<16xi32>
    %and3A_54 = arith.constant 15 : i32
    %and3A_55 = vector.broadcast %and3A_54 : i32 to vector<16xi32>
    %and3A_56 = arith.andi %add3A_53, %and3A_55 : vector<16xi32>
    %add3A_57 = arith.constant 9 : i32
    %add3A_58 = vector.broadcast %add3A_57 : i32 to vector<16xi32>
    %add3A_59 = arith.addi %iota3A, %add3A_58 : vector<16xi32>
    %and3A_60 = arith.constant 15 : i32
    %and3A_61 = vector.broadcast %and3A_60 : i32 to vector<16xi32>
    %and3A_62 = arith.andi %add3A_59, %and3A_61 : vector<16xi32>
    %add3A_63 = arith.constant 10 : i32
    %add3A_64 = vector.broadcast %add3A_63 : i32 to vector<16xi32>
    %add3A_65 = arith.addi %iota3A, %add3A_64 : vector<16xi32>
    %and3A_66 = arith.constant 15 : i32
    %and3A_67 = vector.broadcast %and3A_66 : i32 to vector<16xi32>
    %and3A_68 = arith.andi %add3A_65, %and3A_67 : vector<16xi32>
    %add3A_69 = arith.constant 11 : i32
    %add3A_70 = vector.broadcast %add3A_69 : i32 to vector<16xi32>
    %add3A_71 = arith.addi %iota3A, %add3A_70 : vector<16xi32>
    %and3A_72 = arith.constant 15 : i32
    %and3A_73 = vector.broadcast %and3A_72 : i32 to vector<16xi32>
    %and3A_74 = arith.andi %add3A_71, %and3A_73 : vector<16xi32>
    %add3A_75 = arith.constant 12 : i32
    %add3A_76 = vector.broadcast %add3A_75 : i32 to vector<16xi32>
    %add3A_77 = arith.addi %iota3A, %add3A_76 : vector<16xi32>
    %and3A_78 = arith.constant 15 : i32
    %and3A_79 = vector.broadcast %and3A_78 : i32 to vector<16xi32>
    %and3A_80 = arith.andi %add3A_77, %and3A_79 : vector<16xi32>
    %add3A_81 = arith.constant 13 : i32
    %add3A_82 = vector.broadcast %add3A_81 : i32 to vector<16xi32>
    %add3A_83 = arith.addi %iota3A, %add3A_82 : vector<16xi32>
    %and3A_84 = arith.constant 15 : i32
    %and3A_85 = vector.broadcast %and3A_84 : i32 to vector<16xi32>
    %and3A_86 = arith.andi %add3A_83, %and3A_85 : vector<16xi32>
    %add3A_87 = arith.constant 14 : i32
    %add3A_88 = vector.broadcast %add3A_87 : i32 to vector<16xi32>
    %add3A_89 = arith.addi %iota3A, %add3A_88 : vector<16xi32>
    %and3A_90 = arith.constant 15 : i32
    %and3A_91 = vector.broadcast %and3A_90 : i32 to vector<16xi32>
    %and3A_92 = arith.andi %add3A_89, %and3A_91 : vector<16xi32>
    %add3A_93 = arith.constant 15 : i32
    %add3A_94 = vector.broadcast %add3A_93 : i32 to vector<16xi32>
    %add3A_95 = arith.addi %iota3A, %add3A_94 : vector<16xi32>
    %and3A_96 = arith.constant 15 : i32
    %and3A_97 = vector.broadcast %and3A_96 : i32 to vector<16xi32>
    %and3A_98 = arith.andi %add3A_95, %and3A_97 : vector<16xi32>
    %get3A = arith.constant 0 : i32
    %get3A_99 = arith.index_cast %get3A : i32 to index
    %get3A_100 = arith.constant 0 : index
    %get3A_101 = tpu.vector_load %arg10[%get3A_99, %get3A_100] {strides = array<i32>} : memref<2x128xf32, #tpu.memory_space<vmem>>, vector<16xf32>,
    %mul3A_102 = arith.mulf %get3A_101, %get3A_101 : vector<16xf32>
    %swap3A = arith.constant 0 : i32
    %swap3A_103 = arith.index_cast %swap3A : i32 to index
    %swap3A_104 = arith.constant 0 : index
    %swap3A_105 = tpu.vector_load %arg10[%swap3A_103, %swap3A_104] {strides = array<i32>} : memref<2x128xf32, #tpu.memory_space<vmem>>, vector<16xf32>,
    tpu.vector_store %arg10[%swap3A_103, %swap3A_104], %mul3A_102 {strides = array<i32>} : memref<2x128xf32, #tpu.memory_space<vmem>>, vector<16xf32>,
    %get3A_106 = arith.constant 0 : i32
    %get3A_107 = arith.index_cast %get3A_106 : i32 to index
    %get3A_108 = arith.constant 16 : index
    %get3A_109 = tpu.vector_load %arg10[%get3A_107, %get3A_108] {strides = array<i32>} : memref<2x128xf32, #tpu.memory_space<vmem>>, vector<16xf32>,
    %mul3A_110 = arith.mulf %get3A_109, %get3A_109 : vector<16xf32>
    %swap3A_111 = arith.constant 0 : i32
    %swap3A_112 = arith.index_cast %swap3A_111 : i32 to index
    %swap3A_113 = arith.constant 16 : index
    %swap3A_114 = tpu.vector_load %arg10[%swap3A_112, %swap3A_113] {strides = array<i32>} : memref<2x128xf32, #tpu.memory_space<vmem>>, vector<16xf32>,
    tpu.vector_store %arg10[%swap3A_112, %swap3A_113], %mul3A_110 {strides = array<i32>} : memref<2x128xf32, #tpu.memory_space<vmem>>, vector<16xf32>,
    %get3A_115 = arith.constant 0 : i32
    %get3A_116 = arith.index_cast %get3A_115 : i32 to index
    %get3A_117 = arith.constant 32 : index
    %get3A_118 = tpu.vector_load %arg10[%get3A_116, %get3A_117] {strides = array<i32>} : memref<2x128xf32, #tpu.memory_space<vmem>>, vector<16xf32>,
    %mul3A_119 = arith.mulf %get3A_118, %get3A_118 : vector<16xf32>
    %swap3A_120 = arith.constant 0 : i32
    %swap3A_121 = arith.index_cast %swap3A_120 : i32 to index
    %swap3A_122 = arith.constant 32 : index
    %swap3A_123 = tpu.vector_load %arg10[%swap3A_121, %swap3A_122] {strides = array<i32>} : memref<2x128xf32, #tpu.memory_space<vmem>>, vector<16xf32>,
    tpu.vector_store %arg10[%swap3A_121, %swap3A_122], %mul3A_119 {strides = array<i32>} : memref<2x128xf32, #tpu.memory_space<vmem>>, vector<16xf32>,
    %get3A_124 = arith.constant 0 : i32
    %get3A_125 = arith.index_cast %get3A_124 : i32 to index
    %get3A_126 = arith.constant 48 : index
    %get3A_127 = tpu.vector_load %arg10[%get3A_125, %get3A_126] {strides = array<i32>} : memref<2x128xf32, #tpu.memory_space<vmem>>, vector<16xf32>,
    %mul3A_128 = arith.mulf %get3A_127, %get3A_127 : vector<16xf32>
    %swap3A_129 = arith.constant 0 : i32
    %swap3A_130 = arith.index_cast %swap3A_129 : i32 to index
    %swap3A_131 = arith.constant 48 : index
    %swap3A_132 = tpu.vector_load %arg10[%swap3A_130, %swap3A_131] {strides = array<i32>} : memref<2x128xf32, #tpu.memory_space<vmem>>, vector<16xf32>,
    tpu.vector_store %arg10[%swap3A_130, %swap3A_131], %mul3A_128 {strides = array<i32>} : memref<2x128xf32, #tpu.memory_space<vmem>>, vector<16xf32>,
    %get3A_133 = arith.constant 0 : i32
    %get3A_134 = arith.index_cast %get3A_133 : i32 to index
    %get3A_135 = arith.constant 64 : index
    %get3A_136 = tpu.vector_load %arg10[%get3A_134, %get3A_135] {strides = array<i32>} : memref<2x128xf32, #tpu.memory_space<vmem>>, vector<16xf32>,
    %mul3A_137 = arith.mulf %get3A_136, %get3A_136 : vector<16xf32>
    %swap3A_138 = arith.constant 0 : i32
    %swap3A_139 = arith.index_cast %swap3A_138 : i32 to index
    %swap3A_140 = arith.constant 64 : index
    %swap3A_141 = tpu.vector_load %arg10[%swap3A_139, %swap3A_140] {strides = array<i32>} : memref<2x128xf32, #tpu.memory_space<vmem>>, vector<16xf32>,
    tpu.vector_store %arg10[%swap3A_139, %swap3A_140], %mul3A_137 {strides = array<i32>} : memref<2x128xf32, #tpu.memory_space<vmem>>, vector<16xf32>,
    %get3A_142 = arith.constant 0 : i32
    %get3A_143 = arith.index_cast %get3A_142 : i32 to index
    %get3A_144 = arith.constant 80 : index
    %get3A_145 = tpu.vector_load %arg10[%get3A_143, %get3A_144] {strides = array<i32>} : memref<2x128xf32, #tpu.memory_space<vmem>>, vector<16xf32>,
    %mul3A_146 = arith.mulf %get3A_145, %get3A_145 : vector<16xf32>
    %swap3A_147 = arith.constant 0 : i32
    %swap3A_148 = arith.index_cast %swap3A_147 : i32 to index
    %swap3A_149 = arith.constant 80 : index
    %swap3A_150 = tpu.vector_load %arg10[%swap3A_148, %swap3A_149] {strides = array<i32>} : memref<2x128xf32, #tpu.memory_space<vmem>>, vector<16xf32>,
    tpu.vector_store %arg10[%swap3A_148, %swap3A_149], %mul3A_146 {strides = array<i32>} : memref<2x128xf32, #tpu.memory_space<vmem>>, vector<16xf32>,
    %get3A_151 = arith.constant 0 : i32
    %get3A_152 = arith.index_cast %get3A_151 : i32 to index
    %get3A_153 = arith.constant 96 : index
    %get3A_154 = tpu.vector_load %arg10[%get3A_152, %get3A_153] {strides = array<i32>} : memref<2x128xf32, #tpu.memory_space<vmem>>, vector<16xf32>,
    %mul3A_155 = arith.mulf %get3A_154, %get3A_154 : vector<16xf32>
    %swap3A_156 = arith.constant 0 : i32
    %swap3A_157 = arith.index_cast %swap3A_156 : i32 to index
    %swap3A_158 = arith.constant 96 : index
    %swap3A_159 = tpu.vector_load %arg10[%swap3A_157, %swap3A_158] {strides = array<i32>} : memref<2x128xf32, #tpu.memory_space<vmem>>, vector<16xf32>,
    tpu.vector_store %arg10[%swap3A_157, %swap3A_158], %mul3A_155 {strides = array<i32>} : memref<2x128xf32, #tpu.memory_space<vmem>>, vector<16xf32>,
    %get3A_160 = arith.constant 0 : i32
    %get3A_161 = arith.index_cast %get3A_160 : i32 to index
    %get3A_162 = arith.constant 112 : index
    %get3A_163 = tpu.vector_load %arg10[%get3A_161, %get3A_162] {strides = array<i32>} : memref<2x128xf32, #tpu.memory_space<vmem>>, vector<16xf32>,
    %mul3A_164 = arith.mulf %get3A_163, %get3A_163 : vector<16xf32>
    %swap3A_165 = arith.constant 0 : i32
    %swap3A_166 = arith.index_cast %swap3A_165 : i32 to index
    %swap3A_167 = arith.constant 112 : index
    %swap3A_168 = tpu.vector_load %arg10[%swap3A_166, %swap3A_167] {strides = array<i32>} : memref<2x128xf32, #tpu.memory_space<vmem>>, vector<16xf32>,
    tpu.vector_store %arg10[%swap3A_166, %swap3A_167], %mul3A_164 {strides = array<i32>} : memref<2x128xf32, #tpu.memory_space<vmem>>, vector<16xf32>,
    %get3A_169 = arith.constant 1 : i32
    %get3A_170 = arith.index_cast %get3A_169 : i32 to index
    %get3A_171 = arith.constant 0 : index
    %get3A_172 = tpu.vector_load %arg10[%get3A_170, %get3A_171] {strides = array<i32>} : memref<2x128xf32, #tpu.memory_space<vmem>>, vector<16xf32>,
    %mul3A_173 = arith.mulf %get3A_172, %get3A_172 : vector<16xf32>
    %swap3A_174 = arith.constant 1 : i32
    %swap3A_175 = arith.index_cast %swap3A_174 : i32 to index
    %swap3A_176 = arith.constant 0 : index
    %swap3A_177 = tpu.vector_load %arg10[%swap3A_175, %swap3A_176] {strides = array<i32>} : memref<2x128xf32, #tpu.memory_space<vmem>>, vector<16xf32>,
    tpu.vector_store %arg10[%swap3A_175, %swap3A_176], %mul3A_173 {strides = array<i32>} : memref<2x128xf32, #tpu.memory_space<vmem>>, vector<16xf32>,
    %get3A_178 = arith.constant 1 : i32
    %get3A_179 = arith.index_cast %get3A_178 : i32 to index
    %get3A_180 = arith.constant 16 : index
    %get3A_181 = tpu.vector_load %arg10[%get3A_179, %get3A_180] {strides = array<i32>} : memref<2x128xf32, #tpu.memory_space<vmem>>, vector<16xf32>,
    %mul3A_182 = arith.mulf %get3A_181, %get3A_181 : vector<16xf32>
    %swap3A_183 = arith.constant 1 : i32
    %swap3A_184 = arith.index_cast %swap3A_183 : i32 to index
    %swap3A_185 = arith.constant 16 : index
    %swap3A_186 = tpu.vector_load %arg10[%swap3A_184, %swap3A_185] {strides = array<i32>} : memref<2x128xf32, #tpu.memory_space<vmem>>, vector<16xf32>,
    tpu.vector_store %arg10[%swap3A_184, %swap3A_185], %mul3A_182 {strides = array<i32>} : memref<2x128xf32, #tpu.memory_space<vmem>>, vector<16xf32>,
    %get3A_187 = arith.constant 1 : i32
    %get3A_188 = arith.index_cast %get3A_187 : i32 to index
    %get3A_189 = arith.constant 32 : index
    %get3A_190 = tpu.vector_load %arg10[%get3A_188, %get3A_189] {strides = array<i32>} : memref<2x128xf32, #tpu.memory_space<vmem>>, vector<16xf32>,
    %mul3A_191 = arith.mulf %get3A_190, %get3A_190 : vector<16xf32>
    %swap3A_192 = arith.constant 1 : i32
    %swap3A_193 = arith.index_cast %swap3A_192 : i32 to index
    %swap3A_194 = arith.constant 32 : index
    %swap3A_195 = tpu.vector_load %arg10[%swap3A_193, %swap3A_194] {strides = array<i32>} : memref<2x128xf32, #tpu.memory_space<vmem>>, vector<16xf32>,
    tpu.vector_store %arg10[%swap3A_193, %swap3A_194], %mul3A_191 {strides = array<i32>} : memref<2x128xf32, #tpu.memory_space<vmem>>, vector<16xf32>,
    %get3A_196 = arith.constant 1 : i32
    %get3A_197 = arith.index_cast %get3A_196 : i32 to index
    %get3A_198 = arith.constant 48 : index
    %get3A_199 = tpu.vector_load %arg10[%get3A_197, %get3A_198] {strides = array<i32>} : memref<2x128xf32, #tpu.memory_space<vmem>>, vector<16xf32>,
    %mul3A_200 = arith.mulf %get3A_199, %get3A_199 : vector<16xf32>
    %swap3A_201 = arith.constant 1 : i32
    %swap3A_202 = arith.index_cast %swap3A_201 : i32 to index
    %swap3A_203 = arith.constant 48 : index
    %swap3A_204 = tpu.vector_load %arg10[%swap3A_202, %swap3A_203] {strides = array<i32>} : memref<2x128xf32, #tpu.memory_space<vmem>>, vector<16xf32>,
    tpu.vector_store %arg10[%swap3A_202, %swap3A_203], %mul3A_200 {strides = array<i32>} : memref<2x128xf32, #tpu.memory_space<vmem>>, vector<16xf32>,
    %get3A_205 = arith.constant 1 : i32
    %get3A_206 = arith.index_cast %get3A_205 : i32 to index
    %get3A_207 = arith.constant 64 : index
    %get3A_208 = tpu.vector_load %arg10[%get3A_206, %get3A_207] {strides = array<i32>} : memref<2x128xf32, #tpu.memory_space<vmem>>, vector<16xf32>,
    %mul3A_209 = arith.mulf %get3A_208, %get3A_208 : vector<16xf32>
    %swap3A_210 = arith.constant 1 : i32
    %swap3A_211 = arith.index_cast %swap3A_210 : i32 to index
    %swap3A_212 = arith.constant 64 : index
    %swap3A_213 = tpu.vector_load %arg10[%swap3A_211, %swap3A_212] {strides = array<i32>} : memref<2x128xf32, #tpu.memory_space<vmem>>, vector<16xf32>,
    tpu.vector_store %arg10[%swap3A_211, %swap3A_212], %mul3A_209 {strides = array<i32>} : memref<2x128xf32, #tpu.memory_space<vmem>>, vector<16xf32>,
    %get3A_214 = arith.constant 1 : i32
    %get3A_215 = arith.index_cast %get3A_214 : i32 to index
    %get3A_216 = arith.constant 80 : index
    %get3A_217 = tpu.vector_load %arg10[%get3A_215, %get3A_216] {strides = array<i32>} : memref<2x128xf32, #tpu.memory_space<vmem>>, vector<16xf32>,
    %mul3A_218 = arith.mulf %get3A_217, %get3A_217 : vector<16xf32>
    %swap3A_219 = arith.constant 1 : i32
    %swap3A_220 = arith.index_cast %swap3A_219 : i32 to index
    %swap3A_221 = arith.constant 80 : index
    %swap3A_222 = tpu.vector_load %arg10[%swap3A_220, %swap3A_221] {strides = array<i32>} : memref<2x128xf32, #tpu.memory_space<vmem>>, vector<16xf32>,
    tpu.vector_store %arg10[%swap3A_220, %swap3A_221], %mul3A_218 {strides = array<i32>} : memref<2x128xf32, #tpu.memory_space<vmem>>, vector<16xf32>,
    %get3A_223 = arith.constant 1 : i32
    %get3A_224 = arith.index_cast %get3A_223 : i32 to index
    %get3A_225 = arith.constant 96 : index
    %get3A_226 = tpu.vector_load %arg10[%get3A_224, %get3A_225] {strides = array<i32>} : memref<2x128xf32, #tpu.memory_space<vmem>>, vector<16xf32>,
    %mul3A_227 = arith.mulf %get3A_226, %get3A_226 : vector<16xf32>
    %swap3A_228 = arith.constant 1 : i32
    %swap3A_229 = arith.index_cast %swap3A_228 : i32 to index
    %swap3A_230 = arith.constant 96 : index
    %swap3A_231 = tpu.vector_load %arg10[%swap3A_229, %swap3A_230] {strides = array<i32>} : memref<2x128xf32, #tpu.memory_space<vmem>>, vector<16xf32>,
    tpu.vector_store %arg10[%swap3A_229, %swap3A_230], %mul3A_227 {strides = array<i32>} : memref<2x128xf32, #tpu.memory_space<vmem>>, vector<16xf32>,
    %get3A_232 = arith.constant 1 : i32
    %get3A_233 = arith.index_cast %get3A_232 : i32 to index
    %get3A_234 = arith.constant 112 : index
    %get3A_235 = tpu.vector_load %arg10[%get3A_233, %get3A_234] {strides = array<i32>} : memref<2x128xf32, #tpu.memory_space<vmem>>, vector<16xf32>,
    %mul3A_236 = arith.mulf %get3A_235, %get3A_235 : vector<16xf32>
    %swap3A_237 = arith.constant 1 : i32
    %swap3A_238 = arith.index_cast %swap3A_237 : i32 to index
    %swap3A_239 = arith.constant 112 : index
    %swap3A_240 = tpu.vector_load %arg10[%swap3A_238, %swap3A_239] {strides = array<i32>} : memref<2x128xf32, #tpu.memory_space<vmem>>, vector<16xf32>,
    tpu.vector_store %arg10[%swap3A_238, %swap3A_239], %mul3A_236 {strides = array<i32>} : memref<2x128xf32, #tpu.memory_space<vmem>>, vector<16xf32>,
    %broadcast_in_dim3A_241 = arith.constant 0 : i32
    %broadcast_in_dim3A_242 = vector.broadcast %broadcast_in_dim3A_241 : i32 to vector<16xi32>
    %scan3A = arith.constant 0 : i32
    %scan3A_243 = arith.constant 0 : i32
    %scan3A_244 = arith.constant 32 : i32
    %scan3A_245 = arith.addi %scan3A_243, %scan3A_244 : i32
    %scan3A_246 = arith.constant 1 : i32
    %scan3A_247 = scf.for %scan3A_396 = %scan3A_243 to %scan3A_245 step %scan3A_246 iter_args(%scan3A_397 = %scan3A) -> (i32)  : i32 {
      %mul3A_398 = arith.constant 16 : i32
      %mul3A_399 = arith.muli %scan3A_396, %mul3A_398 : i32
      %add3A_400 = vector.broadcast %mul3A_399 : i32 to vector<16xi32>
      %add3A_401 = arith.addi %add3A_400, %iota3A : vector<16xi32>
      %gather3A = tpu.vector_load_idx %arg8[%add3A_401, %broadcast_in_dim3A_242] : memref<512x2xi32, #tpu.memory_space<vmem>>[vector<16xi32>, vector<16xi32>], vector<16xi32>,
      %jit3A_402 = arith.constant 4 : i32
      %div3A_403 = arith.divsi %scan3A_396, %jit3A_402 : i32
      %sign3A_404 = arith.constant 0 : i32
      %sign3A_405 = arith.cmpi sgt, %scan3A_396, %sign3A_404 : i32
      %sign3A_406 = arith.extui %sign3A_405 : i1 to i32
      %sign3A_407 = arith.constant 0 : i32
      %sign3A_408 = arith.cmpi slt, %scan3A_396, %sign3A_407 : i32
      %sign3A_409 = arith.extui %sign3A_408 : i1 to i32
      %sign3A_410 = arith.subi %sign3A_406, %sign3A_409 : i32
      %sign3A_411 = arith.constant 0 : i32
      %sign3A_412 = arith.cmpi sgt, %jit3A_402, %sign3A_411 : i32
      %sign3A_413 = arith.extui %sign3A_412 : i1 to i32
      %sign3A_414 = arith.constant 0 : i32
      %sign3A_415 = arith.cmpi slt, %jit3A_402, %sign3A_414 : i32
      %sign3A_416 = arith.extui %sign3A_415 : i1 to i32
      %sign3A_417 = arith.subi %sign3A_413, %sign3A_416 : i32
      %ne3A_418 = arith.cmpi ne, %sign3A_410, %sign3A_417 : i32
      %rem3A_419 = arith.remsi %scan3A_396, %jit3A_402 : i32
      %ne3A_420 = arith.constant 0 : i32
      %ne3A_421 = arith.cmpi ne, %rem3A_419, %ne3A_420 : i32
      %and3A_422 = arith.andi %ne3A_418, %ne3A_421 : i1
      %sub3A_423 = arith.constant 1 : i32
      %sub3A_424 = arith.subi %div3A_403, %sub3A_423 : i32
      %select_n3A_425 = arith.select %and3A_422, %sub3A_424, %div3A_403 : i32
      %mul3A_426 = arith.constant 2 : i32
      %mul3A_427 = arith.muli %select_n3A_425, %mul3A_426 : i32
      %mul3A_428 = arith.constant 64 : i32
      %mul3A_429 = arith.muli %mul3A_427, %mul3A_428 : i32
      %add3A_430 = arith.constant 0 : i32
      %add3A_431 = arith.addi %mul3A_429, %add3A_430 : i32
      %rem3A_432 = arith.constant 4 : i32
      %rem3A_433 = arith.remsi %scan3A_396, %rem3A_432 : i32
      %mul3A_434 = arith.constant 16 : i32
      %mul3A_435 = arith.muli %rem3A_433, %mul3A_434 : i32
      %add3A_436 = arith.addi %add3A_431, %mul3A_435 : i32
      %add3A_437 = arith.constant 0 : i32
      %add3A_438 = vector.broadcast %add3A_437 : i32 to vector<16xi32>
      %add3A_439 = arith.addi %gather3A, %add3A_438 : vector<16xi32>
      %swap3A_440 = arith.constant 0 : i32
      %swap3A_441 = arith.index_cast %swap3A_440 : i32 to index
      %swap3A_442 = arith.index_cast %add3A_436 : i32 to index
      %swap3A_443 = tpu.vector_load %arg9[%swap3A_441, %swap3A_442] {strides = array<i32>} : memref<3x1024xi32, #tpu.memory_space<vmem>>, vector<16xi32>,
      tpu.vector_store %arg9[%swap3A_441, %swap3A_442], %add3A_439 {strides = array<i32>} : memref<3x1024xi32, #tpu.memory_space<vmem>>, vector<16xi32>,
      %scan3A_444 = arith.constant 0 : i32
      scf.yield %scan3A_444 : i32
    }
    %scan3A_248 = arith.constant 32 : i32
    %broadcast_in_dim3A_249 = arith.constant 1 : i32
    %broadcast_in_dim3A_250 = vector.broadcast %broadcast_in_dim3A_249 : i32 to vector<16xi32>
    %scan3A_251 = arith.constant 0 : i32
    %scan3A_252 = arith.constant 0 : i32
    %scan3A_253 = arith.constant 32 : i32
    %scan3A_254 = arith.addi %scan3A_252, %scan3A_253 : i32
    %scan3A_255 = arith.constant 1 : i32
    %scan3A_256 = scf.for %scan3A_396 = %scan3A_252 to %scan3A_254 step %scan3A_255 iter_args(%scan3A_397 = %scan3A_251) -> (i32)  : i32 {
      %mul3A_398 = arith.constant 16 : i32
      %mul3A_399 = arith.muli %scan3A_396, %mul3A_398 : i32
      %add3A_400 = vector.broadcast %mul3A_399 : i32 to vector<16xi32>
      %add3A_401 = arith.addi %add3A_400, %iota3A : vector<16xi32>
      %gather3A = tpu.vector_load_idx %arg8[%add3A_401, %broadcast_in_dim3A_250] : memref<512x2xi32, #tpu.memory_space<vmem>>[vector<16xi32>, vector<16xi32>], vector<16xi32>,
      %jit3A_402 = arith.constant 4 : i32
      %div3A_403 = arith.divsi %scan3A_396, %jit3A_402 : i32
      %sign3A_404 = arith.constant 0 : i32
      %sign3A_405 = arith.cmpi sgt, %scan3A_396, %sign3A_404 : i32
      %sign3A_406 = arith.extui %sign3A_405 : i1 to i32
      %sign3A_407 = arith.constant 0 : i32
      %sign3A_408 = arith.cmpi slt, %scan3A_396, %sign3A_407 : i32
      %sign3A_409 = arith.extui %sign3A_408 : i1 to i32
      %sign3A_410 = arith.subi %sign3A_406, %sign3A_409 : i32
      %sign3A_411 = arith.constant 0 : i32
      %sign3A_412 = arith.cmpi sgt, %jit3A_402, %sign3A_411 : i32
      %sign3A_413 = arith.extui %sign3A_412 : i1 to i32
      %sign3A_414 = arith.constant 0 : i32
      %sign3A_415 = arith.cmpi slt, %jit3A_402, %sign3A_414 : i32
      %sign3A_416 = arith.extui %sign3A_415 : i1 to i32
      %sign3A_417 = arith.subi %sign3A_413, %sign3A_416 : i32
      %ne3A_418 = arith.cmpi ne, %sign3A_410, %sign3A_417 : i32
      %rem3A_419 = arith.remsi %scan3A_396, %jit3A_402 : i32
      %ne3A_420 = arith.constant 0 : i32
      %ne3A_421 = arith.cmpi ne, %rem3A_419, %ne3A_420 : i32
      %and3A_422 = arith.andi %ne3A_418, %ne3A_421 : i1
      %sub3A_423 = arith.constant 1 : i32
      %sub3A_424 = arith.subi %div3A_403, %sub3A_423 : i32
      %select_n3A_425 = arith.select %and3A_422, %sub3A_424, %div3A_403 : i32
      %mul3A_426 = arith.constant 2 : i32
      %mul3A_427 = arith.muli %select_n3A_425, %mul3A_426 : i32
      %mul3A_428 = arith.constant 64 : i32
      %mul3A_429 = arith.muli %mul3A_427, %mul3A_428 : i32
      %add3A_430 = arith.constant 64 : i32
      %add3A_431 = arith.addi %mul3A_429, %add3A_430 : i32
      %rem3A_432 = arith.constant 4 : i32
      %rem3A_433 = arith.remsi %scan3A_396, %rem3A_432 : i32
      %mul3A_434 = arith.constant 16 : i32
      %mul3A_435 = arith.muli %rem3A_433, %mul3A_434 : i32
      %add3A_436 = arith.addi %add3A_431, %mul3A_435 : i32
      %add3A_437 = arith.constant 0 : i32
      %add3A_438 = vector.broadcast %add3A_437 : i32 to vector<16xi32>
      %add3A_439 = arith.addi %gather3A, %add3A_438 : vector<16xi32>
      %swap3A_440 = arith.constant 0 : i32
      %swap3A_441 = arith.index_cast %swap3A_440 : i32 to index
      %swap3A_442 = arith.index_cast %add3A_436 : i32 to index
      %swap3A_443 = tpu.vector_load %arg9[%swap3A_441, %swap3A_442] {strides = array<i32>} : memref<3x1024xi32, #tpu.memory_space<vmem>>, vector<16xi32>,
      tpu.vector_store %arg9[%swap3A_441, %swap3A_442], %add3A_439 {strides = array<i32>} : memref<3x1024xi32, #tpu.memory_space<vmem>>, vector<16xi32>,
      %scan3A_444 = arith.constant 0 : i32
      scf.yield %scan3A_444 : i32
    }
    %scan3A_257 = arith.constant 32 : i32
    %broadcast_in_dim3A_258 = arith.constant 0 : i32
    %broadcast_in_dim3A_259 = vector.broadcast %broadcast_in_dim3A_258 : i32 to vector<16xi32>
    %scan3A_260 = arith.constant 0 : i32
    %scan3A_261 = arith.constant 0 : i32
    %scan3A_262 = arith.constant 32 : i32
    %scan3A_263 = arith.addi %scan3A_261, %scan3A_262 : i32
    %scan3A_264 = arith.constant 1 : i32
    %scan3A_265 = scf.for %scan3A_396 = %scan3A_261 to %scan3A_263 step %scan3A_264 iter_args(%scan3A_397 = %scan3A_260) -> (i32)  : i32 {
      %mul3A_398 = arith.constant 16 : i32
      %mul3A_399 = arith.muli %scan3A_396, %mul3A_398 : i32
      %add3A_400 = vector.broadcast %mul3A_399 : i32 to vector<16xi32>
      %add3A_401 = arith.addi %add3A_400, %iota3A : vector<16xi32>
      %gather3A = tpu.vector_load_idx %arg8[%add3A_401, %broadcast_in_dim3A_259] : memref<512x2xi32, #tpu.memory_space<vmem>>[vector<16xi32>, vector<16xi32>], vector<16xi32>,
      %jit3A_402 = arith.constant 4 : i32
      %div3A_403 = arith.divsi %scan3A_396, %jit3A_402 : i32
      %sign3A_404 = arith.constant 0 : i32
      %sign3A_405 = arith.cmpi sgt, %scan3A_396, %sign3A_404 : i32
      %sign3A_406 = arith.extui %sign3A_405 : i1 to i32
      %sign3A_407 = arith.constant 0 : i32
      %sign3A_408 = arith.cmpi slt, %scan3A_396, %sign3A_407 : i32
      %sign3A_409 = arith.extui %sign3A_408 : i1 to i32
      %sign3A_410 = arith.subi %sign3A_406, %sign3A_409 : i32
      %sign3A_411 = arith.constant 0 : i32
      %sign3A_412 = arith.cmpi sgt, %jit3A_402, %sign3A_411 : i32
      %sign3A_413 = arith.extui %sign3A_412 : i1 to i32
      %sign3A_414 = arith.constant 0 : i32
      %sign3A_415 = arith.cmpi slt, %jit3A_402, %sign3A_414 : i32
      %sign3A_416 = arith.extui %sign3A_415 : i1 to i32
      %sign3A_417 = arith.subi %sign3A_413, %sign3A_416 : i32
      %ne3A_418 = arith.cmpi ne, %sign3A_410, %sign3A_417 : i32
      %rem3A_419 = arith.remsi %scan3A_396, %jit3A_402 : i32
      %ne3A_420 = arith.constant 0 : i32
      %ne3A_421 = arith.cmpi ne, %rem3A_419, %ne3A_420 : i32
      %and3A_422 = arith.andi %ne3A_418, %ne3A_421 : i1
      %sub3A_423 = arith.constant 1 : i32
      %sub3A_424 = arith.subi %div3A_403, %sub3A_423 : i32
      %select_n3A_425 = arith.select %and3A_422, %sub3A_424, %div3A_403 : i32
      %mul3A_426 = arith.constant 2 : i32
      %mul3A_427 = arith.muli %select_n3A_425, %mul3A_426 : i32
      %mul3A_428 = arith.constant 64 : i32
      %mul3A_429 = arith.muli %mul3A_427, %mul3A_428 : i32
      %add3A_430 = arith.constant 0 : i32
      %add3A_431 = arith.addi %mul3A_429, %add3A_430 : i32
      %rem3A_432 = arith.constant 4 : i32
      %rem3A_433 = arith.remsi %scan3A_396, %rem3A_432 : i32
      %mul3A_434 = arith.constant 16 : i32
      %mul3A_435 = arith.muli %rem3A_433, %mul3A_434 : i32
      %add3A_436 = arith.addi %add3A_431, %mul3A_435 : i32
      %add3A_437 = arith.constant 100000 : i32
      %add3A_438 = vector.broadcast %add3A_437 : i32 to vector<16xi32>
      %add3A_439 = arith.addi %gather3A, %add3A_438 : vector<16xi32>
      %swap3A_440 = arith.constant 1 : i32
      %swap3A_441 = arith.index_cast %swap3A_440 : i32 to index
      %swap3A_442 = arith.index_cast %add3A_436 : i32 to index
      %swap3A_443 = tpu.vector_load %arg9[%swap3A_441, %swap3A_442] {strides = array<i32>} : memref<3x1024xi32, #tpu.memory_space<vmem>>, vector<16xi32>,
      tpu.vector_store %arg9[%swap3A_441, %swap3A_442], %add3A_439 {strides = array<i32>} : memref<3x1024xi32, #tpu.memory_space<vmem>>, vector<16xi32>,
      %scan3A_444 = arith.constant 0 : i32
      scf.yield %scan3A_444 : i32
    }
    %scan3A_266 = arith.constant 32 : i32
    %broadcast_in_dim3A_267 = arith.constant 1 : i32
    %broadcast_in_dim3A_268 = vector.broadcast %broadcast_in_dim3A_267 : i32 to vector<16xi32>
    %scan3A_269 = arith.constant 0 : i32
    %scan3A_270 = arith.constant 0 : i32
    %scan3A_271 = arith.constant 32 : i32
    %scan3A_272 = arith.addi %scan3A_270, %scan3A_271 : i32
    %scan3A_273 = arith.constant 1 : i32
    %scan3A_274 = scf.for %scan3A_396 = %scan3A_270 to %scan3A_272 step %scan3A_273 iter_args(%scan3A_397 = %scan3A_269) -> (i32)  : i32 {
      %mul3A_398 = arith.constant 16 : i32
      %mul3A_399 = arith.muli %scan3A_396, %mul3A_398 : i32
      %add3A_400 = vector.broadcast %mul3A_399 : i32 to vector<16xi32>
      %add3A_401 = arith.addi %add3A_400, %iota3A : vector<16xi32>
      %gather3A = tpu.vector_load_idx %arg8[%add3A_401, %broadcast_in_dim3A_268] : memref<512x2xi32, #tpu.memory_space<vmem>>[vector<16xi32>, vector<16xi32>], vector<16xi32>,
      %jit3A_402 = arith.constant 4 : i32
      %div3A_403 = arith.divsi %scan3A_396, %jit3A_402 : i32
      %sign3A_404 = arith.constant 0 : i32
      %sign3A_405 = arith.cmpi sgt, %scan3A_396, %sign3A_404 : i32
      %sign3A_406 = arith.extui %sign3A_405 : i1 to i32
      %sign3A_407 = arith.constant 0 : i32
      %sign3A_408 = arith.cmpi slt, %scan3A_396, %sign3A_407 : i32
      %sign3A_409 = arith.extui %sign3A_408 : i1 to i32
      %sign3A_410 = arith.subi %sign3A_406, %sign3A_409 : i32
      %sign3A_411 = arith.constant 0 : i32
      %sign3A_412 = arith.cmpi sgt, %jit3A_402, %sign3A_411 : i32
      %sign3A_413 = arith.extui %sign3A_412 : i1 to i32
      %sign3A_414 = arith.constant 0 : i32
      %sign3A_415 = arith.cmpi slt, %jit3A_402, %sign3A_414 : i32
      %sign3A_416 = arith.extui %sign3A_415 : i1 to i32
      %sign3A_417 = arith.subi %sign3A_413, %sign3A_416 : i32
      %ne3A_418 = arith.cmpi ne, %sign3A_410, %sign3A_417 : i32
      %rem3A_419 = arith.remsi %scan3A_396, %jit3A_402 : i32
      %ne3A_420 = arith.constant 0 : i32
      %ne3A_421 = arith.cmpi ne, %rem3A_419, %ne3A_420 : i32
      %and3A_422 = arith.andi %ne3A_418, %ne3A_421 : i1
      %sub3A_423 = arith.constant 1 : i32
      %sub3A_424 = arith.subi %div3A_403, %sub3A_423 : i32
      %select_n3A_425 = arith.select %and3A_422, %sub3A_424, %div3A_403 : i32
      %mul3A_426 = arith.constant 2 : i32
      %mul3A_427 = arith.muli %select_n3A_425, %mul3A_426 : i32
      %mul3A_428 = arith.constant 64 : i32
      %mul3A_429 = arith.muli %mul3A_427, %mul3A_428 : i32
      %add3A_430 = arith.constant 64 : i32
      %add3A_431 = arith.addi %mul3A_429, %add3A_430 : i32
      %rem3A_432 = arith.constant 4 : i32
      %rem3A_433 = arith.remsi %scan3A_396, %rem3A_432 : i32
      %mul3A_434 = arith.constant 16 : i32
      %mul3A_435 = arith.muli %rem3A_433, %mul3A_434 : i32
      %add3A_436 = arith.addi %add3A_431, %mul3A_435 : i32
      %add3A_437 = arith.constant 100000 : i32
      %add3A_438 = vector.broadcast %add3A_437 : i32 to vector<16xi32>
      %add3A_439 = arith.addi %gather3A, %add3A_438 : vector<16xi32>
      %swap3A_440 = arith.constant 1 : i32
      %swap3A_441 = arith.index_cast %swap3A_440 : i32 to index
      %swap3A_442 = arith.index_cast %add3A_436 : i32 to index
      %swap3A_443 = tpu.vector_load %arg9[%swap3A_441, %swap3A_442] {strides = array<i32>} : memref<3x1024xi32, #tpu.memory_space<vmem>>, vector<16xi32>,
      tpu.vector_store %arg9[%swap3A_441, %swap3A_442], %add3A_439 {strides = array<i32>} : memref<3x1024xi32, #tpu.memory_space<vmem>>, vector<16xi32>,
      %scan3A_444 = arith.constant 0 : i32
      scf.yield %scan3A_444 : i32
    }
    %scan3A_275 = arith.constant 32 : i32
    %broadcast_in_dim3A_276 = arith.constant 0 : i32
    %broadcast_in_dim3A_277 = vector.broadcast %broadcast_in_dim3A_276 : i32 to vector<16xi32>
    %scan3A_278 = arith.constant 0 : i32
    %scan3A_279 = arith.constant 0 : i32
    %scan3A_280 = arith.constant 32 : i32
    %scan3A_281 = arith.addi %scan3A_279, %scan3A_280 : i32
    %scan3A_282 = arith.constant 1 : i32
    %scan3A_283 = scf.for %scan3A_396 = %scan3A_279 to %scan3A_281 step %scan3A_282 iter_args(%scan3A_397 = %scan3A_278) -> (i32)  : i32 {
      %mul3A_398 = arith.constant 16 : i32
      %mul3A_399 = arith.muli %scan3A_396, %mul3A_398 : i32
      %add3A_400 = vector.broadcast %mul3A_399 : i32 to vector<16xi32>
      %add3A_401 = arith.addi %add3A_400, %iota3A : vector<16xi32>
      %gather3A = tpu.vector_load_idx %arg8[%add3A_401, %broadcast_in_dim3A_277] : memref<512x2xi32, #tpu.memory_space<vmem>>[vector<16xi32>, vector<16xi32>], vector<16xi32>,
      %jit3A_402 = arith.constant 4 : i32
      %div3A_403 = arith.divsi %scan3A_396, %jit3A_402 : i32
      %sign3A_404 = arith.constant 0 : i32
      %sign3A_405 = arith.cmpi sgt, %scan3A_396, %sign3A_404 : i32
      %sign3A_406 = arith.extui %sign3A_405 : i1 to i32
      %sign3A_407 = arith.constant 0 : i32
      %sign3A_408 = arith.cmpi slt, %scan3A_396, %sign3A_407 : i32
      %sign3A_409 = arith.extui %sign3A_408 : i1 to i32
      %sign3A_410 = arith.subi %sign3A_406, %sign3A_409 : i32
      %sign3A_411 = arith.constant 0 : i32
      %sign3A_412 = arith.cmpi sgt, %jit3A_402, %sign3A_411 : i32
      %sign3A_413 = arith.extui %sign3A_412 : i1 to i32
      %sign3A_414 = arith.constant 0 : i32
      %sign3A_415 = arith.cmpi slt, %jit3A_402, %sign3A_414 : i32
      %sign3A_416 = arith.extui %sign3A_415 : i1 to i32
      %sign3A_417 = arith.subi %sign3A_413, %sign3A_416 : i32
      %ne3A_418 = arith.cmpi ne, %sign3A_410, %sign3A_417 : i32
      %rem3A_419 = arith.remsi %scan3A_396, %jit3A_402 : i32
      %ne3A_420 = arith.constant 0 : i32
      %ne3A_421 = arith.cmpi ne, %rem3A_419, %ne3A_420 : i32
      %and3A_422 = arith.andi %ne3A_418, %ne3A_421 : i1
      %sub3A_423 = arith.constant 1 : i32
      %sub3A_424 = arith.subi %div3A_403, %sub3A_423 : i32
      %select_n3A_425 = arith.select %and3A_422, %sub3A_424, %div3A_403 : i32
      %mul3A_426 = arith.constant 2 : i32
      %mul3A_427 = arith.muli %select_n3A_425, %mul3A_426 : i32
      %mul3A_428 = arith.constant 64 : i32
      %mul3A_429 = arith.muli %mul3A_427, %mul3A_428 : i32
      %add3A_430 = arith.constant 0 : i32
      %add3A_431 = arith.addi %mul3A_429, %add3A_430 : i32
      %rem3A_432 = arith.constant 4 : i32
      %rem3A_433 = arith.remsi %scan3A_396, %rem3A_432 : i32
      %mul3A_434 = arith.constant 16 : i32
      %mul3A_435 = arith.muli %rem3A_433, %mul3A_434 : i32
      %add3A_436 = arith.addi %add3A_431, %mul3A_435 : i32
      %add3A_437 = arith.constant 200000 : i32
      %add3A_438 = vector.broadcast %add3A_437 : i32 to vector<16xi32>
      %add3A_439 = arith.addi %gather3A, %add3A_438 : vector<16xi32>
      %swap3A_440 = arith.constant 2 : i32
      %swap3A_441 = arith.index_cast %swap3A_440 : i32 to index
      %swap3A_442 = arith.index_cast %add3A_436 : i32 to index
      %swap3A_443 = tpu.vector_load %arg9[%swap3A_441, %swap3A_442] {strides = array<i32>} : memref<3x1024xi32, #tpu.memory_space<vmem>>, vector<16xi32>,
      tpu.vector_store %arg9[%swap3A_441, %swap3A_442], %add3A_439 {strides = array<i32>} : memref<3x1024xi32, #tpu.memory_space<vmem>>, vector<16xi32>,
      %scan3A_444 = arith.constant 0 : i32
      scf.yield %scan3A_444 : i32
    }
    %scan3A_284 = arith.constant 32 : i32
    %broadcast_in_dim3A_285 = arith.constant 1 : i32
    %broadcast_in_dim3A_286 = vector.broadcast %broadcast_in_dim3A_285 : i32 to vector<16xi32>
    %scan3A_287 = arith.constant 0 : i32
    %scan3A_288 = arith.constant 0 : i32
    %scan3A_289 = arith.constant 32 : i32
    %scan3A_290 = arith.addi %scan3A_288, %scan3A_289 : i32
    %scan3A_291 = arith.constant 1 : i32
    %scan3A_292 = scf.for %scan3A_396 = %scan3A_288 to %scan3A_290 step %scan3A_291 iter_args(%scan3A_397 = %scan3A_287) -> (i32)  : i32 {
      %mul3A_398 = arith.constant 16 : i32
      %mul3A_399 = arith.muli %scan3A_396, %mul3A_398 : i32
      %add3A_400 = vector.broadcast %mul3A_399 : i32 to vector<16xi32>
      %add3A_401 = arith.addi %add3A_400, %iota3A : vector<16xi32>
      %gather3A = tpu.vector_load_idx %arg8[%add3A_401, %broadcast_in_dim3A_286] : memref<512x2xi32, #tpu.memory_space<vmem>>[vector<16xi32>, vector<16xi32>], vector<16xi32>,
      %jit3A_402 = arith.constant 4 : i32
      %div3A_403 = arith.divsi %scan3A_396, %jit3A_402 : i32
      %sign3A_404 = arith.constant 0 : i32
      %sign3A_405 = arith.cmpi sgt, %scan3A_396, %sign3A_404 : i32
      %sign3A_406 = arith.extui %sign3A_405 : i1 to i32
      %sign3A_407 = arith.constant 0 : i32
      %sign3A_408 = arith.cmpi slt, %scan3A_396, %sign3A_407 : i32
      %sign3A_409 = arith.extui %sign3A_408 : i1 to i32
      %sign3A_410 = arith.subi %sign3A_406, %sign3A_409 : i32
      %sign3A_411 = arith.constant 0 : i32
      %sign3A_412 = arith.cmpi sgt, %jit3A_402, %sign3A_411 : i32
      %sign3A_413 = arith.extui %sign3A_412 : i1 to i32
      %sign3A_414 = arith.constant 0 : i32
      %sign3A_415 = arith.cmpi slt, %jit3A_402, %sign3A_414 : i32
      %sign3A_416 = arith.extui %sign3A_415 : i1 to i32
      %sign3A_417 = arith.subi %sign3A_413, %sign3A_416 : i32
      %ne3A_418 = arith.cmpi ne, %sign3A_410, %sign3A_417 : i32
      %rem3A_419 = arith.remsi %scan3A_396, %jit3A_402 : i32
      %ne3A_420 = arith.constant 0 : i32
      %ne3A_421 = arith.cmpi ne, %rem3A_419, %ne3A_420 : i32
      %and3A_422 = arith.andi %ne3A_418, %ne3A_421 : i1
      %sub3A_423 = arith.constant 1 : i32
      %sub3A_424 = arith.subi %div3A_403, %sub3A_423 : i32
      %select_n3A_425 = arith.select %and3A_422, %sub3A_424, %div3A_403 : i32
      %mul3A_426 = arith.constant 2 : i32
      %mul3A_427 = arith.muli %select_n3A_425, %mul3A_426 : i32
      %mul3A_428 = arith.constant 64 : i32
      %mul3A_429 = arith.muli %mul3A_427, %mul3A_428 : i32
      %add3A_430 = arith.constant 64 : i32
      %add3A_431 = arith.addi %mul3A_429, %add3A_430 : i32
      %rem3A_432 = arith.constant 4 : i32
      %rem3A_433 = arith.remsi %scan3A_396, %rem3A_432 : i32
      %mul3A_434 = arith.constant 16 : i32
      %mul3A_435 = arith.muli %rem3A_433, %mul3A_434 : i32
      %add3A_436 = arith.addi %add3A_431, %mul3A_435 : i32
      %add3A_437 = arith.constant 200000 : i32
      %add3A_438 = vector.broadcast %add3A_437 : i32 to vector<16xi32>
      %add3A_439 = arith.addi %gather3A, %add3A_438 : vector<16xi32>
      %swap3A_440 = arith.constant 2 : i32
      %swap3A_441 = arith.index_cast %swap3A_440 : i32 to index
      %swap3A_442 = arith.index_cast %add3A_436 : i32 to index
      %swap3A_443 = tpu.vector_load %arg9[%swap3A_441, %swap3A_442] {strides = array<i32>} : memref<3x1024xi32, #tpu.memory_space<vmem>>, vector<16xi32>,
      tpu.vector_store %arg9[%swap3A_441, %swap3A_442], %add3A_439 {strides = array<i32>} : memref<3x1024xi32, #tpu.memory_space<vmem>>, vector<16xi32>,
      %scan3A_444 = arith.constant 0 : i32
      scf.yield %scan3A_444 : i32
    }
    %scan3A_293 = arith.constant 32 : i32
    %rem3A = arith.constant 0 : i32
    %rem3A_294 = arith.constant 24 : i32
    %rem3A_295 = arith.remsi %rem3A, %rem3A_294 : i32
    %jit3A = arith.constant 8 : i32
    %div3A = arith.divsi %rem3A_295, %jit3A : i32
    %sign3A = arith.constant 0 : i32
    %sign3A_296 = arith.cmpi sgt, %rem3A_295, %sign3A : i32
    %sign3A_297 = arith.extui %sign3A_296 : i1 to i32
    %sign3A_298 = arith.constant 0 : i32
    %sign3A_299 = arith.cmpi slt, %rem3A_295, %sign3A_298 : i32
    %sign3A_300 = arith.extui %sign3A_299 : i1 to i32
    %sign3A_301 = arith.subi %sign3A_297, %sign3A_300 : i32
    %sign3A_302 = arith.constant 0 : i32
    %sign3A_303 = arith.cmpi sgt, %jit3A, %sign3A_302 : i32
    %sign3A_304 = arith.extui %sign3A_303 : i1 to i32
    %sign3A_305 = arith.constant 0 : i32
    %sign3A_306 = arith.cmpi slt, %jit3A, %sign3A_305 : i32
    %sign3A_307 = arith.extui %sign3A_306 : i1 to i32
    %sign3A_308 = arith.subi %sign3A_304, %sign3A_307 : i32
    %ne3A = arith.cmpi ne, %sign3A_301, %sign3A_308 : i32
    %rem3A_309 = arith.remsi %rem3A_295, %jit3A : i32
    %ne3A_310 = arith.constant 0 : i32
    %ne3A_311 = arith.cmpi ne, %rem3A_309, %ne3A_310 : i32
    %and3A_312 = arith.andi %ne3A, %ne3A_311 : i1
    %sub3A = arith.constant 1 : i32
    %sub3A_313 = arith.subi %div3A, %sub3A : i32
    %select_n3A = arith.select %and3A_312, %sub3A_313, %div3A : i32
    %rem3A_314 = arith.constant 8 : i32
    %rem3A_315 = arith.remsi %rem3A_295, %rem3A_314 : i32
    %mul3A_316 = arith.constant 2 : i32
    %mul3A_317 = arith.muli %rem3A_315, %mul3A_316 : i32
    %mul3A_318 = arith.constant 64 : i32
    %mul3A_319 = arith.muli %mul3A_317, %mul3A_318 : i32
    %mul3A_320 = arith.constant 2 : i32
    %mul3A_321 = arith.muli %rem3A_315, %mul3A_320 : i32
    %mul3A_322 = arith.constant 64 : i32
    %mul3A_323 = arith.muli %mul3A_321, %mul3A_322 : i32
    %add3A_324 = arith.constant 64 : i32
    %add3A_325 = arith.addi %mul3A_323, %add3A_324 : i32
    %lt3A = arith.constant 0 : i32
    %lt3A_326 = arith.constant 24 : i32
    %lt3A_327 = arith.cmpi slt, %lt3A, %lt3A_326 : i32
    %convert_element_type3A = arith.extui %lt3A_327 : i1 to i32
    %cond3A = arith.constant 0 : i32
    %cond3A_328 = arith.cmpi ne, %convert_element_type3A, %cond3A : i32
    scf.if %cond3A_328 {
      %dma_start3A = tpu.memref_slice %arg9[%select_n3A, %mul3A_319] : memref<3x1024xi32, #tpu.memory_space<vmem>> -> memref<1x64xi32, #tpu.memory_space<vmem>>
      %dma_start3A_396 = tpu.memref_squeeze %dma_start3A : memref<1x64xi32, #tpu.memory_space<vmem>> -> memref<64xi32, #tpu.memory_space<vmem>>
      %dma_start3A_397 = arith.constant 0 : i32
      %dma_start3A_398 = arith.constant 0 : i32
      %dma_start3A_399 = tpu.memref_slice %arg2[%dma_start3A_397, %dma_start3A_398] : memref<300000x128xf32, #tpu.memory_space<hbm>> -> memref<300000x128xf32, #tpu.memory_space<hbm>>
      tpu.enqueue_indirect_dma source(%dma_start3A_399 : memref<300000x128xf32, #tpu.memory_space<hbm>>) target(%arg11 : memref<64x128xf32, #tpu.memory_space<vmem>>) offsets(%dma_start3A_396 : memref<64xi32, #tpu.memory_space<vmem>>) semaphore(%arg18 : memref<!tpu.dma_semaphore, #tpu.memory_space<semaphore_mem>>)
      %dma_start3A_400 = tpu.memref_slice %arg9[%select_n3A, %add3A_325] : memref<3x1024xi32, #tpu.memory_space<vmem>> -> memref<1x64xi32, #tpu.memory_space<vmem>>
      %dma_start3A_401 = tpu.memref_squeeze %dma_start3A_400 : memref<1x64xi32, #tpu.memory_space<vmem>> -> memref<64xi32, #tpu.memory_space<vmem>>
      %dma_start3A_402 = arith.constant 0 : i32
      %dma_start3A_403 = arith.constant 0 : i32
      %dma_start3A_404 = tpu.memref_slice %arg2[%dma_start3A_402, %dma_start3A_403] : memref<300000x128xf32, #tpu.memory_space<hbm>> -> memref<300000x128xf32, #tpu.memory_space<hbm>>
      tpu.enqueue_indirect_dma source(%dma_start3A_404 : memref<300000x128xf32, #tpu.memory_space<hbm>>) target(%arg12 : memref<64x128xf32, #tpu.memory_space<vmem>>) offsets(%dma_start3A_401 : memref<64xi32, #tpu.memory_space<vmem>>) semaphore(%arg18 : memref<!tpu.dma_semaphore, #tpu.memory_space<semaphore_mem>>)
    } else {
    }
    %ge3A = arith.constant 0 : i32
    %ge3A_329 = arith.constant 24 : i32
    %ge3A_330 = arith.cmpi sge, %ge3A, %ge3A_329 : i32
    %convert_element_type3A_331 = arith.extui %ge3A_330 : i1 to i32
    %cond3A_332 = arith.constant 0 : i32
    %cond3A_333 = arith.cmpi ne, %convert_element_type3A_331, %cond3A_332 : i32
    scf.if %cond3A_333 {
      %dma_start3A = tpu.memref_slice %arg9[%select_n3A, %mul3A_319] : memref<3x1024xi32, #tpu.memory_space<vmem>> -> memref<1x64xi32, #tpu.memory_space<vmem>>
      %dma_start3A_396 = tpu.memref_squeeze %dma_start3A : memref<1x64xi32, #tpu.memory_space<vmem>> -> memref<64xi32, #tpu.memory_space<vmem>>
      %dma_start3A_397 = arith.constant 0 : i32
      %dma_start3A_398 = arith.constant 0 : i32
      %dma_start3A_399 = tpu.memref_slice %arg3[%dma_start3A_397, %dma_start3A_398] : memref<300000x128xf32, #tpu.memory_space<hbm>> -> memref<300000x128xf32, #tpu.memory_space<hbm>>
      tpu.enqueue_indirect_dma source(%dma_start3A_399 : memref<300000x128xf32, #tpu.memory_space<hbm>>) target(%arg11 : memref<64x128xf32, #tpu.memory_space<vmem>>) offsets(%dma_start3A_396 : memref<64xi32, #tpu.memory_space<vmem>>) semaphore(%arg18 : memref<!tpu.dma_semaphore, #tpu.memory_space<semaphore_mem>>)
      %dma_start3A_400 = tpu.memref_slice %arg9[%select_n3A, %add3A_325] : memref<3x1024xi32, #tpu.memory_space<vmem>> -> memref<1x64xi32, #tpu.memory_space<vmem>>
      %dma_start3A_401 = tpu.memref_squeeze %dma_start3A_400 : memref<1x64xi32, #tpu.memory_space<vmem>> -> memref<64xi32, #tpu.memory_space<vmem>>
      %dma_start3A_402 = arith.constant 0 : i32
      %dma_start3A_403 = arith.constant 0 : i32
      %dma_start3A_404 = tpu.memref_slice %arg3[%dma_start3A_402, %dma_start3A_403] : memref<300000x128xf32, #tpu.memory_space<hbm>> -> memref<300000x128xf32, #tpu.memory_space<hbm>>
      tpu.enqueue_indirect_dma source(%dma_start3A_404 : memref<300000x128xf32, #tpu.memory_space<hbm>>) target(%arg12 : memref<64x128xf32, #tpu.memory_space<vmem>>) offsets(%dma_start3A_401 : memref<64xi32, #tpu.memory_space<vmem>>) semaphore(%arg18 : memref<!tpu.dma_semaphore, #tpu.memory_space<semaphore_mem>>)
    } else {
    }
    %rem3A_334 = arith.constant 1 : i32
    %rem3A_335 = arith.constant 24 : i32
    %rem3A_336 = arith.remsi %rem3A_334, %rem3A_335 : i32
    %jit3A_337 = arith.constant 8 : i32
    %div3A_338 = arith.divsi %rem3A_336, %jit3A_337 : i32
    %sign3A_339 = arith.constant 0 : i32
    %sign3A_340 = arith.cmpi sgt, %rem3A_336, %sign3A_339 : i32
    %sign3A_341 = arith.extui %sign3A_340 : i1 to i32
    %sign3A_342 = arith.constant 0 : i32
    %sign3A_343 = arith.cmpi slt, %rem3A_336, %sign3A_342 : i32
    %sign3A_344 = arith.extui %sign3A_343 : i1 to i32
    %sign3A_345 = arith.subi %sign3A_341, %sign3A_344 : i32
    %sign3A_346 = arith.constant 0 : i32
    %sign3A_347 = arith.cmpi sgt, %jit3A_337, %sign3A_346 : i32
    %sign3A_348 = arith.extui %sign3A_347 : i1 to i32
    %sign3A_349 = arith.constant 0 : i32
    %sign3A_350 = arith.cmpi slt, %jit3A_337, %sign3A_349 : i32
    %sign3A_351 = arith.extui %sign3A_350 : i1 to i32
    %sign3A_352 = arith.subi %sign3A_348, %sign3A_351 : i32
    %ne3A_353 = arith.cmpi ne, %sign3A_345, %sign3A_352 : i32
    %rem3A_354 = arith.remsi %rem3A_336, %jit3A_337 : i32
    %ne3A_355 = arith.constant 0 : i32
    %ne3A_356 = arith.cmpi ne, %rem3A_354, %ne3A_355 : i32
    %and3A_357 = arith.andi %ne3A_353, %ne3A_356 : i1
    %sub3A_358 = arith.constant 1 : i32
    %sub3A_359 = arith.subi %div3A_338, %sub3A_358 : i32
    %select_n3A_360 = arith.select %and3A_357, %sub3A_359, %div3A_338 : i32
    %rem3A_361 = arith.constant 8 : i32
    %rem3A_362 = arith.remsi %rem3A_336, %rem3A_361 : i32
    %mul3A_363 = arith.constant 2 : i32
    %mul3A_364 = arith.muli %rem3A_362, %mul3A_363 : i32
    %mul3A_365 = arith.constant 64 : i32
    %mul3A_366 = arith.muli %mul3A_364, %mul3A_365 : i32
    %mul3A_367 = arith.constant 2 : i32
    %mul3A_368 = arith.muli %rem3A_362, %mul3A_367 : i32
    %mul3A_369 = arith.constant 64 : i32
    %mul3A_370 = arith.muli %mul3A_368, %mul3A_369 : i32
    %add3A_371 = arith.constant 64 : i32
    %add3A_372 = arith.addi %mul3A_370, %add3A_371 : i32
    %lt3A_373 = arith.constant 1 : i32
    %lt3A_374 = arith.constant 24 : i32
    %lt3A_375 = arith.cmpi slt, %lt3A_373, %lt3A_374 : i32
    %convert_element_type3A_376 = arith.extui %lt3A_375 : i1 to i32
    %cond3A_377 = arith.constant 0 : i32
    %cond3A_378 = arith.cmpi ne, %convert_element_type3A_376, %cond3A_377 : i32
    scf.if %cond3A_378 {
      %dma_start3A = tpu.memref_slice %arg9[%select_n3A_360, %mul3A_366] : memref<3x1024xi32, #tpu.memory_space<vmem>> -> memref<1x64xi32, #tpu.memory_space<vmem>>
      %dma_start3A_396 = tpu.memref_squeeze %dma_start3A : memref<1x64xi32, #tpu.memory_space<vmem>> -> memref<64xi32, #tpu.memory_space<vmem>>
      %dma_start3A_397 = arith.constant 0 : i32
      %dma_start3A_398 = arith.constant 0 : i32
      %dma_start3A_399 = tpu.memref_slice %arg2[%dma_start3A_397, %dma_start3A_398] : memref<300000x128xf32, #tpu.memory_space<hbm>> -> memref<300000x128xf32, #tpu.memory_space<hbm>>
      tpu.enqueue_indirect_dma source(%dma_start3A_399 : memref<300000x128xf32, #tpu.memory_space<hbm>>) target(%arg13 : memref<64x128xf32, #tpu.memory_space<vmem>>) offsets(%dma_start3A_396 : memref<64xi32, #tpu.memory_space<vmem>>) semaphore(%arg19 : memref<!tpu.dma_semaphore, #tpu.memory_space<semaphore_mem>>)
      %dma_start3A_400 = tpu.memref_slice %arg9[%select_n3A_360, %add3A_372] : memref<3x1024xi32, #tpu.memory_space<vmem>> -> memref<1x64xi32, #tpu.memory_space<vmem>>
      %dma_start3A_401 = tpu.memref_squeeze %dma_start3A_400 : memref<1x64xi32, #tpu.memory_space<vmem>> -> memref<64xi32, #tpu.memory_space<vmem>>
      %dma_start3A_402 = arith.constant 0 : i32
      %dma_start3A_403 = arith.constant 0 : i32
      %dma_start3A_404 = tpu.memref_slice %arg2[%dma_start3A_402, %dma_start3A_403] : memref<300000x128xf32, #tpu.memory_space<hbm>> -> memref<300000x128xf32, #tpu.memory_space<hbm>>
      tpu.enqueue_indirect_dma source(%dma_start3A_404 : memref<300000x128xf32, #tpu.memory_space<hbm>>) target(%arg14 : memref<64x128xf32, #tpu.memory_space<vmem>>) offsets(%dma_start3A_401 : memref<64xi32, #tpu.memory_space<vmem>>) semaphore(%arg19 : memref<!tpu.dma_semaphore, #tpu.memory_space<semaphore_mem>>)
    } else {
    }
    %ge3A_379 = arith.constant 1 : i32
    %ge3A_380 = arith.constant 24 : i32
    %ge3A_381 = arith.cmpi sge, %ge3A_379, %ge3A_380 : i32
    %convert_element_type3A_382 = arith.extui %ge3A_381 : i1 to i32
    %cond3A_383 = arith.constant 0 : i32
    %cond3A_384 = arith.cmpi ne, %convert_element_type3A_382, %cond3A_383 : i32
    scf.if %cond3A_384 {
      %dma_start3A = tpu.memref_slice %arg9[%select_n3A_360, %mul3A_366] : memref<3x1024xi32, #tpu.memory_space<vmem>> -> memref<1x64xi32, #tpu.memory_space<vmem>>
      %dma_start3A_396 = tpu.memref_squeeze %dma_start3A : memref<1x64xi32, #tpu.memory_space<vmem>> -> memref<64xi32, #tpu.memory_space<vmem>>
      %dma_start3A_397 = arith.constant 0 : i32
      %dma_start3A_398 = arith.constant 0 : i32
      %dma_start3A_399 = tpu.memref_slice %arg3[%dma_start3A_397, %dma_start3A_398] : memref<300000x128xf32, #tpu.memory_space<hbm>> -> memref<300000x128xf32, #tpu.memory_space<hbm>>
      tpu.enqueue_indirect_dma source(%dma_start3A_399 : memref<300000x128xf32, #tpu.memory_space<hbm>>) target(%arg13 : memref<64x128xf32, #tpu.memory_space<vmem>>) offsets(%dma_start3A_396 : memref<64xi32, #tpu.memory_space<vmem>>) semaphore(%arg19 : memref<!tpu.dma_semaphore, #tpu.memory_space<semaphore_mem>>)
      %dma_start3A_400 = tpu.memref_slice %arg9[%select_n3A_360, %add3A_372] : memref<3x1024xi32, #tpu.memory_space<vmem>> -> memref<1x64xi32, #tpu.memory_space<vmem>>
      %dma_start3A_401 = tpu.memref_squeeze %dma_start3A_400 : memref<1x64xi32, #tpu.memory_space<vmem>> -> memref<64xi32, #tpu.memory_space<vmem>>
      %dma_start3A_402 = arith.constant 0 : i32
      %dma_start3A_403 = arith.constant 0 : i32
      %dma_start3A_404 = tpu.memref_slice %arg3[%dma_start3A_402, %dma_start3A_403] : memref<300000x128xf32, #tpu.memory_space<hbm>> -> memref<300000x128xf32, #tpu.memory_space<hbm>>
      tpu.enqueue_indirect_dma source(%dma_start3A_404 : memref<300000x128xf32, #tpu.memory_space<hbm>>) target(%arg14 : memref<64x128xf32, #tpu.memory_space<vmem>>) offsets(%dma_start3A_401 : memref<64xi32, #tpu.memory_space<vmem>>) semaphore(%arg19 : memref<!tpu.dma_semaphore, #tpu.memory_space<semaphore_mem>>)
    } else {
    }
    %scan3A_385 = arith.constant 0 : i32
    %scan3A_386 = arith.constant 0 : i32
    %scan3A_387 = arith.constant 16 : i32
    %scan3A_388 = arith.addi %scan3A_386, %scan3A_387 : i32
    %scan3A_389 = arith.constant 1 : i32
    %scan3A_390 = scf.for %scan3A_396 = %scan3A_386 to %scan3A_388 step %scan3A_389 iter_args(%scan3A_397 = %scan3A_385) -> (i32)  : i32 {
      %mul3A_398 = arith.constant 3 : i32
      %mul3A_399 = arith.muli %mul3A_398, %scan3A_396 : i32
      %add3A_400 = arith.constant 0 : i32
      %add3A_401 = arith.addi %mul3A_399, %add3A_400 : i32
      %add3A_402 = arith.constant 2 : i32
      %add3A_403 = arith.addi %add3A_401, %add3A_402 : i32
      %lt3A_404 = arith.constant 48 : i32
      %lt3A_405 = arith.cmpi slt, %add3A_403, %lt3A_404 : i32
      %add3A_406 = arith.constant 0 : i32
      %add3A_407 = arith.addi %mul3A_399, %add3A_406 : i32
      %add3A_408 = arith.constant 2 : i32
      %add3A_409 = arith.addi %add3A_407, %add3A_408 : i32
      %convert_element_type3A_410 = arith.extui %lt3A_405 : i1 to i32
      %cond3A_411 = arith.constant 0 : i32
      %cond3A_412 = arith.cmpi ne, %convert_element_type3A_410, %cond3A_411 : i32
      scf.if %cond3A_412 {
        %rem3A_673 = arith.constant 24 : i32
        %rem3A_674 = arith.remsi %add3A_409, %rem3A_673 : i32
        %jit3A_675 = arith.constant 8 : i32
        %div3A_676 = arith.divsi %rem3A_674, %jit3A_675 : i32
        %sign3A_677 = arith.constant 0 : i32
        %sign3A_678 = arith.cmpi sgt, %rem3A_674, %sign3A_677 : i32
        %sign3A_679 = arith.extui %sign3A_678 : i1 to i32
        %sign3A_680 = arith.constant 0 : i32
        %sign3A_681 = arith.cmpi slt, %rem3A_674, %sign3A_680 : i32
        %sign3A_682 = arith.extui %sign3A_681 : i1 to i32
        %sign3A_683 = arith.subi %sign3A_679, %sign3A_682 : i32
        %sign3A_684 = arith.constant 0 : i32
        %sign3A_685 = arith.cmpi sgt, %jit3A_675, %sign3A_684 : i32
        %sign3A_686 = arith.extui %sign3A_685 : i1 to i32
        %sign3A_687 = arith.constant 0 : i32
        %sign3A_688 = arith.cmpi slt, %jit3A_675, %sign3A_687 : i32
        %sign3A_689 = arith.extui %sign3A_688 : i1 to i32
        %sign3A_690 = arith.subi %sign3A_686, %sign3A_689 : i32
        %ne3A_691 = arith.cmpi ne, %sign3A_683, %sign3A_690 : i32
        %rem3A_692 = arith.remsi %rem3A_674, %jit3A_675 : i32
        %ne3A_693 = arith.constant 0 : i32
        %ne3A_694 = arith.cmpi ne, %rem3A_692, %ne3A_693 : i32
        %and3A_695 = arith.andi %ne3A_691, %ne3A_694 : i1
        %sub3A_696 = arith.constant 1 : i32
        %sub3A_697 = arith.subi %div3A_676, %sub3A_696 : i32
        %select_n3A_698 = arith.select %and3A_695, %sub3A_697, %div3A_676 : i32
        %rem3A_699 = arith.constant 8 : i32
        %rem3A_700 = arith.remsi %rem3A_674, %rem3A_699 : i32
        %mul3A_701 = arith.constant 2 : i32
        %mul3A_702 = arith.muli %rem3A_700, %mul3A_701 : i32
        %mul3A_703 = arith.constant 64 : i32
        %mul3A_704 = arith.muli %mul3A_702, %mul3A_703 : i32
        %mul3A_705 = arith.constant 2 : i32
        %mul3A_706 = arith.muli %rem3A_700, %mul3A_705 : i32
        %mul3A_707 = arith.constant 64 : i32
        %mul3A_708 = arith.muli %mul3A_706, %mul3A_707 : i32
        %add3A_709 = arith.constant 64 : i32
        %add3A_710 = arith.addi %mul3A_708, %add3A_709 : i32
        %lt3A_711 = arith.constant 24 : i32
        %lt3A_712 = arith.cmpi slt, %add3A_409, %lt3A_711 : i32
        %convert_element_type3A_713 = arith.extui %lt3A_712 : i1 to i32
        %cond3A_714 = arith.constant 0 : i32
        %cond3A_715 = arith.cmpi ne, %convert_element_type3A_713, %cond3A_714 : i32
        scf.if %cond3A_715 {
          %dma_start3A = tpu.memref_slice %arg9[%select_n3A_698, %mul3A_704] : memref<3x1024xi32, #tpu.memory_space<vmem>> -> memref<1x64xi32, #tpu.memory_space<vmem>>
          %dma_start3A_721 = tpu.memref_squeeze %dma_start3A : memref<1x64xi32, #tpu.memory_space<vmem>> -> memref<64xi32, #tpu.memory_space<vmem>>
          %dma_start3A_722 = arith.constant 0 : i32
          %dma_start3A_723 = arith.constant 0 : i32
          %dma_start3A_724 = tpu.memref_slice %arg2[%dma_start3A_722, %dma_start3A_723] : memref<300000x128xf32, #tpu.memory_space<hbm>> -> memref<300000x128xf32, #tpu.memory_space<hbm>>
          tpu.enqueue_indirect_dma source(%dma_start3A_724 : memref<300000x128xf32, #tpu.memory_space<hbm>>) target(%arg15 : memref<64x128xf32, #tpu.memory_space<vmem>>) offsets(%dma_start3A_721 : memref<64xi32, #tpu.memory_space<vmem>>) semaphore(%arg20 : memref<!tpu.dma_semaphore, #tpu.memory_space<semaphore_mem>>)
          %dma_start3A_725 = tpu.memref_slice %arg9[%select_n3A_698, %add3A_710] : memref<3x1024xi32, #tpu.memory_space<vmem>> -> memref<1x64xi32, #tpu.memory_space<vmem>>
          %dma_start3A_726 = tpu.memref_squeeze %dma_start3A_725 : memref<1x64xi32, #tpu.memory_space<vmem>> -> memref<64xi32, #tpu.memory_space<vmem>>
          %dma_start3A_727 = arith.constant 0 : i32
          %dma_start3A_728 = arith.constant 0 : i32
          %dma_start3A_729 = tpu.memref_slice %arg2[%dma_start3A_727, %dma_start3A_728] : memref<300000x128xf32, #tpu.memory_space<hbm>> -> memref<300000x128xf32, #tpu.memory_space<hbm>>
          tpu.enqueue_indirect_dma source(%dma_start3A_729 : memref<300000x128xf32, #tpu.memory_space<hbm>>) target(%arg16 : memref<64x128xf32, #tpu.memory_space<vmem>>) offsets(%dma_start3A_726 : memref<64xi32, #tpu.memory_space<vmem>>) semaphore(%arg20 : memref<!tpu.dma_semaphore, #tpu.memory_space<semaphore_mem>>)
        } else {
        }
        %ge3A_716 = arith.constant 24 : i32
        %ge3A_717 = arith.cmpi sge, %add3A_409, %ge3A_716 : i32
        %convert_element_type3A_718 = arith.extui %ge3A_717 : i1 to i32
        %cond3A_719 = arith.constant 0 : i32
        %cond3A_720 = arith.cmpi ne, %convert_element_type3A_718, %cond3A_719 : i32
        scf.if %cond3A_720 {
          %dma_start3A = tpu.memref_slice %arg9[%select_n3A_698, %mul3A_704] : memref<3x1024xi32, #tpu.memory_space<vmem>> -> memref<1x64xi32, #tpu.memory_space<vmem>>
          %dma_start3A_721 = tpu.memref_squeeze %dma_start3A : memref<1x64xi32, #tpu.memory_space<vmem>> -> memref<64xi32, #tpu.memory_space<vmem>>
          %dma_start3A_722 = arith.constant 0 : i32
          %dma_start3A_723 = arith.constant 0 : i32
          %dma_start3A_724 = tpu.memref_slice %arg3[%dma_start3A_722, %dma_start3A_723] : memref<300000x128xf32, #tpu.memory_space<hbm>> -> memref<300000x128xf32, #tpu.memory_space<hbm>>
          tpu.enqueue_indirect_dma source(%dma_start3A_724 : memref<300000x128xf32, #tpu.memory_space<hbm>>) target(%arg15 : memref<64x128xf32, #tpu.memory_space<vmem>>) offsets(%dma_start3A_721 : memref<64xi32, #tpu.memory_space<vmem>>) semaphore(%arg20 : memref<!tpu.dma_semaphore, #tpu.memory_space<semaphore_mem>>)
          %dma_start3A_725 = tpu.memref_slice %arg9[%select_n3A_698, %add3A_710] : memref<3x1024xi32, #tpu.memory_space<vmem>> -> memref<1x64xi32, #tpu.memory_space<vmem>>
          %dma_start3A_726 = tpu.memref_squeeze %dma_start3A_725 : memref<1x64xi32, #tpu.memory_space<vmem>> -> memref<64xi32, #tpu.memory_space<vmem>>
          %dma_start3A_727 = arith.constant 0 : i32
          %dma_start3A_728 = arith.constant 0 : i32
          %dma_start3A_729 = tpu.memref_slice %arg3[%dma_start3A_727, %dma_start3A_728] : memref<300000x128xf32, #tpu.memory_space<hbm>> -> memref<300000x128xf32, #tpu.memory_space<hbm>>
          tpu.enqueue_indirect_dma source(%dma_start3A_729 : memref<300000x128xf32, #tpu.memory_space<hbm>>) target(%arg16 : memref<64x128xf32, #tpu.memory_space<vmem>>) offsets(%dma_start3A_726 : memref<64xi32, #tpu.memory_space<vmem>>) semaphore(%arg20 : memref<!tpu.dma_semaphore, #tpu.memory_space<semaphore_mem>>)
        } else {
        }
      } else {
      }
      %dma_wait3A = arith.constant 0 : i32
      %dma_wait3A_413 = arith.constant 0 : i32
      %dma_wait3A_414 = tpu.memref_slice %arg2[%dma_wait3A, %dma_wait3A_413] : memref<300000x128xf32, #tpu.memory_space<hbm>> -> memref<64x128xf32, #tpu.memory_space<hbm>>
      %dma_wait3A_415 = arith.constant 0 : i32
      %dma_wait3A_416 = arith.constant 0 : i32
      %dma_wait3A_417 = tpu.memref_slice %arg2[%dma_wait3A_415, %dma_wait3A_416] : memref<300000x128xf32, #tpu.memory_space<hbm>> -> memref<64x128xf32, #tpu.memory_space<hbm>>
      tpu.wait_dma2 semaphore(%arg18 : memref<!tpu.dma_semaphore, #tpu.memory_space<semaphore_mem>>) src(%dma_wait3A_417 : memref<64x128xf32, #tpu.memory_space<hbm>>) dst(%arg11 : memref<64x128xf32, #tpu.memory_space<vmem>>)
      %dma_wait3A_418 = arith.constant 0 : i32
      %dma_wait3A_419 = arith.constant 0 : i32
      %dma_wait3A_420 = tpu.memref_slice %arg2[%dma_wait3A_418, %dma_wait3A_419] : memref<300000x128xf32, #tpu.memory_space<hbm>> -> memref<64x128xf32, #tpu.memory_space<hbm>>
      %dma_wait3A_421 = arith.constant 0 : i32
      %dma_wait3A_422 = arith.constant 0 : i32
      %dma_wait3A_423 = tpu.memref_slice %arg2[%dma_wait3A_421, %dma_wait3A_422] : memref<300000x128xf32, #tpu.memory_space<hbm>> -> memref<64x128xf32, #tpu.memory_space<hbm>>
      tpu.wait_dma2 semaphore(%arg18 : memref<!tpu.dma_semaphore, #tpu.memory_space<semaphore_mem>>) src(%dma_wait3A_423 : memref<64x128xf32, #tpu.memory_space<hbm>>) dst(%arg12 : memref<64x128xf32, #tpu.memory_space<vmem>>)
      %add3A_424 = arith.constant 0 : i32
      %add3A_425 = arith.addi %mul3A_399, %add3A_424 : i32
      %jit3A_426 = arith.constant 24 : i32
      %div3A_427 = arith.divsi %add3A_425, %jit3A_426 : i32
      %sign3A_428 = arith.constant 0 : i32
      %sign3A_429 = arith.cmpi sgt, %add3A_425, %sign3A_428 : i32
      %sign3A_430 = arith.extui %sign3A_429 : i1 to i32
      %sign3A_431 = arith.constant 0 : i32
      %sign3A_432 = arith.cmpi slt, %add3A_425, %sign3A_431 : i32
      %sign3A_433 = arith.extui %sign3A_432 : i1 to i32
      %sign3A_434 = arith.subi %sign3A_430, %sign3A_433 : i32
      %sign3A_435 = arith.constant 0 : i32
      %sign3A_436 = arith.cmpi sgt, %jit3A_426, %sign3A_435 : i32
      %sign3A_437 = arith.extui %sign3A_436 : i1 to i32
      %sign3A_438 = arith.constant 0 : i32
      %sign3A_439 = arith.cmpi slt, %jit3A_426, %sign3A_438 : i32
      %sign3A_440 = arith.extui %sign3A_439 : i1 to i32
      %sign3A_441 = arith.subi %sign3A_437, %sign3A_440 : i32
      %ne3A_442 = arith.cmpi ne, %sign3A_434, %sign3A_441 : i32
      %rem3A_443 = arith.remsi %add3A_425, %jit3A_426 : i32
      %ne3A_444 = arith.constant 0 : i32
      %ne3A_445 = arith.cmpi ne, %rem3A_443, %ne3A_444 : i32
      %and3A_446 = arith.andi %ne3A_442, %ne3A_445 : i1
      %sub3A_447 = arith.constant 1 : i32
      %sub3A_448 = arith.subi %div3A_427, %sub3A_447 : i32
      %select_n3A_449 = arith.select %and3A_446, %sub3A_448, %div3A_427 : i32
      %rem3A_450 = arith.constant 24 : i32
      %rem3A_451 = arith.remsi %add3A_425, %rem3A_450 : i32
      %jit3A_452 = arith.constant 8 : i32
      %div3A_453 = arith.divsi %rem3A_451, %jit3A_452 : i32
      %sign3A_454 = arith.constant 0 : i32
      %sign3A_455 = arith.cmpi sgt, %rem3A_451, %sign3A_454 : i32
      %sign3A_456 = arith.extui %sign3A_455 : i1 to i32
      %sign3A_457 = arith.constant 0 : i32
      %sign3A_458 = arith.cmpi slt, %rem3A_451, %sign3A_457 : i32
      %sign3A_459 = arith.extui %sign3A_458 : i1 to i32
      %sign3A_460 = arith.subi %sign3A_456, %sign3A_459 : i32
      %sign3A_461 = arith.constant 0 : i32
      %sign3A_462 = arith.cmpi sgt, %jit3A_452, %sign3A_461 : i32
      %sign3A_463 = arith.extui %sign3A_462 : i1 to i32
      %sign3A_464 = arith.constant 0 : i32
      %sign3A_465 = arith.cmpi slt, %jit3A_452, %sign3A_464 : i32
      %sign3A_466 = arith.extui %sign3A_465 : i1 to i32
      %sign3A_467 = arith.subi %sign3A_463, %sign3A_466 : i32
      %ne3A_468 = arith.cmpi ne, %sign3A_460, %sign3A_467 : i32
      %rem3A_469 = arith.remsi %rem3A_451, %jit3A_452 : i32
      %ne3A_470 = arith.constant 0 : i32
      %ne3A_471 = arith.cmpi ne, %rem3A_469, %ne3A_470 : i32
      %and3A_472 = arith.andi %ne3A_468, %ne3A_471 : i1
      %sub3A_473 = arith.constant 1 : i32
      %sub3A_474 = arith.subi %div3A_453, %sub3A_473 : i32
      %select_n3A_475 = arith.select %and3A_472, %sub3A_474, %div3A_453 : i32
      %rem3A_476 = arith.constant 8 : i32
      %rem3A_477 = arith.remsi %rem3A_451, %rem3A_476 : i32
      %mul3A_478 = arith.constant 3 : i32
      %mul3A_479 = arith.muli %select_n3A_449, %mul3A_478 : i32
      %add3A_480 = arith.addi %mul3A_479, %select_n3A_475 : i32
      %mul3A_481 = arith.constant 2 : i32
      %mul3A_482 = arith.muli %mul3A_481, %add3A_480 : i32
      %scan3A_483 = arith.constant 0 : i32
      %scan3A_484 = arith.constant 0 : i32
      %scan3A_485 = arith.constant 4 : i32
      %scan3A_486 = arith.addi %scan3A_484, %scan3A_485 : i32
      %scan3A_487 = arith.constant 1 : i32
      %scan3A_488 = scf.for %scan3A_673 = %scan3A_484 to %scan3A_486 step %scan3A_487 iter_args(%scan3A_674 = %scan3A_483) -> (i32)  : i32 {
        %mul3A_675 = arith.constant 16 : i32
        %mul3A_676 = arith.muli %scan3A_673, %mul3A_675 : i32
        %add3A_677 = vector.broadcast %mul3A_676 : i32 to vector<16xi32>
        %add3A_678 = arith.addi %add3A_677, %iota3A : vector<16xi32>
        %scan3A_679 = arith.constant 0 : i32
        %scan3A_680 = arith.constant 8 : i32
        %scan3A_681 = arith.addi %scan3A_679, %scan3A_680 : i32
        %scan3A_682 = arith.constant 1 : i32
        %scan3A_683:6 = scf.for %scan3A_707 = %scan3A_679 to %scan3A_681 step %scan3A_682 iter_args(%scan3A_708 = %broadcast_in_dim3A_3, %scan3A_709 = %broadcast_in_dim3A_3, %scan3A_710 = %broadcast_in_dim3A_3, %scan3A_711 = %broadcast_in_dim3A_3, %scan3A_712 = %broadcast_in_dim3A_3, %scan3A_713 = %broadcast_in_dim3A_3) -> (vector<16xf32>, vector<16xf32>, vector<16xf32>, vector<16xf32>, vector<16xf32>, vector<16xf32>)  : i32 {
          %mul3A_714 = arith.constant 16 : i32
          %mul3A_715 = arith.muli %scan3A_707, %mul3A_714 : i32
          %get3A_716 = arith.index_cast %select_n3A_449 : i32 to index
          %get3A_717 = arith.index_cast %mul3A_715 : i32 to index
          %get3A_718 = tpu.vector_load %arg10[%get3A_716, %get3A_717] {strides = array<i32>} : memref<2x128xf32, #tpu.memory_space<vmem>>, vector<16xf32>,
          %mul3A_719 = arith.constant 16 : i32
          %mul3A_720 = arith.muli %scan3A_707, %mul3A_719 : i32
          %add3A_721 = vector.broadcast %mul3A_720 : i32 to vector<16xi32>
          %add3A_722 = arith.addi %add3A_721, %and3A_8 : vector<16xi32>
          %lt3A_723 = arith.constant 0 : i32
          %lt3A_724 = vector.broadcast %lt3A_723 : i32 to vector<16xi32>
          %lt3A_725 = arith.cmpi slt, %and3A_8, %lt3A_724 : vector<16xi32>
          %add3A_726 = arith.constant 16 : i32
          %add3A_727 = vector.broadcast %add3A_726 : i32 to vector<16xi32>
          %add3A_728 = arith.addi %and3A_8, %add3A_727 : vector<16xi32>
          %select_n3A_729 = arith.select %lt3A_725, %add3A_728, %and3A_8 : vector<16xi1>, vector<16xi32>
          %broadcast_in_dim3A_730 = vector.shape_cast %select_n3A_729 : vector<16xi32> to vector<16x1xi32>
          %gather3A = vector.shape_cast %broadcast_in_dim3A_730 : vector<16x1xi32> to vector<16xi32>
          %gather3A_731 = tpu.dynamic_gather %get3A_718[%gather3A] in [0] : vector<16xf32>, vector<16xi32> -> vector<16xf32>
          %gather3A_732 = tpu.vector_load_idx %arg11[%add3A_678, %add3A_722] : memref<64x128xf32, #tpu.memory_space<vmem>>[vector<16xi32>, vector<16xi32>], vector<16xf32>,
          %gather3A_733 = tpu.vector_load_idx %arg12[%add3A_678, %add3A_722] : memref<64x128xf32, #tpu.memory_space<vmem>>[vector<16xi32>, vector<16xi32>], vector<16xf32>,
          %mul3A_734 = arith.mulf %gather3A_731, %gather3A_732 : vector<16xf32>
          %mul3A_735 = arith.mulf %gather3A_731, %gather3A_733 : vector<16xf32>
          %mul3A_736 = arith.mulf %mul3A_734, %gather3A_733 : vector<16xf32>
          %add3A_737 = arith.addf %scan3A_708, %mul3A_736 : vector<16xf32>
          %mul3A_738 = arith.mulf %mul3A_734, %gather3A_732 : vector<16xf32>
          %add3A_739 = arith.addf %scan3A_710, %mul3A_738 : vector<16xf32>
          %mul3A_740 = arith.mulf %mul3A_735, %gather3A_733 : vector<16xf32>
          %add3A_741 = arith.addf %scan3A_712, %mul3A_740 : vector<16xf32>
          %add3A_742 = vector.broadcast %mul3A_720 : i32 to vector<16xi32>
          %add3A_743 = arith.addi %add3A_742, %and3A_14 : vector<16xi32>
          %lt3A_744 = arith.constant 0 : i32
          %lt3A_745 = vector.broadcast %lt3A_744 : i32 to vector<16xi32>
          %lt3A_746 = arith.cmpi slt, %and3A_14, %lt3A_745 : vector<16xi32>
          %add3A_747 = arith.constant 16 : i32
          %add3A_748 = vector.broadcast %add3A_747 : i32 to vector<16xi32>
          %add3A_749 = arith.addi %and3A_14, %add3A_748 : vector<16xi32>
          %select_n3A_750 = arith.select %lt3A_746, %add3A_749, %and3A_14 : vector<16xi1>, vector<16xi32>
          %broadcast_in_dim3A_751 = vector.shape_cast %select_n3A_750 : vector<16xi32> to vector<16x1xi32>
          %gather3A_752 = vector.shape_cast %broadcast_in_dim3A_751 : vector<16x1xi32> to vector<16xi32>
          %gather3A_753 = tpu.dynamic_gather %get3A_718[%gather3A_752] in [0] : vector<16xf32>, vector<16xi32> -> vector<16xf32>
          %gather3A_754 = tpu.vector_load_idx %arg11[%add3A_678, %add3A_743] : memref<64x128xf32, #tpu.memory_space<vmem>>[vector<16xi32>, vector<16xi32>], vector<16xf32>,
          %gather3A_755 = tpu.vector_load_idx %arg12[%add3A_678, %add3A_743] : memref<64x128xf32, #tpu.memory_space<vmem>>[vector<16xi32>, vector<16xi32>], vector<16xf32>,
          %mul3A_756 = arith.mulf %gather3A_753, %gather3A_754 : vector<16xf32>
          %mul3A_757 = arith.mulf %gather3A_753, %gather3A_755 : vector<16xf32>
          %mul3A_758 = arith.mulf %mul3A_756, %gather3A_755 : vector<16xf32>
          %add3A_759 = arith.addf %scan3A_709, %mul3A_758 : vector<16xf32>
          %mul3A_760 = arith.mulf %mul3A_756, %gather3A_754 : vector<16xf32>
          %add3A_761 = arith.addf %scan3A_711, %mul3A_760 : vector<16xf32>
          %mul3A_762 = arith.mulf %mul3A_757, %gather3A_755 : vector<16xf32>
          %add3A_763 = arith.addf %scan3A_713, %mul3A_762 : vector<16xf32>
          %add3A_764 = vector.broadcast %mul3A_720 : i32 to vector<16xi32>
          %add3A_765 = arith.addi %add3A_764, %and3A_20 : vector<16xi32>
          %lt3A_766 = arith.constant 0 : i32
          %lt3A_767 = vector.broadcast %lt3A_766 : i32 to vector<16xi32>
          %lt3A_768 = arith.cmpi slt, %and3A_20, %lt3A_767 : vector<16xi32>
          %add3A_769 = arith.constant 16 : i32
          %add3A_770 = vector.broadcast %add3A_769 : i32 to vector<16xi32>
          %add3A_771 = arith.addi %and3A_20, %add3A_770 : vector<16xi32>
          %select_n3A_772 = arith.select %lt3A_768, %add3A_771, %and3A_20 : vector<16xi1>, vector<16xi32>
          %broadcast_in_dim3A_773 = vector.shape_cast %select_n3A_772 : vector<16xi32> to vector<16x1xi32>
          %gather3A_774 = vector.shape_cast %broadcast_in_dim3A_773 : vector<16x1xi32> to vector<16xi32>
          %gather3A_775 = tpu.dynamic_gather %get3A_718[%gather3A_774] in [0] : vector<16xf32>, vector<16xi32> -> vector<16xf32>
          %gather3A_776 = tpu.vector_load_idx %arg11[%add3A_678, %add3A_765] : memref<64x128xf32, #tpu.memory_space<vmem>>[vector<16xi32>, vector<16xi32>], vector<16xf32>,
          %gather3A_777 = tpu.vector_load_idx %arg12[%add3A_678, %add3A_765] : memref<64x128xf32, #tpu.memory_space<vmem>>[vector<16xi32>, vector<16xi32>], vector<16xf32>,
          %mul3A_778 = arith.mulf %gather3A_775, %gather3A_776 : vector<16xf32>
          %mul3A_779 = arith.mulf %gather3A_775, %gather3A_777 : vector<16xf32>
          %mul3A_780 = arith.mulf %mul3A_778, %gather3A_777 : vector<16xf32>
          %add3A_781 = arith.addf %add3A_737, %mul3A_780 : vector<16xf32>
          %mul3A_782 = arith.mulf %mul3A_778, %gather3A_776 : vector<16xf32>
          %add3A_783 = arith.addf %add3A_739, %mul3A_782 : vector<16xf32>
          %mul3A_784 = arith.mulf %mul3A_779, %gather3A_777 : vector<16xf32>
          %add3A_785 = arith.addf %add3A_741, %mul3A_784 : vector<16xf32>
          %add3A_786 = vector.broadcast %mul3A_720 : i32 to vector<16xi32>
          %add3A_787 = arith.addi %add3A_786, %and3A_26 : vector<16xi32>
          %lt3A_788 = arith.constant 0 : i32
          %lt3A_789 = vector.broadcast %lt3A_788 : i32 to vector<16xi32>
          %lt3A_790 = arith.cmpi slt, %and3A_26, %lt3A_789 : vector<16xi32>
          %add3A_791 = arith.constant 16 : i32
          %add3A_792 = vector.broadcast %add3A_791 : i32 to vector<16xi32>
          %add3A_793 = arith.addi %and3A_26, %add3A_792 : vector<16xi32>
          %select_n3A_794 = arith.select %lt3A_790, %add3A_793, %and3A_26 : vector<16xi1>, vector<16xi32>
          %broadcast_in_dim3A_795 = vector.shape_cast %select_n3A_794 : vector<16xi32> to vector<16x1xi32>
          %gather3A_796 = vector.shape_cast %broadcast_in_dim3A_795 : vector<16x1xi32> to vector<16xi32>
          %gather3A_797 = tpu.dynamic_gather %get3A_718[%gather3A_796] in [0] : vector<16xf32>, vector<16xi32> -> vector<16xf32>
          %gather3A_798 = tpu.vector_load_idx %arg11[%add3A_678, %add3A_787] : memref<64x128xf32, #tpu.memory_space<vmem>>[vector<16xi32>, vector<16xi32>], vector<16xf32>,
          %gather3A_799 = tpu.vector_load_idx %arg12[%add3A_678, %add3A_787] : memref<64x128xf32, #tpu.memory_space<vmem>>[vector<16xi32>, vector<16xi32>], vector<16xf32>,
          %mul3A_800 = arith.mulf %gather3A_797, %gather3A_798 : vector<16xf32>
          %mul3A_801 = arith.mulf %gather3A_797, %gather3A_799 : vector<16xf32>
          %mul3A_802 = arith.mulf %mul3A_800, %gather3A_799 : vector<16xf32>
          %add3A_803 = arith.addf %add3A_759, %mul3A_802 : vector<16xf32>
          %mul3A_804 = arith.mulf %mul3A_800, %gather3A_798 : vector<16xf32>
          %add3A_805 = arith.addf %add3A_761, %mul3A_804 : vector<16xf32>
          %mul3A_806 = arith.mulf %mul3A_801, %gather3A_799 : vector<16xf32>
          %add3A_807 = arith.addf %add3A_763, %mul3A_806 : vector<16xf32>
          %add3A_808 = vector.broadcast %mul3A_720 : i32 to vector<16xi32>
          %add3A_809 = arith.addi %add3A_808, %and3A_32 : vector<16xi32>
          %lt3A_810 = arith.constant 0 : i32
          %lt3A_811 = vector.broadcast %lt3A_810 : i32 to vector<16xi32>
          %lt3A_812 = arith.cmpi slt, %and3A_32, %lt3A_811 : vector<16xi32>
          %add3A_813 = arith.constant 16 : i32
          %add3A_814 = vector.broadcast %add3A_813 : i32 to vector<16xi32>
          %add3A_815 = arith.addi %and3A_32, %add3A_814 : vector<16xi32>
          %select_n3A_816 = arith.select %lt3A_812, %add3A_815, %and3A_32 : vector<16xi1>, vector<16xi32>
          %broadcast_in_dim3A_817 = vector.shape_cast %select_n3A_816 : vector<16xi32> to vector<16x1xi32>
          %gather3A_818 = vector.shape_cast %broadcast_in_dim3A_817 : vector<16x1xi32> to vector<16xi32>
          %gather3A_819 = tpu.dynamic_gather %get3A_718[%gather3A_818] in [0] : vector<16xf32>, vector<16xi32> -> vector<16xf32>
          %gather3A_820 = tpu.vector_load_idx %arg11[%add3A_678, %add3A_809] : memref<64x128xf32, #tpu.memory_space<vmem>>[vector<16xi32>, vector<16xi32>], vector<16xf32>,
          %gather3A_821 = tpu.vector_load_idx %arg12[%add3A_678, %add3A_809] : memref<64x128xf32, #tpu.memory_space<vmem>>[vector<16xi32>, vector<16xi32>], vector<16xf32>,
          %mul3A_822 = arith.mulf %gather3A_819, %gather3A_820 : vector<16xf32>
          %mul3A_823 = arith.mulf %gather3A_819, %gather3A_821 : vector<16xf32>
          %mul3A_824 = arith.mulf %mul3A_822, %gather3A_821 : vector<16xf32>
          %add3A_825 = arith.addf %add3A_781, %mul3A_824 : vector<16xf32>
          %mul3A_826 = arith.mulf %mul3A_822, %gather3A_820 : vector<16xf32>
          %add3A_827 = arith.addf %add3A_783, %mul3A_826 : vector<16xf32>
          %mul3A_828 = arith.mulf %mul3A_823, %gather3A_821 : vector<16xf32>
          %add3A_829 = arith.addf %add3A_785, %mul3A_828 : vector<16xf32>
          %add3A_830 = vector.broadcast %mul3A_720 : i32 to vector<16xi32>
          %add3A_831 = arith.addi %add3A_830, %and3A_38 : vector<16xi32>
          %lt3A_832 = arith.constant 0 : i32
          %lt3A_833 = vector.broadcast %lt3A_832 : i32 to vector<16xi32>
          %lt3A_834 = arith.cmpi slt, %and3A_38, %lt3A_833 : vector<16xi32>
          %add3A_835 = arith.constant 16 : i32
          %add3A_836 = vector.broadcast %add3A_835 : i32 to vector<16xi32>
          %add3A_837 = arith.addi %and3A_38, %add3A_836 : vector<16xi32>
          %select_n3A_838 = arith.select %lt3A_834, %add3A_837, %and3A_38 : vector<16xi1>, vector<16xi32>
          %broadcast_in_dim3A_839 = vector.shape_cast %select_n3A_838 : vector<16xi32> to vector<16x1xi32>
          %gather3A_840 = vector.shape_cast %broadcast_in_dim3A_839 : vector<16x1xi32> to vector<16xi32>
          %gather3A_841 = tpu.dynamic_gather %get3A_718[%gather3A_840] in [0] : vector<16xf32>, vector<16xi32> -> vector<16xf32>
          %gather3A_842 = tpu.vector_load_idx %arg11[%add3A_678, %add3A_831] : memref<64x128xf32, #tpu.memory_space<vmem>>[vector<16xi32>, vector<16xi32>], vector<16xf32>,
          %gather3A_843 = tpu.vector_load_idx %arg12[%add3A_678, %add3A_831] : memref<64x128xf32, #tpu.memory_space<vmem>>[vector<16xi32>, vector<16xi32>], vector<16xf32>,
          %mul3A_844 = arith.mulf %gather3A_841, %gather3A_842 : vector<16xf32>
          %mul3A_845 = arith.mulf %gather3A_841, %gather3A_843 : vector<16xf32>
          %mul3A_846 = arith.mulf %mul3A_844, %gather3A_843 : vector<16xf32>
          %add3A_847 = arith.addf %add3A_803, %mul3A_846 : vector<16xf32>
          %mul3A_848 = arith.mulf %mul3A_844, %gather3A_842 : vector<16xf32>
          %add3A_849 = arith.addf %add3A_805, %mul3A_848 : vector<16xf32>
          %mul3A_850 = arith.mulf %mul3A_845, %gather3A_843 : vector<16xf32>
          %add3A_851 = arith.addf %add3A_807, %mul3A_850 : vector<16xf32>
          %add3A_852 = vector.broadcast %mul3A_720 : i32 to vector<16xi32>
          %add3A_853 = arith.addi %add3A_852, %and3A_44 : vector<16xi32>
          %lt3A_854 = arith.constant 0 : i32
          %lt3A_855 = vector.broadcast %lt3A_854 : i32 to vector<16xi32>
          %lt3A_856 = arith.cmpi slt, %and3A_44, %lt3A_855 : vector<16xi32>
          %add3A_857 = arith.constant 16 : i32
          %add3A_858 = vector.broadcast %add3A_857 : i32 to vector<16xi32>
          %add3A_859 = arith.addi %and3A_44, %add3A_858 : vector<16xi32>
          %select_n3A_860 = arith.select %lt3A_856, %add3A_859, %and3A_44 : vector<16xi1>, vector<16xi32>
          %broadcast_in_dim3A_861 = vector.shape_cast %select_n3A_860 : vector<16xi32> to vector<16x1xi32>
          %gather3A_862 = vector.shape_cast %broadcast_in_dim3A_861 : vector<16x1xi32> to vector<16xi32>
          %gather3A_863 = tpu.dynamic_gather %get3A_718[%gather3A_862] in [0] : vector<16xf32>, vector<16xi32> -> vector<16xf32>
          %gather3A_864 = tpu.vector_load_idx %arg11[%add3A_678, %add3A_853] : memref<64x128xf32, #tpu.memory_space<vmem>>[vector<16xi32>, vector<16xi32>], vector<16xf32>,
          %gather3A_865 = tpu.vector_load_idx %arg12[%add3A_678, %add3A_853] : memref<64x128xf32, #tpu.memory_space<vmem>>[vector<16xi32>, vector<16xi32>], vector<16xf32>,
          %mul3A_866 = arith.mulf %gather3A_863, %gather3A_864 : vector<16xf32>
          %mul3A_867 = arith.mulf %gather3A_863, %gather3A_865 : vector<16xf32>
          %mul3A_868 = arith.mulf %mul3A_866, %gather3A_865 : vector<16xf32>
          %add3A_869 = arith.addf %add3A_825, %mul3A_868 : vector<16xf32>
          %mul3A_870 = arith.mulf %mul3A_866, %gather3A_864 : vector<16xf32>
          %add3A_871 = arith.addf %add3A_827, %mul3A_870 : vector<16xf32>
          %mul3A_872 = arith.mulf %mul3A_867, %gather3A_865 : vector<16xf32>
          %add3A_873 = arith.addf %add3A_829, %mul3A_872 : vector<16xf32>
          %add3A_874 = vector.broadcast %mul3A_720 : i32 to vector<16xi32>
          %add3A_875 = arith.addi %add3A_874, %and3A_50 : vector<16xi32>
          %lt3A_876 = arith.constant 0 : i32
          %lt3A_877 = vector.broadcast %lt3A_876 : i32 to vector<16xi32>
          %lt3A_878 = arith.cmpi slt, %and3A_50, %lt3A_877 : vector<16xi32>
          %add3A_879 = arith.constant 16 : i32
          %add3A_880 = vector.broadcast %add3A_879 : i32 to vector<16xi32>
          %add3A_881 = arith.addi %and3A_50, %add3A_880 : vector<16xi32>
          %select_n3A_882 = arith.select %lt3A_878, %add3A_881, %and3A_50 : vector<16xi1>, vector<16xi32>
          %broadcast_in_dim3A_883 = vector.shape_cast %select_n3A_882 : vector<16xi32> to vector<16x1xi32>
          %gather3A_884 = vector.shape_cast %broadcast_in_dim3A_883 : vector<16x1xi32> to vector<16xi32>
          %gather3A_885 = tpu.dynamic_gather %get3A_718[%gather3A_884] in [0] : vector<16xf32>, vector<16xi32> -> vector<16xf32>
          %gather3A_886 = tpu.vector_load_idx %arg11[%add3A_678, %add3A_875] : memref<64x128xf32, #tpu.memory_space<vmem>>[vector<16xi32>, vector<16xi32>], vector<16xf32>,
          %gather3A_887 = tpu.vector_load_idx %arg12[%add3A_678, %add3A_875] : memref<64x128xf32, #tpu.memory_space<vmem>>[vector<16xi32>, vector<16xi32>], vector<16xf32>,
          %mul3A_888 = arith.mulf %gather3A_885, %gather3A_886 : vector<16xf32>
          %mul3A_889 = arith.mulf %gather3A_885, %gather3A_887 : vector<16xf32>
          %mul3A_890 = arith.mulf %mul3A_888, %gather3A_887 : vector<16xf32>
          %add3A_891 = arith.addf %add3A_847, %mul3A_890 : vector<16xf32>
          %mul3A_892 = arith.mulf %mul3A_888, %gather3A_886 : vector<16xf32>
          %add3A_893 = arith.addf %add3A_849, %mul3A_892 : vector<16xf32>
          %mul3A_894 = arith.mulf %mul3A_889, %gather3A_887 : vector<16xf32>
          %add3A_895 = arith.addf %add3A_851, %mul3A_894 : vector<16xf32>
          %add3A_896 = vector.broadcast %mul3A_720 : i32 to vector<16xi32>
          %add3A_897 = arith.addi %add3A_896, %and3A_56 : vector<16xi32>
          %lt3A_898 = arith.constant 0 : i32
          %lt3A_899 = vector.broadcast %lt3A_898 : i32 to vector<16xi32>
          %lt3A_900 = arith.cmpi slt, %and3A_56, %lt3A_899 : vector<16xi32>
          %add3A_901 = arith.constant 16 : i32
          %add3A_902 = vector.broadcast %add3A_901 : i32 to vector<16xi32>
          %add3A_903 = arith.addi %and3A_56, %add3A_902 : vector<16xi32>
          %select_n3A_904 = arith.select %lt3A_900, %add3A_903, %and3A_56 : vector<16xi1>, vector<16xi32>
          %broadcast_in_dim3A_905 = vector.shape_cast %select_n3A_904 : vector<16xi32> to vector<16x1xi32>
          %gather3A_906 = vector.shape_cast %broadcast_in_dim3A_905 : vector<16x1xi32> to vector<16xi32>
          %gather3A_907 = tpu.dynamic_gather %get3A_718[%gather3A_906] in [0] : vector<16xf32>, vector<16xi32> -> vector<16xf32>
          %gather3A_908 = tpu.vector_load_idx %arg11[%add3A_678, %add3A_897] : memref<64x128xf32, #tpu.memory_space<vmem>>[vector<16xi32>, vector<16xi32>], vector<16xf32>,
          %gather3A_909 = tpu.vector_load_idx %arg12[%add3A_678, %add3A_897] : memref<64x128xf32, #tpu.memory_space<vmem>>[vector<16xi32>, vector<16xi32>], vector<16xf32>,
          %mul3A_910 = arith.mulf %gather3A_907, %gather3A_908 : vector<16xf32>
          %mul3A_911 = arith.mulf %gather3A_907, %gather3A_909 : vector<16xf32>
          %mul3A_912 = arith.mulf %mul3A_910, %gather3A_909 : vector<16xf32>
          %add3A_913 = arith.addf %add3A_869, %mul3A_912 : vector<16xf32>
          %mul3A_914 = arith.mulf %mul3A_910, %gather3A_908 : vector<16xf32>
          %add3A_915 = arith.addf %add3A_871, %mul3A_914 : vector<16xf32>
          %mul3A_916 = arith.mulf %mul3A_911, %gather3A_909 : vector<16xf32>
          %add3A_917 = arith.addf %add3A_873, %mul3A_916 : vector<16xf32>
          %add3A_918 = vector.broadcast %mul3A_720 : i32 to vector<16xi32>
          %add3A_919 = arith.addi %add3A_918, %and3A_62 : vector<16xi32>
          %lt3A_920 = arith.constant 0 : i32
          %lt3A_921 = vector.broadcast %lt3A_920 : i32 to vector<16xi32>
          %lt3A_922 = arith.cmpi slt, %and3A_62, %lt3A_921 : vector<16xi32>
          %add3A_923 = arith.constant 16 : i32
          %add3A_924 = vector.broadcast %add3A_923 : i32 to vector<16xi32>
          %add3A_925 = arith.addi %and3A_62, %add3A_924 : vector<16xi32>
          %select_n3A_926 = arith.select %lt3A_922, %add3A_925, %and3A_62 : vector<16xi1>, vector<16xi32>
          %broadcast_in_dim3A_927 = vector.shape_cast %select_n3A_926 : vector<16xi32> to vector<16x1xi32>
          %gather3A_928 = vector.shape_cast %broadcast_in_dim3A_927 : vector<16x1xi32> to vector<16xi32>
          %gather3A_929 = tpu.dynamic_gather %get3A_718[%gather3A_928] in [0] : vector<16xf32>, vector<16xi32> -> vector<16xf32>
          %gather3A_930 = tpu.vector_load_idx %arg11[%add3A_678, %add3A_919] : memref<64x128xf32, #tpu.memory_space<vmem>>[vector<16xi32>, vector<16xi32>], vector<16xf32>,
          %gather3A_931 = tpu.vector_load_idx %arg12[%add3A_678, %add3A_919] : memref<64x128xf32, #tpu.memory_space<vmem>>[vector<16xi32>, vector<16xi32>], vector<16xf32>,
          %mul3A_932 = arith.mulf %gather3A_929, %gather3A_930 : vector<16xf32>
          %mul3A_933 = arith.mulf %gather3A_929, %gather3A_931 : vector<16xf32>
          %mul3A_934 = arith.mulf %mul3A_932, %gather3A_931 : vector<16xf32>
          %add3A_935 = arith.addf %add3A_891, %mul3A_934 : vector<16xf32>
          %mul3A_936 = arith.mulf %mul3A_932, %gather3A_930 : vector<16xf32>
          %add3A_937 = arith.addf %add3A_893, %mul3A_936 : vector<16xf32>
          %mul3A_938 = arith.mulf %mul3A_933, %gather3A_931 : vector<16xf32>
          %add3A_939 = arith.addf %add3A_895, %mul3A_938 : vector<16xf32>
          %add3A_940 = vector.broadcast %mul3A_720 : i32 to vector<16xi32>
          %add3A_941 = arith.addi %add3A_940, %and3A_68 : vector<16xi32>
          %lt3A_942 = arith.constant 0 : i32
          %lt3A_943 = vector.broadcast %lt3A_942 : i32 to vector<16xi32>
          %lt3A_944 = arith.cmpi slt, %and3A_68, %lt3A_943 : vector<16xi32>
          %add3A_945 = arith.constant 16 : i32
          %add3A_946 = vector.broadcast %add3A_945 : i32 to vector<16xi32>
          %add3A_947 = arith.addi %and3A_68, %add3A_946 : vector<16xi32>
          %select_n3A_948 = arith.select %lt3A_944, %add3A_947, %and3A_68 : vector<16xi1>, vector<16xi32>
          %broadcast_in_dim3A_949 = vector.shape_cast %select_n3A_948 : vector<16xi32> to vector<16x1xi32>
          %gather3A_950 = vector.shape_cast %broadcast_in_dim3A_949 : vector<16x1xi32> to vector<16xi32>
          %gather3A_951 = tpu.dynamic_gather %get3A_718[%gather3A_950] in [0] : vector<16xf32>, vector<16xi32> -> vector<16xf32>
          %gather3A_952 = tpu.vector_load_idx %arg11[%add3A_678, %add3A_941] : memref<64x128xf32, #tpu.memory_space<vmem>>[vector<16xi32>, vector<16xi32>], vector<16xf32>,
          %gather3A_953 = tpu.vector_load_idx %arg12[%add3A_678, %add3A_941] : memref<64x128xf32, #tpu.memory_space<vmem>>[vector<16xi32>, vector<16xi32>], vector<16xf32>,
          %mul3A_954 = arith.mulf %gather3A_951, %gather3A_952 : vector<16xf32>
          %mul3A_955 = arith.mulf %gather3A_951, %gather3A_953 : vector<16xf32>
          %mul3A_956 = arith.mulf %mul3A_954, %gather3A_953 : vector<16xf32>
          %add3A_957 = arith.addf %add3A_913, %mul3A_956 : vector<16xf32>
          %mul3A_958 = arith.mulf %mul3A_954, %gather3A_952 : vector<16xf32>
          %add3A_959 = arith.addf %add3A_915, %mul3A_958 : vector<16xf32>
          %mul3A_960 = arith.mulf %mul3A_955, %gather3A_953 : vector<16xf32>
          %add3A_961 = arith.addf %add3A_917, %mul3A_960 : vector<16xf32>
          %add3A_962 = vector.broadcast %mul3A_720 : i32 to vector<16xi32>
          %add3A_963 = arith.addi %add3A_962, %and3A_74 : vector<16xi32>
          %lt3A_964 = arith.constant 0 : i32
          %lt3A_965 = vector.broadcast %lt3A_964 : i32 to vector<16xi32>
          %lt3A_966 = arith.cmpi slt, %and3A_74, %lt3A_965 : vector<16xi32>
          %add3A_967 = arith.constant 16 : i32
          %add3A_968 = vector.broadcast %add3A_967 : i32 to vector<16xi32>
          %add3A_969 = arith.addi %and3A_74, %add3A_968 : vector<16xi32>
          %select_n3A_970 = arith.select %lt3A_966, %add3A_969, %and3A_74 : vector<16xi1>, vector<16xi32>
          %broadcast_in_dim3A_971 = vector.shape_cast %select_n3A_970 : vector<16xi32> to vector<16x1xi32>
          %gather3A_972 = vector.shape_cast %broadcast_in_dim3A_971 : vector<16x1xi32> to vector<16xi32>
          %gather3A_973 = tpu.dynamic_gather %get3A_718[%gather3A_972] in [0] : vector<16xf32>, vector<16xi32> -> vector<16xf32>
          %gather3A_974 = tpu.vector_load_idx %arg11[%add3A_678, %add3A_963] : memref<64x128xf32, #tpu.memory_space<vmem>>[vector<16xi32>, vector<16xi32>], vector<16xf32>,
          %gather3A_975 = tpu.vector_load_idx %arg12[%add3A_678, %add3A_963] : memref<64x128xf32, #tpu.memory_space<vmem>>[vector<16xi32>, vector<16xi32>], vector<16xf32>,
          %mul3A_976 = arith.mulf %gather3A_973, %gather3A_974 : vector<16xf32>
          %mul3A_977 = arith.mulf %gather3A_973, %gather3A_975 : vector<16xf32>
          %mul3A_978 = arith.mulf %mul3A_976, %gather3A_975 : vector<16xf32>
          %add3A_979 = arith.addf %add3A_935, %mul3A_978 : vector<16xf32>
          %mul3A_980 = arith.mulf %mul3A_976, %gather3A_974 : vector<16xf32>
          %add3A_981 = arith.addf %add3A_937, %mul3A_980 : vector<16xf32>
          %mul3A_982 = arith.mulf %mul3A_977, %gather3A_975 : vector<16xf32>
          %add3A_983 = arith.addf %add3A_939, %mul3A_982 : vector<16xf32>
          %add3A_984 = vector.broadcast %mul3A_720 : i32 to vector<16xi32>
          %add3A_985 = arith.addi %add3A_984, %and3A_80 : vector<16xi32>
          %lt3A_986 = arith.constant 0 : i32
          %lt3A_987 = vector.broadcast %lt3A_986 : i32 to vector<16xi32>
          %lt3A_988 = arith.cmpi slt, %and3A_80, %lt3A_987 : vector<16xi32>
          %add3A_989 = arith.constant 16 : i32
          %add3A_990 = vector.broadcast %add3A_989 : i32 to vector<16xi32>
          %add3A_991 = arith.addi %and3A_80, %add3A_990 : vector<16xi32>
          %select_n3A_992 = arith.select %lt3A_988, %add3A_991, %and3A_80 : vector<16xi1>, vector<16xi32>
          %broadcast_in_dim3A_993 = vector.shape_cast %select_n3A_992 : vector<16xi32> to vector<16x1xi32>
          %gather3A_994 = vector.shape_cast %broadcast_in_dim3A_993 : vector<16x1xi32> to vector<16xi32>
          %gather3A_995 = tpu.dynamic_gather %get3A_718[%gather3A_994] in [0] : vector<16xf32>, vector<16xi32> -> vector<16xf32>
          %gather3A_996 = tpu.vector_load_idx %arg11[%add3A_678, %add3A_985] : memref<64x128xf32, #tpu.memory_space<vmem>>[vector<16xi32>, vector<16xi32>], vector<16xf32>,
          %gather3A_997 = tpu.vector_load_idx %arg12[%add3A_678, %add3A_985] : memref<64x128xf32, #tpu.memory_space<vmem>>[vector<16xi32>, vector<16xi32>], vector<16xf32>,
          %mul3A_998 = arith.mulf %gather3A_995, %gather3A_996 : vector<16xf32>
          %mul3A_999 = arith.mulf %gather3A_995, %gather3A_997 : vector<16xf32>
          %mul3A_1000 = arith.mulf %mul3A_998, %gather3A_997 : vector<16xf32>
          %add3A_1001 = arith.addf %add3A_957, %mul3A_1000 : vector<16xf32>
          %mul3A_1002 = arith.mulf %mul3A_998, %gather3A_996 : vector<16xf32>
          %add3A_1003 = arith.addf %add3A_959, %mul3A_1002 : vector<16xf32>
          %mul3A_1004 = arith.mulf %mul3A_999, %gather3A_997 : vector<16xf32>
          %add3A_1005 = arith.addf %add3A_961, %mul3A_1004 : vector<16xf32>
          %add3A_1006 = vector.broadcast %mul3A_720 : i32 to vector<16xi32>
          %add3A_1007 = arith.addi %add3A_1006, %and3A_86 : vector<16xi32>
          %lt3A_1008 = arith.constant 0 : i32
          %lt3A_1009 = vector.broadcast %lt3A_1008 : i32 to vector<16xi32>
          %lt3A_1010 = arith.cmpi slt, %and3A_86, %lt3A_1009 : vector<16xi32>
          %add3A_1011 = arith.constant 16 : i32
          %add3A_1012 = vector.broadcast %add3A_1011 : i32 to vector<16xi32>
          %add3A_1013 = arith.addi %and3A_86, %add3A_1012 : vector<16xi32>
          %select_n3A_1014 = arith.select %lt3A_1010, %add3A_1013, %and3A_86 : vector<16xi1>, vector<16xi32>
          %broadcast_in_dim3A_1015 = vector.shape_cast %select_n3A_1014 : vector<16xi32> to vector<16x1xi32>
          %gather3A_1016 = vector.shape_cast %broadcast_in_dim3A_1015 : vector<16x1xi32> to vector<16xi32>
          %gather3A_1017 = tpu.dynamic_gather %get3A_718[%gather3A_1016] in [0] : vector<16xf32>, vector<16xi32> -> vector<16xf32>
          %gather3A_1018 = tpu.vector_load_idx %arg11[%add3A_678, %add3A_1007] : memref<64x128xf32, #tpu.memory_space<vmem>>[vector<16xi32>, vector<16xi32>], vector<16xf32>,
          %gather3A_1019 = tpu.vector_load_idx %arg12[%add3A_678, %add3A_1007] : memref<64x128xf32, #tpu.memory_space<vmem>>[vector<16xi32>, vector<16xi32>], vector<16xf32>,
          %mul3A_1020 = arith.mulf %gather3A_1017, %gather3A_1018 : vector<16xf32>
          %mul3A_1021 = arith.mulf %gather3A_1017, %gather3A_1019 : vector<16xf32>
          %mul3A_1022 = arith.mulf %mul3A_1020, %gather3A_1019 : vector<16xf32>
          %add3A_1023 = arith.addf %add3A_979, %mul3A_1022 : vector<16xf32>
          %mul3A_1024 = arith.mulf %mul3A_1020, %gather3A_1018 : vector<16xf32>
          %add3A_1025 = arith.addf %add3A_981, %mul3A_1024 : vector<16xf32>
          %mul3A_1026 = arith.mulf %mul3A_1021, %gather3A_1019 : vector<16xf32>
          %add3A_1027 = arith.addf %add3A_983, %mul3A_1026 : vector<16xf32>
          %add3A_1028 = vector.broadcast %mul3A_720 : i32 to vector<16xi32>
          %add3A_1029 = arith.addi %add3A_1028, %and3A_92 : vector<16xi32>
          %lt3A_1030 = arith.constant 0 : i32
          %lt3A_1031 = vector.broadcast %lt3A_1030 : i32 to vector<16xi32>
          %lt3A_1032 = arith.cmpi slt, %and3A_92, %lt3A_1031 : vector<16xi32>
          %add3A_1033 = arith.constant 16 : i32
          %add3A_1034 = vector.broadcast %add3A_1033 : i32 to vector<16xi32>
          %add3A_1035 = arith.addi %and3A_92, %add3A_1034 : vector<16xi32>
          %select_n3A_1036 = arith.select %lt3A_1032, %add3A_1035, %and3A_92 : vector<16xi1>, vector<16xi32>
          %broadcast_in_dim3A_1037 = vector.shape_cast %select_n3A_1036 : vector<16xi32> to vector<16x1xi32>
          %gather3A_1038 = vector.shape_cast %broadcast_in_dim3A_1037 : vector<16x1xi32> to vector<16xi32>
          %gather3A_1039 = tpu.dynamic_gather %get3A_718[%gather3A_1038] in [0] : vector<16xf32>, vector<16xi32> -> vector<16xf32>
          %gather3A_1040 = tpu.vector_load_idx %arg11[%add3A_678, %add3A_1029] : memref<64x128xf32, #tpu.memory_space<vmem>>[vector<16xi32>, vector<16xi32>], vector<16xf32>,
          %gather3A_1041 = tpu.vector_load_idx %arg12[%add3A_678, %add3A_1029] : memref<64x128xf32, #tpu.memory_space<vmem>>[vector<16xi32>, vector<16xi32>], vector<16xf32>,
          %mul3A_1042 = arith.mulf %gather3A_1039, %gather3A_1040 : vector<16xf32>
          %mul3A_1043 = arith.mulf %gather3A_1039, %gather3A_1041 : vector<16xf32>
          %mul3A_1044 = arith.mulf %mul3A_1042, %gather3A_1041 : vector<16xf32>
          %add3A_1045 = arith.addf %add3A_1001, %mul3A_1044 : vector<16xf32>
          %mul3A_1046 = arith.mulf %mul3A_1042, %gather3A_1040 : vector<16xf32>
          %add3A_1047 = arith.addf %add3A_1003, %mul3A_1046 : vector<16xf32>
          %mul3A_1048 = arith.mulf %mul3A_1043, %gather3A_1041 : vector<16xf32>
          %add3A_1049 = arith.addf %add3A_1005, %mul3A_1048 : vector<16xf32>
          %add3A_1050 = vector.broadcast %mul3A_720 : i32 to vector<16xi32>
          %add3A_1051 = arith.addi %add3A_1050, %and3A_98 : vector<16xi32>
          %lt3A_1052 = arith.constant 0 : i32
          %lt3A_1053 = vector.broadcast %lt3A_1052 : i32 to vector<16xi32>
          %lt3A_1054 = arith.cmpi slt, %and3A_98, %lt3A_1053 : vector<16xi32>
          %add3A_1055 = arith.constant 16 : i32
          %add3A_1056 = vector.broadcast %add3A_1055 : i32 to vector<16xi32>
          %add3A_1057 = arith.addi %and3A_98, %add3A_1056 : vector<16xi32>
          %select_n3A_1058 = arith.select %lt3A_1054, %add3A_1057, %and3A_98 : vector<16xi1>, vector<16xi32>
          %broadcast_in_dim3A_1059 = vector.shape_cast %select_n3A_1058 : vector<16xi32> to vector<16x1xi32>
          %gather3A_1060 = vector.shape_cast %broadcast_in_dim3A_1059 : vector<16x1xi32> to vector<16xi32>
          %gather3A_1061 = tpu.dynamic_gather %get3A_718[%gather3A_1060] in [0] : vector<16xf32>, vector<16xi32> -> vector<16xf32>
          %gather3A_1062 = tpu.vector_load_idx %arg11[%add3A_678, %add3A_1051] : memref<64x128xf32, #tpu.memory_space<vmem>>[vector<16xi32>, vector<16xi32>], vector<16xf32>,
          %gather3A_1063 = tpu.vector_load_idx %arg12[%add3A_678, %add3A_1051] : memref<64x128xf32, #tpu.memory_space<vmem>>[vector<16xi32>, vector<16xi32>], vector<16xf32>,
          %mul3A_1064 = arith.mulf %gather3A_1061, %gather3A_1062 : vector<16xf32>
          %mul3A_1065 = arith.mulf %gather3A_1061, %gather3A_1063 : vector<16xf32>
          %mul3A_1066 = arith.mulf %mul3A_1064, %gather3A_1063 : vector<16xf32>
          %add3A_1067 = arith.addf %add3A_1023, %mul3A_1066 : vector<16xf32>
          %mul3A_1068 = arith.mulf %mul3A_1064, %gather3A_1062 : vector<16xf32>
          %add3A_1069 = arith.addf %add3A_1025, %mul3A_1068 : vector<16xf32>
          %mul3A_1070 = arith.mulf %mul3A_1065, %gather3A_1063 : vector<16xf32>
          %add3A_1071 = arith.addf %add3A_1027, %mul3A_1070 : vector<16xf32>
          scf.yield %add3A_1045, %add3A_1067, %add3A_1047, %add3A_1069, %add3A_1049, %add3A_1071 : vector<16xf32>, vector<16xf32>, vector<16xf32>, vector<16xf32>, vector<16xf32>, vector<16xf32>
        }
        %scan3A_684 = arith.constant 8 : i32
        %mul3A_685 = arith.constant 64 : i32
        %mul3A_686 = arith.muli %rem3A_477, %mul3A_685 : i32
        %mul3A_687 = arith.constant 16 : i32
        %mul3A_688 = arith.muli %scan3A_673, %mul3A_687 : i32
        %add3A_689 = arith.addi %mul3A_686, %mul3A_688 : i32
        %add3A_690 = arith.addf %scan3A_683#0, %scan3A_683#1 : vector<16xf32>
        %mul3A_691 = arith.constant 512 : i32
        %mul3A_692 = arith.muli %mul3A_482, %mul3A_691 : i32
        %add3A_693 = arith.addi %mul3A_692, %add3A_689 : i32
        %swap3A_694 = arith.index_cast %add3A_693 : i32 to index
        %swap3A_695 = tpu.vector_load %arg17[%swap3A_694] {strides = array<i32>} : memref<6144xf32, #tpu.memory_space<vmem>>, vector<16xf32>,
        tpu.vector_store %arg17[%swap3A_694], %add3A_690 {strides = array<i32>} : memref<6144xf32, #tpu.memory_space<vmem>>, vector<16xf32>,
        %add3A_696 = arith.addf %scan3A_683#2, %scan3A_683#3 : vector<16xf32>
        %add3A_697 = arith.addf %scan3A_683#4, %scan3A_683#5 : vector<16xf32>
        %mul3A_698 = arith.mulf %add3A_696, %add3A_697 : vector<16xf32>
        %add3A_699 = arith.constant 1 : i32
        %add3A_700 = arith.addi %mul3A_482, %add3A_699 : i32
        %mul3A_701 = arith.constant 512 : i32
        %mul3A_702 = arith.muli %add3A_700, %mul3A_701 : i32
        %add3A_703 = arith.addi %mul3A_702, %add3A_689 : i32
        %swap3A_704 = arith.index_cast %add3A_703 : i32 to index
        %swap3A_705 = tpu.vector_load %arg17[%swap3A_704] {strides = array<i32>} : memref<6144xf32, #tpu.memory_space<vmem>>, vector<16xf32>,
        tpu.vector_store %arg17[%swap3A_704], %mul3A_698 {strides = array<i32>} : memref<6144xf32, #tpu.memory_space<vmem>>, vector<16xf32>,
        %scan3A_706 = arith.constant 0 : i32
        scf.yield %scan3A_706 : i32
      }
      %scan3A_489 = arith.constant 4 : i32
      %add3A_490 = arith.constant 1 : i32
      %add3A_491 = arith.addi %mul3A_399, %add3A_490 : i32
      %add3A_492 = arith.constant 2 : i32
      %add3A_493 = arith.addi %add3A_491, %add3A_492 : i32
      %lt3A_494 = arith.constant 48 : i32
      %lt3A_495 = arith.cmpi slt, %add3A_493, %lt3A_494 : i32
      %add3A_496 = arith.constant 1 : i32
      %add3A_497 = arith.addi %mul3A_399, %add3A_496 : i32
      %add3A_498 = arith.constant 2 : i32
      %add3A_499 = arith.addi %add3A_497, %add3A_498 : i32
      %convert_element_type3A_500 = arith.extui %lt3A_495 : i1 to i32
      %cond3A_501 = arith.constant 0 : i32
      %cond3A_502 = arith.cmpi ne, %convert_element_type3A_500, %cond3A_501 : i32
      scf.if %cond3A_502 {
        %rem3A_673 = arith.constant 24 : i32
        %rem3A_674 = arith.remsi %add3A_499, %rem3A_673 : i32
        %jit3A_675 = arith.constant 8 : i32
        %div3A_676 = arith.divsi %rem3A_674, %jit3A_675 : i32
        %sign3A_677 = arith.constant 0 : i32
        %sign3A_678 = arith.cmpi sgt, %rem3A_674, %sign3A_677 : i32
        %sign3A_679 = arith.extui %sign3A_678 : i1 to i32
        %sign3A_680 = arith.constant 0 : i32
        %sign3A_681 = arith.cmpi slt, %rem3A_674, %sign3A_680 : i32
        %sign3A_682 = arith.extui %sign3A_681 : i1 to i32
        %sign3A_683 = arith.subi %sign3A_679, %sign3A_682 : i32
        %sign3A_684 = arith.constant 0 : i32
        %sign3A_685 = arith.cmpi sgt, %jit3A_675, %sign3A_684 : i32
        %sign3A_686 = arith.extui %sign3A_685 : i1 to i32
        %sign3A_687 = arith.constant 0 : i32
        %sign3A_688 = arith.cmpi slt, %jit3A_675, %sign3A_687 : i32
        %sign3A_689 = arith.extui %sign3A_688 : i1 to i32
        %sign3A_690 = arith.subi %sign3A_686, %sign3A_689 : i32
        %ne3A_691 = arith.cmpi ne, %sign3A_683, %sign3A_690 : i32
        %rem3A_692 = arith.remsi %rem3A_674, %jit3A_675 : i32
        %ne3A_693 = arith.constant 0 : i32
        %ne3A_694 = arith.cmpi ne, %rem3A_692, %ne3A_693 : i32
        %and3A_695 = arith.andi %ne3A_691, %ne3A_694 : i1
        %sub3A_696 = arith.constant 1 : i32
        %sub3A_697 = arith.subi %div3A_676, %sub3A_696 : i32
        %select_n3A_698 = arith.select %and3A_695, %sub3A_697, %div3A_676 : i32
        %rem3A_699 = arith.constant 8 : i32
        %rem3A_700 = arith.remsi %rem3A_674, %rem3A_699 : i32
        %mul3A_701 = arith.constant 2 : i32
        %mul3A_702 = arith.muli %rem3A_700, %mul3A_701 : i32
        %mul3A_703 = arith.constant 64 : i32
        %mul3A_704 = arith.muli %mul3A_702, %mul3A_703 : i32
        %mul3A_705 = arith.constant 2 : i32
        %mul3A_706 = arith.muli %rem3A_700, %mul3A_705 : i32
        %mul3A_707 = arith.constant 64 : i32
        %mul3A_708 = arith.muli %mul3A_706, %mul3A_707 : i32
        %add3A_709 = arith.constant 64 : i32
        %add3A_710 = arith.addi %mul3A_708, %add3A_709 : i32
        %lt3A_711 = arith.constant 24 : i32
        %lt3A_712 = arith.cmpi slt, %add3A_499, %lt3A_711 : i32
        %convert_element_type3A_713 = arith.extui %lt3A_712 : i1 to i32
        %cond3A_714 = arith.constant 0 : i32
        %cond3A_715 = arith.cmpi ne, %convert_element_type3A_713, %cond3A_714 : i32
        scf.if %cond3A_715 {
          %dma_start3A = tpu.memref_slice %arg9[%select_n3A_698, %mul3A_704] : memref<3x1024xi32, #tpu.memory_space<vmem>> -> memref<1x64xi32, #tpu.memory_space<vmem>>
          %dma_start3A_721 = tpu.memref_squeeze %dma_start3A : memref<1x64xi32, #tpu.memory_space<vmem>> -> memref<64xi32, #tpu.memory_space<vmem>>
          %dma_start3A_722 = arith.constant 0 : i32
          %dma_start3A_723 = arith.constant 0 : i32
          %dma_start3A_724 = tpu.memref_slice %arg2[%dma_start3A_722, %dma_start3A_723] : memref<300000x128xf32, #tpu.memory_space<hbm>> -> memref<300000x128xf32, #tpu.memory_space<hbm>>
          tpu.enqueue_indirect_dma source(%dma_start3A_724 : memref<300000x128xf32, #tpu.memory_space<hbm>>) target(%arg11 : memref<64x128xf32, #tpu.memory_space<vmem>>) offsets(%dma_start3A_721 : memref<64xi32, #tpu.memory_space<vmem>>) semaphore(%arg18 : memref<!tpu.dma_semaphore, #tpu.memory_space<semaphore_mem>>)
          %dma_start3A_725 = tpu.memref_slice %arg9[%select_n3A_698, %add3A_710] : memref<3x1024xi32, #tpu.memory_space<vmem>> -> memref<1x64xi32, #tpu.memory_space<vmem>>
          %dma_start3A_726 = tpu.memref_squeeze %dma_start3A_725 : memref<1x64xi32, #tpu.memory_space<vmem>> -> memref<64xi32, #tpu.memory_space<vmem>>
          %dma_start3A_727 = arith.constant 0 : i32
          %dma_start3A_728 = arith.constant 0 : i32
          %dma_start3A_729 = tpu.memref_slice %arg2[%dma_start3A_727, %dma_start3A_728] : memref<300000x128xf32, #tpu.memory_space<hbm>> -> memref<300000x128xf32, #tpu.memory_space<hbm>>
          tpu.enqueue_indirect_dma source(%dma_start3A_729 : memref<300000x128xf32, #tpu.memory_space<hbm>>) target(%arg12 : memref<64x128xf32, #tpu.memory_space<vmem>>) offsets(%dma_start3A_726 : memref<64xi32, #tpu.memory_space<vmem>>) semaphore(%arg18 : memref<!tpu.dma_semaphore, #tpu.memory_space<semaphore_mem>>)
        } else {
        }
        %ge3A_716 = arith.constant 24 : i32
        %ge3A_717 = arith.cmpi sge, %add3A_499, %ge3A_716 : i32
        %convert_element_type3A_718 = arith.extui %ge3A_717 : i1 to i32
        %cond3A_719 = arith.constant 0 : i32
        %cond3A_720 = arith.cmpi ne, %convert_element_type3A_718, %cond3A_719 : i32
        scf.if %cond3A_720 {
          %dma_start3A = tpu.memref_slice %arg9[%select_n3A_698, %mul3A_704] : memref<3x1024xi32, #tpu.memory_space<vmem>> -> memref<1x64xi32, #tpu.memory_space<vmem>>
          %dma_start3A_721 = tpu.memref_squeeze %dma_start3A : memref<1x64xi32, #tpu.memory_space<vmem>> -> memref<64xi32, #tpu.memory_space<vmem>>
          %dma_start3A_722 = arith.constant 0 : i32
          %dma_start3A_723 = arith.constant 0 : i32
          %dma_start3A_724 = tpu.memref_slice %arg3[%dma_start3A_722, %dma_start3A_723] : memref<300000x128xf32, #tpu.memory_space<hbm>> -> memref<300000x128xf32, #tpu.memory_space<hbm>>
          tpu.enqueue_indirect_dma source(%dma_start3A_724 : memref<300000x128xf32, #tpu.memory_space<hbm>>) target(%arg11 : memref<64x128xf32, #tpu.memory_space<vmem>>) offsets(%dma_start3A_721 : memref<64xi32, #tpu.memory_space<vmem>>) semaphore(%arg18 : memref<!tpu.dma_semaphore, #tpu.memory_space<semaphore_mem>>)
          %dma_start3A_725 = tpu.memref_slice %arg9[%select_n3A_698, %add3A_710] : memref<3x1024xi32, #tpu.memory_space<vmem>> -> memref<1x64xi32, #tpu.memory_space<vmem>>
          %dma_start3A_726 = tpu.memref_squeeze %dma_start3A_725 : memref<1x64xi32, #tpu.memory_space<vmem>> -> memref<64xi32, #tpu.memory_space<vmem>>
          %dma_start3A_727 = arith.constant 0 : i32
          %dma_start3A_728 = arith.constant 0 : i32
          %dma_start3A_729 = tpu.memref_slice %arg3[%dma_start3A_727, %dma_start3A_728] : memref<300000x128xf32, #tpu.memory_space<hbm>> -> memref<300000x128xf32, #tpu.memory_space<hbm>>
          tpu.enqueue_indirect_dma source(%dma_start3A_729 : memref<300000x128xf32, #tpu.memory_space<hbm>>) target(%arg12 : memref<64x128xf32, #tpu.memory_space<vmem>>) offsets(%dma_start3A_726 : memref<64xi32, #tpu.memory_space<vmem>>) semaphore(%arg18 : memref<!tpu.dma_semaphore, #tpu.memory_space<semaphore_mem>>)
        } else {
        }
      } else {
      }
      %dma_wait3A_503 = arith.constant 0 : i32
      %dma_wait3A_504 = arith.constant 0 : i32
      %dma_wait3A_505 = tpu.memref_slice %arg2[%dma_wait3A_503, %dma_wait3A_504] : memref<300000x128xf32, #tpu.memory_space<hbm>> -> memref<64x128xf32, #tpu.memory_space<hbm>>
      %dma_wait3A_506 = arith.constant 0 : i32
      %dma_wait3A_507 = arith.constant 0 : i32
      %dma_wait3A_508 = tpu.memref_slice %arg2[%dma_wait3A_506, %dma_wait3A_507] : memref<300000x128xf32, #tpu.memory_space<hbm>> -> memref<64x128xf32, #tpu.memory_space<hbm>>
      tpu.wait_dma2 semaphore(%arg19 : memref<!tpu.dma_semaphore, #tpu.memory_space<semaphore_mem>>) src(%dma_wait3A_508 : memref<64x128xf32, #tpu.memory_space<hbm>>) dst(%arg13 : memref<64x128xf32, #tpu.memory_space<vmem>>)
      %dma_wait3A_509 = arith.constant 0 : i32
      %dma_wait3A_510 = arith.constant 0 : i32
      %dma_wait3A_511 = tpu.memref_slice %arg2[%dma_wait3A_509, %dma_wait3A_510] : memref<300000x128xf32, #tpu.memory_space<hbm>> -> memref<64x128xf32, #tpu.memory_space<hbm>>
      %dma_wait3A_512 = arith.constant 0 : i32
      %dma_wait3A_513 = arith.constant 0 : i32
      %dma_wait3A_514 = tpu.memref_slice %arg2[%dma_wait3A_512, %dma_wait3A_513] : memref<300000x128xf32, #tpu.memory_space<hbm>> -> memref<64x128xf32, #tpu.memory_space<hbm>>
      tpu.wait_dma2 semaphore(%arg19 : memref<!tpu.dma_semaphore, #tpu.memory_space<semaphore_mem>>) src(%dma_wait3A_514 : memref<64x128xf32, #tpu.memory_space<hbm>>) dst(%arg14 : memref<64x128xf32, #tpu.memory_space<vmem>>)
      %add3A_515 = arith.constant 1 : i32
      %add3A_516 = arith.addi %mul3A_399, %add3A_515 : i32
      %jit3A_517 = arith.constant 24 : i32
      %div3A_518 = arith.divsi %add3A_516, %jit3A_517 : i32
      %sign3A_519 = arith.constant 0 : i32
      %sign3A_520 = arith.cmpi sgt, %add3A_516, %sign3A_519 : i32
      %sign3A_521 = arith.extui %sign3A_520 : i1 to i32
      %sign3A_522 = arith.constant 0 : i32
      %sign3A_523 = arith.cmpi slt, %add3A_516, %sign3A_522 : i32
      %sign3A_524 = arith.extui %sign3A_523 : i1 to i32
      %sign3A_525 = arith.subi %sign3A_521, %sign3A_524 : i32
      %sign3A_526 = arith.constant 0 : i32
      %sign3A_527 = arith.cmpi sgt, %jit3A_517, %sign3A_526 : i32
      %sign3A_528 = arith.extui %sign3A_527 : i1 to i32
      %sign3A_529 = arith.constant 0 : i32
      %sign3A_530 = arith.cmpi slt, %jit3A_517, %sign3A_529 : i32
      %sign3A_531 = arith.extui %sign3A_530 : i1 to i32
      %sign3A_532 = arith.subi %sign3A_528, %sign3A_531 : i32
      %ne3A_533 = arith.cmpi ne, %sign3A_525, %sign3A_532 : i32
      %rem3A_534 = arith.remsi %add3A_516, %jit3A_517 : i32
      %ne3A_535 = arith.constant 0 : i32
      %ne3A_536 = arith.cmpi ne, %rem3A_534, %ne3A_535 : i32
      %and3A_537 = arith.andi %ne3A_533, %ne3A_536 : i1
      %sub3A_538 = arith.constant 1 : i32
      %sub3A_539 = arith.subi %div3A_518, %sub3A_538 : i32
      %select_n3A_540 = arith.select %and3A_537, %sub3A_539, %div3A_518 : i32
      %rem3A_541 = arith.constant 24 : i32
      %rem3A_542 = arith.remsi %add3A_516, %rem3A_541 : i32
      %jit3A_543 = arith.constant 8 : i32
      %div3A_544 = arith.divsi %rem3A_542, %jit3A_543 : i32
      %sign3A_545 = arith.constant 0 : i32
      %sign3A_546 = arith.cmpi sgt, %rem3A_542, %sign3A_545 : i32
      %sign3A_547 = arith.extui %sign3A_546 : i1 to i32
      %sign3A_548 = arith.constant 0 : i32
      %sign3A_549 = arith.cmpi slt, %rem3A_542, %sign3A_548 : i32
      %sign3A_550 = arith.extui %sign3A_549 : i1 to i32
      %sign3A_551 = arith.subi %sign3A_547, %sign3A_550 : i32
      %sign3A_552 = arith.constant 0 : i32
      %sign3A_553 = arith.cmpi sgt, %jit3A_543, %sign3A_552 : i32
      %sign3A_554 = arith.extui %sign3A_553 : i1 to i32
      %sign3A_555 = arith.constant 0 : i32
      %sign3A_556 = arith.cmpi slt, %jit3A_543, %sign3A_555 : i32
      %sign3A_557 = arith.extui %sign3A_556 : i1 to i32
      %sign3A_558 = arith.subi %sign3A_554, %sign3A_557 : i32
      %ne3A_559 = arith.cmpi ne, %sign3A_551, %sign3A_558 : i32
      %rem3A_560 = arith.remsi %rem3A_542, %jit3A_543 : i32
      %ne3A_561 = arith.constant 0 : i32
      %ne3A_562 = arith.cmpi ne, %rem3A_560, %ne3A_561 : i32
      %and3A_563 = arith.andi %ne3A_559, %ne3A_562 : i1
      %sub3A_564 = arith.constant 1 : i32
      %sub3A_565 = arith.subi %div3A_544, %sub3A_564 : i32
      %select_n3A_566 = arith.select %and3A_563, %sub3A_565, %div3A_544 : i32
      %rem3A_567 = arith.constant 8 : i32
      %rem3A_568 = arith.remsi %rem3A_542, %rem3A_567 : i32
      %mul3A_569 = arith.constant 3 : i32
      %mul3A_570 = arith.muli %select_n3A_540, %mul3A_569 : i32
      %add3A_571 = arith.addi %mul3A_570, %select_n3A_566 : i32
      %mul3A_572 = arith.constant 2 : i32
      %mul3A_573 = arith.muli %mul3A_572, %add3A_571 : i32
      %scan3A_574 = arith.constant 0 : i32
      %scan3A_575 = arith.constant 0 : i32
      %scan3A_576 = arith.constant 4 : i32
      %scan3A_577 = arith.addi %scan3A_575, %scan3A_576 : i32
      %scan3A_578 = arith.constant 1 : i32
      %scan3A_579 = scf.for %scan3A_673 = %scan3A_575 to %scan3A_577 step %scan3A_578 iter_args(%scan3A_674 = %scan3A_574) -> (i32)  : i32 {
        %mul3A_675 = arith.constant 16 : i32
        %mul3A_676 = arith.muli %scan3A_673, %mul3A_675 : i32
        %add3A_677 = vector.broadcast %mul3A_676 : i32 to vector<16xi32>
        %add3A_678 = arith.addi %add3A_677, %iota3A : vector<16xi32>
        %scan3A_679 = arith.constant 0 : i32
        %scan3A_680 = arith.constant 8 : i32
        %scan3A_681 = arith.addi %scan3A_679, %scan3A_680 : i32
        %scan3A_682 = arith.constant 1 : i32
        %scan3A_683:6 = scf.for %scan3A_707 = %scan3A_679 to %scan3A_681 step %scan3A_682 iter_args(%scan3A_708 = %broadcast_in_dim3A_3, %scan3A_709 = %broadcast_in_dim3A_3, %scan3A_710 = %broadcast_in_dim3A_3, %scan3A_711 = %broadcast_in_dim3A_3, %scan3A_712 = %broadcast_in_dim3A_3, %scan3A_713 = %broadcast_in_dim3A_3) -> (vector<16xf32>, vector<16xf32>, vector<16xf32>, vector<16xf32>, vector<16xf32>, vector<16xf32>)  : i32 {
          %mul3A_714 = arith.constant 16 : i32
          %mul3A_715 = arith.muli %scan3A_707, %mul3A_714 : i32
          %get3A_716 = arith.index_cast %select_n3A_540 : i32 to index
          %get3A_717 = arith.index_cast %mul3A_715 : i32 to index
          %get3A_718 = tpu.vector_load %arg10[%get3A_716, %get3A_717] {strides = array<i32>} : memref<2x128xf32, #tpu.memory_space<vmem>>, vector<16xf32>,
          %mul3A_719 = arith.constant 16 : i32
          %mul3A_720 = arith.muli %scan3A_707, %mul3A_719 : i32
          %add3A_721 = vector.broadcast %mul3A_720 : i32 to vector<16xi32>
          %add3A_722 = arith.addi %add3A_721, %and3A_8 : vector<16xi32>
          %lt3A_723 = arith.constant 0 : i32
          %lt3A_724 = vector.broadcast %lt3A_723 : i32 to vector<16xi32>
          %lt3A_725 = arith.cmpi slt, %and3A_8, %lt3A_724 : vector<16xi32>
          %add3A_726 = arith.constant 16 : i32
          %add3A_727 = vector.broadcast %add3A_726 : i32 to vector<16xi32>
          %add3A_728 = arith.addi %and3A_8, %add3A_727 : vector<16xi32>
          %select_n3A_729 = arith.select %lt3A_725, %add3A_728, %and3A_8 : vector<16xi1>, vector<16xi32>
          %broadcast_in_dim3A_730 = vector.shape_cast %select_n3A_729 : vector<16xi32> to vector<16x1xi32>
          %gather3A = vector.shape_cast %broadcast_in_dim3A_730 : vector<16x1xi32> to vector<16xi32>
          %gather3A_731 = tpu.dynamic_gather %get3A_718[%gather3A] in [0] : vector<16xf32>, vector<16xi32> -> vector<16xf32>
          %gather3A_732 = tpu.vector_load_idx %arg13[%add3A_678, %add3A_722] : memref<64x128xf32, #tpu.memory_space<vmem>>[vector<16xi32>, vector<16xi32>], vector<16xf32>,
          %gather3A_733 = tpu.vector_load_idx %arg14[%add3A_678, %add3A_722] : memref<64x128xf32, #tpu.memory_space<vmem>>[vector<16xi32>, vector<16xi32>], vector<16xf32>,
          %mul3A_734 = arith.mulf %gather3A_731, %gather3A_732 : vector<16xf32>
          %mul3A_735 = arith.mulf %gather3A_731, %gather3A_733 : vector<16xf32>
          %mul3A_736 = arith.mulf %mul3A_734, %gather3A_733 : vector<16xf32>
          %add3A_737 = arith.addf %scan3A_708, %mul3A_736 : vector<16xf32>
          %mul3A_738 = arith.mulf %mul3A_734, %gather3A_732 : vector<16xf32>
          %add3A_739 = arith.addf %scan3A_710, %mul3A_738 : vector<16xf32>
          %mul3A_740 = arith.mulf %mul3A_735, %gather3A_733 : vector<16xf32>
          %add3A_741 = arith.addf %scan3A_712, %mul3A_740 : vector<16xf32>
          %add3A_742 = vector.broadcast %mul3A_720 : i32 to vector<16xi32>
          %add3A_743 = arith.addi %add3A_742, %and3A_14 : vector<16xi32>
          %lt3A_744 = arith.constant 0 : i32
          %lt3A_745 = vector.broadcast %lt3A_744 : i32 to vector<16xi32>
          %lt3A_746 = arith.cmpi slt, %and3A_14, %lt3A_745 : vector<16xi32>
          %add3A_747 = arith.constant 16 : i32
          %add3A_748 = vector.broadcast %add3A_747 : i32 to vector<16xi32>
          %add3A_749 = arith.addi %and3A_14, %add3A_748 : vector<16xi32>
          %select_n3A_750 = arith.select %lt3A_746, %add3A_749, %and3A_14 : vector<16xi1>, vector<16xi32>
          %broadcast_in_dim3A_751 = vector.shape_cast %select_n3A_750 : vector<16xi32> to vector<16x1xi32>
          %gather3A_752 = vector.shape_cast %broadcast_in_dim3A_751 : vector<16x1xi32> to vector<16xi32>
          %gather3A_753 = tpu.dynamic_gather %get3A_718[%gather3A_752] in [0] : vector<16xf32>, vector<16xi32> -> vector<16xf32>
          %gather3A_754 = tpu.vector_load_idx %arg13[%add3A_678, %add3A_743] : memref<64x128xf32, #tpu.memory_space<vmem>>[vector<16xi32>, vector<16xi32>], vector<16xf32>,
          %gather3A_755 = tpu.vector_load_idx %arg14[%add3A_678, %add3A_743] : memref<64x128xf32, #tpu.memory_space<vmem>>[vector<16xi32>, vector<16xi32>], vector<16xf32>,
          %mul3A_756 = arith.mulf %gather3A_753, %gather3A_754 : vector<16xf32>
          %mul3A_757 = arith.mulf %gather3A_753, %gather3A_755 : vector<16xf32>
          %mul3A_758 = arith.mulf %mul3A_756, %gather3A_755 : vector<16xf32>
          %add3A_759 = arith.addf %scan3A_709, %mul3A_758 : vector<16xf32>
          %mul3A_760 = arith.mulf %mul3A_756, %gather3A_754 : vector<16xf32>
          %add3A_761 = arith.addf %scan3A_711, %mul3A_760 : vector<16xf32>
          %mul3A_762 = arith.mulf %mul3A_757, %gather3A_755 : vector<16xf32>
          %add3A_763 = arith.addf %scan3A_713, %mul3A_762 : vector<16xf32>
          %add3A_764 = vector.broadcast %mul3A_720 : i32 to vector<16xi32>
          %add3A_765 = arith.addi %add3A_764, %and3A_20 : vector<16xi32>
          %lt3A_766 = arith.constant 0 : i32
          %lt3A_767 = vector.broadcast %lt3A_766 : i32 to vector<16xi32>
          %lt3A_768 = arith.cmpi slt, %and3A_20, %lt3A_767 : vector<16xi32>
          %add3A_769 = arith.constant 16 : i32
          %add3A_770 = vector.broadcast %add3A_769 : i32 to vector<16xi32>
          %add3A_771 = arith.addi %and3A_20, %add3A_770 : vector<16xi32>
          %select_n3A_772 = arith.select %lt3A_768, %add3A_771, %and3A_20 : vector<16xi1>, vector<16xi32>
          %broadcast_in_dim3A_773 = vector.shape_cast %select_n3A_772 : vector<16xi32> to vector<16x1xi32>
          %gather3A_774 = vector.shape_cast %broadcast_in_dim3A_773 : vector<16x1xi32> to vector<16xi32>
          %gather3A_775 = tpu.dynamic_gather %get3A_718[%gather3A_774] in [0] : vector<16xf32>, vector<16xi32> -> vector<16xf32>
          %gather3A_776 = tpu.vector_load_idx %arg13[%add3A_678, %add3A_765] : memref<64x128xf32, #tpu.memory_space<vmem>>[vector<16xi32>, vector<16xi32>], vector<16xf32>,
          %gather3A_777 = tpu.vector_load_idx %arg14[%add3A_678, %add3A_765] : memref<64x128xf32, #tpu.memory_space<vmem>>[vector<16xi32>, vector<16xi32>], vector<16xf32>,
          %mul3A_778 = arith.mulf %gather3A_775, %gather3A_776 : vector<16xf32>
          %mul3A_779 = arith.mulf %gather3A_775, %gather3A_777 : vector<16xf32>
          %mul3A_780 = arith.mulf %mul3A_778, %gather3A_777 : vector<16xf32>
          %add3A_781 = arith.addf %add3A_737, %mul3A_780 : vector<16xf32>
          %mul3A_782 = arith.mulf %mul3A_778, %gather3A_776 : vector<16xf32>
          %add3A_783 = arith.addf %add3A_739, %mul3A_782 : vector<16xf32>
          %mul3A_784 = arith.mulf %mul3A_779, %gather3A_777 : vector<16xf32>
          %add3A_785 = arith.addf %add3A_741, %mul3A_784 : vector<16xf32>
          %add3A_786 = vector.broadcast %mul3A_720 : i32 to vector<16xi32>
          %add3A_787 = arith.addi %add3A_786, %and3A_26 : vector<16xi32>
          %lt3A_788 = arith.constant 0 : i32
          %lt3A_789 = vector.broadcast %lt3A_788 : i32 to vector<16xi32>
          %lt3A_790 = arith.cmpi slt, %and3A_26, %lt3A_789 : vector<16xi32>
          %add3A_791 = arith.constant 16 : i32
          %add3A_792 = vector.broadcast %add3A_791 : i32 to vector<16xi32>
          %add3A_793 = arith.addi %and3A_26, %add3A_792 : vector<16xi32>
          %select_n3A_794 = arith.select %lt3A_790, %add3A_793, %and3A_26 : vector<16xi1>, vector<16xi32>
          %broadcast_in_dim3A_795 = vector.shape_cast %select_n3A_794 : vector<16xi32> to vector<16x1xi32>
          %gather3A_796 = vector.shape_cast %broadcast_in_dim3A_795 : vector<16x1xi32> to vector<16xi32>
          %gather3A_797 = tpu.dynamic_gather %get3A_718[%gather3A_796] in [0] : vector<16xf32>, vector<16xi32> -> vector<16xf32>
          %gather3A_798 = tpu.vector_load_idx %arg13[%add3A_678, %add3A_787] : memref<64x128xf32, #tpu.memory_space<vmem>>[vector<16xi32>, vector<16xi32>], vector<16xf32>,
          %gather3A_799 = tpu.vector_load_idx %arg14[%add3A_678, %add3A_787] : memref<64x128xf32, #tpu.memory_space<vmem>>[vector<16xi32>, vector<16xi32>], vector<16xf32>,
          %mul3A_800 = arith.mulf %gather3A_797, %gather3A_798 : vector<16xf32>
          %mul3A_801 = arith.mulf %gather3A_797, %gather3A_799 : vector<16xf32>
          %mul3A_802 = arith.mulf %mul3A_800, %gather3A_799 : vector<16xf32>
          %add3A_803 = arith.addf %add3A_759, %mul3A_802 : vector<16xf32>
          %mul3A_804 = arith.mulf %mul3A_800, %gather3A_798 : vector<16xf32>
          %add3A_805 = arith.addf %add3A_761, %mul3A_804 : vector<16xf32>
          %mul3A_806 = arith.mulf %mul3A_801, %gather3A_799 : vector<16xf32>
          %add3A_807 = arith.addf %add3A_763, %mul3A_806 : vector<16xf32>
          %add3A_808 = vector.broadcast %mul3A_720 : i32 to vector<16xi32>
          %add3A_809 = arith.addi %add3A_808, %and3A_32 : vector<16xi32>
          %lt3A_810 = arith.constant 0 : i32
          %lt3A_811 = vector.broadcast %lt3A_810 : i32 to vector<16xi32>
          %lt3A_812 = arith.cmpi slt, %and3A_32, %lt3A_811 : vector<16xi32>
          %add3A_813 = arith.constant 16 : i32
          %add3A_814 = vector.broadcast %add3A_813 : i32 to vector<16xi32>
          %add3A_815 = arith.addi %and3A_32, %add3A_814 : vector<16xi32>
          %select_n3A_816 = arith.select %lt3A_812, %add3A_815, %and3A_32 : vector<16xi1>, vector<16xi32>
          %broadcast_in_dim3A_817 = vector.shape_cast %select_n3A_816 : vector<16xi32> to vector<16x1xi32>
          %gather3A_818 = vector.shape_cast %broadcast_in_dim3A_817 : vector<16x1xi32> to vector<16xi32>
          %gather3A_819 = tpu.dynamic_gather %get3A_718[%gather3A_818] in [0] : vector<16xf32>, vector<16xi32> -> vector<16xf32>
          %gather3A_820 = tpu.vector_load_idx %arg13[%add3A_678, %add3A_809] : memref<64x128xf32, #tpu.memory_space<vmem>>[vector<16xi32>, vector<16xi32>], vector<16xf32>,
          %gather3A_821 = tpu.vector_load_idx %arg14[%add3A_678, %add3A_809] : memref<64x128xf32, #tpu.memory_space<vmem>>[vector<16xi32>, vector<16xi32>], vector<16xf32>,
          %mul3A_822 = arith.mulf %gather3A_819, %gather3A_820 : vector<16xf32>
          %mul3A_823 = arith.mulf %gather3A_819, %gather3A_821 : vector<16xf32>
          %mul3A_824 = arith.mulf %mul3A_822, %gather3A_821 : vector<16xf32>
          %add3A_825 = arith.addf %add3A_781, %mul3A_824 : vector<16xf32>
          %mul3A_826 = arith.mulf %mul3A_822, %gather3A_820 : vector<16xf32>
          %add3A_827 = arith.addf %add3A_783, %mul3A_826 : vector<16xf32>
          %mul3A_828 = arith.mulf %mul3A_823, %gather3A_821 : vector<16xf32>
          %add3A_829 = arith.addf %add3A_785, %mul3A_828 : vector<16xf32>
          %add3A_830 = vector.broadcast %mul3A_720 : i32 to vector<16xi32>
          %add3A_831 = arith.addi %add3A_830, %and3A_38 : vector<16xi32>
          %lt3A_832 = arith.constant 0 : i32
          %lt3A_833 = vector.broadcast %lt3A_832 : i32 to vector<16xi32>
          %lt3A_834 = arith.cmpi slt, %and3A_38, %lt3A_833 : vector<16xi32>
          %add3A_835 = arith.constant 16 : i32
          %add3A_836 = vector.broadcast %add3A_835 : i32 to vector<16xi32>
          %add3A_837 = arith.addi %and3A_38, %add3A_836 : vector<16xi32>
          %select_n3A_838 = arith.select %lt3A_834, %add3A_837, %and3A_38 : vector<16xi1>, vector<16xi32>
          %broadcast_in_dim3A_839 = vector.shape_cast %select_n3A_838 : vector<16xi32> to vector<16x1xi32>
          %gather3A_840 = vector.shape_cast %broadcast_in_dim3A_839 : vector<16x1xi32> to vector<16xi32>
          %gather3A_841 = tpu.dynamic_gather %get3A_718[%gather3A_840] in [0] : vector<16xf32>, vector<16xi32> -> vector<16xf32>
          %gather3A_842 = tpu.vector_load_idx %arg13[%add3A_678, %add3A_831] : memref<64x128xf32, #tpu.memory_space<vmem>>[vector<16xi32>, vector<16xi32>], vector<16xf32>,
          %gather3A_843 = tpu.vector_load_idx %arg14[%add3A_678, %add3A_831] : memref<64x128xf32, #tpu.memory_space<vmem>>[vector<16xi32>, vector<16xi32>], vector<16xf32>,
          %mul3A_844 = arith.mulf %gather3A_841, %gather3A_842 : vector<16xf32>
          %mul3A_845 = arith.mulf %gather3A_841, %gather3A_843 : vector<16xf32>
          %mul3A_846 = arith.mulf %mul3A_844, %gather3A_843 : vector<16xf32>
          %add3A_847 = arith.addf %add3A_803, %mul3A_846 : vector<16xf32>
          %mul3A_848 = arith.mulf %mul3A_844, %gather3A_842 : vector<16xf32>
          %add3A_849 = arith.addf %add3A_805, %mul3A_848 : vector<16xf32>
          %mul3A_850 = arith.mulf %mul3A_845, %gather3A_843 : vector<16xf32>
          %add3A_851 = arith.addf %add3A_807, %mul3A_850 : vector<16xf32>
          %add3A_852 = vector.broadcast %mul3A_720 : i32 to vector<16xi32>
          %add3A_853 = arith.addi %add3A_852, %and3A_44 : vector<16xi32>
          %lt3A_854 = arith.constant 0 : i32
          %lt3A_855 = vector.broadcast %lt3A_854 : i32 to vector<16xi32>
          %lt3A_856 = arith.cmpi slt, %and3A_44, %lt3A_855 : vector<16xi32>
          %add3A_857 = arith.constant 16 : i32
          %add3A_858 = vector.broadcast %add3A_857 : i32 to vector<16xi32>
          %add3A_859 = arith.addi %and3A_44, %add3A_858 : vector<16xi32>
          %select_n3A_860 = arith.select %lt3A_856, %add3A_859, %and3A_44 : vector<16xi1>, vector<16xi32>
          %broadcast_in_dim3A_861 = vector.shape_cast %select_n3A_860 : vector<16xi32> to vector<16x1xi32>
          %gather3A_862 = vector.shape_cast %broadcast_in_dim3A_861 : vector<16x1xi32> to vector<16xi32>
          %gather3A_863 = tpu.dynamic_gather %get3A_718[%gather3A_862] in [0] : vector<16xf32>, vector<16xi32> -> vector<16xf32>
          %gather3A_864 = tpu.vector_load_idx %arg13[%add3A_678, %add3A_853] : memref<64x128xf32, #tpu.memory_space<vmem>>[vector<16xi32>, vector<16xi32>], vector<16xf32>,
          %gather3A_865 = tpu.vector_load_idx %arg14[%add3A_678, %add3A_853] : memref<64x128xf32, #tpu.memory_space<vmem>>[vector<16xi32>, vector<16xi32>], vector<16xf32>,
          %mul3A_866 = arith.mulf %gather3A_863, %gather3A_864 : vector<16xf32>
          %mul3A_867 = arith.mulf %gather3A_863, %gather3A_865 : vector<16xf32>
          %mul3A_868 = arith.mulf %mul3A_866, %gather3A_865 : vector<16xf32>
          %add3A_869 = arith.addf %add3A_825, %mul3A_868 : vector<16xf32>
          %mul3A_870 = arith.mulf %mul3A_866, %gather3A_864 : vector<16xf32>
          %add3A_871 = arith.addf %add3A_827, %mul3A_870 : vector<16xf32>
          %mul3A_872 = arith.mulf %mul3A_867, %gather3A_865 : vector<16xf32>
          %add3A_873 = arith.addf %add3A_829, %mul3A_872 : vector<16xf32>
          %add3A_874 = vector.broadcast %mul3A_720 : i32 to vector<16xi32>
          %add3A_875 = arith.addi %add3A_874, %and3A_50 : vector<16xi32>
          %lt3A_876 = arith.constant 0 : i32
          %lt3A_877 = vector.broadcast %lt3A_876 : i32 to vector<16xi32>
          %lt3A_878 = arith.cmpi slt, %and3A_50, %lt3A_877 : vector<16xi32>
          %add3A_879 = arith.constant 16 : i32
          %add3A_880 = vector.broadcast %add3A_879 : i32 to vector<16xi32>
          %add3A_881 = arith.addi %and3A_50, %add3A_880 : vector<16xi32>
          %select_n3A_882 = arith.select %lt3A_878, %add3A_881, %and3A_50 : vector<16xi1>, vector<16xi32>
          %broadcast_in_dim3A_883 = vector.shape_cast %select_n3A_882 : vector<16xi32> to vector<16x1xi32>
          %gather3A_884 = vector.shape_cast %broadcast_in_dim3A_883 : vector<16x1xi32> to vector<16xi32>
          %gather3A_885 = tpu.dynamic_gather %get3A_718[%gather3A_884] in [0] : vector<16xf32>, vector<16xi32> -> vector<16xf32>
          %gather3A_886 = tpu.vector_load_idx %arg13[%add3A_678, %add3A_875] : memref<64x128xf32, #tpu.memory_space<vmem>>[vector<16xi32>, vector<16xi32>], vector<16xf32>,
          %gather3A_887 = tpu.vector_load_idx %arg14[%add3A_678, %add3A_875] : memref<64x128xf32, #tpu.memory_space<vmem>>[vector<16xi32>, vector<16xi32>], vector<16xf32>,
          %mul3A_888 = arith.mulf %gather3A_885, %gather3A_886 : vector<16xf32>
          %mul3A_889 = arith.mulf %gather3A_885, %gather3A_887 : vector<16xf32>
          %mul3A_890 = arith.mulf %mul3A_888, %gather3A_887 : vector<16xf32>
          %add3A_891 = arith.addf %add3A_847, %mul3A_890 : vector<16xf32>
          %mul3A_892 = arith.mulf %mul3A_888, %gather3A_886 : vector<16xf32>
          %add3A_893 = arith.addf %add3A_849, %mul3A_892 : vector<16xf32>
          %mul3A_894 = arith.mulf %mul3A_889, %gather3A_887 : vector<16xf32>
          %add3A_895 = arith.addf %add3A_851, %mul3A_894 : vector<16xf32>
          %add3A_896 = vector.broadcast %mul3A_720 : i32 to vector<16xi32>
          %add3A_897 = arith.addi %add3A_896, %and3A_56 : vector<16xi32>
          %lt3A_898 = arith.constant 0 : i32
          %lt3A_899 = vector.broadcast %lt3A_898 : i32 to vector<16xi32>
          %lt3A_900 = arith.cmpi slt, %and3A_56, %lt3A_899 : vector<16xi32>
          %add3A_901 = arith.constant 16 : i32
          %add3A_902 = vector.broadcast %add3A_901 : i32 to vector<16xi32>
          %add3A_903 = arith.addi %and3A_56, %add3A_902 : vector<16xi32>
          %select_n3A_904 = arith.select %lt3A_900, %add3A_903, %and3A_56 : vector<16xi1>, vector<16xi32>
          %broadcast_in_dim3A_905 = vector.shape_cast %select_n3A_904 : vector<16xi32> to vector<16x1xi32>
          %gather3A_906 = vector.shape_cast %broadcast_in_dim3A_905 : vector<16x1xi32> to vector<16xi32>
          %gather3A_907 = tpu.dynamic_gather %get3A_718[%gather3A_906] in [0] : vector<16xf32>, vector<16xi32> -> vector<16xf32>
          %gather3A_908 = tpu.vector_load_idx %arg13[%add3A_678, %add3A_897] : memref<64x128xf32, #tpu.memory_space<vmem>>[vector<16xi32>, vector<16xi32>], vector<16xf32>,
          %gather3A_909 = tpu.vector_load_idx %arg14[%add3A_678, %add3A_897] : memref<64x128xf32, #tpu.memory_space<vmem>>[vector<16xi32>, vector<16xi32>], vector<16xf32>,
          %mul3A_910 = arith.mulf %gather3A_907, %gather3A_908 : vector<16xf32>
          %mul3A_911 = arith.mulf %gather3A_907, %gather3A_909 : vector<16xf32>
          %mul3A_912 = arith.mulf %mul3A_910, %gather3A_909 : vector<16xf32>
          %add3A_913 = arith.addf %add3A_869, %mul3A_912 : vector<16xf32>
          %mul3A_914 = arith.mulf %mul3A_910, %gather3A_908 : vector<16xf32>
          %add3A_915 = arith.addf %add3A_871, %mul3A_914 : vector<16xf32>
          %mul3A_916 = arith.mulf %mul3A_911, %gather3A_909 : vector<16xf32>
          %add3A_917 = arith.addf %add3A_873, %mul3A_916 : vector<16xf32>
          %add3A_918 = vector.broadcast %mul3A_720 : i32 to vector<16xi32>
          %add3A_919 = arith.addi %add3A_918, %and3A_62 : vector<16xi32>
          %lt3A_920 = arith.constant 0 : i32
          %lt3A_921 = vector.broadcast %lt3A_920 : i32 to vector<16xi32>
          %lt3A_922 = arith.cmpi slt, %and3A_62, %lt3A_921 : vector<16xi32>
          %add3A_923 = arith.constant 16 : i32
          %add3A_924 = vector.broadcast %add3A_923 : i32 to vector<16xi32>
          %add3A_925 = arith.addi %and3A_62, %add3A_924 : vector<16xi32>
          %select_n3A_926 = arith.select %lt3A_922, %add3A_925, %and3A_62 : vector<16xi1>, vector<16xi32>
          %broadcast_in_dim3A_927 = vector.shape_cast %select_n3A_926 : vector<16xi32> to vector<16x1xi32>
          %gather3A_928 = vector.shape_cast %broadcast_in_dim3A_927 : vector<16x1xi32> to vector<16xi32>
          %gather3A_929 = tpu.dynamic_gather %get3A_718[%gather3A_928] in [0] : vector<16xf32>, vector<16xi32> -> vector<16xf32>
          %gather3A_930 = tpu.vector_load_idx %arg13[%add3A_678, %add3A_919] : memref<64x128xf32, #tpu.memory_space<vmem>>[vector<16xi32>, vector<16xi32>], vector<16xf32>,
          %gather3A_931 = tpu.vector_load_idx %arg14[%add3A_678, %add3A_919] : memref<64x128xf32, #tpu.memory_space<vmem>>[vector<16xi32>, vector<16xi32>], vector<16xf32>,
          %mul3A_932 = arith.mulf %gather3A_929, %gather3A_930 : vector<16xf32>
          %mul3A_933 = arith.mulf %gather3A_929, %gather3A_931 : vector<16xf32>
          %mul3A_934 = arith.mulf %mul3A_932, %gather3A_931 : vector<16xf32>
          %add3A_935 = arith.addf %add3A_891, %mul3A_934 : vector<16xf32>
          %mul3A_936 = arith.mulf %mul3A_932, %gather3A_930 : vector<16xf32>
          %add3A_937 = arith.addf %add3A_893, %mul3A_936 : vector<16xf32>
          %mul3A_938 = arith.mulf %mul3A_933, %gather3A_931 : vector<16xf32>
          %add3A_939 = arith.addf %add3A_895, %mul3A_938 : vector<16xf32>
          %add3A_940 = vector.broadcast %mul3A_720 : i32 to vector<16xi32>
          %add3A_941 = arith.addi %add3A_940, %and3A_68 : vector<16xi32>
          %lt3A_942 = arith.constant 0 : i32
          %lt3A_943 = vector.broadcast %lt3A_942 : i32 to vector<16xi32>
          %lt3A_944 = arith.cmpi slt, %and3A_68, %lt3A_943 : vector<16xi32>
          %add3A_945 = arith.constant 16 : i32
          %add3A_946 = vector.broadcast %add3A_945 : i32 to vector<16xi32>
          %add3A_947 = arith.addi %and3A_68, %add3A_946 : vector<16xi32>
          %select_n3A_948 = arith.select %lt3A_944, %add3A_947, %and3A_68 : vector<16xi1>, vector<16xi32>
          %broadcast_in_dim3A_949 = vector.shape_cast %select_n3A_948 : vector<16xi32> to vector<16x1xi32>
          %gather3A_950 = vector.shape_cast %broadcast_in_dim3A_949 : vector<16x1xi32> to vector<16xi32>
          %gather3A_951 = tpu.dynamic_gather %get3A_718[%gather3A_950] in [0] : vector<16xf32>, vector<16xi32> -> vector<16xf32>
          %gather3A_952 = tpu.vector_load_idx %arg13[%add3A_678, %add3A_941] : memref<64x128xf32, #tpu.memory_space<vmem>>[vector<16xi32>, vector<16xi32>], vector<16xf32>,
          %gather3A_953 = tpu.vector_load_idx %arg14[%add3A_678, %add3A_941] : memref<64x128xf32, #tpu.memory_space<vmem>>[vector<16xi32>, vector<16xi32>], vector<16xf32>,
          %mul3A_954 = arith.mulf %gather3A_951, %gather3A_952 : vector<16xf32>
          %mul3A_955 = arith.mulf %gather3A_951, %gather3A_953 : vector<16xf32>
          %mul3A_956 = arith.mulf %mul3A_954, %gather3A_953 : vector<16xf32>
          %add3A_957 = arith.addf %add3A_913, %mul3A_956 : vector<16xf32>
          %mul3A_958 = arith.mulf %mul3A_954, %gather3A_952 : vector<16xf32>
          %add3A_959 = arith.addf %add3A_915, %mul3A_958 : vector<16xf32>
          %mul3A_960 = arith.mulf %mul3A_955, %gather3A_953 : vector<16xf32>
          %add3A_961 = arith.addf %add3A_917, %mul3A_960 : vector<16xf32>
          %add3A_962 = vector.broadcast %mul3A_720 : i32 to vector<16xi32>
          %add3A_963 = arith.addi %add3A_962, %and3A_74 : vector<16xi32>
          %lt3A_964 = arith.constant 0 : i32
          %lt3A_965 = vector.broadcast %lt3A_964 : i32 to vector<16xi32>
          %lt3A_966 = arith.cmpi slt, %and3A_74, %lt3A_965 : vector<16xi32>
          %add3A_967 = arith.constant 16 : i32
          %add3A_968 = vector.broadcast %add3A_967 : i32 to vector<16xi32>
          %add3A_969 = arith.addi %and3A_74, %add3A_968 : vector<16xi32>
          %select_n3A_970 = arith.select %lt3A_966, %add3A_969, %and3A_74 : vector<16xi1>, vector<16xi32>
          %broadcast_in_dim3A_971 = vector.shape_cast %select_n3A_970 : vector<16xi32> to vector<16x1xi32>
          %gather3A_972 = vector.shape_cast %broadcast_in_dim3A_971 : vector<16x1xi32> to vector<16xi32>
          %gather3A_973 = tpu.dynamic_gather %get3A_718[%gather3A_972] in [0] : vector<16xf32>, vector<16xi32> -> vector<16xf32>
          %gather3A_974 = tpu.vector_load_idx %arg13[%add3A_678, %add3A_963] : memref<64x128xf32, #tpu.memory_space<vmem>>[vector<16xi32>, vector<16xi32>], vector<16xf32>,
          %gather3A_975 = tpu.vector_load_idx %arg14[%add3A_678, %add3A_963] : memref<64x128xf32, #tpu.memory_space<vmem>>[vector<16xi32>, vector<16xi32>], vector<16xf32>,
          %mul3A_976 = arith.mulf %gather3A_973, %gather3A_974 : vector<16xf32>
          %mul3A_977 = arith.mulf %gather3A_973, %gather3A_975 : vector<16xf32>
          %mul3A_978 = arith.mulf %mul3A_976, %gather3A_975 : vector<16xf32>
          %add3A_979 = arith.addf %add3A_935, %mul3A_978 : vector<16xf32>
          %mul3A_980 = arith.mulf %mul3A_976, %gather3A_974 : vector<16xf32>
          %add3A_981 = arith.addf %add3A_937, %mul3A_980 : vector<16xf32>
          %mul3A_982 = arith.mulf %mul3A_977, %gather3A_975 : vector<16xf32>
          %add3A_983 = arith.addf %add3A_939, %mul3A_982 : vector<16xf32>
          %add3A_984 = vector.broadcast %mul3A_720 : i32 to vector<16xi32>
          %add3A_985 = arith.addi %add3A_984, %and3A_80 : vector<16xi32>
          %lt3A_986 = arith.constant 0 : i32
          %lt3A_987 = vector.broadcast %lt3A_986 : i32 to vector<16xi32>
          %lt3A_988 = arith.cmpi slt, %and3A_80, %lt3A_987 : vector<16xi32>
          %add3A_989 = arith.constant 16 : i32
          %add3A_990 = vector.broadcast %add3A_989 : i32 to vector<16xi32>
          %add3A_991 = arith.addi %and3A_80, %add3A_990 : vector<16xi32>
          %select_n3A_992 = arith.select %lt3A_988, %add3A_991, %and3A_80 : vector<16xi1>, vector<16xi32>
          %broadcast_in_dim3A_993 = vector.shape_cast %select_n3A_992 : vector<16xi32> to vector<16x1xi32>
          %gather3A_994 = vector.shape_cast %broadcast_in_dim3A_993 : vector<16x1xi32> to vector<16xi32>
          %gather3A_995 = tpu.dynamic_gather %get3A_718[%gather3A_994] in [0] : vector<16xf32>, vector<16xi32> -> vector<16xf32>
          %gather3A_996 = tpu.vector_load_idx %arg13[%add3A_678, %add3A_985] : memref<64x128xf32, #tpu.memory_space<vmem>>[vector<16xi32>, vector<16xi32>], vector<16xf32>,
          %gather3A_997 = tpu.vector_load_idx %arg14[%add3A_678, %add3A_985] : memref<64x128xf32, #tpu.memory_space<vmem>>[vector<16xi32>, vector<16xi32>], vector<16xf32>,
          %mul3A_998 = arith.mulf %gather3A_995, %gather3A_996 : vector<16xf32>
          %mul3A_999 = arith.mulf %gather3A_995, %gather3A_997 : vector<16xf32>
          %mul3A_1000 = arith.mulf %mul3A_998, %gather3A_997 : vector<16xf32>
          %add3A_1001 = arith.addf %add3A_957, %mul3A_1000 : vector<16xf32>
          %mul3A_1002 = arith.mulf %mul3A_998, %gather3A_996 : vector<16xf32>
          %add3A_1003 = arith.addf %add3A_959, %mul3A_1002 : vector<16xf32>
          %mul3A_1004 = arith.mulf %mul3A_999, %gather3A_997 : vector<16xf32>
          %add3A_1005 = arith.addf %add3A_961, %mul3A_1004 : vector<16xf32>
          %add3A_1006 = vector.broadcast %mul3A_720 : i32 to vector<16xi32>
          %add3A_1007 = arith.addi %add3A_1006, %and3A_86 : vector<16xi32>
          %lt3A_1008 = arith.constant 0 : i32
          %lt3A_1009 = vector.broadcast %lt3A_1008 : i32 to vector<16xi32>
          %lt3A_1010 = arith.cmpi slt, %and3A_86, %lt3A_1009 : vector<16xi32>
          %add3A_1011 = arith.constant 16 : i32
          %add3A_1012 = vector.broadcast %add3A_1011 : i32 to vector<16xi32>
          %add3A_1013 = arith.addi %and3A_86, %add3A_1012 : vector<16xi32>
          %select_n3A_1014 = arith.select %lt3A_1010, %add3A_1013, %and3A_86 : vector<16xi1>, vector<16xi32>
          %broadcast_in_dim3A_1015 = vector.shape_cast %select_n3A_1014 : vector<16xi32> to vector<16x1xi32>
          %gather3A_1016 = vector.shape_cast %broadcast_in_dim3A_1015 : vector<16x1xi32> to vector<16xi32>
          %gather3A_1017 = tpu.dynamic_gather %get3A_718[%gather3A_1016] in [0] : vector<16xf32>, vector<16xi32> -> vector<16xf32>
          %gather3A_1018 = tpu.vector_load_idx %arg13[%add3A_678, %add3A_1007] : memref<64x128xf32, #tpu.memory_space<vmem>>[vector<16xi32>, vector<16xi32>], vector<16xf32>,
          %gather3A_1019 = tpu.vector_load_idx %arg14[%add3A_678, %add3A_1007] : memref<64x128xf32, #tpu.memory_space<vmem>>[vector<16xi32>, vector<16xi32>], vector<16xf32>,
          %mul3A_1020 = arith.mulf %gather3A_1017, %gather3A_1018 : vector<16xf32>
          %mul3A_1021 = arith.mulf %gather3A_1017, %gather3A_1019 : vector<16xf32>
          %mul3A_1022 = arith.mulf %mul3A_1020, %gather3A_1019 : vector<16xf32>
          %add3A_1023 = arith.addf %add3A_979, %mul3A_1022 : vector<16xf32>
          %mul3A_1024 = arith.mulf %mul3A_1020, %gather3A_1018 : vector<16xf32>
          %add3A_1025 = arith.addf %add3A_981, %mul3A_1024 : vector<16xf32>
          %mul3A_1026 = arith.mulf %mul3A_1021, %gather3A_1019 : vector<16xf32>
          %add3A_1027 = arith.addf %add3A_983, %mul3A_1026 : vector<16xf32>
          %add3A_1028 = vector.broadcast %mul3A_720 : i32 to vector<16xi32>
          %add3A_1029 = arith.addi %add3A_1028, %and3A_92 : vector<16xi32>
          %lt3A_1030 = arith.constant 0 : i32
          %lt3A_1031 = vector.broadcast %lt3A_1030 : i32 to vector<16xi32>
          %lt3A_1032 = arith.cmpi slt, %and3A_92, %lt3A_1031 : vector<16xi32>
          %add3A_1033 = arith.constant 16 : i32
          %add3A_1034 = vector.broadcast %add3A_1033 : i32 to vector<16xi32>
          %add3A_1035 = arith.addi %and3A_92, %add3A_1034 : vector<16xi32>
          %select_n3A_1036 = arith.select %lt3A_1032, %add3A_1035, %and3A_92 : vector<16xi1>, vector<16xi32>
          %broadcast_in_dim3A_1037 = vector.shape_cast %select_n3A_1036 : vector<16xi32> to vector<16x1xi32>
          %gather3A_1038 = vector.shape_cast %broadcast_in_dim3A_1037 : vector<16x1xi32> to vector<16xi32>
          %gather3A_1039 = tpu.dynamic_gather %get3A_718[%gather3A_1038] in [0] : vector<16xf32>, vector<16xi32> -> vector<16xf32>
          %gather3A_1040 = tpu.vector_load_idx %arg13[%add3A_678, %add3A_1029] : memref<64x128xf32, #tpu.memory_space<vmem>>[vector<16xi32>, vector<16xi32>], vector<16xf32>,
          %gather3A_1041 = tpu.vector_load_idx %arg14[%add3A_678, %add3A_1029] : memref<64x128xf32, #tpu.memory_space<vmem>>[vector<16xi32>, vector<16xi32>], vector<16xf32>,
          %mul3A_1042 = arith.mulf %gather3A_1039, %gather3A_1040 : vector<16xf32>
          %mul3A_1043 = arith.mulf %gather3A_1039, %gather3A_1041 : vector<16xf32>
          %mul3A_1044 = arith.mulf %mul3A_1042, %gather3A_1041 : vector<16xf32>
          %add3A_1045 = arith.addf %add3A_1001, %mul3A_1044 : vector<16xf32>
          %mul3A_1046 = arith.mulf %mul3A_1042, %gather3A_1040 : vector<16xf32>
          %add3A_1047 = arith.addf %add3A_1003, %mul3A_1046 : vector<16xf32>
          %mul3A_1048 = arith.mulf %mul3A_1043, %gather3A_1041 : vector<16xf32>
          %add3A_1049 = arith.addf %add3A_1005, %mul3A_1048 : vector<16xf32>
          %add3A_1050 = vector.broadcast %mul3A_720 : i32 to vector<16xi32>
          %add3A_1051 = arith.addi %add3A_1050, %and3A_98 : vector<16xi32>
          %lt3A_1052 = arith.constant 0 : i32
          %lt3A_1053 = vector.broadcast %lt3A_1052 : i32 to vector<16xi32>
          %lt3A_1054 = arith.cmpi slt, %and3A_98, %lt3A_1053 : vector<16xi32>
          %add3A_1055 = arith.constant 16 : i32
          %add3A_1056 = vector.broadcast %add3A_1055 : i32 to vector<16xi32>
          %add3A_1057 = arith.addi %and3A_98, %add3A_1056 : vector<16xi32>
          %select_n3A_1058 = arith.select %lt3A_1054, %add3A_1057, %and3A_98 : vector<16xi1>, vector<16xi32>
          %broadcast_in_dim3A_1059 = vector.shape_cast %select_n3A_1058 : vector<16xi32> to vector<16x1xi32>
          %gather3A_1060 = vector.shape_cast %broadcast_in_dim3A_1059 : vector<16x1xi32> to vector<16xi32>
          %gather3A_1061 = tpu.dynamic_gather %get3A_718[%gather3A_1060] in [0] : vector<16xf32>, vector<16xi32> -> vector<16xf32>
          %gather3A_1062 = tpu.vector_load_idx %arg13[%add3A_678, %add3A_1051] : memref<64x128xf32, #tpu.memory_space<vmem>>[vector<16xi32>, vector<16xi32>], vector<16xf32>,
          %gather3A_1063 = tpu.vector_load_idx %arg14[%add3A_678, %add3A_1051] : memref<64x128xf32, #tpu.memory_space<vmem>>[vector<16xi32>, vector<16xi32>], vector<16xf32>,
          %mul3A_1064 = arith.mulf %gather3A_1061, %gather3A_1062 : vector<16xf32>
          %mul3A_1065 = arith.mulf %gather3A_1061, %gather3A_1063 : vector<16xf32>
          %mul3A_1066 = arith.mulf %mul3A_1064, %gather3A_1063 : vector<16xf32>
          %add3A_1067 = arith.addf %add3A_1023, %mul3A_1066 : vector<16xf32>
          %mul3A_1068 = arith.mulf %mul3A_1064, %gather3A_1062 : vector<16xf32>
          %add3A_1069 = arith.addf %add3A_1025, %mul3A_1068 : vector<16xf32>
          %mul3A_1070 = arith.mulf %mul3A_1065, %gather3A_1063 : vector<16xf32>
          %add3A_1071 = arith.addf %add3A_1027, %mul3A_1070 : vector<16xf32>
          scf.yield %add3A_1045, %add3A_1067, %add3A_1047, %add3A_1069, %add3A_1049, %add3A_1071 : vector<16xf32>, vector<16xf32>, vector<16xf32>, vector<16xf32>, vector<16xf32>, vector<16xf32>
        }
        %scan3A_684 = arith.constant 8 : i32
        %mul3A_685 = arith.constant 64 : i32
        %mul3A_686 = arith.muli %rem3A_568, %mul3A_685 : i32
        %mul3A_687 = arith.constant 16 : i32
        %mul3A_688 = arith.muli %scan3A_673, %mul3A_687 : i32
        %add3A_689 = arith.addi %mul3A_686, %mul3A_688 : i32
        %add3A_690 = arith.addf %scan3A_683#0, %scan3A_683#1 : vector<16xf32>
        %mul3A_691 = arith.constant 512 : i32
        %mul3A_692 = arith.muli %mul3A_573, %mul3A_691 : i32
        %add3A_693 = arith.addi %mul3A_692, %add3A_689 : i32
        %swap3A_694 = arith.index_cast %add3A_693 : i32 to index
        %swap3A_695 = tpu.vector_load %arg17[%swap3A_694] {strides = array<i32>} : memref<6144xf32, #tpu.memory_space<vmem>>, vector<16xf32>,
        tpu.vector_store %arg17[%swap3A_694], %add3A_690 {strides = array<i32>} : memref<6144xf32, #tpu.memory_space<vmem>>, vector<16xf32>,
        %add3A_696 = arith.addf %scan3A_683#2, %scan3A_683#3 : vector<16xf32>
        %add3A_697 = arith.addf %scan3A_683#4, %scan3A_683#5 : vector<16xf32>
        %mul3A_698 = arith.mulf %add3A_696, %add3A_697 : vector<16xf32>
        %add3A_699 = arith.constant 1 : i32
        %add3A_700 = arith.addi %mul3A_573, %add3A_699 : i32
        %mul3A_701 = arith.constant 512 : i32
        %mul3A_702 = arith.muli %add3A_700, %mul3A_701 : i32
        %add3A_703 = arith.addi %mul3A_702, %add3A_689 : i32
        %swap3A_704 = arith.index_cast %add3A_703 : i32 to index
        %swap3A_705 = tpu.vector_load %arg17[%swap3A_704] {strides = array<i32>} : memref<6144xf32, #tpu.memory_space<vmem>>, vector<16xf32>,
        tpu.vector_store %arg17[%swap3A_704], %mul3A_698 {strides = array<i32>} : memref<6144xf32, #tpu.memory_space<vmem>>, vector<16xf32>,
        %scan3A_706 = arith.constant 0 : i32
        scf.yield %scan3A_706 : i32
      }
      %scan3A_580 = arith.constant 4 : i32
      %add3A_581 = arith.constant 2 : i32
      %add3A_582 = arith.addi %mul3A_399, %add3A_581 : i32
      %add3A_583 = arith.constant 2 : i32
      %add3A_584 = arith.addi %add3A_582, %add3A_583 : i32
      %lt3A_585 = arith.constant 48 : i32
      %lt3A_586 = arith.cmpi slt, %add3A_584, %lt3A_585 : i32
      %add3A_587 = arith.constant 2 : i32
      %add3A_588 = arith.addi %mul3A_399, %add3A_587 : i32
      %add3A_589 = arith.constant 2 : i32
      %add3A_590 = arith.addi %add3A_588, %add3A_589 : i32
      %convert_element_type3A_591 = arith.extui %lt3A_586 : i1 to i32
      %cond3A_592 = arith.constant 0 : i32
      %cond3A_593 = arith.cmpi ne, %convert_element_type3A_591, %cond3A_592 : i32
      scf.if %cond3A_593 {
        %rem3A_673 = arith.constant 24 : i32
        %rem3A_674 = arith.remsi %add3A_590, %rem3A_673 : i32
        %jit3A_675 = arith.constant 8 : i32
        %div3A_676 = arith.divsi %rem3A_674, %jit3A_675 : i32
        %sign3A_677 = arith.constant 0 : i32
        %sign3A_678 = arith.cmpi sgt, %rem3A_674, %sign3A_677 : i32
        %sign3A_679 = arith.extui %sign3A_678 : i1 to i32
        %sign3A_680 = arith.constant 0 : i32
        %sign3A_681 = arith.cmpi slt, %rem3A_674, %sign3A_680 : i32
        %sign3A_682 = arith.extui %sign3A_681 : i1 to i32
        %sign3A_683 = arith.subi %sign3A_679, %sign3A_682 : i32
        %sign3A_684 = arith.constant 0 : i32
        %sign3A_685 = arith.cmpi sgt, %jit3A_675, %sign3A_684 : i32
        %sign3A_686 = arith.extui %sign3A_685 : i1 to i32
        %sign3A_687 = arith.constant 0 : i32
        %sign3A_688 = arith.cmpi slt, %jit3A_675, %sign3A_687 : i32
        %sign3A_689 = arith.extui %sign3A_688 : i1 to i32
        %sign3A_690 = arith.subi %sign3A_686, %sign3A_689 : i32
        %ne3A_691 = arith.cmpi ne, %sign3A_683, %sign3A_690 : i32
        %rem3A_692 = arith.remsi %rem3A_674, %jit3A_675 : i32
        %ne3A_693 = arith.constant 0 : i32
        %ne3A_694 = arith.cmpi ne, %rem3A_692, %ne3A_693 : i32
        %and3A_695 = arith.andi %ne3A_691, %ne3A_694 : i1
        %sub3A_696 = arith.constant 1 : i32
        %sub3A_697 = arith.subi %div3A_676, %sub3A_696 : i32
        %select_n3A_698 = arith.select %and3A_695, %sub3A_697, %div3A_676 : i32
        %rem3A_699 = arith.constant 8 : i32
        %rem3A_700 = arith.remsi %rem3A_674, %rem3A_699 : i32
        %mul3A_701 = arith.constant 2 : i32
        %mul3A_702 = arith.muli %rem3A_700, %mul3A_701 : i32
        %mul3A_703 = arith.constant 64 : i32
        %mul3A_704 = arith.muli %mul3A_702, %mul3A_703 : i32
        %mul3A_705 = arith.constant 2 : i32
        %mul3A_706 = arith.muli %rem3A_700, %mul3A_705 : i32
        %mul3A_707 = arith.constant 64 : i32
        %mul3A_708 = arith.muli %mul3A_706, %mul3A_707 : i32
        %add3A_709 = arith.constant 64 : i32
        %add3A_710 = arith.addi %mul3A_708, %add3A_709 : i32
        %lt3A_711 = arith.constant 24 : i32
        %lt3A_712 = arith.cmpi slt, %add3A_590, %lt3A_711 : i32
        %convert_element_type3A_713 = arith.extui %lt3A_712 : i1 to i32
        %cond3A_714 = arith.constant 0 : i32
        %cond3A_715 = arith.cmpi ne, %convert_element_type3A_713, %cond3A_714 : i32
        scf.if %cond3A_715 {
          %dma_start3A = tpu.memref_slice %arg9[%select_n3A_698, %mul3A_704] : memref<3x1024xi32, #tpu.memory_space<vmem>> -> memref<1x64xi32, #tpu.memory_space<vmem>>
          %dma_start3A_721 = tpu.memref_squeeze %dma_start3A : memref<1x64xi32, #tpu.memory_space<vmem>> -> memref<64xi32, #tpu.memory_space<vmem>>
          %dma_start3A_722 = arith.constant 0 : i32
          %dma_start3A_723 = arith.constant 0 : i32
          %dma_start3A_724 = tpu.memref_slice %arg2[%dma_start3A_722, %dma_start3A_723] : memref<300000x128xf32, #tpu.memory_space<hbm>> -> memref<300000x128xf32, #tpu.memory_space<hbm>>
          tpu.enqueue_indirect_dma source(%dma_start3A_724 : memref<300000x128xf32, #tpu.memory_space<hbm>>) target(%arg13 : memref<64x128xf32, #tpu.memory_space<vmem>>) offsets(%dma_start3A_721 : memref<64xi32, #tpu.memory_space<vmem>>) semaphore(%arg19 : memref<!tpu.dma_semaphore, #tpu.memory_space<semaphore_mem>>)
          %dma_start3A_725 = tpu.memref_slice %arg9[%select_n3A_698, %add3A_710] : memref<3x1024xi32, #tpu.memory_space<vmem>> -> memref<1x64xi32, #tpu.memory_space<vmem>>
          %dma_start3A_726 = tpu.memref_squeeze %dma_start3A_725 : memref<1x64xi32, #tpu.memory_space<vmem>> -> memref<64xi32, #tpu.memory_space<vmem>>
          %dma_start3A_727 = arith.constant 0 : i32
          %dma_start3A_728 = arith.constant 0 : i32
          %dma_start3A_729 = tpu.memref_slice %arg2[%dma_start3A_727, %dma_start3A_728] : memref<300000x128xf32, #tpu.memory_space<hbm>> -> memref<300000x128xf32, #tpu.memory_space<hbm>>
          tpu.enqueue_indirect_dma source(%dma_start3A_729 : memref<300000x128xf32, #tpu.memory_space<hbm>>) target(%arg14 : memref<64x128xf32, #tpu.memory_space<vmem>>) offsets(%dma_start3A_726 : memref<64xi32, #tpu.memory_space<vmem>>) semaphore(%arg19 : memref<!tpu.dma_semaphore, #tpu.memory_space<semaphore_mem>>)
        } else {
        }
        %ge3A_716 = arith.constant 24 : i32
        %ge3A_717 = arith.cmpi sge, %add3A_590, %ge3A_716 : i32
        %convert_element_type3A_718 = arith.extui %ge3A_717 : i1 to i32
        %cond3A_719 = arith.constant 0 : i32
        %cond3A_720 = arith.cmpi ne, %convert_element_type3A_718, %cond3A_719 : i32
        scf.if %cond3A_720 {
          %dma_start3A = tpu.memref_slice %arg9[%select_n3A_698, %mul3A_704] : memref<3x1024xi32, #tpu.memory_space<vmem>> -> memref<1x64xi32, #tpu.memory_space<vmem>>
          %dma_start3A_721 = tpu.memref_squeeze %dma_start3A : memref<1x64xi32, #tpu.memory_space<vmem>> -> memref<64xi32, #tpu.memory_space<vmem>>
          %dma_start3A_722 = arith.constant 0 : i32
          %dma_start3A_723 = arith.constant 0 : i32
          %dma_start3A_724 = tpu.memref_slice %arg3[%dma_start3A_722, %dma_start3A_723] : memref<300000x128xf32, #tpu.memory_space<hbm>> -> memref<300000x128xf32, #tpu.memory_space<hbm>>
          tpu.enqueue_indirect_dma source(%dma_start3A_724 : memref<300000x128xf32, #tpu.memory_space<hbm>>) target(%arg13 : memref<64x128xf32, #tpu.memory_space<vmem>>) offsets(%dma_start3A_721 : memref<64xi32, #tpu.memory_space<vmem>>) semaphore(%arg19 : memref<!tpu.dma_semaphore, #tpu.memory_space<semaphore_mem>>)
          %dma_start3A_725 = tpu.memref_slice %arg9[%select_n3A_698, %add3A_710] : memref<3x1024xi32, #tpu.memory_space<vmem>> -> memref<1x64xi32, #tpu.memory_space<vmem>>
          %dma_start3A_726 = tpu.memref_squeeze %dma_start3A_725 : memref<1x64xi32, #tpu.memory_space<vmem>> -> memref<64xi32, #tpu.memory_space<vmem>>
          %dma_start3A_727 = arith.constant 0 : i32
          %dma_start3A_728 = arith.constant 0 : i32
          %dma_start3A_729 = tpu.memref_slice %arg3[%dma_start3A_727, %dma_start3A_728] : memref<300000x128xf32, #tpu.memory_space<hbm>> -> memref<300000x128xf32, #tpu.memory_space<hbm>>
          tpu.enqueue_indirect_dma source(%dma_start3A_729 : memref<300000x128xf32, #tpu.memory_space<hbm>>) target(%arg14 : memref<64x128xf32, #tpu.memory_space<vmem>>) offsets(%dma_start3A_726 : memref<64xi32, #tpu.memory_space<vmem>>) semaphore(%arg19 : memref<!tpu.dma_semaphore, #tpu.memory_space<semaphore_mem>>)
        } else {
        }
      } else {
      }
      %dma_wait3A_594 = arith.constant 0 : i32
      %dma_wait3A_595 = arith.constant 0 : i32
      %dma_wait3A_596 = tpu.memref_slice %arg2[%dma_wait3A_594, %dma_wait3A_595] : memref<300000x128xf32, #tpu.memory_space<hbm>> -> memref<64x128xf32, #tpu.memory_space<hbm>>
      %dma_wait3A_597 = arith.constant 0 : i32
      %dma_wait3A_598 = arith.constant 0 : i32
      %dma_wait3A_599 = tpu.memref_slice %arg2[%dma_wait3A_597, %dma_wait3A_598] : memref<300000x128xf32, #tpu.memory_space<hbm>> -> memref<64x128xf32, #tpu.memory_space<hbm>>
      tpu.wait_dma2 semaphore(%arg20 : memref<!tpu.dma_semaphore, #tpu.memory_space<semaphore_mem>>) src(%dma_wait3A_599 : memref<64x128xf32, #tpu.memory_space<hbm>>) dst(%arg15 : memref<64x128xf32, #tpu.memory_space<vmem>>)
      %dma_wait3A_600 = arith.constant 0 : i32
      %dma_wait3A_601 = arith.constant 0 : i32
      %dma_wait3A_602 = tpu.memref_slice %arg2[%dma_wait3A_600, %dma_wait3A_601] : memref<300000x128xf32, #tpu.memory_space<hbm>> -> memref<64x128xf32, #tpu.memory_space<hbm>>
      %dma_wait3A_603 = arith.constant 0 : i32
      %dma_wait3A_604 = arith.constant 0 : i32
      %dma_wait3A_605 = tpu.memref_slice %arg2[%dma_wait3A_603, %dma_wait3A_604] : memref<300000x128xf32, #tpu.memory_space<hbm>> -> memref<64x128xf32, #tpu.memory_space<hbm>>
      tpu.wait_dma2 semaphore(%arg20 : memref<!tpu.dma_semaphore, #tpu.memory_space<semaphore_mem>>) src(%dma_wait3A_605 : memref<64x128xf32, #tpu.memory_space<hbm>>) dst(%arg16 : memref<64x128xf32, #tpu.memory_space<vmem>>)
      %add3A_606 = arith.constant 2 : i32
      %add3A_607 = arith.addi %mul3A_399, %add3A_606 : i32
      %jit3A_608 = arith.constant 24 : i32
      %div3A_609 = arith.divsi %add3A_607, %jit3A_608 : i32
      %sign3A_610 = arith.constant 0 : i32
      %sign3A_611 = arith.cmpi sgt, %add3A_607, %sign3A_610 : i32
      %sign3A_612 = arith.extui %sign3A_611 : i1 to i32
      %sign3A_613 = arith.constant 0 : i32
      %sign3A_614 = arith.cmpi slt, %add3A_607, %sign3A_613 : i32
      %sign3A_615 = arith.extui %sign3A_614 : i1 to i32
      %sign3A_616 = arith.subi %sign3A_612, %sign3A_615 : i32
      %sign3A_617 = arith.constant 0 : i32
      %sign3A_618 = arith.cmpi sgt, %jit3A_608, %sign3A_617 : i32
      %sign3A_619 = arith.extui %sign3A_618 : i1 to i32
      %sign3A_620 = arith.constant 0 : i32
      %sign3A_621 = arith.cmpi slt, %jit3A_608, %sign3A_620 : i32
      %sign3A_622 = arith.extui %sign3A_621 : i1 to i32
      %sign3A_623 = arith.subi %sign3A_619, %sign3A_622 : i32
      %ne3A_624 = arith.cmpi ne, %sign3A_616, %sign3A_623 : i32
      %rem3A_625 = arith.remsi %add3A_607, %jit3A_608 : i32
      %ne3A_626 = arith.constant 0 : i32
      %ne3A_627 = arith.cmpi ne, %rem3A_625, %ne3A_626 : i32
      %and3A_628 = arith.andi %ne3A_624, %ne3A_627 : i1
      %sub3A_629 = arith.constant 1 : i32
      %sub3A_630 = arith.subi %div3A_609, %sub3A_629 : i32
      %select_n3A_631 = arith.select %and3A_628, %sub3A_630, %div3A_609 : i32
      %rem3A_632 = arith.constant 24 : i32
      %rem3A_633 = arith.remsi %add3A_607, %rem3A_632 : i32
      %jit3A_634 = arith.constant 8 : i32
      %div3A_635 = arith.divsi %rem3A_633, %jit3A_634 : i32
      %sign3A_636 = arith.constant 0 : i32
      %sign3A_637 = arith.cmpi sgt, %rem3A_633, %sign3A_636 : i32
      %sign3A_638 = arith.extui %sign3A_637 : i1 to i32
      %sign3A_639 = arith.constant 0 : i32
      %sign3A_640 = arith.cmpi slt, %rem3A_633, %sign3A_639 : i32
      %sign3A_641 = arith.extui %sign3A_640 : i1 to i32
      %sign3A_642 = arith.subi %sign3A_638, %sign3A_641 : i32
      %sign3A_643 = arith.constant 0 : i32
      %sign3A_644 = arith.cmpi sgt, %jit3A_634, %sign3A_643 : i32
      %sign3A_645 = arith.extui %sign3A_644 : i1 to i32
      %sign3A_646 = arith.constant 0 : i32
      %sign3A_647 = arith.cmpi slt, %jit3A_634, %sign3A_646 : i32
      %sign3A_648 = arith.extui %sign3A_647 : i1 to i32
      %sign3A_649 = arith.subi %sign3A_645, %sign3A_648 : i32
      %ne3A_650 = arith.cmpi ne, %sign3A_642, %sign3A_649 : i32
      %rem3A_651 = arith.remsi %rem3A_633, %jit3A_634 : i32
      %ne3A_652 = arith.constant 0 : i32
      %ne3A_653 = arith.cmpi ne, %rem3A_651, %ne3A_652 : i32
      %and3A_654 = arith.andi %ne3A_650, %ne3A_653 : i1
      %sub3A_655 = arith.constant 1 : i32
      %sub3A_656 = arith.subi %div3A_635, %sub3A_655 : i32
      %select_n3A_657 = arith.select %and3A_654, %sub3A_656, %div3A_635 : i32
      %rem3A_658 = arith.constant 8 : i32
      %rem3A_659 = arith.remsi %rem3A_633, %rem3A_658 : i32
      %mul3A_660 = arith.constant 3 : i32
      %mul3A_661 = arith.muli %select_n3A_631, %mul3A_660 : i32
      %add3A_662 = arith.addi %mul3A_661, %select_n3A_657 : i32
      %mul3A_663 = arith.constant 2 : i32
      %mul3A_664 = arith.muli %mul3A_663, %add3A_662 : i32
      %scan3A_665 = arith.constant 0 : i32
      %scan3A_666 = arith.constant 0 : i32
      %scan3A_667 = arith.constant 4 : i32
      %scan3A_668 = arith.addi %scan3A_666, %scan3A_667 : i32
      %scan3A_669 = arith.constant 1 : i32
      %scan3A_670 = scf.for %scan3A_673 = %scan3A_666 to %scan3A_668 step %scan3A_669 iter_args(%scan3A_674 = %scan3A_665) -> (i32)  : i32 {
        %mul3A_675 = arith.constant 16 : i32
        %mul3A_676 = arith.muli %scan3A_673, %mul3A_675 : i32
        %add3A_677 = vector.broadcast %mul3A_676 : i32 to vector<16xi32>
        %add3A_678 = arith.addi %add3A_677, %iota3A : vector<16xi32>
        %scan3A_679 = arith.constant 0 : i32
        %scan3A_680 = arith.constant 8 : i32
        %scan3A_681 = arith.addi %scan3A_679, %scan3A_680 : i32
        %scan3A_682 = arith.constant 1 : i32
        %scan3A_683:6 = scf.for %scan3A_707 = %scan3A_679 to %scan3A_681 step %scan3A_682 iter_args(%scan3A_708 = %broadcast_in_dim3A_3, %scan3A_709 = %broadcast_in_dim3A_3, %scan3A_710 = %broadcast_in_dim3A_3, %scan3A_711 = %broadcast_in_dim3A_3, %scan3A_712 = %broadcast_in_dim3A_3, %scan3A_713 = %broadcast_in_dim3A_3) -> (vector<16xf32>, vector<16xf32>, vector<16xf32>, vector<16xf32>, vector<16xf32>, vector<16xf32>)  : i32 {
          %mul3A_714 = arith.constant 16 : i32
          %mul3A_715 = arith.muli %scan3A_707, %mul3A_714 : i32
          %get3A_716 = arith.index_cast %select_n3A_631 : i32 to index
          %get3A_717 = arith.index_cast %mul3A_715 : i32 to index
          %get3A_718 = tpu.vector_load %arg10[%get3A_716, %get3A_717] {strides = array<i32>} : memref<2x128xf32, #tpu.memory_space<vmem>>, vector<16xf32>,
          %mul3A_719 = arith.constant 16 : i32
          %mul3A_720 = arith.muli %scan3A_707, %mul3A_719 : i32
          %add3A_721 = vector.broadcast %mul3A_720 : i32 to vector<16xi32>
          %add3A_722 = arith.addi %add3A_721, %and3A_8 : vector<16xi32>
          %lt3A_723 = arith.constant 0 : i32
          %lt3A_724 = vector.broadcast %lt3A_723 : i32 to vector<16xi32>
          %lt3A_725 = arith.cmpi slt, %and3A_8, %lt3A_724 : vector<16xi32>
          %add3A_726 = arith.constant 16 : i32
          %add3A_727 = vector.broadcast %add3A_726 : i32 to vector<16xi32>
          %add3A_728 = arith.addi %and3A_8, %add3A_727 : vector<16xi32>
          %select_n3A_729 = arith.select %lt3A_725, %add3A_728, %and3A_8 : vector<16xi1>, vector<16xi32>
          %broadcast_in_dim3A_730 = vector.shape_cast %select_n3A_729 : vector<16xi32> to vector<16x1xi32>
          %gather3A = vector.shape_cast %broadcast_in_dim3A_730 : vector<16x1xi32> to vector<16xi32>
          %gather3A_731 = tpu.dynamic_gather %get3A_718[%gather3A] in [0] : vector<16xf32>, vector<16xi32> -> vector<16xf32>
          %gather3A_732 = tpu.vector_load_idx %arg15[%add3A_678, %add3A_722] : memref<64x128xf32, #tpu.memory_space<vmem>>[vector<16xi32>, vector<16xi32>], vector<16xf32>,
          %gather3A_733 = tpu.vector_load_idx %arg16[%add3A_678, %add3A_722] : memref<64x128xf32, #tpu.memory_space<vmem>>[vector<16xi32>, vector<16xi32>], vector<16xf32>,
          %mul3A_734 = arith.mulf %gather3A_731, %gather3A_732 : vector<16xf32>
          %mul3A_735 = arith.mulf %gather3A_731, %gather3A_733 : vector<16xf32>
          %mul3A_736 = arith.mulf %mul3A_734, %gather3A_733 : vector<16xf32>
          %add3A_737 = arith.addf %scan3A_708, %mul3A_736 : vector<16xf32>
          %mul3A_738 = arith.mulf %mul3A_734, %gather3A_732 : vector<16xf32>
          %add3A_739 = arith.addf %scan3A_710, %mul3A_738 : vector<16xf32>
          %mul3A_740 = arith.mulf %mul3A_735, %gather3A_733 : vector<16xf32>
          %add3A_741 = arith.addf %scan3A_712, %mul3A_740 : vector<16xf32>
          %add3A_742 = vector.broadcast %mul3A_720 : i32 to vector<16xi32>
          %add3A_743 = arith.addi %add3A_742, %and3A_14 : vector<16xi32>
          %lt3A_744 = arith.constant 0 : i32
          %lt3A_745 = vector.broadcast %lt3A_744 : i32 to vector<16xi32>
          %lt3A_746 = arith.cmpi slt, %and3A_14, %lt3A_745 : vector<16xi32>
          %add3A_747 = arith.constant 16 : i32
          %add3A_748 = vector.broadcast %add3A_747 : i32 to vector<16xi32>
          %add3A_749 = arith.addi %and3A_14, %add3A_748 : vector<16xi32>
          %select_n3A_750 = arith.select %lt3A_746, %add3A_749, %and3A_14 : vector<16xi1>, vector<16xi32>
          %broadcast_in_dim3A_751 = vector.shape_cast %select_n3A_750 : vector<16xi32> to vector<16x1xi32>
          %gather3A_752 = vector.shape_cast %broadcast_in_dim3A_751 : vector<16x1xi32> to vector<16xi32>
          %gather3A_753 = tpu.dynamic_gather %get3A_718[%gather3A_752] in [0] : vector<16xf32>, vector<16xi32> -> vector<16xf32>
          %gather3A_754 = tpu.vector_load_idx %arg15[%add3A_678, %add3A_743] : memref<64x128xf32, #tpu.memory_space<vmem>>[vector<16xi32>, vector<16xi32>], vector<16xf32>,
          %gather3A_755 = tpu.vector_load_idx %arg16[%add3A_678, %add3A_743] : memref<64x128xf32, #tpu.memory_space<vmem>>[vector<16xi32>, vector<16xi32>], vector<16xf32>,
          %mul3A_756 = arith.mulf %gather3A_753, %gather3A_754 : vector<16xf32>
          %mul3A_757 = arith.mulf %gather3A_753, %gather3A_755 : vector<16xf32>
          %mul3A_758 = arith.mulf %mul3A_756, %gather3A_755 : vector<16xf32>
          %add3A_759 = arith.addf %scan3A_709, %mul3A_758 : vector<16xf32>
          %mul3A_760 = arith.mulf %mul3A_756, %gather3A_754 : vector<16xf32>
          %add3A_761 = arith.addf %scan3A_711, %mul3A_760 : vector<16xf32>
          %mul3A_762 = arith.mulf %mul3A_757, %gather3A_755 : vector<16xf32>
          %add3A_763 = arith.addf %scan3A_713, %mul3A_762 : vector<16xf32>
          %add3A_764 = vector.broadcast %mul3A_720 : i32 to vector<16xi32>
          %add3A_765 = arith.addi %add3A_764, %and3A_20 : vector<16xi32>
          %lt3A_766 = arith.constant 0 : i32
          %lt3A_767 = vector.broadcast %lt3A_766 : i32 to vector<16xi32>
          %lt3A_768 = arith.cmpi slt, %and3A_20, %lt3A_767 : vector<16xi32>
          %add3A_769 = arith.constant 16 : i32
          %add3A_770 = vector.broadcast %add3A_769 : i32 to vector<16xi32>
          %add3A_771 = arith.addi %and3A_20, %add3A_770 : vector<16xi32>
          %select_n3A_772 = arith.select %lt3A_768, %add3A_771, %and3A_20 : vector<16xi1>, vector<16xi32>
          %broadcast_in_dim3A_773 = vector.shape_cast %select_n3A_772 : vector<16xi32> to vector<16x1xi32>
          %gather3A_774 = vector.shape_cast %broadcast_in_dim3A_773 : vector<16x1xi32> to vector<16xi32>
          %gather3A_775 = tpu.dynamic_gather %get3A_718[%gather3A_774] in [0] : vector<16xf32>, vector<16xi32> -> vector<16xf32>
          %gather3A_776 = tpu.vector_load_idx %arg15[%add3A_678, %add3A_765] : memref<64x128xf32, #tpu.memory_space<vmem>>[vector<16xi32>, vector<16xi32>], vector<16xf32>,
          %gather3A_777 = tpu.vector_load_idx %arg16[%add3A_678, %add3A_765] : memref<64x128xf32, #tpu.memory_space<vmem>>[vector<16xi32>, vector<16xi32>], vector<16xf32>,
          %mul3A_778 = arith.mulf %gather3A_775, %gather3A_776 : vector<16xf32>
          %mul3A_779 = arith.mulf %gather3A_775, %gather3A_777 : vector<16xf32>
          %mul3A_780 = arith.mulf %mul3A_778, %gather3A_777 : vector<16xf32>
          %add3A_781 = arith.addf %add3A_737, %mul3A_780 : vector<16xf32>
          %mul3A_782 = arith.mulf %mul3A_778, %gather3A_776 : vector<16xf32>
          %add3A_783 = arith.addf %add3A_739, %mul3A_782 : vector<16xf32>
          %mul3A_784 = arith.mulf %mul3A_779, %gather3A_777 : vector<16xf32>
          %add3A_785 = arith.addf %add3A_741, %mul3A_784 : vector<16xf32>
          %add3A_786 = vector.broadcast %mul3A_720 : i32 to vector<16xi32>
          %add3A_787 = arith.addi %add3A_786, %and3A_26 : vector<16xi32>
          %lt3A_788 = arith.constant 0 : i32
          %lt3A_789 = vector.broadcast %lt3A_788 : i32 to vector<16xi32>
          %lt3A_790 = arith.cmpi slt, %and3A_26, %lt3A_789 : vector<16xi32>
          %add3A_791 = arith.constant 16 : i32
          %add3A_792 = vector.broadcast %add3A_791 : i32 to vector<16xi32>
          %add3A_793 = arith.addi %and3A_26, %add3A_792 : vector<16xi32>
          %select_n3A_794 = arith.select %lt3A_790, %add3A_793, %and3A_26 : vector<16xi1>, vector<16xi32>
          %broadcast_in_dim3A_795 = vector.shape_cast %select_n3A_794 : vector<16xi32> to vector<16x1xi32>
          %gather3A_796 = vector.shape_cast %broadcast_in_dim3A_795 : vector<16x1xi32> to vector<16xi32>
          %gather3A_797 = tpu.dynamic_gather %get3A_718[%gather3A_796] in [0] : vector<16xf32>, vector<16xi32> -> vector<16xf32>
          %gather3A_798 = tpu.vector_load_idx %arg15[%add3A_678, %add3A_787] : memref<64x128xf32, #tpu.memory_space<vmem>>[vector<16xi32>, vector<16xi32>], vector<16xf32>,
          %gather3A_799 = tpu.vector_load_idx %arg16[%add3A_678, %add3A_787] : memref<64x128xf32, #tpu.memory_space<vmem>>[vector<16xi32>, vector<16xi32>], vector<16xf32>,
          %mul3A_800 = arith.mulf %gather3A_797, %gather3A_798 : vector<16xf32>
          %mul3A_801 = arith.mulf %gather3A_797, %gather3A_799 : vector<16xf32>
          %mul3A_802 = arith.mulf %mul3A_800, %gather3A_799 : vector<16xf32>
          %add3A_803 = arith.addf %add3A_759, %mul3A_802 : vector<16xf32>
          %mul3A_804 = arith.mulf %mul3A_800, %gather3A_798 : vector<16xf32>
          %add3A_805 = arith.addf %add3A_761, %mul3A_804 : vector<16xf32>
          %mul3A_806 = arith.mulf %mul3A_801, %gather3A_799 : vector<16xf32>
          %add3A_807 = arith.addf %add3A_763, %mul3A_806 : vector<16xf32>
          %add3A_808 = vector.broadcast %mul3A_720 : i32 to vector<16xi32>
          %add3A_809 = arith.addi %add3A_808, %and3A_32 : vector<16xi32>
          %lt3A_810 = arith.constant 0 : i32
          %lt3A_811 = vector.broadcast %lt3A_810 : i32 to vector<16xi32>
          %lt3A_812 = arith.cmpi slt, %and3A_32, %lt3A_811 : vector<16xi32>
          %add3A_813 = arith.constant 16 : i32
          %add3A_814 = vector.broadcast %add3A_813 : i32 to vector<16xi32>
          %add3A_815 = arith.addi %and3A_32, %add3A_814 : vector<16xi32>
          %select_n3A_816 = arith.select %lt3A_812, %add3A_815, %and3A_32 : vector<16xi1>, vector<16xi32>
          %broadcast_in_dim3A_817 = vector.shape_cast %select_n3A_816 : vector<16xi32> to vector<16x1xi32>
          %gather3A_818 = vector.shape_cast %broadcast_in_dim3A_817 : vector<16x1xi32> to vector<16xi32>
          %gather3A_819 = tpu.dynamic_gather %get3A_718[%gather3A_818] in [0] : vector<16xf32>, vector<16xi32> -> vector<16xf32>
          %gather3A_820 = tpu.vector_load_idx %arg15[%add3A_678, %add3A_809] : memref<64x128xf32, #tpu.memory_space<vmem>>[vector<16xi32>, vector<16xi32>], vector<16xf32>,
          %gather3A_821 = tpu.vector_load_idx %arg16[%add3A_678, %add3A_809] : memref<64x128xf32, #tpu.memory_space<vmem>>[vector<16xi32>, vector<16xi32>], vector<16xf32>,
          %mul3A_822 = arith.mulf %gather3A_819, %gather3A_820 : vector<16xf32>
          %mul3A_823 = arith.mulf %gather3A_819, %gather3A_821 : vector<16xf32>
          %mul3A_824 = arith.mulf %mul3A_822, %gather3A_821 : vector<16xf32>
          %add3A_825 = arith.addf %add3A_781, %mul3A_824 : vector<16xf32>
          %mul3A_826 = arith.mulf %mul3A_822, %gather3A_820 : vector<16xf32>
          %add3A_827 = arith.addf %add3A_783, %mul3A_826 : vector<16xf32>
          %mul3A_828 = arith.mulf %mul3A_823, %gather3A_821 : vector<16xf32>
          %add3A_829 = arith.addf %add3A_785, %mul3A_828 : vector<16xf32>
          %add3A_830 = vector.broadcast %mul3A_720 : i32 to vector<16xi32>
          %add3A_831 = arith.addi %add3A_830, %and3A_38 : vector<16xi32>
          %lt3A_832 = arith.constant 0 : i32
          %lt3A_833 = vector.broadcast %lt3A_832 : i32 to vector<16xi32>
          %lt3A_834 = arith.cmpi slt, %and3A_38, %lt3A_833 : vector<16xi32>
          %add3A_835 = arith.constant 16 : i32
          %add3A_836 = vector.broadcast %add3A_835 : i32 to vector<16xi32>
          %add3A_837 = arith.addi %and3A_38, %add3A_836 : vector<16xi32>
          %select_n3A_838 = arith.select %lt3A_834, %add3A_837, %and3A_38 : vector<16xi1>, vector<16xi32>
          %broadcast_in_dim3A_839 = vector.shape_cast %select_n3A_838 : vector<16xi32> to vector<16x1xi32>
          %gather3A_840 = vector.shape_cast %broadcast_in_dim3A_839 : vector<16x1xi32> to vector<16xi32>
          %gather3A_841 = tpu.dynamic_gather %get3A_718[%gather3A_840] in [0] : vector<16xf32>, vector<16xi32> -> vector<16xf32>
          %gather3A_842 = tpu.vector_load_idx %arg15[%add3A_678, %add3A_831] : memref<64x128xf32, #tpu.memory_space<vmem>>[vector<16xi32>, vector<16xi32>], vector<16xf32>,
          %gather3A_843 = tpu.vector_load_idx %arg16[%add3A_678, %add3A_831] : memref<64x128xf32, #tpu.memory_space<vmem>>[vector<16xi32>, vector<16xi32>], vector<16xf32>,
          %mul3A_844 = arith.mulf %gather3A_841, %gather3A_842 : vector<16xf32>
          %mul3A_845 = arith.mulf %gather3A_841, %gather3A_843 : vector<16xf32>
          %mul3A_846 = arith.mulf %mul3A_844, %gather3A_843 : vector<16xf32>
          %add3A_847 = arith.addf %add3A_803, %mul3A_846 : vector<16xf32>
          %mul3A_848 = arith.mulf %mul3A_844, %gather3A_842 : vector<16xf32>
          %add3A_849 = arith.addf %add3A_805, %mul3A_848 : vector<16xf32>
          %mul3A_850 = arith.mulf %mul3A_845, %gather3A_843 : vector<16xf32>
          %add3A_851 = arith.addf %add3A_807, %mul3A_850 : vector<16xf32>
          %add3A_852 = vector.broadcast %mul3A_720 : i32 to vector<16xi32>
          %add3A_853 = arith.addi %add3A_852, %and3A_44 : vector<16xi32>
          %lt3A_854 = arith.constant 0 : i32
          %lt3A_855 = vector.broadcast %lt3A_854 : i32 to vector<16xi32>
          %lt3A_856 = arith.cmpi slt, %and3A_44, %lt3A_855 : vector<16xi32>
          %add3A_857 = arith.constant 16 : i32
          %add3A_858 = vector.broadcast %add3A_857 : i32 to vector<16xi32>
          %add3A_859 = arith.addi %and3A_44, %add3A_858 : vector<16xi32>
          %select_n3A_860 = arith.select %lt3A_856, %add3A_859, %and3A_44 : vector<16xi1>, vector<16xi32>
          %broadcast_in_dim3A_861 = vector.shape_cast %select_n3A_860 : vector<16xi32> to vector<16x1xi32>
          %gather3A_862 = vector.shape_cast %broadcast_in_dim3A_861 : vector<16x1xi32> to vector<16xi32>
          %gather3A_863 = tpu.dynamic_gather %get3A_718[%gather3A_862] in [0] : vector<16xf32>, vector<16xi32> -> vector<16xf32>
          %gather3A_864 = tpu.vector_load_idx %arg15[%add3A_678, %add3A_853] : memref<64x128xf32, #tpu.memory_space<vmem>>[vector<16xi32>, vector<16xi32>], vector<16xf32>,
          %gather3A_865 = tpu.vector_load_idx %arg16[%add3A_678, %add3A_853] : memref<64x128xf32, #tpu.memory_space<vmem>>[vector<16xi32>, vector<16xi32>], vector<16xf32>,
          %mul3A_866 = arith.mulf %gather3A_863, %gather3A_864 : vector<16xf32>
          %mul3A_867 = arith.mulf %gather3A_863, %gather3A_865 : vector<16xf32>
          %mul3A_868 = arith.mulf %mul3A_866, %gather3A_865 : vector<16xf32>
          %add3A_869 = arith.addf %add3A_825, %mul3A_868 : vector<16xf32>
          %mul3A_870 = arith.mulf %mul3A_866, %gather3A_864 : vector<16xf32>
          %add3A_871 = arith.addf %add3A_827, %mul3A_870 : vector<16xf32>
          %mul3A_872 = arith.mulf %mul3A_867, %gather3A_865 : vector<16xf32>
          %add3A_873 = arith.addf %add3A_829, %mul3A_872 : vector<16xf32>
          %add3A_874 = vector.broadcast %mul3A_720 : i32 to vector<16xi32>
          %add3A_875 = arith.addi %add3A_874, %and3A_50 : vector<16xi32>
          %lt3A_876 = arith.constant 0 : i32
          %lt3A_877 = vector.broadcast %lt3A_876 : i32 to vector<16xi32>
          %lt3A_878 = arith.cmpi slt, %and3A_50, %lt3A_877 : vector<16xi32>
          %add3A_879 = arith.constant 16 : i32
          %add3A_880 = vector.broadcast %add3A_879 : i32 to vector<16xi32>
          %add3A_881 = arith.addi %and3A_50, %add3A_880 : vector<16xi32>
          %select_n3A_882 = arith.select %lt3A_878, %add3A_881, %and3A_50 : vector<16xi1>, vector<16xi32>
          %broadcast_in_dim3A_883 = vector.shape_cast %select_n3A_882 : vector<16xi32> to vector<16x1xi32>
          %gather3A_884 = vector.shape_cast %broadcast_in_dim3A_883 : vector<16x1xi32> to vector<16xi32>
          %gather3A_885 = tpu.dynamic_gather %get3A_718[%gather3A_884] in [0] : vector<16xf32>, vector<16xi32> -> vector<16xf32>
          %gather3A_886 = tpu.vector_load_idx %arg15[%add3A_678, %add3A_875] : memref<64x128xf32, #tpu.memory_space<vmem>>[vector<16xi32>, vector<16xi32>], vector<16xf32>,
          %gather3A_887 = tpu.vector_load_idx %arg16[%add3A_678, %add3A_875] : memref<64x128xf32, #tpu.memory_space<vmem>>[vector<16xi32>, vector<16xi32>], vector<16xf32>,
          %mul3A_888 = arith.mulf %gather3A_885, %gather3A_886 : vector<16xf32>
          %mul3A_889 = arith.mulf %gather3A_885, %gather3A_887 : vector<16xf32>
          %mul3A_890 = arith.mulf %mul3A_888, %gather3A_887 : vector<16xf32>
          %add3A_891 = arith.addf %add3A_847, %mul3A_890 : vector<16xf32>
          %mul3A_892 = arith.mulf %mul3A_888, %gather3A_886 : vector<16xf32>
          %add3A_893 = arith.addf %add3A_849, %mul3A_892 : vector<16xf32>
          %mul3A_894 = arith.mulf %mul3A_889, %gather3A_887 : vector<16xf32>
          %add3A_895 = arith.addf %add3A_851, %mul3A_894 : vector<16xf32>
          %add3A_896 = vector.broadcast %mul3A_720 : i32 to vector<16xi32>
          %add3A_897 = arith.addi %add3A_896, %and3A_56 : vector<16xi32>
          %lt3A_898 = arith.constant 0 : i32
          %lt3A_899 = vector.broadcast %lt3A_898 : i32 to vector<16xi32>
          %lt3A_900 = arith.cmpi slt, %and3A_56, %lt3A_899 : vector<16xi32>
          %add3A_901 = arith.constant 16 : i32
          %add3A_902 = vector.broadcast %add3A_901 : i32 to vector<16xi32>
          %add3A_903 = arith.addi %and3A_56, %add3A_902 : vector<16xi32>
          %select_n3A_904 = arith.select %lt3A_900, %add3A_903, %and3A_56 : vector<16xi1>, vector<16xi32>
          %broadcast_in_dim3A_905 = vector.shape_cast %select_n3A_904 : vector<16xi32> to vector<16x1xi32>
          %gather3A_906 = vector.shape_cast %broadcast_in_dim3A_905 : vector<16x1xi32> to vector<16xi32>
          %gather3A_907 = tpu.dynamic_gather %get3A_718[%gather3A_906] in [0] : vector<16xf32>, vector<16xi32> -> vector<16xf32>
          %gather3A_908 = tpu.vector_load_idx %arg15[%add3A_678, %add3A_897] : memref<64x128xf32, #tpu.memory_space<vmem>>[vector<16xi32>, vector<16xi32>], vector<16xf32>,
          %gather3A_909 = tpu.vector_load_idx %arg16[%add3A_678, %add3A_897] : memref<64x128xf32, #tpu.memory_space<vmem>>[vector<16xi32>, vector<16xi32>], vector<16xf32>,
          %mul3A_910 = arith.mulf %gather3A_907, %gather3A_908 : vector<16xf32>
          %mul3A_911 = arith.mulf %gather3A_907, %gather3A_909 : vector<16xf32>
          %mul3A_912 = arith.mulf %mul3A_910, %gather3A_909 : vector<16xf32>
          %add3A_913 = arith.addf %add3A_869, %mul3A_912 : vector<16xf32>
          %mul3A_914 = arith.mulf %mul3A_910, %gather3A_908 : vector<16xf32>
          %add3A_915 = arith.addf %add3A_871, %mul3A_914 : vector<16xf32>
          %mul3A_916 = arith.mulf %mul3A_911, %gather3A_909 : vector<16xf32>
          %add3A_917 = arith.addf %add3A_873, %mul3A_916 : vector<16xf32>
          %add3A_918 = vector.broadcast %mul3A_720 : i32 to vector<16xi32>
          %add3A_919 = arith.addi %add3A_918, %and3A_62 : vector<16xi32>
          %lt3A_920 = arith.constant 0 : i32
          %lt3A_921 = vector.broadcast %lt3A_920 : i32 to vector<16xi32>
          %lt3A_922 = arith.cmpi slt, %and3A_62, %lt3A_921 : vector<16xi32>
          %add3A_923 = arith.constant 16 : i32
          %add3A_924 = vector.broadcast %add3A_923 : i32 to vector<16xi32>
          %add3A_925 = arith.addi %and3A_62, %add3A_924 : vector<16xi32>
          %select_n3A_926 = arith.select %lt3A_922, %add3A_925, %and3A_62 : vector<16xi1>, vector<16xi32>
          %broadcast_in_dim3A_927 = vector.shape_cast %select_n3A_926 : vector<16xi32> to vector<16x1xi32>
          %gather3A_928 = vector.shape_cast %broadcast_in_dim3A_927 : vector<16x1xi32> to vector<16xi32>
          %gather3A_929 = tpu.dynamic_gather %get3A_718[%gather3A_928] in [0] : vector<16xf32>, vector<16xi32> -> vector<16xf32>
          %gather3A_930 = tpu.vector_load_idx %arg15[%add3A_678, %add3A_919] : memref<64x128xf32, #tpu.memory_space<vmem>>[vector<16xi32>, vector<16xi32>], vector<16xf32>,
          %gather3A_931 = tpu.vector_load_idx %arg16[%add3A_678, %add3A_919] : memref<64x128xf32, #tpu.memory_space<vmem>>[vector<16xi32>, vector<16xi32>], vector<16xf32>,
          %mul3A_932 = arith.mulf %gather3A_929, %gather3A_930 : vector<16xf32>
          %mul3A_933 = arith.mulf %gather3A_929, %gather3A_931 : vector<16xf32>
          %mul3A_934 = arith.mulf %mul3A_932, %gather3A_931 : vector<16xf32>
          %add3A_935 = arith.addf %add3A_891, %mul3A_934 : vector<16xf32>
          %mul3A_936 = arith.mulf %mul3A_932, %gather3A_930 : vector<16xf32>
          %add3A_937 = arith.addf %add3A_893, %mul3A_936 : vector<16xf32>
          %mul3A_938 = arith.mulf %mul3A_933, %gather3A_931 : vector<16xf32>
          %add3A_939 = arith.addf %add3A_895, %mul3A_938 : vector<16xf32>
          %add3A_940 = vector.broadcast %mul3A_720 : i32 to vector<16xi32>
          %add3A_941 = arith.addi %add3A_940, %and3A_68 : vector<16xi32>
          %lt3A_942 = arith.constant 0 : i32
          %lt3A_943 = vector.broadcast %lt3A_942 : i32 to vector<16xi32>
          %lt3A_944 = arith.cmpi slt, %and3A_68, %lt3A_943 : vector<16xi32>
          %add3A_945 = arith.constant 16 : i32
          %add3A_946 = vector.broadcast %add3A_945 : i32 to vector<16xi32>
          %add3A_947 = arith.addi %and3A_68, %add3A_946 : vector<16xi32>
          %select_n3A_948 = arith.select %lt3A_944, %add3A_947, %and3A_68 : vector<16xi1>, vector<16xi32>
          %broadcast_in_dim3A_949 = vector.shape_cast %select_n3A_948 : vector<16xi32> to vector<16x1xi32>
          %gather3A_950 = vector.shape_cast %broadcast_in_dim3A_949 : vector<16x1xi32> to vector<16xi32>
          %gather3A_951 = tpu.dynamic_gather %get3A_718[%gather3A_950] in [0] : vector<16xf32>, vector<16xi32> -> vector<16xf32>
          %gather3A_952 = tpu.vector_load_idx %arg15[%add3A_678, %add3A_941] : memref<64x128xf32, #tpu.memory_space<vmem>>[vector<16xi32>, vector<16xi32>], vector<16xf32>,
          %gather3A_953 = tpu.vector_load_idx %arg16[%add3A_678, %add3A_941] : memref<64x128xf32, #tpu.memory_space<vmem>>[vector<16xi32>, vector<16xi32>], vector<16xf32>,
          %mul3A_954 = arith.mulf %gather3A_951, %gather3A_952 : vector<16xf32>
          %mul3A_955 = arith.mulf %gather3A_951, %gather3A_953 : vector<16xf32>
          %mul3A_956 = arith.mulf %mul3A_954, %gather3A_953 : vector<16xf32>
          %add3A_957 = arith.addf %add3A_913, %mul3A_956 : vector<16xf32>
          %mul3A_958 = arith.mulf %mul3A_954, %gather3A_952 : vector<16xf32>
          %add3A_959 = arith.addf %add3A_915, %mul3A_958 : vector<16xf32>
          %mul3A_960 = arith.mulf %mul3A_955, %gather3A_953 : vector<16xf32>
          %add3A_961 = arith.addf %add3A_917, %mul3A_960 : vector<16xf32>
          %add3A_962 = vector.broadcast %mul3A_720 : i32 to vector<16xi32>
          %add3A_963 = arith.addi %add3A_962, %and3A_74 : vector<16xi32>
          %lt3A_964 = arith.constant 0 : i32
          %lt3A_965 = vector.broadcast %lt3A_964 : i32 to vector<16xi32>
          %lt3A_966 = arith.cmpi slt, %and3A_74, %lt3A_965 : vector<16xi32>
          %add3A_967 = arith.constant 16 : i32
          %add3A_968 = vector.broadcast %add3A_967 : i32 to vector<16xi32>
          %add3A_969 = arith.addi %and3A_74, %add3A_968 : vector<16xi32>
          %select_n3A_970 = arith.select %lt3A_966, %add3A_969, %and3A_74 : vector<16xi1>, vector<16xi32>
          %broadcast_in_dim3A_971 = vector.shape_cast %select_n3A_970 : vector<16xi32> to vector<16x1xi32>
          %gather3A_972 = vector.shape_cast %broadcast_in_dim3A_971 : vector<16x1xi32> to vector<16xi32>
          %gather3A_973 = tpu.dynamic_gather %get3A_718[%gather3A_972] in [0] : vector<16xf32>, vector<16xi32> -> vector<16xf32>
          %gather3A_974 = tpu.vector_load_idx %arg15[%add3A_678, %add3A_963] : memref<64x128xf32, #tpu.memory_space<vmem>>[vector<16xi32>, vector<16xi32>], vector<16xf32>,
          %gather3A_975 = tpu.vector_load_idx %arg16[%add3A_678, %add3A_963] : memref<64x128xf32, #tpu.memory_space<vmem>>[vector<16xi32>, vector<16xi32>], vector<16xf32>,
          %mul3A_976 = arith.mulf %gather3A_973, %gather3A_974 : vector<16xf32>
          %mul3A_977 = arith.mulf %gather3A_973, %gather3A_975 : vector<16xf32>
          %mul3A_978 = arith.mulf %mul3A_976, %gather3A_975 : vector<16xf32>
          %add3A_979 = arith.addf %add3A_935, %mul3A_978 : vector<16xf32>
          %mul3A_980 = arith.mulf %mul3A_976, %gather3A_974 : vector<16xf32>
          %add3A_981 = arith.addf %add3A_937, %mul3A_980 : vector<16xf32>
          %mul3A_982 = arith.mulf %mul3A_977, %gather3A_975 : vector<16xf32>
          %add3A_983 = arith.addf %add3A_939, %mul3A_982 : vector<16xf32>
          %add3A_984 = vector.broadcast %mul3A_720 : i32 to vector<16xi32>
          %add3A_985 = arith.addi %add3A_984, %and3A_80 : vector<16xi32>
          %lt3A_986 = arith.constant 0 : i32
          %lt3A_987 = vector.broadcast %lt3A_986 : i32 to vector<16xi32>
          %lt3A_988 = arith.cmpi slt, %and3A_80, %lt3A_987 : vector<16xi32>
          %add3A_989 = arith.constant 16 : i32
          %add3A_990 = vector.broadcast %add3A_989 : i32 to vector<16xi32>
          %add3A_991 = arith.addi %and3A_80, %add3A_990 : vector<16xi32>
          %select_n3A_992 = arith.select %lt3A_988, %add3A_991, %and3A_80 : vector<16xi1>, vector<16xi32>
          %broadcast_in_dim3A_993 = vector.shape_cast %select_n3A_992 : vector<16xi32> to vector<16x1xi32>
          %gather3A_994 = vector.shape_cast %broadcast_in_dim3A_993 : vector<16x1xi32> to vector<16xi32>
          %gather3A_995 = tpu.dynamic_gather %get3A_718[%gather3A_994] in [0] : vector<16xf32>, vector<16xi32> -> vector<16xf32>
          %gather3A_996 = tpu.vector_load_idx %arg15[%add3A_678, %add3A_985] : memref<64x128xf32, #tpu.memory_space<vmem>>[vector<16xi32>, vector<16xi32>], vector<16xf32>,
          %gather3A_997 = tpu.vector_load_idx %arg16[%add3A_678, %add3A_985] : memref<64x128xf32, #tpu.memory_space<vmem>>[vector<16xi32>, vector<16xi32>], vector<16xf32>,
          %mul3A_998 = arith.mulf %gather3A_995, %gather3A_996 : vector<16xf32>
          %mul3A_999 = arith.mulf %gather3A_995, %gather3A_997 : vector<16xf32>
          %mul3A_1000 = arith.mulf %mul3A_998, %gather3A_997 : vector<16xf32>
          %add3A_1001 = arith.addf %add3A_957, %mul3A_1000 : vector<16xf32>
          %mul3A_1002 = arith.mulf %mul3A_998, %gather3A_996 : vector<16xf32>
          %add3A_1003 = arith.addf %add3A_959, %mul3A_1002 : vector<16xf32>
          %mul3A_1004 = arith.mulf %mul3A_999, %gather3A_997 : vector<16xf32>
          %add3A_1005 = arith.addf %add3A_961, %mul3A_1004 : vector<16xf32>
          %add3A_1006 = vector.broadcast %mul3A_720 : i32 to vector<16xi32>
          %add3A_1007 = arith.addi %add3A_1006, %and3A_86 : vector<16xi32>
          %lt3A_1008 = arith.constant 0 : i32
          %lt3A_1009 = vector.broadcast %lt3A_1008 : i32 to vector<16xi32>
          %lt3A_1010 = arith.cmpi slt, %and3A_86, %lt3A_1009 : vector<16xi32>
          %add3A_1011 = arith.constant 16 : i32
          %add3A_1012 = vector.broadcast %add3A_1011 : i32 to vector<16xi32>
          %add3A_1013 = arith.addi %and3A_86, %add3A_1012 : vector<16xi32>
          %select_n3A_1014 = arith.select %lt3A_1010, %add3A_1013, %and3A_86 : vector<16xi1>, vector<16xi32>
          %broadcast_in_dim3A_1015 = vector.shape_cast %select_n3A_1014 : vector<16xi32> to vector<16x1xi32>
          %gather3A_1016 = vector.shape_cast %broadcast_in_dim3A_1015 : vector<16x1xi32> to vector<16xi32>
          %gather3A_1017 = tpu.dynamic_gather %get3A_718[%gather3A_1016] in [0] : vector<16xf32>, vector<16xi32> -> vector<16xf32>
          %gather3A_1018 = tpu.vector_load_idx %arg15[%add3A_678, %add3A_1007] : memref<64x128xf32, #tpu.memory_space<vmem>>[vector<16xi32>, vector<16xi32>], vector<16xf32>,
          %gather3A_1019 = tpu.vector_load_idx %arg16[%add3A_678, %add3A_1007] : memref<64x128xf32, #tpu.memory_space<vmem>>[vector<16xi32>, vector<16xi32>], vector<16xf32>,
          %mul3A_1020 = arith.mulf %gather3A_1017, %gather3A_1018 : vector<16xf32>
          %mul3A_1021 = arith.mulf %gather3A_1017, %gather3A_1019 : vector<16xf32>
          %mul3A_1022 = arith.mulf %mul3A_1020, %gather3A_1019 : vector<16xf32>
          %add3A_1023 = arith.addf %add3A_979, %mul3A_1022 : vector<16xf32>
          %mul3A_1024 = arith.mulf %mul3A_1020, %gather3A_1018 : vector<16xf32>
          %add3A_1025 = arith.addf %add3A_981, %mul3A_1024 : vector<16xf32>
          %mul3A_1026 = arith.mulf %mul3A_1021, %gather3A_1019 : vector<16xf32>
          %add3A_1027 = arith.addf %add3A_983, %mul3A_1026 : vector<16xf32>
          %add3A_1028 = vector.broadcast %mul3A_720 : i32 to vector<16xi32>
          %add3A_1029 = arith.addi %add3A_1028, %and3A_92 : vector<16xi32>
          %lt3A_1030 = arith.constant 0 : i32
          %lt3A_1031 = vector.broadcast %lt3A_1030 : i32 to vector<16xi32>
          %lt3A_1032 = arith.cmpi slt, %and3A_92, %lt3A_1031 : vector<16xi32>
          %add3A_1033 = arith.constant 16 : i32
          %add3A_1034 = vector.broadcast %add3A_1033 : i32 to vector<16xi32>
          %add3A_1035 = arith.addi %and3A_92, %add3A_1034 : vector<16xi32>
          %select_n3A_1036 = arith.select %lt3A_1032, %add3A_1035, %and3A_92 : vector<16xi1>, vector<16xi32>
          %broadcast_in_dim3A_1037 = vector.shape_cast %select_n3A_1036 : vector<16xi32> to vector<16x1xi32>
          %gather3A_1038 = vector.shape_cast %broadcast_in_dim3A_1037 : vector<16x1xi32> to vector<16xi32>
          %gather3A_1039 = tpu.dynamic_gather %get3A_718[%gather3A_1038] in [0] : vector<16xf32>, vector<16xi32> -> vector<16xf32>
          %gather3A_1040 = tpu.vector_load_idx %arg15[%add3A_678, %add3A_1029] : memref<64x128xf32, #tpu.memory_space<vmem>>[vector<16xi32>, vector<16xi32>], vector<16xf32>,
          %gather3A_1041 = tpu.vector_load_idx %arg16[%add3A_678, %add3A_1029] : memref<64x128xf32, #tpu.memory_space<vmem>>[vector<16xi32>, vector<16xi32>], vector<16xf32>,
          %mul3A_1042 = arith.mulf %gather3A_1039, %gather3A_1040 : vector<16xf32>
          %mul3A_1043 = arith.mulf %gather3A_1039, %gather3A_1041 : vector<16xf32>
          %mul3A_1044 = arith.mulf %mul3A_1042, %gather3A_1041 : vector<16xf32>
          %add3A_1045 = arith.addf %add3A_1001, %mul3A_1044 : vector<16xf32>
          %mul3A_1046 = arith.mulf %mul3A_1042, %gather3A_1040 : vector<16xf32>
          %add3A_1047 = arith.addf %add3A_1003, %mul3A_1046 : vector<16xf32>
          %mul3A_1048 = arith.mulf %mul3A_1043, %gather3A_1041 : vector<16xf32>
          %add3A_1049 = arith.addf %add3A_1005, %mul3A_1048 : vector<16xf32>
          %add3A_1050 = vector.broadcast %mul3A_720 : i32 to vector<16xi32>
          %add3A_1051 = arith.addi %add3A_1050, %and3A_98 : vector<16xi32>
          %lt3A_1052 = arith.constant 0 : i32
          %lt3A_1053 = vector.broadcast %lt3A_1052 : i32 to vector<16xi32>
          %lt3A_1054 = arith.cmpi slt, %and3A_98, %lt3A_1053 : vector<16xi32>
          %add3A_1055 = arith.constant 16 : i32
          %add3A_1056 = vector.broadcast %add3A_1055 : i32 to vector<16xi32>
          %add3A_1057 = arith.addi %and3A_98, %add3A_1056 : vector<16xi32>
          %select_n3A_1058 = arith.select %lt3A_1054, %add3A_1057, %and3A_98 : vector<16xi1>, vector<16xi32>
          %broadcast_in_dim3A_1059 = vector.shape_cast %select_n3A_1058 : vector<16xi32> to vector<16x1xi32>
          %gather3A_1060 = vector.shape_cast %broadcast_in_dim3A_1059 : vector<16x1xi32> to vector<16xi32>
          %gather3A_1061 = tpu.dynamic_gather %get3A_718[%gather3A_1060] in [0] : vector<16xf32>, vector<16xi32> -> vector<16xf32>
          %gather3A_1062 = tpu.vector_load_idx %arg15[%add3A_678, %add3A_1051] : memref<64x128xf32, #tpu.memory_space<vmem>>[vector<16xi32>, vector<16xi32>], vector<16xf32>,
          %gather3A_1063 = tpu.vector_load_idx %arg16[%add3A_678, %add3A_1051] : memref<64x128xf32, #tpu.memory_space<vmem>>[vector<16xi32>, vector<16xi32>], vector<16xf32>,
          %mul3A_1064 = arith.mulf %gather3A_1061, %gather3A_1062 : vector<16xf32>
          %mul3A_1065 = arith.mulf %gather3A_1061, %gather3A_1063 : vector<16xf32>
          %mul3A_1066 = arith.mulf %mul3A_1064, %gather3A_1063 : vector<16xf32>
          %add3A_1067 = arith.addf %add3A_1023, %mul3A_1066 : vector<16xf32>
          %mul3A_1068 = arith.mulf %mul3A_1064, %gather3A_1062 : vector<16xf32>
          %add3A_1069 = arith.addf %add3A_1025, %mul3A_1068 : vector<16xf32>
          %mul3A_1070 = arith.mulf %mul3A_1065, %gather3A_1063 : vector<16xf32>
          %add3A_1071 = arith.addf %add3A_1027, %mul3A_1070 : vector<16xf32>
          scf.yield %add3A_1045, %add3A_1067, %add3A_1047, %add3A_1069, %add3A_1049, %add3A_1071 : vector<16xf32>, vector<16xf32>, vector<16xf32>, vector<16xf32>, vector<16xf32>, vector<16xf32>
        }
        %scan3A_684 = arith.constant 8 : i32
        %mul3A_685 = arith.constant 64 : i32
        %mul3A_686 = arith.muli %rem3A_659, %mul3A_685 : i32
        %mul3A_687 = arith.constant 16 : i32
        %mul3A_688 = arith.muli %scan3A_673, %mul3A_687 : i32
        %add3A_689 = arith.addi %mul3A_686, %mul3A_688 : i32
        %add3A_690 = arith.addf %scan3A_683#0, %scan3A_683#1 : vector<16xf32>
        %mul3A_691 = arith.constant 512 : i32
        %mul3A_692 = arith.muli %mul3A_664, %mul3A_691 : i32
        %add3A_693 = arith.addi %mul3A_692, %add3A_689 : i32
        %swap3A_694 = arith.index_cast %add3A_693 : i32 to index
        %swap3A_695 = tpu.vector_load %arg17[%swap3A_694] {strides = array<i32>} : memref<6144xf32, #tpu.memory_space<vmem>>, vector<16xf32>,
        tpu.vector_store %arg17[%swap3A_694], %add3A_690 {strides = array<i32>} : memref<6144xf32, #tpu.memory_space<vmem>>, vector<16xf32>,
        %add3A_696 = arith.addf %scan3A_683#2, %scan3A_683#3 : vector<16xf32>
        %add3A_697 = arith.addf %scan3A_683#4, %scan3A_683#5 : vector<16xf32>
        %mul3A_698 = arith.mulf %add3A_696, %add3A_697 : vector<16xf32>
        %add3A_699 = arith.constant 1 : i32
        %add3A_700 = arith.addi %mul3A_664, %add3A_699 : i32
        %mul3A_701 = arith.constant 512 : i32
        %mul3A_702 = arith.muli %add3A_700, %mul3A_701 : i32
        %add3A_703 = arith.addi %mul3A_702, %add3A_689 : i32
        %swap3A_704 = arith.index_cast %add3A_703 : i32 to index
        %swap3A_705 = tpu.vector_load %arg17[%swap3A_704] {strides = array<i32>} : memref<6144xf32, #tpu.memory_space<vmem>>, vector<16xf32>,
        tpu.vector_store %arg17[%swap3A_704], %mul3A_698 {strides = array<i32>} : memref<6144xf32, #tpu.memory_space<vmem>>, vector<16xf32>,
        %scan3A_706 = arith.constant 0 : i32
        scf.yield %scan3A_706 : i32
      }
      %scan3A_671 = arith.constant 4 : i32
      %scan3A_672 = arith.constant 0 : i32
      scf.yield %scan3A_672 : i32
    }
    %scan3A_391 = arith.constant 16 : i32
    %mul3A_392 = arith.constant 12 : i32
    %mul3A_393 = arith.muli %add3A, %mul3A_392 : i32
    %mul3A_394 = arith.constant 512 : i32
    %mul3A_395 = arith.muli %mul3A_393, %mul3A_394 : i32
    "tpu.region"() ({
      %run_scoped3A = tpu.sem_alloc : memref<!tpu.dma_semaphore, #tpu.memory_space<semaphore_mem>>
      %dma_start3A = tpu.memref_slice %arg7[%mul3A_395] : memref<196608xf32, #tpu.memory_space<hbm>> -> memref<6144xf32, #tpu.memory_space<hbm>>
      %dma_start3A_396 = tpu.memref_slice %arg7[%mul3A_395] : memref<196608xf32, #tpu.memory_space<hbm>> -> memref<6144xf32, #tpu.memory_space<hbm>>
      tpu.enqueue_dma source(%arg17 : memref<6144xf32, #tpu.memory_space<vmem>>) target(%dma_start3A_396 : memref<6144xf32, #tpu.memory_space<hbm>>) target_semaphore(%run_scoped3A : memref<!tpu.dma_semaphore, #tpu.memory_space<semaphore_mem>>)
      %dma_wait3A = tpu.memref_slice %arg7[%mul3A_395] : memref<196608xf32, #tpu.memory_space<hbm>> -> memref<6144xf32, #tpu.memory_space<hbm>>
      %dma_wait3A_397 = tpu.memref_slice %arg7[%mul3A_395] : memref<196608xf32, #tpu.memory_space<hbm>> -> memref<6144xf32, #tpu.memory_space<hbm>>
      tpu.wait_dma2 semaphore(%run_scoped3A : memref<!tpu.dma_semaphore, #tpu.memory_space<semaphore_mem>>) src(%arg17 : memref<6144xf32, #tpu.memory_space<vmem>>) dst(%dma_wait3A_397 : memref<6144xf32, #tpu.memory_space<hbm>>)
      tpu.yield
    }) : () -> ()
    return
  }
}

module attributes {stable_mosaic.version = 14 : i64} {
  func.func @_mlp_body(%arg0: i32, %arg1: memref<24576xf32, #tpu.memory_space<vmem>>, %arg2: memref<256x6xf32, #tpu.memory_space<vmem>>, %arg3: memref<256x1xf32, #tpu.memory_space<vmem>>, %arg4: memref<128x256xf32, #tpu.memory_space<vmem>>, %arg5: memref<128x1xf32, #tpu.memory_space<vmem>>, %arg6: memref<1x128xf32, #tpu.memory_space<vmem>>, %arg7: memref<1x1xf32, #tpu.memory_space<vmem>>, %arg8: memref<2048xf32, #tpu.memory_space<vmem>>) attributes {dimension_semantics = [#tpu.dimension_semantics<arbitrary>], iteration_bounds = array<i64: 8>, scalar_prefetch = 0 : i64, scratch_operands = 0 : i64, tpu.core_type = #tpu.core_type<tc>, window_params = [{transform_indices = @transform_0, window_bounds = array<i64: 24576>}, {pipeline_mode = #tpu.pipeline_mode<synchronous>, transform_indices = @transform_1, window_bounds = array<i64: 256, 6>}, {pipeline_mode = #tpu.pipeline_mode<synchronous>, transform_indices = @transform_2, window_bounds = array<i64: 256, 1>}, {pipeline_mode = #tpu.pipeline_mode<synchronous>, transform_indices = @transform_3, window_bounds = array<i64: 128, 256>}, {pipeline_mode = #tpu.pipeline_mode<synchronous>, transform_indices = @transform_4, window_bounds = array<i64: 128, 1>}, {pipeline_mode = #tpu.pipeline_mode<synchronous>, transform_indices = @transform_5, window_bounds = array<i64: 1, 128>}, {pipeline_mode = #tpu.pipeline_mode<synchronous>, transform_indices = @transform_6, window_bounds = array<i64: 1, 1>}, {transform_indices = @transform_7, window_bounds = array<i64: 2048>}]} {
    %get3A = arith.constant 0 : index
    %get3A_0 = vector.load %arg1[%get3A] : memref<24576xf32, #tpu.memory_space<vmem>>, vector<512xf32>
    %get3A_1 = arith.constant 6144 : index
    %get3A_2 = vector.load %arg1[%get3A_1] : memref<24576xf32, #tpu.memory_space<vmem>>, vector<512xf32>
    %get3A_3 = arith.constant 12288 : index
    %get3A_4 = vector.load %arg1[%get3A_3] : memref<24576xf32, #tpu.memory_space<vmem>>, vector<512xf32>
    %get3A_5 = arith.constant 18432 : index
    %get3A_6 = vector.load %arg1[%get3A_5] : memref<24576xf32, #tpu.memory_space<vmem>>, vector<512xf32>
    %concatenate3A = tpu.concatenate %get3A_0, %get3A_2, %get3A_4, %get3A_6 in 0 : vector<512xf32>, vector<512xf32>, vector<512xf32>, vector<512xf32> -> vector<2048xf32>
    %reshape3A = vector.shape_cast %concatenate3A : vector<2048xf32> to vector<1x2048xf32>
    %get3A_7 = arith.constant 512 : index
    %get3A_8 = vector.load %arg1[%get3A_7] : memref<24576xf32, #tpu.memory_space<vmem>>, vector<512xf32>
    %get3A_9 = arith.constant 6656 : index
    %get3A_10 = vector.load %arg1[%get3A_9] : memref<24576xf32, #tpu.memory_space<vmem>>, vector<512xf32>
    %get3A_11 = arith.constant 12800 : index
    %get3A_12 = vector.load %arg1[%get3A_11] : memref<24576xf32, #tpu.memory_space<vmem>>, vector<512xf32>
    %get3A_13 = arith.constant 18944 : index
    %get3A_14 = vector.load %arg1[%get3A_13] : memref<24576xf32, #tpu.memory_space<vmem>>, vector<512xf32>
    %concatenate3A_15 = tpu.concatenate %get3A_8, %get3A_10, %get3A_12, %get3A_14 in 0 : vector<512xf32>, vector<512xf32>, vector<512xf32>, vector<512xf32> -> vector<2048xf32>
    %reshape3A_16 = vector.shape_cast %concatenate3A_15 : vector<2048xf32> to vector<1x2048xf32>
    %get3A_17 = arith.constant 3072 : index
    %get3A_18 = vector.load %arg1[%get3A_17] : memref<24576xf32, #tpu.memory_space<vmem>>, vector<512xf32>
    %get3A_19 = arith.constant 9216 : index
    %get3A_20 = vector.load %arg1[%get3A_19] : memref<24576xf32, #tpu.memory_space<vmem>>, vector<512xf32>
    %get3A_21 = arith.constant 15360 : index
    %get3A_22 = vector.load %arg1[%get3A_21] : memref<24576xf32, #tpu.memory_space<vmem>>, vector<512xf32>
    %get3A_23 = arith.constant 21504 : index
    %get3A_24 = vector.load %arg1[%get3A_23] : memref<24576xf32, #tpu.memory_space<vmem>>, vector<512xf32>
    %concatenate3A_25 = tpu.concatenate %get3A_18, %get3A_20, %get3A_22, %get3A_24 in 0 : vector<512xf32>, vector<512xf32>, vector<512xf32>, vector<512xf32> -> vector<2048xf32>
    %reshape3A_26 = vector.shape_cast %concatenate3A_25 : vector<2048xf32> to vector<1x2048xf32>
    %get3A_27 = arith.constant 3584 : index
    %get3A_28 = vector.load %arg1[%get3A_27] : memref<24576xf32, #tpu.memory_space<vmem>>, vector<512xf32>
    %get3A_29 = arith.constant 9728 : index
    %get3A_30 = vector.load %arg1[%get3A_29] : memref<24576xf32, #tpu.memory_space<vmem>>, vector<512xf32>
    %get3A_31 = arith.constant 15872 : index
    %get3A_32 = vector.load %arg1[%get3A_31] : memref<24576xf32, #tpu.memory_space<vmem>>, vector<512xf32>
    %get3A_33 = arith.constant 22016 : index
    %get3A_34 = vector.load %arg1[%get3A_33] : memref<24576xf32, #tpu.memory_space<vmem>>, vector<512xf32>
    %concatenate3A_35 = tpu.concatenate %get3A_28, %get3A_30, %get3A_32, %get3A_34 in 0 : vector<512xf32>, vector<512xf32>, vector<512xf32>, vector<512xf32> -> vector<2048xf32>
    %reshape3A_36 = vector.shape_cast %concatenate3A_35 : vector<2048xf32> to vector<1x2048xf32>
    %max3A = arith.constant 1.000000e-16 : f32
    %max3A_37 = vector.broadcast %max3A : f32 to vector<1x2048xf32>
    %max3A_38 = arith.maximumf %reshape3A_16, %max3A_37 : vector<1x2048xf32>
    %sqrt3A = math.sqrt %max3A_38 : vector<1x2048xf32>
    %div3A = arith.divf %reshape3A, %sqrt3A : vector<1x2048xf32>
    %max3A_39 = arith.constant 1.000000e-16 : f32
    %max3A_40 = vector.broadcast %max3A_39 : f32 to vector<1x2048xf32>
    %max3A_41 = arith.maximumf %reshape3A_36, %max3A_40 : vector<1x2048xf32>
    %sqrt3A_42 = math.sqrt %max3A_41 : vector<1x2048xf32>
    %div3A_43 = arith.divf %reshape3A_26, %sqrt3A_42 : vector<1x2048xf32>
    %add3A = arith.addf %div3A, %div3A_43 : vector<1x2048xf32>
    %add3A_44 = arith.addf %reshape3A, %reshape3A_26 : vector<1x2048xf32>
    %get3A_45 = arith.constant 1024 : index
    %get3A_46 = vector.load %arg1[%get3A_45] : memref<24576xf32, #tpu.memory_space<vmem>>, vector<512xf32>
    %get3A_47 = arith.constant 7168 : index
    %get3A_48 = vector.load %arg1[%get3A_47] : memref<24576xf32, #tpu.memory_space<vmem>>, vector<512xf32>
    %get3A_49 = arith.constant 13312 : index
    %get3A_50 = vector.load %arg1[%get3A_49] : memref<24576xf32, #tpu.memory_space<vmem>>, vector<512xf32>
    %get3A_51 = arith.constant 19456 : index
    %get3A_52 = vector.load %arg1[%get3A_51] : memref<24576xf32, #tpu.memory_space<vmem>>, vector<512xf32>
    %concatenate3A_53 = tpu.concatenate %get3A_46, %get3A_48, %get3A_50, %get3A_52 in 0 : vector<512xf32>, vector<512xf32>, vector<512xf32>, vector<512xf32> -> vector<2048xf32>
    %reshape3A_54 = vector.shape_cast %concatenate3A_53 : vector<2048xf32> to vector<1x2048xf32>
    %get3A_55 = arith.constant 1536 : index
    %get3A_56 = vector.load %arg1[%get3A_55] : memref<24576xf32, #tpu.memory_space<vmem>>, vector<512xf32>
    %get3A_57 = arith.constant 7680 : index
    %get3A_58 = vector.load %arg1[%get3A_57] : memref<24576xf32, #tpu.memory_space<vmem>>, vector<512xf32>
    %get3A_59 = arith.constant 13824 : index
    %get3A_60 = vector.load %arg1[%get3A_59] : memref<24576xf32, #tpu.memory_space<vmem>>, vector<512xf32>
    %get3A_61 = arith.constant 19968 : index
    %get3A_62 = vector.load %arg1[%get3A_61] : memref<24576xf32, #tpu.memory_space<vmem>>, vector<512xf32>
    %concatenate3A_63 = tpu.concatenate %get3A_56, %get3A_58, %get3A_60, %get3A_62 in 0 : vector<512xf32>, vector<512xf32>, vector<512xf32>, vector<512xf32> -> vector<2048xf32>
    %reshape3A_64 = vector.shape_cast %concatenate3A_63 : vector<2048xf32> to vector<1x2048xf32>
    %get3A_65 = arith.constant 4096 : index
    %get3A_66 = vector.load %arg1[%get3A_65] : memref<24576xf32, #tpu.memory_space<vmem>>, vector<512xf32>
    %get3A_67 = arith.constant 10240 : index
    %get3A_68 = vector.load %arg1[%get3A_67] : memref<24576xf32, #tpu.memory_space<vmem>>, vector<512xf32>
    %get3A_69 = arith.constant 16384 : index
    %get3A_70 = vector.load %arg1[%get3A_69] : memref<24576xf32, #tpu.memory_space<vmem>>, vector<512xf32>
    %get3A_71 = arith.constant 22528 : index
    %get3A_72 = vector.load %arg1[%get3A_71] : memref<24576xf32, #tpu.memory_space<vmem>>, vector<512xf32>
    %concatenate3A_73 = tpu.concatenate %get3A_66, %get3A_68, %get3A_70, %get3A_72 in 0 : vector<512xf32>, vector<512xf32>, vector<512xf32>, vector<512xf32> -> vector<2048xf32>
    %reshape3A_74 = vector.shape_cast %concatenate3A_73 : vector<2048xf32> to vector<1x2048xf32>
    %get3A_75 = arith.constant 4608 : index
    %get3A_76 = vector.load %arg1[%get3A_75] : memref<24576xf32, #tpu.memory_space<vmem>>, vector<512xf32>
    %get3A_77 = arith.constant 10752 : index
    %get3A_78 = vector.load %arg1[%get3A_77] : memref<24576xf32, #tpu.memory_space<vmem>>, vector<512xf32>
    %get3A_79 = arith.constant 16896 : index
    %get3A_80 = vector.load %arg1[%get3A_79] : memref<24576xf32, #tpu.memory_space<vmem>>, vector<512xf32>
    %get3A_81 = arith.constant 23040 : index
    %get3A_82 = vector.load %arg1[%get3A_81] : memref<24576xf32, #tpu.memory_space<vmem>>, vector<512xf32>
    %concatenate3A_83 = tpu.concatenate %get3A_76, %get3A_78, %get3A_80, %get3A_82 in 0 : vector<512xf32>, vector<512xf32>, vector<512xf32>, vector<512xf32> -> vector<2048xf32>
    %reshape3A_84 = vector.shape_cast %concatenate3A_83 : vector<2048xf32> to vector<1x2048xf32>
    %max3A_85 = arith.constant 1.000000e-16 : f32
    %max3A_86 = vector.broadcast %max3A_85 : f32 to vector<1x2048xf32>
    %max3A_87 = arith.maximumf %reshape3A_64, %max3A_86 : vector<1x2048xf32>
    %sqrt3A_88 = math.sqrt %max3A_87 : vector<1x2048xf32>
    %div3A_89 = arith.divf %reshape3A_54, %sqrt3A_88 : vector<1x2048xf32>
    %max3A_90 = arith.constant 1.000000e-16 : f32
    %max3A_91 = vector.broadcast %max3A_90 : f32 to vector<1x2048xf32>
    %max3A_92 = arith.maximumf %reshape3A_84, %max3A_91 : vector<1x2048xf32>
    %sqrt3A_93 = math.sqrt %max3A_92 : vector<1x2048xf32>
    %div3A_94 = arith.divf %reshape3A_74, %sqrt3A_93 : vector<1x2048xf32>
    %add3A_95 = arith.addf %div3A_89, %div3A_94 : vector<1x2048xf32>
    %add3A_96 = arith.addf %reshape3A_54, %reshape3A_74 : vector<1x2048xf32>
    %get3A_97 = arith.constant 2048 : index
    %get3A_98 = vector.load %arg1[%get3A_97] : memref<24576xf32, #tpu.memory_space<vmem>>, vector<512xf32>
    %get3A_99 = arith.constant 8192 : index
    %get3A_100 = vector.load %arg1[%get3A_99] : memref<24576xf32, #tpu.memory_space<vmem>>, vector<512xf32>
    %get3A_101 = arith.constant 14336 : index
    %get3A_102 = vector.load %arg1[%get3A_101] : memref<24576xf32, #tpu.memory_space<vmem>>, vector<512xf32>
    %get3A_103 = arith.constant 20480 : index
    %get3A_104 = vector.load %arg1[%get3A_103] : memref<24576xf32, #tpu.memory_space<vmem>>, vector<512xf32>
    %concatenate3A_105 = tpu.concatenate %get3A_98, %get3A_100, %get3A_102, %get3A_104 in 0 : vector<512xf32>, vector<512xf32>, vector<512xf32>, vector<512xf32> -> vector<2048xf32>
    %reshape3A_106 = vector.shape_cast %concatenate3A_105 : vector<2048xf32> to vector<1x2048xf32>
    %get3A_107 = arith.constant 2560 : index
    %get3A_108 = vector.load %arg1[%get3A_107] : memref<24576xf32, #tpu.memory_space<vmem>>, vector<512xf32>
    %get3A_109 = arith.constant 8704 : index
    %get3A_110 = vector.load %arg1[%get3A_109] : memref<24576xf32, #tpu.memory_space<vmem>>, vector<512xf32>
    %get3A_111 = arith.constant 14848 : index
    %get3A_112 = vector.load %arg1[%get3A_111] : memref<24576xf32, #tpu.memory_space<vmem>>, vector<512xf32>
    %get3A_113 = arith.constant 20992 : index
    %get3A_114 = vector.load %arg1[%get3A_113] : memref<24576xf32, #tpu.memory_space<vmem>>, vector<512xf32>
    %concatenate3A_115 = tpu.concatenate %get3A_108, %get3A_110, %get3A_112, %get3A_114 in 0 : vector<512xf32>, vector<512xf32>, vector<512xf32>, vector<512xf32> -> vector<2048xf32>
    %reshape3A_116 = vector.shape_cast %concatenate3A_115 : vector<2048xf32> to vector<1x2048xf32>
    %get3A_117 = arith.constant 5120 : index
    %get3A_118 = vector.load %arg1[%get3A_117] : memref<24576xf32, #tpu.memory_space<vmem>>, vector<512xf32>
    %get3A_119 = arith.constant 11264 : index
    %get3A_120 = vector.load %arg1[%get3A_119] : memref<24576xf32, #tpu.memory_space<vmem>>, vector<512xf32>
    %get3A_121 = arith.constant 17408 : index
    %get3A_122 = vector.load %arg1[%get3A_121] : memref<24576xf32, #tpu.memory_space<vmem>>, vector<512xf32>
    %get3A_123 = arith.constant 23552 : index
    %get3A_124 = vector.load %arg1[%get3A_123] : memref<24576xf32, #tpu.memory_space<vmem>>, vector<512xf32>
    %concatenate3A_125 = tpu.concatenate %get3A_118, %get3A_120, %get3A_122, %get3A_124 in 0 : vector<512xf32>, vector<512xf32>, vector<512xf32>, vector<512xf32> -> vector<2048xf32>
    %reshape3A_126 = vector.shape_cast %concatenate3A_125 : vector<2048xf32> to vector<1x2048xf32>
    %get3A_127 = arith.constant 5632 : index
    %get3A_128 = vector.load %arg1[%get3A_127] : memref<24576xf32, #tpu.memory_space<vmem>>, vector<512xf32>
    %get3A_129 = arith.constant 11776 : index
    %get3A_130 = vector.load %arg1[%get3A_129] : memref<24576xf32, #tpu.memory_space<vmem>>, vector<512xf32>
    %get3A_131 = arith.constant 17920 : index
    %get3A_132 = vector.load %arg1[%get3A_131] : memref<24576xf32, #tpu.memory_space<vmem>>, vector<512xf32>
    %get3A_133 = arith.constant 24064 : index
    %get3A_134 = vector.load %arg1[%get3A_133] : memref<24576xf32, #tpu.memory_space<vmem>>, vector<512xf32>
    %concatenate3A_135 = tpu.concatenate %get3A_128, %get3A_130, %get3A_132, %get3A_134 in 0 : vector<512xf32>, vector<512xf32>, vector<512xf32>, vector<512xf32> -> vector<2048xf32>
    %reshape3A_136 = vector.shape_cast %concatenate3A_135 : vector<2048xf32> to vector<1x2048xf32>
    %max3A_137 = arith.constant 1.000000e-16 : f32
    %max3A_138 = vector.broadcast %max3A_137 : f32 to vector<1x2048xf32>
    %max3A_139 = arith.maximumf %reshape3A_116, %max3A_138 : vector<1x2048xf32>
    %sqrt3A_140 = math.sqrt %max3A_139 : vector<1x2048xf32>
    %div3A_141 = arith.divf %reshape3A_106, %sqrt3A_140 : vector<1x2048xf32>
    %max3A_142 = arith.constant 1.000000e-16 : f32
    %max3A_143 = vector.broadcast %max3A_142 : f32 to vector<1x2048xf32>
    %max3A_144 = arith.maximumf %reshape3A_136, %max3A_143 : vector<1x2048xf32>
    %sqrt3A_145 = math.sqrt %max3A_144 : vector<1x2048xf32>
    %div3A_146 = arith.divf %reshape3A_126, %sqrt3A_145 : vector<1x2048xf32>
    %add3A_147 = arith.addf %div3A_141, %div3A_146 : vector<1x2048xf32>
    %add3A_148 = arith.addf %reshape3A_106, %reshape3A_126 : vector<1x2048xf32>
    %concatenate3A_149 = tpu.concatenate %add3A, %add3A_44, %add3A_95, %add3A_96, %add3A_147, %add3A_148 in 0 : vector<1x2048xf32>, vector<1x2048xf32>, vector<1x2048xf32>, vector<1x2048xf32>, vector<1x2048xf32>, vector<1x2048xf32> -> vector<6x2048xf32>
    %get3A_150 = arith.constant 0 : index
    %get3A_151 = arith.constant 0 : index
    %get3A_152 = vector.load %arg2[%get3A_150, %get3A_151] : memref<256x6xf32, #tpu.memory_space<vmem>>, vector<256x6xf32>
    %dot_general3A = arith.constant dense<0.000000e+00> : vector<256x2048xf32>
    %dot_general3A_153 = tpu.matmul %get3A_152, %concatenate3A_149, %dot_general3A {dimension_numbers = #tpu.dot_dimension_numbers<[1], [0], [0], [1], [0, 0, 1, 1], [], []>, transpose_lhs_hint = false} : vector<256x6xf32>, vector<6x2048xf32>, vector<256x2048xf32> -> vector<256x2048xf32>
    %get3A_154 = arith.constant 0 : index
    %get3A_155 = arith.constant 0 : index
    %get3A_156 = vector.load %arg3[%get3A_154, %get3A_155] : memref<256x1xf32, #tpu.memory_space<vmem>>, vector<256x1xf32>
    %add3A_157 = vector.broadcast %get3A_156 : vector<256x1xf32> to vector<256x2048xf32>
    %add3A_158 = arith.addf %dot_general3A_153, %add3A_157 : vector<256x2048xf32>
    %max3A_159 = arith.constant 0.000000e+00 : f32
    %max3A_160 = vector.broadcast %max3A_159 : f32 to vector<256x2048xf32>
    %max3A_161 = arith.maximumf %add3A_158, %max3A_160 : vector<256x2048xf32>
    %get3A_162 = arith.constant 0 : index
    %get3A_163 = arith.constant 0 : index
    %get3A_164 = vector.load %arg4[%get3A_162, %get3A_163] : memref<128x256xf32, #tpu.memory_space<vmem>>, vector<128x256xf32>
    %dot_general3A_165 = arith.constant dense<0.000000e+00> : vector<128x2048xf32>
    %dot_general3A_166 = tpu.matmul %get3A_164, %max3A_161, %dot_general3A_165 {dimension_numbers = #tpu.dot_dimension_numbers<[1], [0], [0], [1], [0, 0, 1, 1], [], []>, transpose_lhs_hint = false} : vector<128x256xf32>, vector<256x2048xf32>, vector<128x2048xf32> -> vector<128x2048xf32>
    %get3A_167 = arith.constant 0 : index
    %get3A_168 = arith.constant 0 : index
    %get3A_169 = vector.load %arg5[%get3A_167, %get3A_168] : memref<128x1xf32, #tpu.memory_space<vmem>>, vector<128x1xf32>
    %add3A_170 = vector.broadcast %get3A_169 : vector<128x1xf32> to vector<128x2048xf32>
    %add3A_171 = arith.addf %dot_general3A_166, %add3A_170 : vector<128x2048xf32>
    %max3A_172 = arith.constant 0.000000e+00 : f32
    %max3A_173 = vector.broadcast %max3A_172 : f32 to vector<128x2048xf32>
    %max3A_174 = arith.maximumf %add3A_171, %max3A_173 : vector<128x2048xf32>
    %get3A_175 = arith.constant 0 : index
    %get3A_176 = arith.constant 0 : index
    %get3A_177 = vector.load %arg6[%get3A_175, %get3A_176] : memref<1x128xf32, #tpu.memory_space<vmem>>, vector<1x128xf32>
    %dot_general3A_178 = arith.constant dense<0.000000e+00> : vector<1x2048xf32>
    %dot_general3A_179 = tpu.matmul %get3A_177, %max3A_174, %dot_general3A_178 {dimension_numbers = #tpu.dot_dimension_numbers<[1], [0], [0], [1], [0, 0, 1, 1], [], []>, transpose_lhs_hint = false} : vector<1x128xf32>, vector<128x2048xf32>, vector<1x2048xf32> -> vector<1x2048xf32>
    %get3A_180 = arith.constant 0 : index
    %get3A_181 = arith.constant 0 : index
    %get3A_182 = vector.load %arg7[%get3A_180, %get3A_181] : memref<1x1xf32, #tpu.memory_space<vmem>>, vector<1x1xf32>
    %add3A_183 = vector.broadcast %get3A_182 : vector<1x1xf32> to vector<1x2048xf32>
    %add3A_184 = arith.addf %dot_general3A_179, %add3A_183 : vector<1x2048xf32>
    %squeeze3A = vector.shape_cast %add3A_184 : vector<1x2048xf32> to vector<2048xf32>
    %swap3A = arith.constant 0 : index
    %swap3A_185 = vector.load %arg8[%swap3A] : memref<2048xf32, #tpu.memory_space<vmem>>, vector<2048xf32>
    tpu.vector_store %arg8[%swap3A], %squeeze3A {strides = array<i32>} : memref<2048xf32, #tpu.memory_space<vmem>>, vector<2048xf32>,
    return
  }
  func.func @transform_0(%arg0: i32) -> i32 {
    %c0_i32 = arith.constant 0 : i32
    return %arg0 : i32
  }
  func.func @transform_1(%arg0: i32) -> (i32, i32) {
    %c0_i32 = arith.constant 0 : i32
    %c0_i32_0 = arith.constant 0 : i32
    %c0_i32_1 = arith.constant 0 : i32
    return %c0_i32, %c0_i32_0 : i32, i32
  }
  func.func @transform_2(%arg0: i32) -> (i32, i32) {
    %c0_i32 = arith.constant 0 : i32
    %c0_i32_0 = arith.constant 0 : i32
    %c0_i32_1 = arith.constant 0 : i32
    return %c0_i32, %c0_i32_0 : i32, i32
  }
  func.func @transform_3(%arg0: i32) -> (i32, i32) {
    %c0_i32 = arith.constant 0 : i32
    %c0_i32_0 = arith.constant 0 : i32
    %c0_i32_1 = arith.constant 0 : i32
    return %c0_i32, %c0_i32_0 : i32, i32
  }
  func.func @transform_4(%arg0: i32) -> (i32, i32) {
    %c0_i32 = arith.constant 0 : i32
    %c0_i32_0 = arith.constant 0 : i32
    %c0_i32_1 = arith.constant 0 : i32
    return %c0_i32, %c0_i32_0 : i32, i32
  }
  func.func @transform_5(%arg0: i32) -> (i32, i32) {
    %c0_i32 = arith.constant 0 : i32
    %c0_i32_0 = arith.constant 0 : i32
    %c0_i32_1 = arith.constant 0 : i32
    return %c0_i32, %c0_i32_0 : i32, i32
  }
  func.func @transform_6(%arg0: i32) -> (i32, i32) {
    %c0_i32 = arith.constant 0 : i32
    %c0_i32_0 = arith.constant 0 : i32
    %c0_i32_1 = arith.constant 0 : i32
    return %c0_i32, %c0_i32_0 : i32, i32
  }
  func.func @transform_7(%arg0: i32) -> i32 {
    %c0_i32 = arith.constant 0 : i32
    return %arg0 : i32
  }
}

</mosaic_0001>

<sc_bundles>
// kernel: kernel.4.cloned.1.call-start
scs
__scs_entry_jumppad:
0x0: {  	(pc) =	sbr.rel $0x88, $3  }
0x1: {  	(tag) =	ssettag $0x0;
	lr =	simm.s32 $0x1  }
0x2: {  	[smem:$0x3F96] =	sst lr;
	_ =	strace $0xD0000000  }
0x3: {  	_ = 	snop  }
0x4: {  	_ = 	snop  }
0x5: {  	_ = 	snop  }
0x6: {  	_ = 	snop  }
0x7: {  	_ = 	snop  }
__scs_overlays_trampoline_lowered:
0x8: {  	[smem:$0x3FA5] =	sst s0  }
0x9: {  	[smem:$0x3FA6] =	sst s1  }
0xa: {  	[smem:$0x3FA7] =	sst s2  }
0xb: {  	[smem:$0x3FA8] =	sst s3  }
0xc: {  	[smem:$0x3FA9] =	sst s4  }
0xd: {  	[smem:$0x3FAA] =	sst s5  }
0xe: {  	[smem:$0x3FAB] =	sst s6  }
0xf: {  	[smem:$0x3FAC] =	sst s7  }
0x10: {  	[smem:$0x3FAD] =	sst s8  }
0x11: {  	[smem:$0x3FAE] =	sst s9;
	s0 =	simm.s32 @!p0 $0x0  }
0x12: {  	s1 =	sld [smem:$0x3F94];
	s0 =	simm.s32 @p0 $0x1  }
0x13: {  	[smem:$0x3FAF] =	sst s0;
	s0 =	simm.s32 @!p1 $0x0  }
0x14: {  	s2 =	sld [smem:$0x3F93];
	s0 =	simm.s32 @p1 $0x1  }
0x15: {  	[smem:$0x3FB0] =	sst s0;
	s0 =	simm.s32 @!p2 $0x0  }
0x16: {  	s3 =	sld [smem:$0x3FDB];
	s0 =	simm.s32 @p2 $0x1  }
0x17: {  	s4 =	simm.s32 $0x1BF5;
	[smem:$0x3FB2] =	sst s0  }
0x18: {  	s0 =	sld [smem:$0x3F95];
	_ =	swait.ge [sflag:s4], $0x0  }
0x19: {  	s7 =	sld [smem:$0x3F96]  }
0x1a: {  	s8 =	sadd.s32 $0xFFFFE003, lr  }
0x1b: {  	s9 =	sadd.s32 $0xFFFFFEF7, lr;
	s5 =	simm.s32 $0xFFFFFFFF;
	p2 =	slt.u32 s8, $0xFFFFF086  }
0x1c: {  	p1 =	slt.u32 s9, $0xF7A;
	s5 =	simm.s32 @!p2 $0x0  }
0x1d: {  	s5 =	simm.s32 @p1 $0x1;
	p0 =	seq.s32 s7, s2  }
0x1e: {  	s7 =	smul.u32 @!p0 $0xF7A, s2;
	p2 =	seq.s32 @!p0 s5, $0x0  }
0x1f: {  	s9 =	smul.u32 $0xF7A, s1;
	s8 =	simm.s32 @!p0 $0x1BF5;
	p2 =	por !p2, p0  }
0x20: {  	[sflag:s8] =	ssyncset.s32 @!p0 $0xFFFFF086;
	s6 =	sadd.s32 @!p0 s3, s7;
	s7 =	simm.s32 @!p0 $0x108  }
0x21: {  	s3 =	sadd.s32 s3, s9;
	s6 =	sadd.s32 @!p0 $0x88, s6;
	s7 =	simm.s32 @p2 $0x1082  }
0x22: {  	[simem:s7], [sflag:s8] =	dma.local @!p0 [hbm:s6], $0xF7A  }
0x23: {  	s9 =	sor.u32 $0xD0000000, s2;
	s6 =	simm.s32 $0x108;
	_ =	swait.ge @!p0 [sflag:s8], $0x0  }
0x24: {  	s3 =	sadd.s32 $0x88, s3;
	s6 =	simm.s32 @!p1 $0x1082;
	[sflag:s4] =	ssyncset.s32 $0xFFFFF086  }
0x25: {  	[simem:s6], [sflag:s4] =	dma.local [hbm:s3], $0xF7A  }
0x26: {  	[smem:$0x3F96] =	sst s1;
	(tag) =	ssettag s2;
	_ =	strace s9  }
0x27: {  	s1 =	sld [smem:$0x3FA6]  }
0x28: {  	s2 =	sld [smem:$0x3FA7]  }
0x29: {  	s4 =	sld [smem:$0x3FA9]  }
0x2a: {  	p0 =	seq.s32 s5, $0x0;
	s5 =	sld [smem:$0x3FAA]  }
0x2b: {  	s6 =	sld [smem:$0x3FAB]  }
0x2c: {  	s7 =	sld [smem:$0x3FAC]  }
0x2d: {  	s3 =	simm.s32 $0x108;
	s8 =	sld [smem:$0x3FAD]  }
0x2e: {  	s3 =	simm.s32 @!p0 $0x1082;
	s9 =	sld [smem:$0x3FAE]  }
0x2f: {  	lr =	sadd.s32 s0, s3;
	s0 =	sld [smem:$0x3FA5]  }
0x30: {  	s3 =	sld [smem:$0x3FA8]  }
0x31: {  	[smem:$0x3FB1] =	sst s10  }
0x32: {  	s10 =	sld [smem:$0x3FAF];
	_ =	sdelay $0x3  }
0x33: {  	p0 =	seq.s32 s10, $0x1;
	s10 =	sld [smem:$0x3FB1];
	_ =	sdelay $0x3  }
0x34: {  	[smem:$0x3FB1] =	sst s10  }
0x35: {  	s10 =	sld [smem:$0x3FB0];
	_ =	sdelay $0x3  }
0x36: {  	p1 =	seq.s32 s10, $0x1;
	s10 =	sld [smem:$0x3FB1];
	_ =	sdelay $0x3  }
0x37: {  	[smem:$0x3FB1] =	sst s10  }
0x38: {  	s10 =	sld [smem:$0x3FB2]  }
0x39: {  	_ = 	snop;
	(pc) =	sbr.ind lr, $3  }
0x3a: {  	_ = 	snop  }
0x3b: {  	_ = 	snop  }
0x3c: {  	p2 =	seq.s32 s10, $0x1;
	s10 =	sld [smem:$0x3FB1]  }
0x3d: {  	_ =	shalt  }
0x3e: {  	_ =	shalt  }
0x3f: {  	_ =	shalt  }
0x40: {  	_ =	shalt  }
0x41: {  	_ =	shalt  }
0x42: {  	_ =	shalt  }
0x43: {  	_ =	shalt  }
0x44: {  	_ =	shalt  }
0x45: {  	_ =	shalt  }
0x46: {  	_ =	shalt  }
0x47: {  	_ =	shalt  }
0x48: {  	_ =	shalt  }
0x49: {  	_ =	shalt  }
0x4a: {  	_ =	shalt  }
0x4b: {  	_ =	shalt  }
0x4c: {  	_ =	shalt  }
0x4d: {  	_ =	shalt  }
0x4e: {  	_ =	shalt  }
0x4f: {  	_ =	shalt  }
0x50: {  	_ =	shalt  }
0x51: {  	_ =	shalt  }
0x52: {  	_ =	shalt  }
0x53: {  	_ =	shalt  }
0x54: {  	_ =	shalt  }
0x55: {  	_ =	shalt  }
0x56: {  	_ =	shalt  }
0x57: {  	_ =	shalt  }
0x58: {  	_ =	shalt  }
0x59: {  	_ =	shalt  }
0x5a: {  	_ =	shalt  }
0x5b: {  	_ =	shalt  }
0x5c: {  	_ =	shalt  }
0x5d: {  	_ =	shalt  }
0x5e: {  	_ =	shalt  }
0x5f: {  	_ =	shalt  }
0x60: {  	_ =	shalt  }
0x61: {  	_ =	shalt  }
0x62: {  	_ =	shalt  }
0x63: {  	_ =	shalt  }
0x64: {  	_ =	shalt  }
0x65: {  	_ =	shalt  }
0x66: {  	_ =	shalt  }
0x67: {  	_ =	shalt  }
0x68: {  	_ =	shalt  }
0x69: {  	_ =	shalt  }
0x6a: {  	_ =	shalt  }
0x6b: {  	_ =	shalt  }
0x6c: {  	_ =	shalt  }
0x6d: {  	_ =	shalt  }
0x6e: {  	_ =	shalt  }
0x6f: {  	_ =	shalt  }
0x70: {  	_ =	shalt  }
0x71: {  	_ =	shalt  }
0x72: {  	_ =	shalt  }
0x73: {  	_ =	shalt  }
0x74: {  	_ =	shalt  }
0x75: {  	_ =	shalt  }
0x76: {  	_ =	shalt  }
0x77: {  	_ =	shalt  }
0x78: {  	_ =	shalt  }
0x79: {  	_ =	shalt  }
0x7a: {  	_ =	shalt  }
0x7b: {  	_ =	shalt  }
0x7c: {  	_ =	shalt  }
0x7d: {  	_ =	shalt  }
0x7e: {  	_ =	shalt  }
0x7f: {  	_ =	shalt  }
0x80: {  	_ =	shalt  }
0x81: {  	_ =	shalt  }
0x82: {  	_ =	shalt  }
0x83: {  	_ =	shalt  }
0x84: {  	_ =	shalt  }
0x85: {  	_ =	shalt  }
0x86: {  	_ =	shalt  }
0x87: {  	_ =	shalt  }
.Lfunc_end0:
.L_simem_size_0:
called_computation_lowered:
.L_overlay_start_0:
0x88: {  	s2 =	sld [smem:$0x3FD9]  }
0x89: {  	s3 =	sld [smem:$0x3FFE];
	_ =	sdelay $0x1  }
0x8a: {  	s1 =	srdreg.scid  }
0x8b: {  	s0 =	sand.u32 $0x1, s1  }
0x8c: {  	s17 =	sshll.u32 s0, $0xA;
	s2 =	sadd.s32 s3, s2  }
0x8d: {  	s2 =	sadd.s32 s2, s17  }
0x8e: {  	[smem:$0x3FBD] =	sst s2  }
0x8f: {  	_ = 	snop  }
0x90: {  	s2 =	sld [smem:$0x3FC8]  }
0x91: {  	s18 =	sld [smem:$0x3FC7]  }
0x92: {  	s4 =	sld [smem:$0x3FC6]  }
0x93: {  	s5 =	sld [smem:$0x3FC5];
	(tm) =	ssettm $0x1  }
0x94: {  	s6 =	sld [smem:$0x3FFB];
	_ =	sdelay $0x3  }
0x95: {  	_ =	strace s6  }
0x96: {  	s6 =	sld [smem:$0x3FFC];
	_ =	sdelay $0x3  }
0x97: {  	_ =	strace s6  }
0x98: {  	s6 =	sld [smem:$0x3FFD];
	_ =	sdelay $0x3  }
0x99: {  	_ =	strace s6  }
0x9a: {  	_ =	strace $0x8FFFFFFF  }
0x9b: {  	s19 =	sld [smem:$0x3FDB];
	_ =	sdelay $0x1  }
0x9c: {  	s7 =	simm.s32 $_scs_section_size  }
0x9d: {  	s8 =	simm.s32 $_size__tile_overlayer_lowered;
	s9 =	simm.s32 $_tile_overlayer_lowered  }
0x9e: {  	s22 =	simm.s32 $0x1BFF;
	s21 =	sshll.u32 s9, $0x1;
	s6 =	sadd.s32 s7, s19  }
0x9f: {  	s10 =	simm.s32 $0x0;
	s20 =	sshll.u32 s8, $0x1;
	s8 =	sadd.s32 s21, s6  }
0xa0: {  	[timem:s10], [sflag:s22] =	dma.local [hbm:s8], s20  }
0xa1: {  	_ =	swait.ge [sflag:s22], s20  }
0xa2: {  	s7 =	ssub.s32 $0x0, s20;
	[sflag:s22] =	ssyncset.done $0x0  }
0xa3: {  	[sflag:s22] =	ssyncadd.s32 s7;
	_ =	sdelay $0x1  }
0xa4: {  	s23 =	simm.s32 $0x1B8B  }
0xa5: {  	_ =	swait.ge [sflag:s23], $0x1  }
0xa6: {  	[sflag:s23] =	ssyncset.done $0x0  }
0xa7: {  	s25 =	simm.s32 $0x1B8E;
	s24 =	sld [smem:$0x3FFE];
	[sflag:s23] =	ssyncadd.s32 $0xFFFFFFFF  }
0xa8: {  	s26 =	simm.s32 $execute0_lowered;
	[smem:$0x3FD2] =	sst s25  }
0xa9: {  	s8 =	sshll.u32 s26, $0x1;
	_ =	strace $0x80000046;
	[dreg:$0x1] =	wrdreg $0xFFFFFFFF  }
0xaa: {  	s28 =	simm.s32 $_size_execute0_lowered;
	s6 =	sadd.s32 s6, s8;
	[dreg:$0x0] =	wrdreg $0x0  }
0xab: {  	s8 =	sshll.u32 s28, $0x1;
	[dreg:$0x2] =	wrdreg s6  }
0xac: {  	[dreg:$0x3] =	wrdreg s8  }
0xad: {  	[dreg:$0x4] =	wrdreg $0xC0  }
0xae: {  	_ =	task [dreg:s10], $0x5FFFF  }
0xaf: {  	[dreg:$0x1] =	wrdreg $0xFFFFFFFF  }
0xb0: {  	[dreg:$0x0] =	wrdreg $0x60  }
0xb1: {  	[dreg:$0x2] =	wrdreg s2  }
0xb2: {  	[dreg:$0x3] =	wrdreg s18  }
0xb3: {  	[dreg:$0x4] =	wrdreg s24  }
0xb4: {  	[dreg:$0x5] =	wrdreg s4  }
0xb5: {  	[dreg:$0x6] =	wrdreg s5  }
0xb6: {  	[dreg:$0x7] =	wrdreg $0x9  }
0xb7: {  	_ =	task.clear_ibuf [dreg:s10], $0x8FFFF;
	_ =	strace $0x90000046  }
0xb8: {  	s29 =	simm.s32 $0x9;
	_ =	strace $0x80000048  }
0xb9: {  	_ =	swait.ge [sflag:s29], $0x1  }
0xba: {  	[sflag:s29] =	ssyncadd.s32 $0xFFFFFFFF  }
0xbb: {  	_ =	strace $0x90000048  }
0xbc: {  	_ =	sfence  }
0xbd: {  	s30 =	sld [smem:$0x0];
	_ =	sdelay $0x2  }
0xbe: {  	s31 =	sshll.u32 s1, $0xD;
	s1 =	sshrl.u32 s1, $0x2  }
0xbf: {  	s3 =	sand.u32 $0x4000, s31;
	s1 =	sadd.s32 s1, s30  }
0xc0: {  	s0 =	sor.u32 s3, s0;
	s1 =	sshll.u32 s1, $0x11  }
0xc1: {  	s0 =	sor.u32 s1, s0  }
0xc2: {  	s0 =	sadd.s32 $0x8F2B, s0  }
0xc3: {  	[sflag:s0] =	ssyncadd.remote.s32 $0x1  }
0xc4: {  	_ =	sfence.sel $0xFFFF  }
0xc5: {  	[dreg:$0x0] =	wrdreg $0xFFFFFFFF;
	(pc) =	sbr.abs _section_cstart, $3  }
0xc6: {  	[dreg:$0x1] =	wrdreg $0xFFFFFFFF  }
0xc7: {  	_ =	task.clear_ibuf [dreg:s10], $0x2FFFF;
	_ =	strace $0x9FFFFFFF  }
0xc8: {  	(tm) =	ssettm $0x7FFFFFFF  }
0xc9: {  	_ =	shalt  }
tec
execute0_lowered:
.L_overlay_start_1:
0x0: {  	(tag) =	ssettag $0x1  }
0x1: {  	v0 =	vimm.s32 $0xFEDCBA9  }
0x2: {  	v1 =	vimm.s32 $0x87654321;
	v2 =	vimm.s32 $0x10FEDCBA;
	v3 =	vimm.s32 $0x98765432  }
0x3: {  	v4 =	vimm.s32 $0x210FEDCB;
	v5 =	vimm.s32 $0xA9876543;
	v6 =	vimm.s32 $0x3210FEDC  }
0x4: {  	v7 =	vimm.s32 $0xBA987654;
	v12 =	vimm.s32 $0x6543210F;
	v13 =	vimm.s32 $0xEDCBA987  }
0x5: {  	v0 =	vunpack.c.l.s4.s8 v0;
	v1 =	vunpack.c.l.s4.s8 v1;
	v2 =	vunpack.c.l.s4.s8 v2  }
0x6: {  	v3 =	vunpack.c.l.s4.s8 v3;
	v4 =	vunpack.c.l.s4.s8 v4;
	v5 =	vunpack.c.l.s4.s8 v5  }
0x7: {  	v6 =	vunpack.c.l.s4.s8 v6;
	v7 =	vunpack.c.l.s4.s8 v7;
	v12 =	vunpack.c.l.s4.s8 v12  }
0x8: {  	v13 =	vunpack.c.l.s4.s8 v13;
	v0 =	vunpack.c.0.s8.s32 v0;
	v1 =	vunpack.c.0.s8.s32 v1  }
0x9: {  	v2 =	vunpack.c.0.s8.s32 v2;
	v3 =	vunpack.c.0.s8.s32 v3;
	v4 =	vunpack.c.0.s8.s32 v4  }
0xa: {  	v5 =	vunpack.c.0.s8.s32 v5;
	v6 =	vunpack.c.0.s8.s32 v6;
	v50 =	vcombine.low v1, v0  }
0xb: {  	v7 =	vunpack.c.0.s8.s32 v7;
	v12 =	vunpack.c.0.s8.s32 v12;
	v51 =	vcombine.low v3, v2  }
0xc: {  	v13 =	vunpack.c.0.s8.s32 v13;
	v40 =	vcombine.low v5, v4;
	v10 =	vand.u32 $0xF, v50  }
0xd: {  	s11 =	rddreg [dreg:$0x0];
	v41 =	vcombine.low v7, v6;
	v52 =	vand.u32 $0xF, v51;
	[tilespmem:$0x1FE70] =	vst v10  }
0xe: {  	s1 =	rddreg [dreg:$0x1];
	s6 =	simm.s32 $0x0;
	v22 =	vcombine.low v13, v12;
	v53 =	vand.u32 $0xF, v40;
	[tilespmem:$0x1FE80] =	vst v52  }
0xf: {  	[smem:$0x7FF] =	sst s6;
	v46 =	vcombine.low v0, v1;
	v17 =	vand.u32 $0xF, v41;
	[tilespmem:$0x1FE90] =	vst v53  }
0x10: {  	s0 =	rddreg [dreg:$0x2];
	v25 =	vcombine.low v2, v3;
	v56 =	vand.u32 $0xF, v22;
	_ =	strace $0x80000047;
	[tilespmem:$0x1FEA0] =	vst v17  }
0x11: {  	v24 =	vlaneseq.u32;
	v47 =	vcombine.low v4, v5;
	v57 =	vand.u32 $0xF, v46;
	[tilespmem:$0x1FED0] =	vst v56  }
0x12: {  	v8 =	vimm.s32 $0x43210FED;
	v48 =	vcombine.low v6, v7;
	v58 =	vand.u32 $0xF, v25;
	[tilespmem:$0x1FEE0] =	vst v57  }
0x13: {  	v9 =	vimm.s32 $0xCBA98765;
	v12 =	vcombine.low v12, v13;
	v59 =	vand.u32 $0xF, v47;
	[tilespmem:$0x1FEF0] =	vst v58  }
0x14: {  	v8 =	vunpack.c.l.s4.s8 v8;
	v9 =	vunpack.c.l.s4.s8 v9;
	v60 =	vand.u32 $0xF, v48;
	[tilespmem:$0x1FF00] =	vst v59  }
0x15: {  	v16 =	vmul.u32 $0x80, v24;
	v63 =	vand.u32 $0xF, v12;
	[tilespmem:$0x1FF10] =	vst v60  }
0x16: {  	v14 =	vimm.s32 $0xFEDCBA98;
	v8 =	vunpack.c.0.s8.s32 v8;
	v9 =	vunpack.c.0.s8.s32 v9;
	[tilespmem:$0x1FF40] =	vst v63  }
0x17: {  	v15 =	vimm.s32 $0x76543210;
	v14 =	vunpack.c.l.s4.s8 v14;
	[tilespmem:$0x1FF50] =	vst v16  }
0x18: {  	v15 =	vunpack.c.l.s4.s8 v15;
	v42 =	vcombine.low v9, v8;
	[tilespmem:$0x1FF60] =	vst v40  }
0x19: {  	v14 =	vunpack.c.0.s8.s32 v14;
	[tilespmem:$0x1FF70] =	vst v41  }
0x1a: {  	v15 =	vunpack.c.0.s8.s32 v15;
	[tilespmem:$0x1FF80] =	vst v42  }
0x1b: {  	v14 =	vand.u32 $0xF, v14;
	[tilespmem:$0x1FF90] =	vst v46  }
0x1c: {  	v54 =	vimm.s32 $0x543210FE;
	v11 =	vimm.s32 $0xDCBA9876;
	s2 =	srdreg.scid;
	v23 =	vcombine.low v14, v15;
	[tilespmem:$0x1FFB0] =	vst v22  }
0x1d: {  	s3 =	stileid.u32;
	s10 =	simm.s32 $0x4;
	s13 =	simm.s32 $0x40;
	v11 =	vunpack.c.l.s4.s8 v11;
	v10 =	vunpack.c.l.s4.s8 v54;
	[tilespmem:$0x1FFD0] =	vst v25  }
0x1e: {  	s15 =	simm.s32 $0x11100;
	s17 =	simm.s32 $0x13100;
	s19 =	simm.s32 $0x15100;
	v17 =	vand.u32 $0xF, v42;
	[tilespmem:$0x1FFE0] =	vst v23  }
0x1f: {  	s21 =	simm.s32 $0x17100;
	s22 =	simm.s32 $0x2;
	s23 =	simm.s32 $0x19100;
	v11 =	vunpack.c.0.s8.s32 v11;
	v10 =	vunpack.c.0.s8.s32 v10;
	[tilespmem:$0x1FEB0] =	vst v17;
	v17 =	vcombine.low v8, v9  }
0x20: {  	s24 =	simm.s32 $0x1B100;
	s2 =	sand.u32 $0x1, s2;
	s3 =	sshll.u32 s3, $0x1;
	[tilespmem:$0x1FFF0] =	vst v12  }
0x21: {  	s25 =	simm.s32 $0x1;
	s26 =	simm.s32 $0x3;
	s3 =	sor.u32 s2, s3;
	v52 =	vcombine.low v11, v10;
	v39 =	vcombine.low v10, v11;
	v61 =	vand.u32 $0xF, v17;
	[tilespmem:$0x1FFA0] =	vst v17  }
0x22: {  	s2 =	ssub.s32 $0x2, s2;
	s4 =	sshll.u32 s3, $0xD;
	s3 =	smul.u32 $0x300, s3;
	[tilespmem:$0x1FF20] =	vst v61  }
0x23: {  	s29 =	simm.s32 $0x0;
	s5 =	sshrl.u32 s2, $0x1;
	s4 =	sadd.s32 s4, s0;
	v55 =	vand.u32 $0xF, v52;
	[tilespmem:$0x1FFC0] =	vst v39  }
0x24: {  	s2 =	ssub.s32 s2, s5;
	s0 =	sadd.s32 s3, s0;
	s31 =	sadd.s32 $0x1000, s4;
	v62 =	vand.u32 $0xF, v39;
	[tilespmem:$0x1FEC0] =	vst v55  }
0x25: {  	s9 =	smax.u32 s2, $0x1;
	s8 =	sadd.s32 $0x41000, s0;
	[dreg:$0x6] =	wrdreg s31;
	[tilespmem:$0x1FF30] =	vst v62  }
.LBB2_1:
0x26: {  	s0 =	rddreg [dreg:$0x6]  }
0x27: {  	[tilespmem:s6], [sflag:$0x4] =	stream.linear.gather [hbm4b:s0+s6], $0x10000, $0x38;
	[tilespmem:$0x1E900] =	vst v63  }
0x28: {  	_ =	swait.ge [sflag:s10], $0x10000  }
0x29: {  	[sflag:s10] =	ssyncset.done $0x0  }
0x2a: {  	[sflag:s10] =	ssyncadd.s32 $0xFFFF0000  }
0x2b: {  	s2 =	simm.s32 $0x11000;
	s28 =	rddreg [dreg:$0x3]  }
0x2c: {  	[tilespmem:s2], [sflag:$0x4] =	stream.linear.gather [hbm4b:s28+s6], $0x80, $0x38;
	[tilespmem:$0x1E900] =	vst v63  }
0x2d: {  	_ =	swait.ge [sflag:s10], $0x80  }
0x2e: {  	[sflag:s10] =	ssyncset.done $0x0  }
0x2f: {  	[sflag:s10] =	ssyncadd.s32 $0xFFFFFF80  }
0x30: {  	s31 =	simm.s32 $0x11080;
	s30 =	rddreg [dreg:$0x4]  }
0x31: {  	[tilespmem:s31], [sflag:$0x4] =	stream.linear.gather [hbm4b:s30+s6], $0x80, $0x38;
	[tilespmem:$0x1E900] =	vst v63  }
0x32: {  	_ =	swait.ge [sflag:s10], $0x80  }
0x33: {  	[sflag:s10] =	ssyncset.done $0x0  }
0x34: {  	[sflag:s10] =	ssyncadd.s32 $0xFFFFFF80  }
0x35: {  	v0 =	vld [tilespmem:$0x11000]  }
0x36: {  	v1 =	vld [tilespmem:$0x11010]  }
0x37: {  	v2 =	vld [tilespmem:$0x11020]  }
0x38: {  	v3 =	vld [tilespmem:$0x11030]  }
0x39: {  	v4 =	vld [tilespmem:$0x11040]  }
0x3a: {  	v5 =	vld [tilespmem:$0x11050];
	v0 =	vmul.f32 v0, v0  }
0x3b: {  	v6 =	vld [tilespmem:$0x11060];
	v1 =	vmul.f32 v1, v1  }
0x3c: {  	[tilespmem:$0x11000] =	vst v0;
	v0 =	vmul.f32 v2, v2;
	v2 =	vld [tilespmem:$0x11070]  }
0x3d: {  	[tilespmem:$0x11010] =	vst v1;
	v1 =	vmul.f32 v3, v3;
	v3 =	vld [tilespmem:$0x11080]  }
0x3e: {  	v58 =	vld [tilespmem:$0x11090];
	[tilespmem:$0x11020] =	vst v0;
	v0 =	vmul.f32 v4, v4  }
0x3f: {  	v59 =	vld [tilespmem:$0x110A0];
	[tilespmem:$0x11030] =	vst v1;
	v1 =	vmul.f32 v5, v5  }
0x40: {  	v60 =	vld [tilespmem:$0x110B0];
	[tilespmem:$0x11040] =	vst v0;
	v0 =	vmul.f32 v6, v6  }
0x41: {  	[tilespmem:$0x11050] =	vst v1;
	v1 =	vmul.f32 v2, v2;
	v2 =	vld [tilespmem:$0x110C0]  }
0x42: {  	[tilespmem:$0x11060] =	vst v0;
	v0 =	vmul.f32 v3, v3;
	v3 =	vld [tilespmem:$0x110D0]  }
0x43: {  	v61 =	vld [tilespmem:$0x110E0];
	[tilespmem:$0x11070] =	vst v1;
	v1 =	vmul.f32 v58, v58  }
0x44: {  	v62 =	vld [tilespmem:$0x110F0];
	[tilespmem:$0x11080] =	vst v0;
	v0 =	vmul.f32 v59, v59  }
0x45: {  	v63 =	vmov s6;
	[tilespmem:$0x11090] =	vst v1;
	v1 =	vmul.f32 v60, v60  }
0x46: {  	[tilespmem:$0x110A0] =	vst v0;
	v0 =	vmul.f32 v2, v2;
	v2 =	vshll.u32 v63, $0x7  }
0x47: {  	[tilespmem:$0x110B0] =	vst v1;
	v1 =	vmul.f32 v3, v3;
	v2 =	vor.u32 v16, v2  }
0x48: {  	[tilespmem:$0x110C0] =	vst v0;
	v0 =	vmul.f32 v61, v61  }
0x49: {  	[tilespmem:$0x110D0] =	vst v1;
	v1 =	vmul.f32 v62, v62  }
0x4a: {  	[tilespmem:$0x110E0] =	vst v0  }
0x4b: {  	s3 =	simm.s32 $0x200;
	s2 =	simm.s32 $0x10;
	[tilespmem:$0x110F0] =	vst v1  }
0x4c: {  	s5 =	simm.s32 $0x400;
	s4 =	simm.s32 $0x0;
	s7 =	simm.s32 $0x0;
	v1 =	vmov s2;
	v0 =	vld.idx.msk [tilespmem:v2+s6+$0x0], $0xffff  }
.LBB2_2:
0x4d: {  	p0 =	sne.s32 s5, $0x3E00;
	v1 =	vshll.u32 v1, $0x7  }
0x4e: {  	v2 =	vor.u32 v16, v1  }
.Ltmp0:
0x4f: {  	s0 =	sand.u32 $0x3800, s4;
	s4 =	smov.u32 s3;
	(pc) =	sbr.rel @p0 .LBB2_2-.Ltmp0, $4  }
0x50: {  	s3 =	sand.u32 $0x30, s7;
	s7 =	smov.u32 s2;
	s0 =	sshrl.u32 s0, $0x2  }
0x51: {  	s12 =	sor.u32 s3, s0;
	s3 =	smov.u32 s5  }
0x52: {  	s2 =	sadd.s32 $0x10, s2;
	s0 =	simm.s32 $0x0;
	[tilespmem:s12+$0x10000] =	vst v0  }
0x53: {  	v1 =	vmov s2;
	s5 =	sadd.s32 $0x200, s5;
	v0 =	vld.idx.msk [tilespmem:v2+s0+$0x0], $0xffff  }
0x54: {  	v1 =	vshll.u32 v1, $0x7  }
0x55: {  	v1 =	vor.u32 v16, v1  }
0x56: {  	s4 =	sand.u32 $0x3800, s4  }
0x57: {  	s5 =	sand.u32 $0x30, s7;
	s4 =	sshrl.u32 s4, $0x2  }
0x58: {  	s4 =	sor.u32 s5, s4  }
0x59: {  	[tilespmem:s4+$0x10000] =	vst v0  }
0x5a: {  	p2 =	por $0x1, $0x1;
	v1 =	vld.idx.msk [tilespmem:v1+s0+$0x0], $0xffff  }
.Ltmp1:
0x5b: {  	_ = 	snop;
	(pc) =	sbr.rel @!p2 .LBB2_8-.Ltmp1, $4  }
0x5c: {  	s3 =	sand.u32 $0x3800, s3  }
0x5d: {  	s2 =	sand.u32 $0x30, s2;
	s3 =	sshrl.u32 s3, $0x2  }
0x5e: {  	p0 =	por $0x0, $0x0;
	s7 =	simm.s32 $0x0;
	s2 =	sor.u32 s2, s3;
	v0 =	vmov s0  }
0x5f: {  	p1 =	por $0x0, $0x0;
	s3 =	simm.s32 $0x80;
	v2 =	vmov v0;
	[tilespmem:s2+$0x10000] =	vst v1;
	s2 =	simm.s32 $0x0  }
0x60: {  	v1 =	vshll.u32 v0, $0x7  }
0x61: {  	p2 =	por $0x1, $0x1;
	v1 =	vor.u32 v16, v1  }
.Ltmp2:
0x62: {  	v1 =	vor.u32 $0x1, v1;
	(pc) =	sbr.rel @!p2 .LBB2_5-.Ltmp2, $3  }
0x63: {  	_ =	sdelay $0x1  }
0x64: {  	s2 =	simm.s32 $0x10;
	s7 =	simm.s32 $0x100  }
0x65: {  	p1 =	por $0x1, $0x1;
	s5 =	simm.s32 $0x0;
	s4 =	simm.s32 $0x0;
	v2 =	vmov s2  }
.LBB2_6:
0x66: {  	p2 =	sne.s32 s7, $0xF80;
	v2 =	vshll.u32 v2, $0x7;
	v3 =	vld.idx.msk [tilespmem:v1+s0+$0x0], $0xffff  }
0x67: {  	v1 =	vor.u32 v16, v2  }
.Ltmp3:
0x68: {  	v1 =	vor.u32 $0x1, v1;
	(pc) =	sbr.rel @p2 .LBB2_6-.Ltmp3, $4  }
0x69: {  	_ = 	snop  }
0x6a: {  	s5 =	sand.u32 $0xE00, s5;
	s12 =	sand.u32 $0x30, s4;
	s4 =	smov.u32 s2  }
0x6b: {  	s2 =	sadd.s32 $0x10, s2;
	s12 =	sor.u32 s12, s5;
	s5 =	smov.u32 s3  }
0x6c: {  	v2 =	vmov s2;
	s3 =	smov.u32 s7;
	s7 =	sadd.s32 $0x80, s7;
	[tilespmem:s12+$0x10040] =	vst v3  }
0x6d: {  	s7 =	smov.u32 s3  }
.LBB2_8:
0x6e: {  	_ =	sdelay $0x2  }
0x6f: {  	v2 =	vshll.u32 v2, $0x7  }
0x70: {  	v1 =	vld.idx.msk @p1 [tilespmem:v1+s0+$0x0], $0xffff;
	v2 =	vor.u32 v16, v2  }
0x71: {  	v2 =	vor.u32 $0x1, v2;
	_ =	sdelay $0x1  }
0x72: {  	s3 =	sand.u32 @p1 $0xE00, s5;
	s4 =	sand.u32 @p1 $0x30, s4  }
0x73: {  	s3 =	sor.u32 @p1 s4, s3  }
0x74: {  	[tilespmem:s3+$0x10040] =	vst @p1 v1  }
0x75: {  	p1 =	por $0x1, $0x1;
	v1 =	vld.idx.msk [tilespmem:v2+s0+$0x0], $0xffff  }
.Ltmp4:
0x76: {  	_ = 	snop;
	(pc) =	sbr.rel @!p1 .LBB2_9-.Ltmp4, $4  }
0x77: {  	_ = 	snop  }
0x78: {  	s31 =	sand.u32 $0xE00, s7;
	s2 =	sand.u32 $0x30, s2  }
0x79: {  	s2 =	sor.u32 s2, s31  }
0x7a: {  	s3 =	simm.s32 $0x200;
	[tilespmem:s2+$0x10040] =	vst v1  }
0x7b: {  	v0 =	vshll.u32 v0, $0x7  }
0x7c: {  	p1 =	por $0x1, $0x1;
	v0 =	vor.u32 v16, v0  }
.Ltmp5:
0x7d: {  	_ = 	snop;
	(pc) =	sbr.rel @!p1 .LBB2_11-.Ltmp5, $3  }
0x7e: {  	_ =	sdelay $0x1  }
0x7f: {  	s5 =	simm.s32 $0x0;
	s4 =	simm.s32 $0x10  }
0x80: {  	s7 =	simm.s32 $0x400;
	p0 =	por $0x1, $0x1;
	s2 =	simm.s32 $0x0;
	v1 =	vld.idx.msk [tilespmem:v0+s5+$0x0], $0xffff;
	v0 =	vmov s4  }
.LBB2_12:
0x81: {  	p1 =	sne.s32 s7, $0x3E00;
	v0 =	vshll.u32 v0, $0x7  }
0x82: {  	v0 =	vor.u32 v16, v0  }
0x83: {  	s12 =	sand.u32 $0x3800, s0;
	s0 =	smov.u32 s3;
	s3 =	smov.u32 s7  }
.Ltmp6:
0x84: {  	s2 =	sand.u32 $0x30, s2;
	s12 =	sshrl.u32 s12, $0x2;
	(pc) =	sbr.rel @p1 .LBB2_12-.Ltmp6, $4  }
0x85: {  	s12 =	sor.u32 s2, s12;
	s2 =	smov.u32 s4;
	v1 =	vadd.s32 $0x186A0, v1  }
0x86: {  	[tilespmem:s12+$0x10080] =	vst v1  }
0x87: {  	s4 =	sadd.s32 $0x10, s4;
	v1 =	vld.idx.msk [tilespmem:v0+s5+$0x0], $0xffff  }
0x88: {  	s7 =	sadd.s32 $0x200, s7;
	v0 =	vmov s4  }
0x89: {  	s5 =	smov.u32 s0;
	s0 =	smov.u32 s4  }
.LBB2_14:
0x8a: {  	v0 =	vshll.u32 v0, $0x7  }
0x8b: {  	v0 =	vor.u32 v16, v0  }
0x8c: {  	s4 =	sand.u32 @p0 $0x3800, s5  }
0x8d: {  	s2 =	sand.u32 @p0 $0x30, s2;
	s4 =	sshrl.u32 @p0 s4, $0x2  }
0x8e: {  	v1 =	vadd.s32 @p0 $0x186A0, v1;
	s4 =	sor.u32 @p0 s2, s4  }
0x8f: {  	s2 =	simm.s32 $0x0;
	[tilespmem:s4+$0x10080] =	vst @p0 v1  }
0x90: {  	v0 =	vld.idx.msk [tilespmem:v0+s2+$0x0], $0xffff  }
0x91: {  	p2 =	por $0x1, $0x1  }
.Ltmp7:
0x92: {  	_ = 	snop;
	(pc) =	sbr.rel @!p2 .LBB2_19-.Ltmp7, $4  }
0x93: {  	s3 =	sand.u32 $0x3800, s3  }
0x94: {  	s0 =	sand.u32 $0x30, s0;
	s3 =	sshrl.u32 s3, $0x2  }
0x95: {  	s7 =	simm.s32 $0x0;
	p1 =	por $0x0, $0x0;
	s0 =	sor.u32 s0, s3;
	v1 =	vadd.s32 $0x186A0, v0;
	v0 =	vmov s2  }
0x96: {  	s3 =	simm.s32 $0x80;
	p0 =	por $0x0, $0x0;
	[tilespmem:s0+$0x10080] =	vst v1;
	v2 =	vmov v0;
	s0 =	simm.s32 $0x0  }
0x97: {  	v1 =	vshll.u32 v0, $0x7  }
0x98: {  	v1 =	vor.u32 v16, v1  }
0x99: {  	p2 =	por $0x1, $0x1;
	v1 =	vor.u32 $0x1, v1  }
.Ltmp8:
0x9a: {  	_ = 	snop;
	(pc) =	sbr.rel @!p2 .LBB2_16-.Ltmp8, $3  }
0x9b: {  	_ =	sdelay $0x1  }
0x9c: {  	s0 =	simm.s32 $0x10;
	s7 =	simm.s32 $0x100  }
0x9d: {  	p1 =	por $0x1, $0x1;
	s5 =	simm.s32 $0x0;
	s4 =	simm.s32 $0x0;
	v2 =	vmov s0;
	v1 =	vld.idx.msk [tilespmem:v1+s2+$0x0], $0xffff  }
.LBB2_17:
0x9e: {  	p2 =	sne.s32 s7, $0xF80;
	v2 =	vshll.u32 v2, $0x7  }
0x9f: {  	v2 =	vor.u32 v16, v2  }
0xa0: {  	v3 =	vor.u32 $0x1, v2  }
.Ltmp9:
0xa1: {  	(pc) =	sbr.rel @p2 .LBB2_17-.Ltmp9, $4  }
0xa2: {  	s5 =	sand.u32 $0xE00, s5;
	s12 =	sand.u32 $0x30, s4;
	s4 =	smov.u32 s0  }
0xa3: {  	s12 =	sor.u32 s12, s5;
	s5 =	smov.u32 s3;
	s3 =	smov.u32 s7;
	v1 =	vadd.s32 $0x186A0, v1  }
0xa4: {  	s0 =	sadd.s32 $0x10, s0;
	[tilespmem:s12+$0x100C0] =	vst v1  }
0xa5: {  	s7 =	sadd.s32 $0x80, s7;
	v2 =	vmov s0;
	v1 =	vld.idx.msk [tilespmem:v3+s2+$0x0], $0xffff  }
0xa6: {  	s7 =	smov.u32 s3  }
.LBB2_19:
0xa7: {  	v2 =	vshll.u32 v2, $0x7  }
0xa8: {  	v2 =	vor.u32 v16, v2  }
0xa9: {  	v2 =	vor.u32 $0x1, v2;
	_ =	sdelay $0x1  }
0xaa: {  	s3 =	sand.u32 @p1 $0xE00, s5;
	s4 =	sand.u32 @p1 $0x30, s4  }
0xab: {  	s3 =	sor.u32 @p1 s4, s3;
	v1 =	vadd.s32 @p1 $0x186A0, v1  }
0xac: {  	[tilespmem:s3+$0x100C0] =	vst @p1 v1  }
0xad: {  	v1 =	vld.idx.msk [tilespmem:v2+s2+$0x0], $0xffff  }
0xae: {  	p1 =	por $0x1, $0x1  }
.Ltmp10:
0xaf: {  	_ = 	snop;
	(pc) =	sbr.rel @!p1 .LBB2_20-.Ltmp10, $4  }
0xb0: {  	_ = 	snop  }
0xb1: {  	s31 =	sand.u32 $0xE00, s7;
	s0 =	sand.u32 $0x30, s0  }
0xb2: {  	s0 =	sor.u32 s0, s31;
	v1 =	vadd.s32 $0x186A0, v1  }
0xb3: {  	[tilespmem:s0+$0x100C0] =	vst v1;
	s0 =	simm.s32 $0x200  }
0xb4: {  	v0 =	vshll.u32 v0, $0x7  }
0xb5: {  	p1 =	por $0x1, $0x1;
	v0 =	vor.u32 v16, v0  }
.Ltmp11:
0xb6: {  	_ = 	snop;
	(pc) =	sbr.rel @!p1 .LBB2_22-.Ltmp11, $3  }
0xb7: {  	_ =	sdelay $0x1  }
0xb8: {  	s5 =	simm.s32 $0x0;
	s4 =	simm.s32 $0x10  }
0xb9: {  	s7 =	simm.s32 $0x400;
	p0 =	por $0x1, $0x1;
	s3 =	simm.s32 $0x0;
	v1 =	vld.idx.msk [tilespmem:v0+s5+$0x0], $0xffff;
	v0 =	vmov s4  }
.LBB2_23:
0xba: {  	p1 =	sne.s32 s7, $0x3E00;
	v0 =	vshll.u32 v0, $0x7  }
0xbb: {  	v0 =	vor.u32 v16, v0  }
0xbc: {  	s12 =	sand.u32 $0x3800, s2;
	s2 =	smov.u32 s0;
	s0 =	smov.u32 s7  }
.Ltmp12:
0xbd: {  	s3 =	sand.u32 $0x30, s3;
	s12 =	sshrl.u32 s12, $0x2;
	(pc) =	sbr.rel @p1 .LBB2_23-.Ltmp12, $4  }
0xbe: {  	s12 =	sor.u32 s3, s12;
	s3 =	smov.u32 s4;
	v1 =	vadd.s32 $0x30D40, v1  }
0xbf: {  	[tilespmem:s12+$0x10100] =	vst v1  }
0xc0: {  	s4 =	sadd.s32 $0x10, s4;
	v1 =	vld.idx.msk [tilespmem:v0+s5+$0x0], $0xffff  }
0xc1: {  	s7 =	sadd.s32 $0x200, s7;
	v0 =	vmov s4  }
0xc2: {  	s5 =	smov.u32 s2;
	s2 =	smov.u32 s4  }
.LBB2_25:
0xc3: {  	v0 =	vshll.u32 v0, $0x7  }
0xc4: {  	v0 =	vor.u32 v16, v0  }
0xc5: {  	s4 =	sand.u32 @p0 $0x3800, s5  }
0xc6: {  	s3 =	sand.u32 @p0 $0x30, s3;
	s4 =	sshrl.u32 @p0 s4, $0x2  }
0xc7: {  	v1 =	vadd.s32 @p0 $0x30D40, v1;
	s3 =	sor.u32 @p0 s3, s4  }
0xc8: {  	s30 =	simm.s32 $0x0;
	[tilespmem:s3+$0x10100] =	vst @p0 v1  }
0xc9: {  	v0 =	vld.idx.msk [tilespmem:v0+s30+$0x0], $0xffff  }
0xca: {  	p1 =	por $0x1, $0x1  }
.Ltmp13:
0xcb: {  	_ = 	snop;
	(pc) =	sbr.rel @!p1 .LBB2_26-.Ltmp13, $4  }
0xcc: {  	s0 =	sand.u32 $0x3800, s0  }
0xcd: {  	s2 =	sand.u32 $0x30, s2;
	s0 =	sshrl.u32 s0, $0x2  }
0xce: {  	s0 =	sor.u32 s2, s0;
	v0 =	vadd.s32 $0x30D40, v0  }
0xcf: {  	v1 =	vmov s30;
	p0 =	por $0x0, $0x0;
	[tilespmem:s0+$0x10100] =	vst v0;
	s0 =	simm.s32 $0x80  }
0xd0: {  	v0 =	vshll.u32 v1, $0x7  }
0xd1: {  	v0 =	vor.u32 v16, v0  }
0xd2: {  	p1 =	por $0x1, $0x1;
	v0 =	vor.u32 $0x1, v0  }
.Ltmp14:
0xd3: {  	_ = 	snop;
	(pc) =	sbr.rel @!p1 .LBB2_28-.Ltmp14, $3  }
0xd4: {  	_ =	sdelay $0x1  }
0xd5: {  	s2 =	simm.s32 $0x10;
	s5 =	simm.s32 $0x100  }
0xd6: {  	p0 =	por $0x1, $0x1;
	s4 =	simm.s32 $0x0;
	s3 =	simm.s32 $0x0;
	v1 =	vmov s2;
	v0 =	vld.idx.msk [tilespmem:v0+s6+$0x0], $0xffff  }
.LBB2_29:
0xd7: {  	p1 =	sne.s32 s5, $0xF80;
	v1 =	vshll.u32 v1, $0x7  }
0xd8: {  	v1 =	vor.u32 v16, v1  }
0xd9: {  	v2 =	vor.u32 $0x1, v1  }
.Ltmp15:
0xda: {  	(pc) =	sbr.rel @p1 .LBB2_29-.Ltmp15, $4  }
0xdb: {  	s4 =	sand.u32 $0xE00, s4;
	s7 =	sand.u32 $0x30, s3;
	s3 =	smov.u32 s2  }
0xdc: {  	s7 =	sor.u32 s7, s4;
	s4 =	smov.u32 s0;
	s0 =	smov.u32 s5;
	v0 =	vadd.s32 $0x30D40, v0  }
0xdd: {  	s2 =	sadd.s32 $0x10, s2;
	[tilespmem:s7+$0x10140] =	vst v0  }
0xde: {  	s5 =	sadd.s32 $0x80, s5;
	v1 =	vmov s2;
	v0 =	vld.idx.msk [tilespmem:v2+s6+$0x0], $0xffff  }
.LBB2_30:
0xdf: {  	v1 =	vshll.u32 v1, $0x7  }
0xe0: {  	v1 =	vor.u32 v16, v1  }
0xe1: {  	v1 =	vor.u32 $0x1, v1;
	_ =	sdelay $0x1  }
0xe2: {  	s4 =	sand.u32 @p0 $0xE00, s4;
	s3 =	sand.u32 @p0 $0x30, s3  }
0xe3: {  	s3 =	sor.u32 @p0 s3, s4;
	v0 =	vadd.s32 @p0 $0x30D40, v0  }
0xe4: {  	[tilespmem:s3+$0x10140] =	vst @p0 v0  }
0xe5: {  	v0 =	vld.idx.msk [tilespmem:v1+s6+$0x0], $0xffff;
	_ =	sdelay $0x3  }
0xe6: {  	s0 =	sand.u32 $0xE00, s0;
	s2 =	sand.u32 $0x30, s2  }
0xe7: {  	s0 =	sor.u32 s2, s0;
	v0 =	vadd.s32 $0x30D40, v0  }
0xe8: {  	s18 =	simm.s32 $0x10000;
	[tilespmem:s0+$0x10140] =	vst v0  }
0xe9: {  	[tilespmem:s15], [sflag:$0x1] =	stream.indirect.gather [hbm4b:s11+s13], $0x80, s18, s13, $0xb8;
	[tilespmem:$0x1E900] =	vst v63  }
0xea: {  	s20 =	simm.s32 $0x10040  }
0xeb: {  	[tilespmem:s17], [sflag:$0x1] =	stream.indirect.gather [hbm4b:s11+s13], $0x80, s20, s13, $0xb8;
	[tilespmem:$0x1E900] =	vst v63  }
0xec: {  	s28 =	simm.s32 $0x10200  }
0xed: {  	[tilespmem:s19], [sflag:$0x2] =	stream.indirect.gather [hbm4b:s11+s13], $0x80, s28, s13, $0xb8;
	[tilespmem:$0x1E900] =	vst v63  }
0xee: {  	s31 =	simm.s32 $0x10240  }
0xef: {  	[tilespmem:s21], [sflag:$0x2] =	stream.indirect.gather [hbm4b:s11+s13], $0x80, s31, s13, $0xb8;
	[tilespmem:$0x1E900] =	vst v63  }
.LBB2_31:
0xf0: {  	s2 =	smul.u32 $0x3, s30;
	p0 =	slt.u32 s30, $0x8;
	s0 =	simm.s32 $0x2  }
0xf1: {  	s0 =	simm.s32 @!p0 $0xFFFFFFEA  }
0xf2: {  	s3 =	sadd.s32 s0, s2  }
0xf3: {  	s5 =	sshrl.u32 s3, $0x3  }
0xf4: {  	s0 =	sshll.u32 s3, $0x9;
	s4 =	sshll.u32 s5, $0x9  }
0xf5: {  	s0 =	sand.u32 $0xE00, s0;
	s4 =	sshra.s32 s4, $0x2  }
0xf6: {  	s0 =	sadd.s32 s4, s0;
	s4 =	smov.u32 s1  }
0xf7: {  	s0 =	sadd.s32 $0x10000, s0;
	s4 =	smov.u32 @p0 s11  }
0xf8: {  	[tilespmem:s23], [sflag:$0x3] =	stream.indirect.gather [hbm4b:s4+s13], $0x80, s0, s13, $0xb8;
	[tilespmem:$0x1E900] =	vst v63  }
0xf9: {  	s18 =	sshrl.u32 s30, $0x3;
	s7 =	sadd.s32 $0xFFFFFFE8, s2;
	s0 =	sor.u32 $0x40, s0  }
0xfa: {  	[tilespmem:s24], [sflag:$0x3] =	stream.indirect.gather [hbm4b:s4+s13], $0x80, s0, s13, $0xb8;
	[tilespmem:$0x1E900] =	vst v63  }
0xfb: {  	s7 =	smov.u32 @p0 s2;
	s4 =	smul.u32 $0x3, s18  }
0xfc: {  	s12 =	sshrl.u32 s7, $0x3  }
0xfd: {  	s12 =	sadd.s32 s4, s12  }
0xfe: {  	s7 =	sshll.u32 s7, $0x6;
	s12 =	sshll.u32 s12, $0xA  }
0xff: {  	s14 =	sand.u32 $0x180, s7;
	_ =	swait.ge [sflag:s25], $0x2000;
	s12 =	sand.u32 $0x3FFFFC00, s12  }
0x100: {  	[sflag:s25] =	ssyncset.done $0x0;
	s31 =	sor.u32 s14, s12  }
0x101: {  	s20 =	sshll.u32 s30, $0x4;
	[sflag:s25] =	ssyncadd.s32 $0xFFFFE000;
	s12 =	sadd.s32 $0x1D100, s31  }
0x102: {  	s0 =	sand.u32 $0x3FFFFF80, s20;
	_ =	swait.ge [sflag:s25], $0x2000;
	s14 =	sadd.s32 $0x1D300, s31;
	v0 =	vmov s12  }
0x103: {  	s28 =	sadd.s32 $0x11000, s0;
	[sflag:s25] =	ssyncset.done $0x0;
	v63 =	vmov s14;
	[tilespmem:$0x1FE50] =	vst v0  }
0x104: {  	s0 =	sand.u32 $0x40, s7;
	[sflag:s25] =	ssyncadd.s32 $0xFFFFE000;
	s12 =	simm.s32 $0x0;
	[tilespmem:$0x1FE60] =	vst v63  }
.LBB2_32:
0x105: {  	v1 =	vld [tilespmem:$0x1FF30]  }
0x106: {  	s14 =	sshll.u32 s12, $0x4  }
0x107: {  	v2 =	vld [tilespmem:$0x1FF00];
	v0 =	vmov s14  }
0x108: {  	v3 =	vld [tilespmem:$0x1FF20];
	v0 =	vshll.u32 v0, $0x7  }
0x109: {  	v4 =	vld [tilespmem:$0x1FF10];
	v0 =	vor.u32 v16, v0  }
0x10a: {  	s7 =	simm.s32 $0x0;
	v8 =	vld [tilespmem:$0x1FE70];
	v1 =	vor.u32 v1, v0  }
0x10b: {  	[tilespmem:$0x1FD50] =	vst v1;
	v1 =	vor.u32 s7, v1  }
0x10c: {  	v2 =	vor.u32 v2, v0  }
0x10d: {  	[tilespmem:$0x1FD60] =	vst v2;
	v2 =	vor.u32 s7, v2  }
0x10e: {  	v5 =	vor.u32 v3, v0;
	v3 =	vld [tilespmem:s28+$0x0];
	v6 =	vor.u32 v4, v0  }
0x10f: {  	v21 =	vor.u32 v8, v0;
	v8 =	vld [tilespmem:$0x1FF40];
	[tilespmem:$0x1FD80] =	vst v6;
	v6 =	vor.u32 s7, v6  }
0x110: {  	[tilespmem:$0x1FD70] =	vst v5;
	v4 =	vor.u32 s7, v5;
	v5 =	vld.idx.msk [tilespmem:v1+s17+$0x0], $0xffff  }
0x111: {  	v1 =	vld.idx.msk [tilespmem:v1+s15+$0x0], $0xffff  }
0x112: {  	v7 =	vld.idx.msk [tilespmem:v2+s15+$0x0], $0xffff  }
0x113: {  	v2 =	vld.idx.msk [tilespmem:v2+s17+$0x0], $0xffff  }
0x114: {  	v13 =	vld.idx.msk [tilespmem:v6+s17+$0x0], $0xffff  }
0x115: {  	v19 =	vld.idx.msk [tilespmem:v6+s15+$0x0], $0xffff  }
0x116: {  	v6 =	vld [tilespmem:$0x1FE80]  }
0x117: {  	v11 =	vperm.xlane v3, v39;
	v10 =	vld.idx.msk [tilespmem:v4+s15+$0x0], $0xffff  }
0x118: {  	v9 =	vperm.xlane v3, v48;
	v15 =	vperm.xlane v3, v47;
	v8 =	vor.u32 v8, v0  }
0x119: {  	v16 =	vperm.xlane v3, v17;
	[tilespmem:$0x1FD90] =	vst v8;
	v20 =	vor.u32 s7, v8;
	v8 =	vld [tilespmem:$0x1FEB0];
	v17 =	vmul.f32 v1, v11  }
0x11a: {  	[tilespmem:$0x1FDA0] =	vst v21;
	v21 =	vor.u32 s7, v21;
	v4 =	vld.idx.msk [tilespmem:v4+s17+$0x0], $0xffff;
	v18 =	vmul.f32 v7, v15;
	v15 =	vmul.f32 v2, v15  }
0x11b: {  	v27 =	vor.u32 v6, v0;
	v6 =	vmul.f32 v13, v9;
	v33 =	vmul.f32 v17, v1  }
0x11c: {  	v1 =	vmul.f32 v10, v16;
	v37 =	vmul.f32 v2, v18  }
0x11d: {  	v44 =	vmul.f32 v6, v13;
	v36 =	vmul.f32 v18, v7;
	v6 =	vld [tilespmem:$0x1FE90]  }
0x11e: {  	v8 =	vor.u32 v8, v0;
	v49 =	vmul.f32 v1, v10;
	v10 =	vmul.f32 v5, v11;
	v11 =	vld.idx.msk [tilespmem:v20+s15+$0x0], $0xffff  }
0x11f: {  	v7 =	vmul.f32 v19, v9;
	v9 =	vor.u32 s7, v8;
	v16 =	vmul.f32 v4, v16;
	v20 =	vld.idx.msk [tilespmem:v20+s17+$0x0], $0xffff  }
0x120: {  	v62 =	vmul.f32 v15, v2;
	v43 =	vmul.f32 v4, v1;
	v1 =	vld.idx.msk [tilespmem:v21+s17+$0x0], $0xffff  }
0x121: {  	v2 =	vor.u32 s7, v27;
	v45 =	vmul.f32 v7, v19;
	v39 =	vmul.f32 v13, v7;
	v7 =	vld [tilespmem:$0x1FEA0]  }
0x122: {  	v54 =	vmul.f32 v16, v4;
	v4 =	vld [tilespmem:$0x1FED0]  }
0x123: {  	v53 =	vmul.f32 v10, v5;
	v10 =	vld.idx.msk [tilespmem:v21+s15+$0x0], $0xffff  }
0x124: {  	v26 =	vor.u32 v24, v0;
	v55 =	vld.idx.msk [tilespmem:v9+s17+$0x0], $0xffff  }
0x125: {  	[tilespmem:$0x1FDB0] =	vst v8;
	v8 =	vor.u32 v6, v0;
	v6 =	vperm.xlane v3, v22;
	v22 =	vor.u32 s7, v26;
	v57 =	vld.idx.msk [tilespmem:v9+s15+$0x0], $0xffff  }
0x126: {  	v31 =	vperm.xlane v3, v40;
	[tilespmem:$0x1FDE0] =	vst v27;
	v27 =	vld.idx.msk [tilespmem:v2+s17+$0x0], $0xffff  }
0x127: {  	v35 =	vperm.xlane v3, v46;
	v38 =	vperm.xlane v3, v41;
	v29 =	vld.idx.msk [tilespmem:v2+s15+$0x0], $0xffff;
	v18 =	vor.u32 s7, v8  }
0x128: {  	v14 =	vperm.xlane v3, v42;
	v34 =	vmul.f32 v5, v17;
	[tilespmem:$0x1FDC0] =	vst v8;
	v8 =	vor.u32 v7, v0;
	v7 =	vld [tilespmem:$0x1FEC0]  }
0x129: {  	v17 =	vperm.xlane v3, v24;
	v5 =	vperm.xlane v3, v12;
	v15 =	vor.u32 v4, v0;
	v4 =	vld [tilespmem:$0x1FEE0]  }
0x12a: {  	v16 =	vperm.xlane v3, v50;
	v19 =	vperm.xlane v3, v25;
	v25 =	vld.idx.msk [tilespmem:v22+s17+$0x0], $0xffff  }
0x12b: {  	[tilespmem:$0x1FDD0] =	vst v26;
	v13 =	vmul.f32 v11, v5;
	v5 =	vmul.f32 v20, v5;
	v61 =	vld.idx.msk [tilespmem:v22+s15+$0x0], $0xffff  }
0x12c: {  	v24 =	vor.u32 v23, v0;
	v9 =	vperm.xlane v3, v52;
	v26 =	vmul.f32 v1, v16;
	v21 =	vld.idx.msk [tilespmem:v18+s15+$0x0], $0xffff  }
0x12d: {  	v56 =	vmul.f32 v13, v11;
	v5 =	vmul.f32 v5, v20;
	v11 =	vld.idx.msk [tilespmem:v18+s17+$0x0], $0xffff;
	v18 =	vor.u32 s7, v8  }
0x12e: {  	v63 =	vmul.f32 v26, v1;
	v58 =	vmul.f32 v20, v13;
	v13 =	vor.u32 s7, v15  }
0x12f: {  	v12 =	vor.u32 v7, v0;
	v7 =	vperm.xlane v3, v23;
	v3 =	vperm.xlane v3, v51  }
0x130: {  	[tilespmem:$0x1FE00] =	vst v15;
	v2 =	vmul.f32 v55, v14;
	v15 =	vmul.f32 v57, v14;
	v23 =	vor.u32 v4, v0;
	v4 =	vld [tilespmem:$0x1FEF0]  }
0x131: {  	v32 =	vmul.f32 v27, v3;
	v3 =	vmul.f32 v29, v3  }
0x132: {  	v14 =	vmul.f32 v25, v17;
	v17 =	vmul.f32 v61, v17;
	v28 =	vld.idx.msk [tilespmem:v18+s15+$0x0], $0xffff  }
0x133: {  	v60 =	vimm.f32 $0.0e+00;
	v20 =	vmul.f32 v21, v31;
	v30 =	vld.idx.msk [tilespmem:v18+s17+$0x0], $0xffff;
	v18 =	vmul.f32 v11, v31  }
0x134: {  	[tilespmem:$0x1FDF0] =	vst v8;
	v8 =	vor.u32 s7, v23;
	v26 =	vmul.f32 v32, v27;
	v27 =	vmul.f32 v27, v3  }
0x135: {  	v32 =	vmul.f32 v3, v29;
	v4 =	vor.u32 v4, v0;
	v0 =	vmul.f32 v10, v16  }
0x136: {  	[tilespmem:$0x1FE40] =	vst v2;
	v16 =	vor.u32 s7, v12;
	v31 =	vmul.f32 v14, v25;
	v2 =	vmul.f32 v20, v21  }
0x137: {  	[tilespmem:$0x1FE10] =	vst v12;
	v3 =	vld [tilespmem:$0x1FE40];
	v21 =	vor.u32 s7, v4;
	v1 =	vmul.f32 v1, v0;
	v0 =	vmul.f32 v0, v10  }
0x138: {  	v12 =	vld.idx.msk [tilespmem:v13+s15+$0x0], $0xffff;
	v22 =	vmul.f32 v18, v11;
	v14 =	vmul.f32 v11, v20;
	v11 =	vadd.f32 v31, v60  }
0x139: {  	v20 =	vmul.f32 v25, v17;
	v25 =	vld.idx.msk [tilespmem:v8+s15+$0x0], $0xffff;
	v0 =	vadd.f32 v0, v60  }
0x13a: {  	v59 =	vmov v24;
	[tilespmem:$0x1FE20] =	vst v4;
	v10 =	vor.u32 s7, v24;
	v18 =	vadd.f32 v26, v11;
	v26 =	vld.idx.msk [tilespmem:v8+s17+$0x0], $0xffff  }
0x13b: {  	v4 =	vadd.f32 v63, v60;
	v24 =	vmul.f32 v17, v61;
	v2 =	vadd.f32 v2, v0;
	v0 =	vld.idx.msk [tilespmem:v13+s17+$0x0], $0xffff  }
0x13c: {  	[tilespmem:$0x1FE30] =	vst v23;
	v17 =	vmul.f32 v15, v57;
	v23 =	vmul.f32 v3, v55;
	v31 =	vld.idx.msk [tilespmem:v21+s15+$0x0], $0xffff  }
0x13d: {  	v3 =	vmul.f32 v55, v15;
	v11 =	vadd.f32 v22, v4;
	v29 =	vld.idx.msk [tilespmem:v21+s17+$0x0], $0xffff;
	v21 =	vmul.f32 v12, v6  }
0x13e: {  	v1 =	vadd.f32 v1, v60;
	v4 =	vmul.f32 v28, v38;
	v38 =	vmul.f32 v30, v38;
	v13 =	vld.idx.msk [tilespmem:v16+s15+$0x0], $0xffff  }
0x13f: {  	v8 =	vadd.f32 v20, v60;
	v11 =	vadd.f32 v23, v11;
	v22 =	vld.idx.msk [tilespmem:v10+s15+$0x0], $0xffff;
	v15 =	vmul.f32 v21, v12  }
0x140: {  	s16 =	simm.s32 $0x10;
	s18 =	smov.u32 s28;
	v10 =	vld.idx.msk [tilespmem:v10+s17+$0x0], $0xffff;
	v12 =	vadd.f32 v24, v60;
	v20 =	vmul.f32 v0, v21;
	v21 =	vmul.f32 v38, v30  }
.LBB2_33:
0x141: {  	v24 =	vld [tilespmem:$0x1FD50]  }
0x142: {  	v16 =	vld.idx.msk [tilespmem:v16+s17+$0x0], $0xffff  }
0x143: {  	v1 =	vadd.f32 v14, v1;
	v6 =	vmul.f32 v0, v6;
	v18 =	vadd.f32 v21, v18;
	v21 =	vld [tilespmem:$0x1FD80]  }
0x144: {  	v14 =	vmul.f32 v4, v28;
	v2 =	vadd.f32 v17, v2;
	v4 =	vmul.f32 v30, v4  }
0x145: {  	s20 =	smov.u32 s16;
	v12 =	vadd.f32 v32, v12;
	v23 =	vmul.f32 v31, v19;
	v1 =	vadd.f32 v3, v1  }
0x146: {  	v17 =	vld [tilespmem:$0x1FD60];
	v3 =	vmul.f32 v29, v19;
	v0 =	vmul.f32 v6, v0;
	v24 =	vor.u32 s20, v24  }
0x147: {  	s18 =	sadd.s32 $0x10, s18;
	v55 =	vld [tilespmem:$0x1FD90];
	v2 =	vadd.f32 v15, v2;
	v15 =	vmul.f32 v16, v9;
	v9 =	vmul.f32 v13, v9  }
0x148: {  	v30 =	vld [tilespmem:s18+$0x0];
	v28 =	vmul.f32 v23, v31;
	v6 =	vmul.f32 v22, v7;
	v21 =	vor.u32 s20, v21  }
0x149: {  	v12 =	vadd.f32 v14, v12;
	v15 =	vmul.f32 v15, v16;
	v14 =	vmul.f32 v16, v9;
	v16 =	vld [tilespmem:$0x1FE00]  }
0x14a: {  	v1 =	vadd.f32 v20, v1;
	v0 =	vadd.f32 v0, v11;
	v7 =	vmul.f32 v10, v7;
	v11 =	vld [tilespmem:$0x1FD70]  }
0x14b: {  	v19 =	vmul.f32 v29, v23;
	v17 =	vor.u32 s20, v17;
	v31 =	vmul.f32 v6, v22;
	v20 =	vld.idx.msk [tilespmem:v24+s17+$0x0], $0xffff  }
0x14c: {  	v7 =	vmul.f32 v7, v10;
	v23 =	vld.idx.msk [tilespmem:v24+s15+$0x0], $0xffff;
	v24 =	vmul.f32 v10, v6;
	v6 =	vadd.f32 v15, v18  }
0x14d: {  	v8 =	vadd.f32 v27, v8;
	v27 =	vperm.xlane v30, v40;
	v40 =	vld.idx.msk [tilespmem:v21+s17+$0x0], $0xffff  }
0x14e: {  	v3 =	vmul.f32 v3, v29;
	v29 =	vor.u32 s20, v16;
	v16 =	vld [tilespmem:$0x1FFC0];
	v6 =	vadd.f32 v7, v6  }
0x14f: {  	v4 =	vadd.f32 v4, v8;
	v22 =	vperm.xlane v30, v41  }
0x150: {  	v41 =	vor.u32 s20, v55;
	v55 =	vmul.f32 v26, v35;
	v18 =	vld.idx.msk [tilespmem:v17+s15+$0x0], $0xffff;
	v3 =	vadd.f32 v3, v6  }
0x151: {  	v11 =	vor.u32 s20, v11;
	v8 =	vld.idx.msk [tilespmem:v17+s17+$0x0], $0xffff;
	v17 =	vperm.xlane v30, v48;
	v6 =	vlaneseq.u32  }
0x152: {  	v61 =	vmovc v48;
	v10 =	vmul.f32 v25, v35;
	v48 =	vperm.xlane v30, v6;
	v3 =	vadd.f32 v44, v3  }
0x153: {  	v7 =	vld [tilespmem:$0x1FFA0];
	v6 =	vmul.f32 v40, v17;
	v38 =	vperm.xlane v30, v16  }
0x154: {  	v16 =	vmul.f32 v26, v10;
	v10 =	vmul.f32 v10, v25;
	v25 =	vadd.f32 v53, v3;
	v3 =	vld [tilespmem:$0x1FE10]  }
0x155: {  	v9 =	vmul.f32 v9, v13;
	v44 =	vmul.f32 v6, v40;
	v6 =	vld [tilespmem:$0x1FDD0]  }
0x156: {  	v4 =	vadd.f32 v14, v4;
	v14 =	vperm.xlane v30, v42;
	v21 =	vld.idx.msk [tilespmem:v21+s15+$0x0], $0xffff;
	v57 =	vmul.f32 v23, v38  }
0x157: {  	v42 =	vperm.xlane v30, v47;
	v12 =	vadd.f32 v9, v12;
	v15 =	vperm.xlane v30, v46;
	v32 =	vld.idx.msk [tilespmem:v11+s15+$0x0], $0xffff  }
0x158: {  	v4 =	vadd.f32 v24, v4;
	v23 =	vmul.f32 v57, v23;
	v46 =	vmul.f32 v20, v57;
	v57 =	vld [tilespmem:$0x1FDB0]  }
0x159: {  	v24 =	vmul.f32 v18, v42;
	v1 =	vadd.f32 v16, v1;
	v16 =	vor.u32 s20, v3;
	v3 =	vld.idx.msk [tilespmem:v11+s17+$0x0], $0xffff  }
0x15a: {  	v7 =	vperm.xlane v30, v7;
	v11 =	vmul.f32 v55, v26;
	v26 =	vor.u32 s20, v6;
	v6 =	vld [tilespmem:$0x1FDA0]  }
0x15b: {  	v12 =	vadd.f32 v31, v12;
	v17 =	vmul.f32 v21, v17  }
0x15c: {  	v13 =	vld [tilespmem:$0x1FDC0];
	v35 =	vmovc v15;
	v4 =	vadd.f32 v19, v4;
	v18 =	vmul.f32 v24, v18;
	v15 =	vmul.f32 v32, v7  }
0x15d: {  	v31 =	vld [tilespmem:$0x1FDF0];
	v2 =	vadd.f32 v10, v2;
	v1 =	vadd.f32 v37, v1;
	v37 =	vmul.f32 v8, v24  }
0x15e: {  	v10 =	vmul.f32 v15, v32;
	v24 =	vmul.f32 v20, v38;
	v32 =	vld.idx.msk [tilespmem:v41+s15+$0x0], $0xffff;
	v38 =	vor.u32 s20, v57  }
0x15f: {  	v0 =	vadd.f32 v11, v0;
	v11 =	vld.idx.msk [tilespmem:v41+s17+$0x0], $0xffff;
	v19 =	vor.u32 s20, v6;
	v7 =	vmul.f32 v3, v7  }
0x160: {  	v4 =	vadd.f32 v39, v4;
	v21 =	vmul.f32 v17, v21;
	v39 =	vmul.f32 v40, v17;
	v6 =	vld [tilespmem:$0x1FFB0]  }
0x161: {  	v1 =	vadd.f32 v43, v1;
	v43 =	vmul.f32 v3, v15;
	v17 =	vmul.f32 v7, v3;
	v3 =	vld [tilespmem:$0x1FFF0]  }
0x162: {  	v7 =	vld [tilespmem:$0x1FDE0]  }
0x163: {  	v13 =	vor.u32 s20, v13;
	v53 =	vmul.f32 v24, v20;
	v24 =	vld.idx.msk [tilespmem:v38+s17+$0x0], $0xffff  }
0x164: {  	v63 =	vperm.xlane v30, v50;
	v9 =	vperm.xlane v30, v52;
	v15 =	vld.idx.msk [tilespmem:v19+s17+$0x0], $0xffff  }
0x165: {  	v42 =	vmul.f32 v8, v42;
	v2 =	vadd.f32 v36, v2;
	v36 =	vmov v18;
	v18 =	vld.idx.msk [tilespmem:v19+s15+$0x0], $0xffff  }
0x166: {  	v60 =	vmovc v47;
	v31 =	vor.u32 s20, v31;
	v47 =	vadd.f32 v34, v4;
	v4 =	vperm.xlane v30, v51;
	v19 =	vld [tilespmem:$0x1FFD0]  }
0x167: {  	v2 =	vadd.f32 v49, v2;
	v3 =	vperm.xlane v30, v3;
	v20 =	vor.u32 s20, v7;
	v7 =	vld [tilespmem:$0x1FFE0]  }
0x168: {  	v8 =	vmul.f32 v42, v8;
	v42 =	vld.idx.msk [tilespmem:v13+s15+$0x0], $0xffff;
	v55 =	vmovc v50;
	v34 =	vmov v46;
	v1 =	vadd.f32 v58, v1  }
0x169: {  	v46 =	vld.idx.msk [tilespmem:v13+s17+$0x0], $0xffff;
	v2 =	vadd.f32 v56, v2;
	v40 =	vmul.f32 v32, v3;
	v3 =	vmul.f32 v11, v3  }
0x16a: {  	v57 =	vmovc v51;
	v0 =	vadd.f32 v62, v0;
	v6 =	vperm.xlane v30, v6;
	v13 =	vmul.f32 v24, v14  }
0x16b: {  	v50 =	vld.idx.msk [tilespmem:v26+s17+$0x0], $0xffff;
	v19 =	vperm.xlane v30, v19;
	v51 =	vmul.f32 v3, v11;
	v3 =	vadd.f32 v28, v12  }
0x16c: {  	v0 =	vadd.f32 v54, v0;
	v38 =	vld.idx.msk [tilespmem:v38+s15+$0x0], $0xffff;
	v41 =	vmul.f32 v18, v63;
	v7 =	vperm.xlane v30, v7  }
0x16d: {  	v30 =	vmul.f32 v15, v63;
	v63 =	vmov v52;
	v52 =	vld.idx.msk [tilespmem:v20+s15+$0x0], $0xffff;
	v3 =	vadd.f32 v45, v3  }
0x16e: {  	v0 =	vadd.f32 v5, v0;
	v58 =	vmul.f32 v11, v40;
	v5 =	vmul.f32 v15, v41;
	v11 =	vld.idx.msk [tilespmem:v20+s17+$0x0], $0xffff  }
0x16f: {  	v49 =	vmovc v10;
	v32 =	vmul.f32 v40, v32;
	v12 =	vmul.f32 v30, v15;
	v10 =	vadd.f32 v33, v3;
	v3 =	vld [tilespmem:$0x1FE20]  }
0x170: {  	v26 =	vld.idx.msk [tilespmem:v26+s15+$0x0], $0xffff;
	v15 =	vmul.f32 v42, v27;
	v1 =	vadd.f32 v5, v1;
	v5 =	vmul.f32 v41, v18  }
0x171: {  	v28 =	vld.idx.msk [tilespmem:v31+s15+$0x0], $0xffff;
	v40 =	vmul.f32 v13, v24;
	v20 =	vmul.f32 v38, v14  }
0x172: {  	v14 =	vmul.f32 v50, v48;
	v30 =	vld.idx.msk [tilespmem:v31+s17+$0x0], $0xffff;
	v13 =	vmul.f32 v15, v42;
	v2 =	vadd.f32 v5, v2  }
0x173: {  	v42 =	vor.u32 s20, v59;
	v5 =	vmul.f32 v52, v4;
	v4 =	vmul.f32 v11, v4  }
0x174: {  	v62 =	vmovc v8;
	v54 =	vmovc v17;
	v18 =	vor.u32 s20, v3;
	v3 =	vmul.f32 v24, v20;
	v24 =	vmul.f32 v46, v27;
	v27 =	vld [tilespmem:$0x1FE30]  }
0x175: {  	v45 =	vmovc v21;
	v21 =	vmul.f32 v26, v48;
	v14 =	vmul.f32 v14, v50;
	v33 =	vmov v23;
	v23 =	vld.idx.msk [tilespmem:v29+s15+$0x0], $0xffff  }
0x176: {  	v12 =	vadd.f32 v12, v0;
	v0 =	vld.idx.msk [tilespmem:v29+s17+$0x0], $0xffff;
	v8 =	vmul.f32 v4, v11;
	v4 =	vmul.f32 v28, v22  }
0x177: {  	v2 =	vadd.f32 v13, v2;
	v13 =	vld.idx.msk [tilespmem:v16+s15+$0x0], $0xffff;
	v48 =	vmul.f32 v30, v22;
	v17 =	vmul.f32 v24, v46  }
0x178: {  	v22 =	vld.idx.msk [tilespmem:v42+s15+$0x0], $0xffff;
	v24 =	vmul.f32 v50, v21;
	v21 =	vmul.f32 v21, v26  }
0x179: {  	v41 =	vor.u32 s20, v27;
	v27 =	vmul.f32 v11, v5;
	v11 =	vadd.f32 v14, v25;
	v31 =	vld.idx.msk [tilespmem:v18+s15+$0x0], $0xffff  }
0x17a: {  	v14 =	vmul.f32 v46, v15;
	v29 =	vld.idx.msk [tilespmem:v18+s17+$0x0], $0xffff;
	v46 =	vadd.f32 v17, v12  }
0x17b: {  	v12 =	vadd.f32 v21, v10;
	v10 =	vld.idx.msk [tilespmem:v42+s17+$0x0], $0xffff;
	v18 =	vadd.f32 v8, v11;
	v11 =	vmul.f32 v23, v6  }
0x17c: {  	p0 =	sne.s32 s16, $0x70;
	v17 =	vmul.f32 v20, v38;
	v42 =	vld [tilespmem:$0x1FF80]  }
.Ltmp16:
0x17d: {  	v20 =	vmul.f32 v0, v11;
	v15 =	vmul.f32 v11, v23;
	v11 =	vadd.f32 v40, v46;
	v46 =	vld [tilespmem:$0x1FF90];
	(pc) =	sbr.rel @p0 .LBB2_33-.Ltmp16, $4  }
0x17e: {  	v40 =	vld [tilespmem:$0x1FF60]  }
0x17f: {  	v56 =	vmov v32;
	v25 =	vld.idx.msk [tilespmem:v41+s15+$0x0], $0xffff  }
0x180: {  	v32 =	vmul.f32 v5, v52;
	v52 =	vmovc v63;
	v50 =	vmovc v55;
	v5 =	vmov v51;
	v51 =	vmov v57;
	v26 =	vld.idx.msk [tilespmem:v41+s17+$0x0], $0xffff  }
0x181: {  	s16 =	sadd.s32 $0x10, s16;
	v21 =	vmul.f32 v48, v30;
	v48 =	vmovc v61;
	v8 =	vadd.f32 v24, v47;
	v47 =	vmovc v60;
	v24 =	vlaneseq.u32;
	v41 =	vld [tilespmem:$0x1FF70]  }
0x182: {  	_ =	sdelay $0x3  }
0x183: {  	v16 =	vld.idx.msk [tilespmem:v16+s17+$0x0], $0xffff;
	v1 =	vadd.f32 v14, v1;
	v14 =	vmul.f32 v4, v28  }
0x184: {  	v6 =	vmul.f32 v0, v6;
	v23 =	vmul.f32 v31, v19  }
0x185: {  	v19 =	vmul.f32 v29, v19;
	v28 =	vmul.f32 v30, v4  }
0x186: {  	v2 =	vadd.f32 v17, v2;
	v17 =	vmul.f32 v10, v7;
	v30 =	vmul.f32 v22, v7  }
0x187: {  	v38 =	vmul.f32 v13, v9;
	v12 =	vadd.f32 v32, v12;
	v18 =	vadd.f32 v21, v18  }
0x188: {  	v8 =	vadd.f32 v27, v8;
	v0 =	vmul.f32 v6, v0;
	v59 =	vmul.f32 v16, v9  }
0x189: {  	v6 =	vmul.f32 v19, v29;
	v2 =	vadd.f32 v15, v2;
	v15 =	vmul.f32 v17, v10  }
0x18a: {  	v1 =	vadd.f32 v3, v1;
	v17 =	vmul.f32 v25, v35;
	v3 =	vmul.f32 v59, v16  }
0x18b: {  	v4 =	vadd.f32 v28, v8;
	v32 =	vmul.f32 v26, v35;
	v35 =	vadd.f32 v14, v12  }
0x18c: {  	v7 =	vmul.f32 v30, v22;
	v1 =	vadd.f32 v20, v1;
	v3 =	vadd.f32 v3, v18  }
0x18d: {  	v0 =	vadd.f32 v0, v11;
	v28 =	vmul.f32 v16, v38;
	v9 =	vmul.f32 v38, v13  }
0x18e: {  	v8 =	vmul.f32 v32, v26;
	v38 =	vmul.f32 v17, v25;
	v3 =	vadd.f32 v15, v3  }
0x18f: {  	v59 =	vmul.f32 v10, v30;
	v30 =	vmul.f32 v26, v17;
	v4 =	vadd.f32 v28, v4  }
0x190: {  	v0 =	vadd.f32 v8, v0;
	v3 =	vadd.f32 v6, v3  }
0x191: {  	v2 =	vadd.f32 v38, v2;
	v1 =	vadd.f32 v30, v1  }
0x192: {  	v6 =	vadd.f32 v9, v35;
	v3 =	vadd.f32 v44, v3  }
0x193: {  	v4 =	vadd.f32 v59, v4;
	v0 =	vadd.f32 v62, v0  }
0x194: {  	v6 =	vadd.f32 v7, v6;
	v3 =	vadd.f32 v53, v3;
	v53 =	vmul.f32 v23, v31  }
0x195: {  	v2 =	vadd.f32 v36, v2;
	v1 =	vadd.f32 v37, v1;
	v44 =	vmul.f32 v29, v23  }
0x196: {  	v0 =	vadd.f32 v54, v0;
	v6 =	vadd.f32 v53, v6  }
0x197: {  	v59 =	vld [tilespmem:$0x1FE50];
	v2 =	vadd.f32 v49, v2;
	v4 =	vadd.f32 v44, v4  }
0x198: {  	v62 =	vld [tilespmem:$0x1FE60];
	v1 =	vadd.f32 v43, v1;
	v6 =	vadd.f32 v45, v6  }
0x199: {  	v0 =	vadd.f32 v5, v0;
	v4 =	vadd.f32 v39, v4  }
0x19a: {  	s12 =	sadd.s32 $0x1, s12;
	v22 =	vld [tilespmem:$0x1FFB0];
	v2 =	vadd.f32 v56, v2;
	v56 =	vadd.f32 v33, v6  }
0x19b: {  	p0 =	sne.s32 s12, $0x4;
	v12 =	vld [tilespmem:$0x1FFF0];
	v1 =	vadd.f32 v58, v1;
	v4 =	vadd.f32 v34, v4  }
.Ltmp17:
0x19c: {  	v25 =	vld [tilespmem:$0x1FFD0];
	v0 =	vadd.f32 v0, v3;
	v2 =	vadd.f32 v2, v56;
	(pc) =	sbr.rel @p0 .LBB2_32-.Ltmp17, $4  }
0x19d: {  	v16 =	vld [tilespmem:$0x1FF50];
	v1 =	vadd.f32 v1, v4  }
0x19e: {  	s7 =	sor.u32 s0, s14;
	v17 =	vld [tilespmem:$0x1FFA0];
	v0 =	vmul.f32 v0, v2  }
0x19f: {  	v23 =	vld [tilespmem:$0x1FFE0];
	[tilespmem:v59+s7+$0x0 ss:$0x1] =	vst.idx.msk $0xffff, v1  }
0x1a0: {  	v39 =	vld [tilespmem:$0x1FFC0];
	[tilespmem:v62+s7+$0x0 ss:$0x1] =	vst.idx.msk $0xffff, v0  }
0x1a1: {  	p0 =	seq.s32 s30, $0xF  }
0x1a2: {  	s0 =	sadd.s32 @!p0 $0x3, s2  }
0x1a3: {  	s7 =	smulhi.u32 @!p0 $0xAAAAAAAB, s0;
	_ =	sdelay $0x1  }
0x1a4: {  	s7 =	sshrl.u32 @!p0 s7, $0x4  }
0x1a5: {  	s7 =	smul.u32 @!p0 $0x18, s7;
	_ =	sdelay $0x1  }
0x1a6: {  	s14 =	sadd.s32 $0x1, s2;
	p1 =	slt.u32 @!p0 s30, $0x7;
	s0 =	ssub.s32 @!p0 s0, s7  }
0x1a7: {  	s16 =	simm.s32 @!p0 $0x40;
	s7 =	sshll.u32 @!p0 s0, $0x9;
	s0 =	sshll.u32 @!p0 s0, $0x4  }
0x1a8: {  	s18 =	simm.s32 @!p0 $0x11100;
	s20 =	smulhi.u32 $0xAAAAAAAB, s14;
	s0 =	sor.u32 @!p0 s0, s7  }
0x1a9: {  	p1 =	por !p1, p0;
	s7 =	sand.u32 @!p0 $0xF80, s0;
	s0 =	smov.u32 s11  }
0x1aa: {  	s31 =	sshrl.u32 s20, $0x4;
	s12 =	sor.u32 @!p0 $0x10000, s7;
	s0 =	smov.u32 @p1 s1  }
0x1ab: {  	[tilespmem:s18], [sflag:$0x1] =	stream.indirect.gather @!p0 [hbm4b:s0+s16], $0x80, s12, s16, $0xb8;
	[tilespmem:$0x1E900] =	vst v63  }
0x1ac: {  	s7 =	sor.u32 @!p0 $0x10040, s7;
	s18 =	simm.s32 @!p0 $0x13100;
	s12 =	smul.u32 $0x18, s31  }
0x1ad: {  	[tilespmem:s18], [sflag:$0x1] =	stream.indirect.gather @!p0 [hbm4b:s0+s16], $0x80, s7, s16, $0xb8;
	[tilespmem:$0x1E900] =	vst v63  }
0x1ae: {  	s16 =	ssub.s32 s14, s12  }
0x1af: {  	s12 =	sshrl.u32 s16, $0x3  }
0x1b0: {  	s12 =	sadd.s32 s12, s4  }
0x1b1: {  	s7 =	sshll.u32 s16, $0x6;
	s12 =	sshll.u32 s12, $0xA  }
0x1b2: {  	_ =	swait.ge [sflag:s22], $0x2000;
	s18 =	sand.u32 $0x180, s7;
	s12 =	sand.u32 $0x3FFFFC00, s12  }
0x1b3: {  	[sflag:s22] =	ssyncset.done $0x0;
	s12 =	sor.u32 s18, s12  }
0x1b4: {  	[sflag:s22] =	ssyncadd.s32 $0xFFFFE000;
	s20 =	sadd.s32 $0x1D100, s12  }
0x1b5: {  	_ =	swait.ge [sflag:s22], $0x2000;
	s31 =	sadd.s32 $0x1D300, s12;
	v0 =	vmov s20  }
0x1b6: {  	s14 =	simm.s32 $0x0;
	[sflag:s22] =	ssyncset.done $0x0;
	v62 =	vmov s31;
	[tilespmem:$0x1FD30] =	vst v0  }
0x1b7: {  	s16 =	simm.s32 $0x0;
	[sflag:s22] =	ssyncadd.s32 $0xFFFFE000;
	s12 =	sand.u32 $0x40, s7;
	[tilespmem:$0x1FD40] =	vst v62  }
.LBB2_36:
0x1b8: {  	v1 =	vld [tilespmem:$0x1FF30]  }
0x1b9: {  	s18 =	sshll.u32 s16, $0x4  }
0x1ba: {  	v2 =	vld [tilespmem:$0x1FF00];
	v0 =	vmov s18  }
0x1bb: {  	v0 =	vshll.u32 v0, $0x7  }
0x1bc: {  	v4 =	vld [tilespmem:$0x1FF10];
	v0 =	vor.u32 v16, v0  }
0x1bd: {  	v3 =	vld [tilespmem:$0x1FF20];
	v1 =	vor.u32 v1, v0  }
0x1be: {  	[tilespmem:$0x1FBD0] =	vst v1;
	v1 =	vor.u32 s14, v1  }
0x1bf: {  	v2 =	vor.u32 v2, v0  }
0x1c0: {  	[tilespmem:$0x1FBE0] =	vst v2;
	v2 =	vor.u32 s14, v2  }
0x1c1: {  	v6 =	vor.u32 v4, v0  }
0x1c2: {  	v5 =	vor.u32 v3, v0;
	v3 =	vld [tilespmem:s28+$0x0];
	[tilespmem:$0x1FC00] =	vst v6;
	v6 =	vor.u32 s14, v6  }
0x1c3: {  	[tilespmem:$0x1FBF0] =	vst v5;
	v4 =	vor.u32 s14, v5;
	v5 =	vld.idx.msk [tilespmem:v1+s21+$0x0], $0xffff  }
0x1c4: {  	v1 =	vld.idx.msk [tilespmem:v1+s19+$0x0], $0xffff  }
0x1c5: {  	v7 =	vld.idx.msk [tilespmem:v2+s19+$0x0], $0xffff  }
0x1c6: {  	v2 =	vld.idx.msk [tilespmem:v2+s21+$0x0], $0xffff  }
0x1c7: {  	v13 =	vld.idx.msk [tilespmem:v6+s21+$0x0], $0xffff  }
0x1c8: {  	v8 =	vperm.xlane v3, v41;
	v19 =	vld.idx.msk [tilespmem:v6+s19+$0x0], $0xffff  }
0x1c9: {  	v6 =	vld [tilespmem:$0x1FE80]  }
0x1ca: {  	[tilespmem:$0x1FD10] =	vst v8;
	v8 =	vld [tilespmem:$0x1FE70]  }
0x1cb: {  	v11 =	vperm.xlane v3, v39;
	v10 =	vld.idx.msk [tilespmem:v4+s19+$0x0], $0xffff  }
0x1cc: {  	v9 =	vperm.xlane v3, v48;
	v15 =	vperm.xlane v3, v47  }
0x1cd: {  	v16 =	vperm.xlane v3, v17;
	v4 =	vld.idx.msk [tilespmem:v4+s21+$0x0], $0xffff;
	v17 =	vmul.f32 v1, v11  }
0x1ce: {  	v18 =	vmul.f32 v7, v15;
	v15 =	vmul.f32 v2, v15  }
0x1cf: {  	v28 =	vor.u32 v6, v0;
	v6 =	vmul.f32 v13, v9;
	v21 =	vor.u32 v8, v0;
	v8 =	vld [tilespmem:$0x1FF40]  }
0x1d0: {  	v33 =	vmul.f32 v17, v1;
	v1 =	vmul.f32 v10, v16  }
0x1d1: {  	v37 =	vmul.f32 v2, v18;
	v44 =	vmul.f32 v6, v13  }
0x1d2: {  	[tilespmem:$0x1FC20] =	vst v21;
	v21 =	vor.u32 s14, v21;
	v36 =	vmul.f32 v18, v7;
	v16 =	vmul.f32 v4, v16  }
0x1d3: {  	v7 =	vmul.f32 v19, v9;
	v6 =	vld [tilespmem:$0x1FE90];
	v62 =	vmul.f32 v15, v2;
	v2 =	vor.u32 s14, v28  }
0x1d4: {  	v43 =	vmul.f32 v4, v1;
	v54 =	vmul.f32 v16, v4;
	v4 =	vld [tilespmem:$0x1FED0];
	v8 =	vor.u32 v8, v0  }
0x1d5: {  	v49 =	vmul.f32 v1, v10;
	v10 =	vmul.f32 v5, v11;
	[tilespmem:$0x1FC10] =	vst v8;
	v20 =	vor.u32 s14, v8;
	v8 =	vld [tilespmem:$0x1FEB0]  }
0x1d6: {  	v45 =	vmul.f32 v7, v19;
	v38 =	vmul.f32 v13, v7;
	v7 =	vld [tilespmem:$0x1FEA0]  }
0x1d7: {  	v1 =	vld.idx.msk [tilespmem:v21+s21+$0x0], $0xffff  }
0x1d8: {  	v53 =	vmul.f32 v10, v5;
	v10 =	vld.idx.msk [tilespmem:v21+s19+$0x0], $0xffff  }
0x1d9: {  	v19 =	vperm.xlane v3, v25;
	v25 =	vld.idx.msk [tilespmem:v2+s21+$0x0], $0xffff;
	v15 =	vor.u32 v4, v0;
	v4 =	vor.u32 v23, v0  }
0x1da: {  	v27 =	vperm.xlane v3, v40;
	[tilespmem:$0x1FCC0] =	vst v4;
	v4 =	vld [tilespmem:$0x1FEE0];
	v8 =	vor.u32 v8, v0  }
0x1db: {  	v35 =	vperm.xlane v3, v46;
	v14 =	vperm.xlane v3, v42;
	v11 =	vld.idx.msk [tilespmem:v20+s19+$0x0], $0xffff;
	v9 =	vor.u32 s14, v8  }
0x1dc: {  	v34 =	vmul.f32 v5, v17;
	v20 =	vld.idx.msk [tilespmem:v20+s21+$0x0], $0xffff;
	[tilespmem:$0x1FC30] =	vst v8;
	v8 =	vor.u32 v6, v0  }
0x1dd: {  	v17 =	vperm.xlane v3, v24;
	[tilespmem:$0x1FC40] =	vst v8;
	v18 =	vor.u32 s14, v8;
	v8 =	vor.u32 v7, v0;
	v7 =	vld [tilespmem:$0x1FEC0]  }
0x1de: {  	v26 =	vor.u32 v24, v0;
	v16 =	vperm.xlane v3, v50;
	v5 =	vperm.xlane v3, v12;
	v29 =	vld.idx.msk [tilespmem:v2+s19+$0x0], $0xffff  }
0x1df: {  	v6 =	vperm.xlane v3, v22;
	v22 =	vor.u32 s14, v26;
	v32 =	vor.u32 v4, v0;
	v4 =	vld [tilespmem:$0x1FEF0]  }
0x1e0: {  	[tilespmem:$0x1FC50] =	vst v26;
	v24 =	vmul.f32 v1, v16;
	v13 =	vmul.f32 v11, v5;
	v26 =	vld.idx.msk [tilespmem:v9+s21+$0x0], $0xffff  }
0x1e1: {  	[tilespmem:$0x1FC60] =	vst v28;
	v5 =	vmul.f32 v20, v5;
	v28 =	vld.idx.msk [tilespmem:v9+s19+$0x0], $0xffff;
	v9 =	vperm.xlane v3, v52  }
0x1e2: {  	v12 =	vor.u32 v7, v0;
	v7 =	vperm.xlane v3, v23;
	v21 =	vld.idx.msk [tilespmem:v18+s19+$0x0], $0xffff;
	v3 =	vperm.xlane v3, v51  }
0x1e3: {  	[tilespmem:$0x1FC70] =	vst v8;
	v56 =	vmul.f32 v13, v11;
	v11 =	vld.idx.msk [tilespmem:v18+s21+$0x0], $0xffff;
	v18 =	vor.u32 s14, v8;
	v5 =	vmul.f32 v5, v20  }
0x1e4: {  	v23 =	vld.idx.msk [tilespmem:v22+s21+$0x0], $0xffff;
	v8 =	vmul.f32 v24, v1;
	v4 =	vor.u32 v4, v0;
	v0 =	vmul.f32 v10, v16  }
0x1e5: {  	v58 =	vmul.f32 v20, v13;
	v31 =	vmul.f32 v25, v3  }
0x1e6: {  	[tilespmem:$0x1FC80] =	vst v15;
	v3 =	vmul.f32 v29, v3;
	v1 =	vmul.f32 v1, v0  }
0x1e7: {  	v22 =	vld.idx.msk [tilespmem:v22+s19+$0x0], $0xffff;
	v13 =	vor.u32 s14, v15;
	[tilespmem:$0x1FCF0] =	vst v8;
	v0 =	vmul.f32 v0, v10;
	v2 =	vmul.f32 v26, v14  }
0x1e8: {  	v8 =	vimm.f32 $0.0e+00;
	[tilespmem:$0x1FD00] =	vst v28;
	v15 =	vmul.f32 v28, v14;
	v20 =	vmul.f32 v21, v27;
	v28 =	vld.idx.msk [tilespmem:v18+s19+$0x0], $0xffff  }
0x1e9: {  	v14 =	vmul.f32 v23, v17;
	v0 =	vadd.f32 v0, v8;
	v30 =	vld.idx.msk [tilespmem:v18+s21+$0x0], $0xffff;
	v18 =	vmul.f32 v11, v27  }
0x1ea: {  	[tilespmem:$0x1FCB0] =	vst v32;
	v8 =	vor.u32 s14, v32;
	v27 =	vmul.f32 v25, v3;
	v32 =	vmul.f32 v3, v29;
	v3 =	vld [tilespmem:$0x1FCC0]  }
0x1eb: {  	[tilespmem:$0x1FCA0] =	vst v4  }
0x1ec: {  	[tilespmem:$0x1FCE0] =	vst v2;
	v2 =	vmul.f32 v20, v21;
	v21 =	vor.u32 s14, v4;
	v4 =	vmul.f32 v14, v23  }
0x1ed: {  	v59 =	vimm.f32 $0.0e+00;
	[tilespmem:$0x1FCD0] =	vst v26  }
0x1ee: {  	v17 =	vmul.f32 v22, v17;
	v26 =	vmovc v22;
	v22 =	vmul.f32 v18, v11;
	v18 =	vadd.f32 v4, v59;
	v4 =	vld [tilespmem:$0x1FCE0]  }
0x1ef: {  	v10 =	vor.u32 s14, v3;
	v3 =	vld [tilespmem:$0x1FCD0];
	_ =	sdelay $0x2  }
0x1f0: {  	v14 =	vmul.f32 v11, v20  }
0x1f1: {  	v11 =	vmul.f32 v23, v17;
	v20 =	vmul.f32 v17, v26;
	v17 =	vld [tilespmem:$0x1FD00]  }
0x1f2: {  	[tilespmem:$0x1FC90] =	vst v12;
	v16 =	vor.u32 s14, v12;
	v12 =	vld.idx.msk [tilespmem:v13+s19+$0x0], $0xffff;
	v4 =	vmul.f32 v4, v3  }
0x1f3: {  	v2 =	vadd.f32 v2, v0;
	v0 =	vadd.f32 v1, v59;
	v1 =	vld.idx.msk [tilespmem:v13+s21+$0x0], $0xffff  }
0x1f4: {  	[tilespmem:$0x1FD20] =	vst v4;
	v4 =	vld [tilespmem:$0x1FCF0]  }
0x1f5: {  	v24 =	vmul.f32 v31, v25;
	v25 =	vld.idx.msk [tilespmem:v8+s19+$0x0], $0xffff  }
0x1f6: {  	v17 =	vmul.f32 v15, v17;
	v3 =	vmul.f32 v3, v15;
	v15 =	vld [tilespmem:$0x1FD10]  }
0x1f7: {  	v26 =	vld.idx.msk [tilespmem:v8+s21+$0x0], $0xffff  }
0x1f8: {  	v8 =	vadd.f32 v11, v59;
	v11 =	vld [tilespmem:$0x1FD20]  }
0x1f9: {  	v31 =	vld.idx.msk [tilespmem:v21+s19+$0x0], $0xffff;
	v4 =	vadd.f32 v4, v59  }
0x1fa: {  	v29 =	vld.idx.msk [tilespmem:v21+s21+$0x0], $0xffff;
	v21 =	vmul.f32 v12, v6  }
0x1fb: {  	v13 =	vld.idx.msk [tilespmem:v16+s19+$0x0], $0xffff;
	v18 =	vadd.f32 v24, v18;
	v23 =	vmul.f32 v30, v15;
	v24 =	vadd.f32 v22, v4  }
0x1fc: {  	v4 =	vmul.f32 v28, v15;
	v15 =	vmul.f32 v21, v12;
	v12 =	vadd.f32 v20, v59;
	v22 =	vld.idx.msk [tilespmem:v10+s19+$0x0], $0xffff  }
0x1fd: {  	s20 =	simm.s32 $0x10;
	s31 =	smov.u32 s28;
	v20 =	vmul.f32 v1, v21;
	v21 =	vmul.f32 v23, v30;
	v10 =	vld.idx.msk [tilespmem:v10+s21+$0x0], $0xffff;
	v11 =	vadd.f32 v11, v24  }
.LBB2_37:
0x1fe: {  	v24 =	vld [tilespmem:$0x1FBD0]  }
0x1ff: {  	v0 =	vadd.f32 v14, v0  }
0x200: {  	v16 =	vld.idx.msk [tilespmem:v16+s21+$0x0], $0xffff;
	v6 =	vmul.f32 v1, v6;
	v14 =	vmul.f32 v4, v28;
	v18 =	vadd.f32 v21, v18  }
0x201: {  	v2 =	vadd.f32 v17, v2;
	v17 =	vld [tilespmem:$0x1FBE0];
	v4 =	vmul.f32 v30, v4;
	v23 =	vmul.f32 v31, v19  }
0x202: {  	s7 =	smov.u32 s20;
	v12 =	vadd.f32 v32, v12;
	v21 =	vld [tilespmem:$0x1FC00];
	v0 =	vadd.f32 v3, v0;
	v3 =	vmul.f32 v29, v19  }
0x203: {  	v1 =	vmul.f32 v6, v1;
	v28 =	vmul.f32 v23, v31;
	v24 =	vor.u32 s7, v24  }
0x204: {  	s31 =	sadd.s32 $0x10, s31;
	v2 =	vadd.f32 v15, v2;
	v3 =	vmul.f32 v3, v29;
	v6 =	vmul.f32 v22, v7  }
0x205: {  	v30 =	vld [tilespmem:s31+$0x0];
	v12 =	vadd.f32 v14, v12;
	v15 =	vmul.f32 v16, v9;
	v9 =	vmul.f32 v13, v9  }
0x206: {  	v1 =	vadd.f32 v1, v11;
	v7 =	vmul.f32 v10, v7;
	v11 =	vld [tilespmem:$0x1FBF0];
	v17 =	vor.u32 s7, v17  }
0x207: {  	v21 =	vor.u32 s7, v21;
	v15 =	vmul.f32 v15, v16;
	v14 =	vmul.f32 v16, v9;
	v16 =	vld [tilespmem:$0x1FC80]  }
0x208: {  	v0 =	vadd.f32 v20, v0;
	v19 =	vmul.f32 v29, v23;
	v31 =	vmul.f32 v6, v22;
	v20 =	vld.idx.msk [tilespmem:v24+s21+$0x0], $0xffff  }
0x209: {  	v7 =	vmul.f32 v7, v10;
	v23 =	vld.idx.msk [tilespmem:v24+s19+$0x0], $0xffff;
	v24 =	vmul.f32 v10, v6;
	v6 =	vadd.f32 v15, v18  }
0x20a: {  	v59 =	vmovc v39;
	v8 =	vadd.f32 v27, v8;
	v27 =	vperm.xlane v30, v40;
	v15 =	vperm.xlane v30, v46;
	v46 =	vld [tilespmem:$0x1FC10]  }
0x20b: {  	v39 =	vperm.xlane v30, v39;
	v22 =	vperm.xlane v30, v41;
	v18 =	vld.idx.msk [tilespmem:v17+s19+$0x0], $0xffff;
	v6 =	vadd.f32 v7, v6  }
0x20c: {  	v4 =	vadd.f32 v4, v8;
	v9 =	vmul.f32 v9, v13;
	v10 =	vmul.f32 v25, v35;
	v40 =	vld.idx.msk [tilespmem:v21+s21+$0x0], $0xffff  }
0x20d: {  	v11 =	vor.u32 s7, v11;
	v8 =	vld.idx.msk [tilespmem:v17+s21+$0x0], $0xffff;
	v17 =	vperm.xlane v30, v48;
	v3 =	vadd.f32 v3, v6  }
0x20e: {  	v29 =	vor.u32 s7, v16;
	v16 =	vmul.f32 v26, v10;
	v48 =	vmul.f32 v23, v39  }
0x20f: {  	v10 =	vmul.f32 v10, v25;
	v6 =	vlaneseq.u32;
	v3 =	vadd.f32 v44, v3  }
0x210: {  	v21 =	vld.idx.msk [tilespmem:v21+s19+$0x0], $0xffff;
	v41 =	vor.u32 s7, v46;
	v23 =	vmul.f32 v48, v23;
	v46 =	vmul.f32 v20, v48  }
0x211: {  	v48 =	vperm.xlane v30, v6;
	v6 =	vmul.f32 v40, v17;
	v25 =	vadd.f32 v53, v3;
	v3 =	vld [tilespmem:$0x1FC90]  }
0x212: {  	v7 =	vld [tilespmem:$0x1FFA0]  }
0x213: {  	v4 =	vadd.f32 v14, v4;
	v12 =	vadd.f32 v9, v12;
	v44 =	vmul.f32 v6, v40;
	v6 =	vld [tilespmem:$0x1FC50]  }
0x214: {  	v14 =	vperm.xlane v30, v42;
	v42 =	vperm.xlane v30, v47;
	v32 =	vld.idx.msk [tilespmem:v11+s19+$0x0], $0xffff  }
0x215: {  	v47 =	vmul.f32 v26, v35;
	v12 =	vadd.f32 v31, v12;
	v4 =	vadd.f32 v24, v4;
	v53 =	vld [tilespmem:$0x1FC30]  }
0x216: {  	v0 =	vadd.f32 v16, v0;
	v2 =	vadd.f32 v10, v2;
	v16 =	vor.u32 s7, v3;
	v3 =	vld.idx.msk [tilespmem:v11+s21+$0x0], $0xffff  }
0x217: {  	v4 =	vadd.f32 v19, v4;
	v24 =	vmul.f32 v18, v42;
	v7 =	vperm.xlane v30, v7  }
0x218: {  	v17 =	vmul.f32 v21, v17;
	v11 =	vmul.f32 v47, v26;
	v26 =	vor.u32 s7, v6;
	v6 =	vld [tilespmem:$0x1FC20]  }
0x219: {  	v0 =	vadd.f32 v37, v0;
	v37 =	vmul.f32 v8, v24;
	v18 =	vmul.f32 v24, v18  }
0x21a: {  	v13 =	vld [tilespmem:$0x1FC40];
	v35 =	vmovc v15;
	v24 =	vmul.f32 v20, v39;
	v15 =	vmul.f32 v32, v7;
	v39 =	vor.u32 s7, v53  }
0x21b: {  	v31 =	vld [tilespmem:$0x1FC70];
	v4 =	vadd.f32 v38, v4;
	v21 =	vmul.f32 v17, v21;
	v7 =	vmul.f32 v3, v7  }
0x21c: {  	v0 =	vadd.f32 v43, v0;
	v38 =	vmul.f32 v40, v17;
	v10 =	vmul.f32 v15, v32;
	v32 =	vld.idx.msk [tilespmem:v41+s19+$0x0], $0xffff  }
0x21d: {  	v43 =	vmul.f32 v3, v15;
	v19 =	vor.u32 s7, v6;
	v17 =	vmul.f32 v7, v3;
	v3 =	vld [tilespmem:$0x1FFF0]  }
0x21e: {  	v1 =	vadd.f32 v11, v1;
	v11 =	vld.idx.msk [tilespmem:v41+s21+$0x0], $0xffff  }
0x21f: {  	v53 =	vmul.f32 v24, v20;
	v24 =	vld.idx.msk [tilespmem:v39+s21+$0x0], $0xffff  }
0x220: {  	v7 =	vld [tilespmem:$0x1FC60]  }
0x221: {  	v13 =	vor.u32 s7, v13;
	v6 =	vld [tilespmem:$0x1FFB0]  }
0x222: {  	v2 =	vadd.f32 v36, v2;
	v15 =	vld.idx.msk [tilespmem:v19+s21+$0x0], $0xffff;
	v3 =	vperm.xlane v30, v3  }
0x223: {  	v9 =	vperm.xlane v30, v52;
	v42 =	vmul.f32 v8, v42;
	v36 =	vmov v18;
	v18 =	vld.idx.msk [tilespmem:v19+s19+$0x0], $0xffff  }
0x224: {  	v2 =	vadd.f32 v49, v2;
	v19 =	vld [tilespmem:$0x1FFD0];
	v40 =	vmul.f32 v32, v3;
	v3 =	vmul.f32 v11, v3  }
0x225: {  	v47 =	vadd.f32 v34, v4;
	v4 =	vperm.xlane v30, v51;
	v20 =	vor.u32 s7, v7;
	v7 =	vld [tilespmem:$0x1FFE0]  }
0x226: {  	v34 =	vmov v46;
	v46 =	vld.idx.msk [tilespmem:v13+s21+$0x0], $0xffff;
	v51 =	vmul.f32 v3, v11;
	v3 =	vadd.f32 v28, v12  }
0x227: {  	v0 =	vadd.f32 v58, v0;
	v58 =	vperm.xlane v30, v50;
	v1 =	vadd.f32 v62, v1;
	v39 =	vld.idx.msk [tilespmem:v39+s19+$0x0], $0xffff  }
0x228: {  	v62 =	vld.idx.msk [tilespmem:v13+s19+$0x0], $0xffff;
	v13 =	vmul.f32 v24, v14;
	v6 =	vperm.xlane v30, v6;
	v3 =	vadd.f32 v45, v3  }
0x229: {  	v1 =	vadd.f32 v54, v1;
	v19 =	vperm.xlane v30, v19;
	v32 =	vmul.f32 v40, v32  }
0x22a: {  	v49 =	vmovc v10;
	v41 =	vmul.f32 v18, v58;
	v7 =	vperm.xlane v30, v7;
	v10 =	vadd.f32 v33, v3;
	v3 =	vld [tilespmem:$0x1FCA0]  }
0x22b: {  	v30 =	vmul.f32 v15, v58;
	v52 =	vld.idx.msk [tilespmem:v20+s19+$0x0], $0xffff;
	v58 =	vmul.f32 v11, v40  }
0x22c: {  	v1 =	vadd.f32 v5, v1;
	v11 =	vld.idx.msk [tilespmem:v20+s21+$0x0], $0xffff;
	v20 =	vmul.f32 v39, v14;
	v5 =	vmul.f32 v15, v41  }
0x22d: {  	v31 =	vor.u32 s7, v31;
	v40 =	vmul.f32 v13, v24;
	v12 =	vmul.f32 v30, v15  }
0x22e: {  	v15 =	vmul.f32 v62, v27;
	v0 =	vadd.f32 v5, v0;
	v5 =	vmul.f32 v41, v18  }
0x22f: {  	v18 =	vor.u32 s7, v3;
	v3 =	vmul.f32 v24, v20;
	v24 =	vmul.f32 v46, v27;
	v27 =	vld [tilespmem:$0x1FCB0]  }
0x230: {  	v2 =	vadd.f32 v56, v2;
	v50 =	vld.idx.msk [tilespmem:v26+s21+$0x0], $0xffff  }
0x231: {  	v8 =	vmul.f32 v42, v8;
	v26 =	vld.idx.msk [tilespmem:v26+s19+$0x0], $0xffff  }
0x232: {  	v28 =	vld.idx.msk [tilespmem:v31+s19+$0x0], $0xffff;
	v2 =	vadd.f32 v5, v2;
	v5 =	vmul.f32 v52, v4;
	v4 =	vmul.f32 v11, v4  }
0x233: {  	v30 =	vld.idx.msk [tilespmem:v31+s21+$0x0], $0xffff;
	v13 =	vmul.f32 v15, v62  }
0x234: {  	v62 =	vmovc v8;
	v8 =	vmul.f32 v4, v11;
	v41 =	vor.u32 s7, v27;
	v27 =	vmul.f32 v11, v5;
	v11 =	vld [tilespmem:$0x1FCC0]  }
0x235: {  	v14 =	vmul.f32 v50, v48;
	v33 =	vmov v23;
	v23 =	vld.idx.msk [tilespmem:v29+s19+$0x0], $0xffff  }
0x236: {  	v45 =	vmov v21;
	v12 =	vadd.f32 v12, v1;
	v1 =	vld.idx.msk [tilespmem:v29+s21+$0x0], $0xffff  }
0x237: {  	v21 =	vmul.f32 v26, v48;
	v14 =	vmul.f32 v14, v50;
	v2 =	vadd.f32 v13, v2;
	v13 =	vld.idx.msk [tilespmem:v16+s19+$0x0], $0xffff  }
0x238: {  	v54 =	vmov v17;
	v17 =	vmul.f32 v24, v46;
	v31 =	vld.idx.msk [tilespmem:v18+s19+$0x0], $0xffff  }
0x239: {  	v24 =	vmul.f32 v50, v21;
	v29 =	vld.idx.msk [tilespmem:v18+s21+$0x0], $0xffff;
	v42 =	vor.u32 s7, v11;
	v11 =	vadd.f32 v14, v25  }
0x23a: {  	v21 =	vmul.f32 v21, v26;
	v14 =	vmul.f32 v46, v15;
	v25 =	vld.idx.msk [tilespmem:v41+s19+$0x0], $0xffff  }
0x23b: {  	v46 =	vadd.f32 v17, v12;
	v26 =	vld.idx.msk [tilespmem:v41+s21+$0x0], $0xffff;
	v18 =	vadd.f32 v8, v11;
	v11 =	vmul.f32 v23, v6  }
0x23c: {  	p1 =	sne.s32 s20, $0x70;
	v48 =	vmul.f32 v30, v22;
	v17 =	vmul.f32 v20, v39;
	v41 =	vld [tilespmem:$0x1FF70]  }
.Ltmp18:
0x23d: {  	v20 =	vmul.f32 v1, v11;
	v15 =	vmul.f32 v11, v23;
	v11 =	vadd.f32 v40, v46;
	v46 =	vld [tilespmem:$0x1FF90];
	(pc) =	sbr.rel @p1 .LBB2_37-.Ltmp18, $4  }
0x23e: {  	v40 =	vld [tilespmem:$0x1FF60]  }
0x23f: {  	v56 =	vmovc v32;
	v4 =	vmul.f32 v28, v22;
	v32 =	vmul.f32 v5, v52;
	v52 =	vmov v63;
	v22 =	vld.idx.msk [tilespmem:v42+s19+$0x0], $0xffff  }
0x240: {  	v50 =	vmovc v55;
	v5 =	vmovc v51;
	v51 =	vmov v57;
	v39 =	vmov v59;
	v12 =	vadd.f32 v21, v10;
	v10 =	vld.idx.msk [tilespmem:v42+s21+$0x0], $0xffff  }
0x241: {  	s20 =	sadd.s32 $0x10, s20;
	v21 =	vmul.f32 v48, v30;
	v48 =	vmovc v61;
	v8 =	vadd.f32 v24, v47;
	v47 =	vmovc v60;
	v24 =	vlaneseq.u32;
	v42 =	vld [tilespmem:$0x1FF80]  }
0x242: {  	_ =	sdelay $0x3  }
0x243: {  	v16 =	vld.idx.msk [tilespmem:v16+s21+$0x0], $0xffff  }
0x244: {  	v0 =	vadd.f32 v14, v0;
	v14 =	vmul.f32 v4, v28;
	v6 =	vmul.f32 v1, v6  }
0x245: {  	v23 =	vmul.f32 v31, v19;
	v19 =	vmul.f32 v29, v19  }
0x246: {  	v2 =	vadd.f32 v17, v2;
	v28 =	vmul.f32 v30, v4;
	v12 =	vadd.f32 v32, v12  }
0x247: {  	v32 =	vmul.f32 v26, v35;
	v18 =	vadd.f32 v21, v18;
	v8 =	vadd.f32 v27, v8  }
0x248: {  	v0 =	vadd.f32 v3, v0;
	v1 =	vmul.f32 v6, v1;
	v3 =	vmul.f32 v16, v9  }
0x249: {  	v2 =	vadd.f32 v15, v2;
	v30 =	vmul.f32 v22, v7;
	v17 =	vmul.f32 v10, v7  }
0x24a: {  	v4 =	vadd.f32 v28, v8;
	v8 =	vmul.f32 v32, v26;
	v3 =	vmul.f32 v3, v16  }
0x24b: {  	v1 =	vadd.f32 v1, v11;
	v15 =	vmul.f32 v17, v10;
	v17 =	vmul.f32 v25, v35  }
0x24c: {  	v7 =	vmul.f32 v30, v22;
	v9 =	vmul.f32 v13, v9;
	v3 =	vadd.f32 v3, v18  }
0x24d: {  	v0 =	vadd.f32 v20, v0;
	v10 =	vmul.f32 v10, v30;
	v30 =	vmul.f32 v26, v17  }
0x24e: {  	v6 =	vmul.f32 v19, v29;
	v1 =	vadd.f32 v8, v1;
	v3 =	vadd.f32 v15, v3  }
0x24f: {  	v35 =	vadd.f32 v14, v12;
	v28 =	vmul.f32 v16, v9;
	v0 =	vadd.f32 v30, v0  }
0x250: {  	v9 =	vmul.f32 v9, v13;
	v1 =	vadd.f32 v62, v1;
	v3 =	vadd.f32 v6, v3  }
0x251: {  	v4 =	vadd.f32 v28, v4;
	v0 =	vadd.f32 v37, v0;
	v37 =	vmul.f32 v17, v25  }
0x252: {  	v6 =	vadd.f32 v9, v35;
	v3 =	vadd.f32 v44, v3  }
0x253: {  	v1 =	vadd.f32 v54, v1;
	v2 =	vadd.f32 v37, v2  }
0x254: {  	v6 =	vadd.f32 v7, v6;
	v3 =	vadd.f32 v53, v3;
	v53 =	vmul.f32 v23, v31  }
0x255: {  	v4 =	vadd.f32 v10, v4;
	v0 =	vadd.f32 v43, v0;
	v44 =	vmul.f32 v29, v23  }
0x256: {  	v2 =	vadd.f32 v36, v2;
	v6 =	vadd.f32 v53, v6  }
0x257: {  	v0 =	vadd.f32 v58, v0;
	v58 =	vld [tilespmem:$0x1FD30];
	v4 =	vadd.f32 v44, v4  }
0x258: {  	v62 =	vld [tilespmem:$0x1FD40];
	v2 =	vadd.f32 v49, v2;
	v6 =	vadd.f32 v45, v6  }
0x259: {  	v1 =	vadd.f32 v5, v1;
	v4 =	vadd.f32 v38, v4  }
0x25a: {  	s16 =	sadd.s32 $0x1, s16;
	v2 =	vadd.f32 v56, v2;
	v56 =	vadd.f32 v33, v6  }
0x25b: {  	p1 =	sne.s32 s16, $0x4;
	v22 =	vld [tilespmem:$0x1FFB0];
	v4 =	vadd.f32 v34, v4  }
.Ltmp19:
0x25c: {  	v12 =	vld [tilespmem:$0x1FFF0];
	v1 =	vadd.f32 v1, v3;
	v2 =	vadd.f32 v2, v56;
	(pc) =	sbr.rel @p1 .LBB2_36-.Ltmp19, $4  }
0x25d: {  	v16 =	vld [tilespmem:$0x1FF50];
	v0 =	vadd.f32 v0, v4  }
0x25e: {  	s7 =	sor.u32 s12, s18;
	v25 =	vld [tilespmem:$0x1FFD0];
	v1 =	vmul.f32 v1, v2  }
0x25f: {  	v17 =	vld [tilespmem:$0x1FFA0];
	[tilespmem:v58+s7+$0x0 ss:$0x1] =	vst.idx.msk $0xffff, v0  }
0x260: {  	v23 =	vld [tilespmem:$0x1FFE0];
	[tilespmem:v62+s7+$0x0 ss:$0x1] =	vst.idx.msk $0xffff, v1  }
0x261: {  	s2 =	sadd.s32 @!p0 $0x4, s2  }
0x262: {  	s7 =	smulhi.u32 @!p0 $0xAAAAAAAB, s2;
	_ =	sdelay $0x1  }
0x263: {  	s7 =	sshrl.u32 @!p0 s7, $0x4  }
0x264: {  	s7 =	smul.u32 @!p0 $0x18, s7;
	_ =	sdelay $0x1  }
0x265: {  	s2 =	ssub.s32 @!p0 s2, s7  }
0x266: {  	s7 =	sshll.u32 @!p0 s2, $0x9;
	s2 =	sshll.u32 @!p0 s2, $0x4  }
0x267: {  	s2 =	sor.u32 @!p0 s2, s7  }
0x268: {  	s2 =	sand.u32 @!p0 $0xF80, s2  }
0x269: {  	s12 =	simm.s32 @!p0 $0x40;
	s14 =	simm.s32 @!p0 $0x15100;
	s7 =	sor.u32 @!p0 $0x10000, s2  }
0x26a: {  	[tilespmem:s14], [sflag:$0x2] =	stream.indirect.gather @!p0 [hbm4b:s0+s12], $0x80, s7, s12, $0xb8;
	[tilespmem:$0x1E900] =	vst v63  }
0x26b: {  	s18 =	sadd.s32 s5, s4;
	s2 =	sor.u32 @!p0 $0x10040, s2;
	s7 =	simm.s32 @!p0 $0x17100  }
0x26c: {  	[tilespmem:s7], [sflag:$0x2] =	stream.indirect.gather @!p0 [hbm4b:s0+s12], $0x80, s2, s12, $0xb8;
	[tilespmem:$0x1E900] =	vst v63  }
0x26d: {  	s20 =	sshll.u32 s3, $0x6;
	s0 =	sshll.u32 s18, $0xA  }
0x26e: {  	s3 =	sand.u32 $0x180, s20;
	_ =	swait.ge [sflag:s26], $0x2000;
	s0 =	sand.u32 $0x3FFFFC00, s0  }
0x26f: {  	[sflag:s26] =	ssyncset.done $0x0;
	s0 =	sor.u32 s3, s0  }
0x270: {  	[sflag:s26] =	ssyncadd.s32 $0xFFFFE000;
	s3 =	sadd.s32 $0x1D100, s0  }
0x271: {  	s31 =	sadd.s32 $0x1D300, s0;
	_ =	swait.ge [sflag:s26], $0x2000;
	v0 =	vmov s3  }
0x272: {  	s2 =	simm.s32 $0x0;
	v62 =	vmov s31;
	[sflag:s26] =	ssyncset.done $0x0;
	[tilespmem:$0x1FBB0] =	vst v0  }
0x273: {  	s0 =	sand.u32 $0x40, s20;
	s3 =	simm.s32 $0x0;
	[tilespmem:$0x1FBC0] =	vst v62;
	[sflag:s26] =	ssyncadd.s32 $0xFFFFE000  }
.LBB2_40:
0x274: {  	v1 =	vld [tilespmem:$0x1FF30]  }
0x275: {  	s4 =	sshll.u32 s3, $0x4  }
0x276: {  	v2 =	vld [tilespmem:$0x1FF00];
	v0 =	vmov s4  }
0x277: {  	v0 =	vshll.u32 v0, $0x7  }
0x278: {  	v4 =	vld [tilespmem:$0x1FF10];
	v0 =	vor.u32 v16, v0  }
0x279: {  	v3 =	vld [tilespmem:$0x1FF20];
	v1 =	vor.u32 v1, v0  }
0x27a: {  	[tilespmem:$0x1FA50] =	vst v1;
	v1 =	vor.u32 s2, v1  }
0x27b: {  	v2 =	vor.u32 v2, v0  }
0x27c: {  	[tilespmem:$0x1FA60] =	vst v2;
	v2 =	vor.u32 s2, v2  }
0x27d: {  	v6 =	vor.u32 v4, v0  }
0x27e: {  	v5 =	vor.u32 v3, v0;
	v3 =	vld [tilespmem:s28+$0x0];
	[tilespmem:$0x1FA80] =	vst v6;
	v6 =	vor.u32 s2, v6  }
0x27f: {  	[tilespmem:$0x1FA70] =	vst v5;
	v4 =	vor.u32 s2, v5;
	v5 =	vld.idx.msk [tilespmem:v1+s24+$0x0], $0xffff  }
0x280: {  	v1 =	vld.idx.msk [tilespmem:v1+s23+$0x0], $0xffff  }
0x281: {  	v7 =	vld.idx.msk [tilespmem:v2+s23+$0x0], $0xffff  }
0x282: {  	v2 =	vld.idx.msk [tilespmem:v2+s24+$0x0], $0xffff  }
0x283: {  	v13 =	vld.idx.msk [tilespmem:v6+s24+$0x0], $0xffff  }
0x284: {  	v8 =	vperm.xlane v3, v41;
	v19 =	vld.idx.msk [tilespmem:v6+s23+$0x0], $0xffff  }
0x285: {  	v6 =	vld [tilespmem:$0x1FE80]  }
0x286: {  	[tilespmem:$0x1FB90] =	vst v8;
	v8 =	vld [tilespmem:$0x1FE70]  }
0x287: {  	v11 =	vperm.xlane v3, v39;
	v10 =	vld.idx.msk [tilespmem:v4+s23+$0x0], $0xffff  }
0x288: {  	v9 =	vperm.xlane v3, v48;
	v15 =	vperm.xlane v3, v47  }
0x289: {  	v16 =	vperm.xlane v3, v17;
	v4 =	vld.idx.msk [tilespmem:v4+s24+$0x0], $0xffff;
	v17 =	vmul.f32 v1, v11  }
0x28a: {  	v18 =	vmul.f32 v7, v15;
	v15 =	vmul.f32 v2, v15  }
0x28b: {  	v28 =	vor.u32 v6, v0;
	v6 =	vmul.f32 v13, v9;
	v21 =	vor.u32 v8, v0;
	v8 =	vld [tilespmem:$0x1FF40]  }
0x28c: {  	v33 =	vmul.f32 v17, v1;
	v1 =	vmul.f32 v10, v16  }
0x28d: {  	v37 =	vmul.f32 v2, v18;
	v44 =	vmul.f32 v6, v13  }
0x28e: {  	[tilespmem:$0x1FAA0] =	vst v21;
	v21 =	vor.u32 s2, v21;
	v36 =	vmul.f32 v18, v7;
	v16 =	vmul.f32 v4, v16  }
0x28f: {  	v7 =	vmul.f32 v19, v9;
	v6 =	vld [tilespmem:$0x1FE90];
	v62 =	vmul.f32 v15, v2;
	v2 =	vor.u32 s2, v28  }
0x290: {  	v43 =	vmul.f32 v4, v1;
	v54 =	vmul.f32 v16, v4;
	v4 =	vld [tilespmem:$0x1FED0];
	v8 =	vor.u32 v8, v0  }
0x291: {  	v49 =	vmul.f32 v1, v10;
	v10 =	vmul.f32 v5, v11;
	[tilespmem:$0x1FA90] =	vst v8;
	v20 =	vor.u32 s2, v8;
	v8 =	vld [tilespmem:$0x1FEB0]  }
0x292: {  	v45 =	vmul.f32 v7, v19;
	v38 =	vmul.f32 v13, v7;
	v7 =	vld [tilespmem:$0x1FEA0]  }
0x293: {  	v1 =	vld.idx.msk [tilespmem:v21+s24+$0x0], $0xffff  }
0x294: {  	v53 =	vmul.f32 v10, v5;
	v10 =	vld.idx.msk [tilespmem:v21+s23+$0x0], $0xffff  }
0x295: {  	v19 =	vperm.xlane v3, v25;
	v25 =	vld.idx.msk [tilespmem:v2+s24+$0x0], $0xffff;
	v15 =	vor.u32 v4, v0;
	v4 =	vor.u32 v23, v0  }
0x296: {  	v27 =	vperm.xlane v3, v40;
	[tilespmem:$0x1FB40] =	vst v4;
	v4 =	vld [tilespmem:$0x1FEE0];
	v8 =	vor.u32 v8, v0  }
0x297: {  	v35 =	vperm.xlane v3, v46;
	v14 =	vperm.xlane v3, v42;
	v11 =	vld.idx.msk [tilespmem:v20+s23+$0x0], $0xffff;
	v9 =	vor.u32 s2, v8  }
0x298: {  	v34 =	vmul.f32 v5, v17;
	v20 =	vld.idx.msk [tilespmem:v20+s24+$0x0], $0xffff;
	[tilespmem:$0x1FAB0] =	vst v8;
	v8 =	vor.u32 v6, v0  }
0x299: {  	v17 =	vperm.xlane v3, v24;
	[tilespmem:$0x1FAC0] =	vst v8;
	v18 =	vor.u32 s2, v8;
	v8 =	vor.u32 v7, v0;
	v7 =	vld [tilespmem:$0x1FEC0]  }
0x29a: {  	v26 =	vor.u32 v24, v0;
	v16 =	vperm.xlane v3, v50;
	v5 =	vperm.xlane v3, v12;
	v29 =	vld.idx.msk [tilespmem:v2+s23+$0x0], $0xffff  }
0x29b: {  	v6 =	vperm.xlane v3, v22;
	v22 =	vor.u32 s2, v26;
	v32 =	vor.u32 v4, v0;
	v4 =	vld [tilespmem:$0x1FEF0]  }
0x29c: {  	[tilespmem:$0x1FAD0] =	vst v26;
	v24 =	vmul.f32 v1, v16;
	v13 =	vmul.f32 v11, v5;
	v26 =	vld.idx.msk [tilespmem:v9+s24+$0x0], $0xffff  }
0x29d: {  	[tilespmem:$0x1FAE0] =	vst v28;
	v5 =	vmul.f32 v20, v5;
	v28 =	vld.idx.msk [tilespmem:v9+s23+$0x0], $0xffff;
	v9 =	vperm.xlane v3, v52  }
0x29e: {  	v12 =	vor.u32 v7, v0;
	v7 =	vperm.xlane v3, v23;
	v21 =	vld.idx.msk [tilespmem:v18+s23+$0x0], $0xffff;
	v3 =	vperm.xlane v3, v51  }
0x29f: {  	[tilespmem:$0x1FAF0] =	vst v8;
	v56 =	vmul.f32 v13, v11;
	v11 =	vld.idx.msk [tilespmem:v18+s24+$0x0], $0xffff;
	v18 =	vor.u32 s2, v8;
	v5 =	vmul.f32 v5, v20  }
0x2a0: {  	v23 =	vld.idx.msk [tilespmem:v22+s24+$0x0], $0xffff;
	v8 =	vmul.f32 v24, v1;
	v4 =	vor.u32 v4, v0;
	v0 =	vmul.f32 v10, v16  }
0x2a1: {  	v58 =	vmul.f32 v20, v13;
	v31 =	vmul.f32 v25, v3  }
0x2a2: {  	[tilespmem:$0x1FB00] =	vst v15;
	v3 =	vmul.f32 v29, v3;
	v1 =	vmul.f32 v1, v0  }
0x2a3: {  	v22 =	vld.idx.msk [tilespmem:v22+s23+$0x0], $0xffff;
	v13 =	vor.u32 s2, v15;
	[tilespmem:$0x1FB70] =	vst v8;
	v0 =	vmul.f32 v0, v10;
	v2 =	vmul.f32 v26, v14  }
0x2a4: {  	v8 =	vimm.f32 $0.0e+00;
	[tilespmem:$0x1FB80] =	vst v28;
	v15 =	vmul.f32 v28, v14;
	v20 =	vmul.f32 v21, v27;
	v28 =	vld.idx.msk [tilespmem:v18+s23+$0x0], $0xffff  }
0x2a5: {  	v14 =	vmul.f32 v23, v17;
	v0 =	vadd.f32 v0, v8;
	v30 =	vld.idx.msk [tilespmem:v18+s24+$0x0], $0xffff;
	v18 =	vmul.f32 v11, v27  }
0x2a6: {  	[tilespmem:$0x1FB30] =	vst v32;
	v8 =	vor.u32 s2, v32;
	v27 =	vmul.f32 v25, v3;
	v32 =	vmul.f32 v3, v29;
	v3 =	vld [tilespmem:$0x1FB40]  }
0x2a7: {  	[tilespmem:$0x1FB20] =	vst v4  }
0x2a8: {  	[tilespmem:$0x1FB60] =	vst v2;
	v2 =	vmul.f32 v20, v21;
	v21 =	vor.u32 s2, v4;
	v4 =	vmul.f32 v14, v23  }
0x2a9: {  	v39 =	vimm.f32 $0.0e+00;
	[tilespmem:$0x1FB50] =	vst v26  }
0x2aa: {  	v17 =	vmul.f32 v22, v17;
	v26 =	vmovc v22;
	v22 =	vmul.f32 v18, v11;
	v18 =	vadd.f32 v4, v39;
	v4 =	vld [tilespmem:$0x1FB60]  }
0x2ab: {  	v10 =	vor.u32 s2, v3;
	v3 =	vld [tilespmem:$0x1FB50];
	_ =	sdelay $0x2  }
0x2ac: {  	v14 =	vmul.f32 v11, v20  }
0x2ad: {  	v11 =	vmul.f32 v23, v17;
	v20 =	vmul.f32 v17, v26;
	v17 =	vld [tilespmem:$0x1FB80]  }
0x2ae: {  	[tilespmem:$0x1FB10] =	vst v12;
	v16 =	vor.u32 s2, v12;
	v12 =	vld.idx.msk [tilespmem:v13+s23+$0x0], $0xffff;
	v4 =	vmul.f32 v4, v3  }
0x2af: {  	v2 =	vadd.f32 v2, v0;
	v0 =	vadd.f32 v1, v39;
	v1 =	vld.idx.msk [tilespmem:v13+s24+$0x0], $0xffff  }
0x2b0: {  	[tilespmem:$0x1FBA0] =	vst v4;
	v4 =	vld [tilespmem:$0x1FB70]  }
0x2b1: {  	v24 =	vmul.f32 v31, v25;
	v25 =	vld.idx.msk [tilespmem:v8+s23+$0x0], $0xffff  }
0x2b2: {  	v17 =	vmul.f32 v15, v17;
	v3 =	vmul.f32 v3, v15;
	v15 =	vld [tilespmem:$0x1FB90]  }
0x2b3: {  	v26 =	vld.idx.msk [tilespmem:v8+s24+$0x0], $0xffff  }
0x2b4: {  	v8 =	vadd.f32 v11, v39;
	v11 =	vld [tilespmem:$0x1FBA0]  }
0x2b5: {  	v31 =	vld.idx.msk [tilespmem:v21+s23+$0x0], $0xffff;
	v4 =	vadd.f32 v4, v39  }
0x2b6: {  	v29 =	vld.idx.msk [tilespmem:v21+s24+$0x0], $0xffff;
	v21 =	vmul.f32 v12, v6  }
0x2b7: {  	v13 =	vld.idx.msk [tilespmem:v16+s23+$0x0], $0xffff;
	v18 =	vadd.f32 v24, v18;
	v23 =	vmul.f32 v30, v15;
	v24 =	vadd.f32 v22, v4  }
0x2b8: {  	v4 =	vmul.f32 v28, v15;
	v15 =	vmul.f32 v21, v12;
	v12 =	vadd.f32 v20, v39;
	v22 =	vld.idx.msk [tilespmem:v10+s23+$0x0], $0xffff  }
0x2b9: {  	s5 =	simm.s32 $0x10;
	s12 =	smov.u32 s28;
	v20 =	vmul.f32 v1, v21;
	v21 =	vmul.f32 v23, v30;
	v10 =	vld.idx.msk [tilespmem:v10+s24+$0x0], $0xffff;
	v11 =	vadd.f32 v11, v24  }
.LBB2_41:
0x2ba: {  	v24 =	vld [tilespmem:$0x1FA50]  }
0x2bb: {  	v0 =	vadd.f32 v14, v0  }
0x2bc: {  	v16 =	vld.idx.msk [tilespmem:v16+s24+$0x0], $0xffff;
	v6 =	vmul.f32 v1, v6;
	v14 =	vmul.f32 v4, v28;
	v18 =	vadd.f32 v21, v18  }
0x2bd: {  	v2 =	vadd.f32 v17, v2;
	v17 =	vld [tilespmem:$0x1FA60];
	v4 =	vmul.f32 v30, v4;
	v23 =	vmul.f32 v31, v19  }
0x2be: {  	s7 =	smov.u32 s5;
	v12 =	vadd.f32 v32, v12;
	v21 =	vld [tilespmem:$0x1FA80];
	v0 =	vadd.f32 v3, v0;
	v3 =	vmul.f32 v29, v19  }
0x2bf: {  	v1 =	vmul.f32 v6, v1;
	v28 =	vmul.f32 v23, v31;
	v24 =	vor.u32 s7, v24  }
0x2c0: {  	s12 =	sadd.s32 $0x10, s12;
	v2 =	vadd.f32 v15, v2;
	v3 =	vmul.f32 v3, v29;
	v6 =	vmul.f32 v22, v7  }
0x2c1: {  	v30 =	vld [tilespmem:s12+$0x0];
	v12 =	vadd.f32 v14, v12;
	v15 =	vmul.f32 v16, v9;
	v9 =	vmul.f32 v13, v9  }
0x2c2: {  	v1 =	vadd.f32 v1, v11;
	v7 =	vmul.f32 v10, v7;
	v11 =	vld [tilespmem:$0x1FA70];
	v17 =	vor.u32 s7, v17  }
0x2c3: {  	v21 =	vor.u32 s7, v21;
	v15 =	vmul.f32 v15, v16;
	v14 =	vmul.f32 v16, v9;
	v16 =	vld [tilespmem:$0x1FB00]  }
0x2c4: {  	v0 =	vadd.f32 v20, v0;
	v19 =	vmul.f32 v29, v23;
	v31 =	vmul.f32 v6, v22;
	v20 =	vld.idx.msk [tilespmem:v24+s24+$0x0], $0xffff  }
0x2c5: {  	v7 =	vmul.f32 v7, v10;
	v23 =	vld.idx.msk [tilespmem:v24+s23+$0x0], $0xffff;
	v24 =	vmul.f32 v10, v6;
	v6 =	vadd.f32 v15, v18  }
0x2c6: {  	v8 =	vadd.f32 v27, v8;
	v27 =	vperm.xlane v30, v40;
	v15 =	vperm.xlane v30, v46;
	v46 =	vld [tilespmem:$0x1FA90]  }
0x2c7: {  	v39 =	vperm.xlane v30, v59;
	v22 =	vperm.xlane v30, v41;
	v18 =	vld.idx.msk [tilespmem:v17+s23+$0x0], $0xffff;
	v6 =	vadd.f32 v7, v6  }
0x2c8: {  	v4 =	vadd.f32 v4, v8;
	v9 =	vmul.f32 v9, v13;
	v10 =	vmul.f32 v25, v35;
	v40 =	vld.idx.msk [tilespmem:v21+s24+$0x0], $0xffff  }
0x2c9: {  	v11 =	vor.u32 s7, v11;
	v8 =	vld.idx.msk [tilespmem:v17+s24+$0x0], $0xffff;
	v17 =	vperm.xlane v30, v48;
	v3 =	vadd.f32 v3, v6  }
0x2ca: {  	v29 =	vor.u32 s7, v16;
	v16 =	vmul.f32 v26, v10;
	v48 =	vmul.f32 v23, v39  }
0x2cb: {  	v10 =	vmul.f32 v10, v25;
	v6 =	vlaneseq.u32;
	v3 =	vadd.f32 v44, v3  }
0x2cc: {  	v21 =	vld.idx.msk [tilespmem:v21+s23+$0x0], $0xffff;
	v41 =	vor.u32 s7, v46;
	v23 =	vmul.f32 v48, v23;
	v46 =	vmul.f32 v20, v48  }
0x2cd: {  	v48 =	vperm.xlane v30, v6;
	v6 =	vmul.f32 v40, v17;
	v25 =	vadd.f32 v53, v3;
	v3 =	vld [tilespmem:$0x1FB10]  }
0x2ce: {  	v7 =	vld [tilespmem:$0x1FFA0]  }
0x2cf: {  	v4 =	vadd.f32 v14, v4;
	v12 =	vadd.f32 v9, v12;
	v44 =	vmul.f32 v6, v40;
	v6 =	vld [tilespmem:$0x1FAD0]  }
0x2d0: {  	v14 =	vperm.xlane v30, v42;
	v42 =	vperm.xlane v30, v47;
	v32 =	vld.idx.msk [tilespmem:v11+s23+$0x0], $0xffff  }
0x2d1: {  	v47 =	vmul.f32 v26, v35;
	v12 =	vadd.f32 v31, v12;
	v4 =	vadd.f32 v24, v4;
	v53 =	vld [tilespmem:$0x1FAB0]  }
0x2d2: {  	v0 =	vadd.f32 v16, v0;
	v2 =	vadd.f32 v10, v2;
	v16 =	vor.u32 s7, v3;
	v3 =	vld.idx.msk [tilespmem:v11+s24+$0x0], $0xffff  }
0x2d3: {  	v4 =	vadd.f32 v19, v4;
	v24 =	vmul.f32 v18, v42;
	v7 =	vperm.xlane v30, v7  }
0x2d4: {  	v17 =	vmul.f32 v21, v17;
	v11 =	vmul.f32 v47, v26;
	v26 =	vor.u32 s7, v6;
	v6 =	vld [tilespmem:$0x1FAA0]  }
0x2d5: {  	v0 =	vadd.f32 v37, v0;
	v37 =	vmul.f32 v8, v24;
	v18 =	vmul.f32 v24, v18  }
0x2d6: {  	v13 =	vld [tilespmem:$0x1FAC0];
	v35 =	vmovc v15;
	v24 =	vmul.f32 v20, v39;
	v15 =	vmul.f32 v32, v7;
	v39 =	vor.u32 s7, v53  }
0x2d7: {  	v31 =	vld [tilespmem:$0x1FAF0];
	v4 =	vadd.f32 v38, v4;
	v21 =	vmul.f32 v17, v21;
	v7 =	vmul.f32 v3, v7  }
0x2d8: {  	v0 =	vadd.f32 v43, v0;
	v38 =	vmul.f32 v40, v17;
	v10 =	vmul.f32 v15, v32;
	v32 =	vld.idx.msk [tilespmem:v41+s23+$0x0], $0xffff  }
0x2d9: {  	v43 =	vmul.f32 v3, v15;
	v19 =	vor.u32 s7, v6;
	v17 =	vmul.f32 v7, v3;
	v3 =	vld [tilespmem:$0x1FFF0]  }
0x2da: {  	v1 =	vadd.f32 v11, v1;
	v11 =	vld.idx.msk [tilespmem:v41+s24+$0x0], $0xffff  }
0x2db: {  	v53 =	vmul.f32 v24, v20;
	v24 =	vld.idx.msk [tilespmem:v39+s24+$0x0], $0xffff  }
0x2dc: {  	v7 =	vld [tilespmem:$0x1FAE0]  }
0x2dd: {  	v13 =	vor.u32 s7, v13;
	v6 =	vld [tilespmem:$0x1FFB0]  }
0x2de: {  	v2 =	vadd.f32 v36, v2;
	v15 =	vld.idx.msk [tilespmem:v19+s24+$0x0], $0xffff;
	v3 =	vperm.xlane v30, v3  }
0x2df: {  	v9 =	vperm.xlane v30, v52;
	v42 =	vmul.f32 v8, v42;
	v36 =	vmov v18;
	v18 =	vld.idx.msk [tilespmem:v19+s23+$0x0], $0xffff  }
0x2e0: {  	v2 =	vadd.f32 v49, v2;
	v19 =	vld [tilespmem:$0x1FFD0];
	v40 =	vmul.f32 v32, v3;
	v3 =	vmul.f32 v11, v3  }
0x2e1: {  	v47 =	vadd.f32 v34, v4;
	v4 =	vperm.xlane v30, v51;
	v20 =	vor.u32 s7, v7;
	v7 =	vld [tilespmem:$0x1FFE0]  }
0x2e2: {  	v34 =	vmov v46;
	v46 =	vld.idx.msk [tilespmem:v13+s24+$0x0], $0xffff;
	v51 =	vmul.f32 v3, v11;
	v3 =	vadd.f32 v28, v12  }
0x2e3: {  	v0 =	vadd.f32 v58, v0;
	v58 =	vperm.xlane v30, v50;
	v1 =	vadd.f32 v62, v1;
	v39 =	vld.idx.msk [tilespmem:v39+s23+$0x0], $0xffff  }
0x2e4: {  	v62 =	vld.idx.msk [tilespmem:v13+s23+$0x0], $0xffff;
	v13 =	vmul.f32 v24, v14;
	v6 =	vperm.xlane v30, v6;
	v3 =	vadd.f32 v45, v3  }
0x2e5: {  	v1 =	vadd.f32 v54, v1;
	v19 =	vperm.xlane v30, v19;
	v32 =	vmul.f32 v40, v32  }
0x2e6: {  	v49 =	vmovc v10;
	v41 =	vmul.f32 v18, v58;
	v7 =	vperm.xlane v30, v7;
	v10 =	vadd.f32 v33, v3;
	v3 =	vld [tilespmem:$0x1FB20]  }
0x2e7: {  	v30 =	vmul.f32 v15, v58;
	v52 =	vld.idx.msk [tilespmem:v20+s23+$0x0], $0xffff;
	v58 =	vmul.f32 v11, v40  }
0x2e8: {  	v1 =	vadd.f32 v5, v1;
	v11 =	vld.idx.msk [tilespmem:v20+s24+$0x0], $0xffff;
	v20 =	vmul.f32 v39, v14;
	v5 =	vmul.f32 v15, v41  }
0x2e9: {  	v31 =	vor.u32 s7, v31;
	v40 =	vmul.f32 v13, v24;
	v12 =	vmul.f32 v30, v15  }
0x2ea: {  	v15 =	vmul.f32 v62, v27;
	v0 =	vadd.f32 v5, v0;
	v5 =	vmul.f32 v41, v18  }
0x2eb: {  	v18 =	vor.u32 s7, v3;
	v3 =	vmul.f32 v24, v20;
	v24 =	vmul.f32 v46, v27;
	v27 =	vld [tilespmem:$0x1FB30]  }
0x2ec: {  	v2 =	vadd.f32 v56, v2;
	v50 =	vld.idx.msk [tilespmem:v26+s24+$0x0], $0xffff  }
0x2ed: {  	v8 =	vmul.f32 v42, v8;
	v26 =	vld.idx.msk [tilespmem:v26+s23+$0x0], $0xffff  }
0x2ee: {  	v28 =	vld.idx.msk [tilespmem:v31+s23+$0x0], $0xffff;
	v2 =	vadd.f32 v5, v2;
	v5 =	vmul.f32 v52, v4;
	v4 =	vmul.f32 v11, v4  }
0x2ef: {  	v30 =	vld.idx.msk [tilespmem:v31+s24+$0x0], $0xffff;
	v13 =	vmul.f32 v15, v62  }
0x2f0: {  	v62 =	vmovc v8;
	v8 =	vmul.f32 v4, v11;
	v41 =	vor.u32 s7, v27;
	v27 =	vmul.f32 v11, v5;
	v11 =	vld [tilespmem:$0x1FB40]  }
0x2f1: {  	v14 =	vmul.f32 v50, v48;
	v33 =	vmov v23;
	v23 =	vld.idx.msk [tilespmem:v29+s23+$0x0], $0xffff  }
0x2f2: {  	v45 =	vmov v21;
	v12 =	vadd.f32 v12, v1;
	v1 =	vld.idx.msk [tilespmem:v29+s24+$0x0], $0xffff  }
0x2f3: {  	v21 =	vmul.f32 v26, v48;
	v14 =	vmul.f32 v14, v50;
	v2 =	vadd.f32 v13, v2;
	v13 =	vld.idx.msk [tilespmem:v16+s23+$0x0], $0xffff  }
0x2f4: {  	v54 =	vmov v17;
	v17 =	vmul.f32 v24, v46;
	v31 =	vld.idx.msk [tilespmem:v18+s23+$0x0], $0xffff  }
0x2f5: {  	v24 =	vmul.f32 v50, v21;
	v29 =	vld.idx.msk [tilespmem:v18+s24+$0x0], $0xffff;
	v42 =	vor.u32 s7, v11;
	v11 =	vadd.f32 v14, v25  }
0x2f6: {  	v21 =	vmul.f32 v21, v26;
	v14 =	vmul.f32 v46, v15;
	v25 =	vld.idx.msk [tilespmem:v41+s23+$0x0], $0xffff  }
0x2f7: {  	v46 =	vadd.f32 v17, v12;
	v26 =	vld.idx.msk [tilespmem:v41+s24+$0x0], $0xffff;
	v18 =	vadd.f32 v8, v11;
	v11 =	vmul.f32 v23, v6  }
0x2f8: {  	p0 =	sne.s32 s5, $0x70;
	v48 =	vmul.f32 v30, v22;
	v17 =	vmul.f32 v20, v39;
	v41 =	vld [tilespmem:$0x1FF70]  }
.Ltmp20:
0x2f9: {  	v20 =	vmul.f32 v1, v11;
	v15 =	vmul.f32 v11, v23;
	v11 =	vadd.f32 v40, v46;
	v46 =	vld [tilespmem:$0x1FF90];
	(pc) =	sbr.rel @p0 .LBB2_41-.Ltmp20, $4  }
0x2fa: {  	v40 =	vld [tilespmem:$0x1FF60]  }
0x2fb: {  	v56 =	vmov v32;
	v4 =	vmul.f32 v28, v22;
	v32 =	vmul.f32 v5, v52;
	v22 =	vld.idx.msk [tilespmem:v42+s23+$0x0], $0xffff  }
0x2fc: {  	v52 =	vmovc v63;
	v50 =	vmovc v55;
	v5 =	vmov v51;
	v51 =	vmov v57;
	v12 =	vadd.f32 v21, v10;
	v10 =	vld.idx.msk [tilespmem:v42+s24+$0x0], $0xffff  }
0x2fd: {  	s5 =	sadd.s32 $0x10, s5;
	v21 =	vmul.f32 v48, v30;
	v48 =	vmovc v61;
	v8 =	vadd.f32 v24, v47;
	v47 =	vmovc v60;
	v24 =	vlaneseq.u32;
	v42 =	vld [tilespmem:$0x1FF80]  }
0x2fe: {  	_ =	sdelay $0x3  }
0x2ff: {  	v16 =	vld.idx.msk [tilespmem:v16+s24+$0x0], $0xffff  }
0x300: {  	v0 =	vadd.f32 v14, v0;
	v14 =	vmul.f32 v4, v28;
	v6 =	vmul.f32 v1, v6  }
0x301: {  	v23 =	vmul.f32 v31, v19;
	v19 =	vmul.f32 v29, v19  }
0x302: {  	v2 =	vadd.f32 v17, v2;
	v28 =	vmul.f32 v30, v4;
	v12 =	vadd.f32 v32, v12  }
0x303: {  	v32 =	vmul.f32 v26, v35;
	v18 =	vadd.f32 v21, v18;
	v8 =	vadd.f32 v27, v8  }
0x304: {  	v0 =	vadd.f32 v3, v0;
	v1 =	vmul.f32 v6, v1;
	v3 =	vmul.f32 v16, v9  }
0x305: {  	v2 =	vadd.f32 v15, v2;
	v30 =	vmul.f32 v22, v7;
	v17 =	vmul.f32 v10, v7  }
0x306: {  	v4 =	vadd.f32 v28, v8;
	v8 =	vmul.f32 v32, v26;
	v3 =	vmul.f32 v3, v16  }
0x307: {  	v1 =	vadd.f32 v1, v11;
	v15 =	vmul.f32 v17, v10;
	v17 =	vmul.f32 v25, v35  }
0x308: {  	v7 =	vmul.f32 v30, v22;
	v9 =	vmul.f32 v13, v9;
	v3 =	vadd.f32 v3, v18  }
0x309: {  	v0 =	vadd.f32 v20, v0;
	v10 =	vmul.f32 v10, v30;
	v30 =	vmul.f32 v26, v17  }
0x30a: {  	v6 =	vmul.f32 v19, v29;
	v1 =	vadd.f32 v8, v1;
	v3 =	vadd.f32 v15, v3  }
0x30b: {  	v35 =	vadd.f32 v14, v12;
	v28 =	vmul.f32 v16, v9;
	v0 =	vadd.f32 v30, v0  }
0x30c: {  	v9 =	vmul.f32 v9, v13;
	v1 =	vadd.f32 v62, v1;
	v3 =	vadd.f32 v6, v3  }
0x30d: {  	v4 =	vadd.f32 v28, v4;
	v0 =	vadd.f32 v37, v0;
	v37 =	vmul.f32 v17, v25  }
0x30e: {  	v6 =	vadd.f32 v9, v35;
	v3 =	vadd.f32 v44, v3  }
0x30f: {  	v1 =	vadd.f32 v54, v1;
	v2 =	vadd.f32 v37, v2  }
0x310: {  	v6 =	vadd.f32 v7, v6;
	v3 =	vadd.f32 v53, v3;
	v53 =	vmul.f32 v23, v31  }
0x311: {  	v4 =	vadd.f32 v10, v4;
	v0 =	vadd.f32 v43, v0;
	v44 =	vmul.f32 v29, v23  }
0x312: {  	v2 =	vadd.f32 v36, v2;
	v6 =	vadd.f32 v53, v6  }
0x313: {  	v0 =	vadd.f32 v58, v0;
	v58 =	vld [tilespmem:$0x1FBB0];
	v4 =	vadd.f32 v44, v4  }
0x314: {  	v62 =	vld [tilespmem:$0x1FBC0];
	v2 =	vadd.f32 v49, v2;
	v6 =	vadd.f32 v45, v6  }
0x315: {  	v1 =	vadd.f32 v5, v1;
	v4 =	vadd.f32 v38, v4  }
0x316: {  	s3 =	sadd.s32 $0x1, s3;
	v2 =	vadd.f32 v56, v2;
	v56 =	vadd.f32 v33, v6  }
0x317: {  	p0 =	sne.s32 s3, $0x4;
	v22 =	vld [tilespmem:$0x1FFB0];
	v4 =	vadd.f32 v34, v4  }
.Ltmp21:
0x318: {  	v12 =	vld [tilespmem:$0x1FFF0];
	v1 =	vadd.f32 v1, v3;
	v2 =	vadd.f32 v2, v56;
	(pc) =	sbr.rel @p0 .LBB2_40-.Ltmp21, $4  }
0x319: {  	v16 =	vld [tilespmem:$0x1FF50];
	v0 =	vadd.f32 v0, v4  }
0x31a: {  	s4 =	sor.u32 s0, s4;
	v25 =	vld [tilespmem:$0x1FFD0];
	v1 =	vmul.f32 v1, v2  }
0x31b: {  	v17 =	vld [tilespmem:$0x1FFA0];
	[tilespmem:v58+s4+$0x0 ss:$0x1] =	vst.idx.msk $0xffff, v0  }
0x31c: {  	v39 =	vmov v59;
	v23 =	vld [tilespmem:$0x1FFE0];
	[tilespmem:v62+s4+$0x0 ss:$0x1] =	vst.idx.msk $0xffff, v1  }
0x31d: {  	s30 =	sadd.s32 $0x1, s30  }
0x31e: {  	p0 =	sne.s32 s30, $0x10  }
.Ltmp22:
0x31f: {  	_ = 	snop;
	(pc) =	sbr.rel @p0 .LBB2_31-.Ltmp22, $1  }
0x320: {  	_ =	sdelay $0x3  }
0x321: {  	s0 =	simm.s32 $0x1D100;
	s29 =	sadd.s32 $0x1, s29  }
0x322: {  	[hbm4b:s8+s6] =	stream.linear.scatter [tilespmem:s0], [sflag:$0x4], $0x1800, $0x38;
	[tilespmem:$0x1E900] =	vst v63  }
0x323: {  	p0 =	sne.s32 s29, s9  }
.Ltmp23:
0x324: {  	_ = 	snop;
	(pc) =	sbr.rel @p0 .LBB2_1-.Ltmp23, $4  }
.Ltmp24:
0x325: {  	_ = 	snop;
	(pc) =	sbr.rel @!p0 .LBB2_45-.Ltmp24, $4  }
0x326: {  	_ =	swait.ge [sflag:s10], $0x1800  }
0x327: {  	[sflag:s10] =	ssyncset.done $0x0  }
0x328: {  	[sflag:s10] =	ssyncadd.s32 $0xFFFFE800  }
0x329: {  	_ = 	snop  }
.LBB2_9:
.Ltmp25:
0x32a: {  	(pc) =	sbr.rel .LBB2_14-.Ltmp25, $2  }
0x32b: {  	_ =	sdelay $0x2  }
0x32c: {  	s3 =	simm.s32 $0x0  }
.LBB2_20:
.Ltmp26:
0x32d: {  	(pc) =	sbr.rel .LBB2_25-.Ltmp26, $2  }
0x32e: {  	_ =	sdelay $0x2  }
0x32f: {  	s0 =	simm.s32 $0x0  }
.LBB2_26:
.Ltmp27:
0x330: {  	(pc) =	sbr.rel .LBB2_30-.Ltmp27, $2  }
0x331: {  	_ =	sdelay $0x2  }
0x332: {  	s2 =	simm.s32 $0x0;
	s0 =	simm.s32 $0x0  }
.LBB2_5:
.Ltmp28:
0x333: {  	(pc) =	sbr.rel .LBB2_8-.Ltmp28, $2  }
0x334: {  	_ =	sdelay $0x2  }
0x335: {  	s5 =	simm.s32 $0x0;
	s4 =	simm.s32 $0x0;
	s7 =	simm.s32 $0x80  }
.LBB2_11:
.Ltmp29:
0x336: {  	(pc) =	sbr.rel .LBB2_14-.Ltmp29, $2  }
0x337: {  	_ =	sdelay $0x2  }
0x338: {  	s5 =	simm.s32 $0x0;
	s2 =	simm.s32 $0x0;
	s0 =	simm.s32 $0x10  }
.LBB2_16:
.Ltmp30:
0x339: {  	(pc) =	sbr.rel .LBB2_19-.Ltmp30, $2  }
0x33a: {  	_ =	sdelay $0x2  }
0x33b: {  	s5 =	simm.s32 $0x0;
	s4 =	simm.s32 $0x0;
	s7 =	simm.s32 $0x80  }
.LBB2_22:
.Ltmp31:
0x33c: {  	(pc) =	sbr.rel .LBB2_25-.Ltmp31, $2  }
0x33d: {  	_ =	sdelay $0x2  }
0x33e: {  	s5 =	simm.s32 $0x0;
	s3 =	simm.s32 $0x0;
	s2 =	simm.s32 $0x10  }
.LBB2_28:
.Ltmp32:
0x33f: {  	(pc) =	sbr.rel .LBB2_30-.Ltmp32, $2  }
0x340: {  	_ =	sdelay $0x2  }
0x341: {  	s4 =	simm.s32 $0x0;
	s3 =	simm.s32 $0x0  }
.LBB2_45:
0x342: {  	_ =	sfence.sel $0x180000  }
0x343: {  	[bflag:$0x0] =	sbarrier.arrive $0xFFFF  }
0x344: {  	_ =	strace $0x90000047  }
0x345: {  	s0 =	stileid.u32;
	[bflag:$0x2] =	sbarrier.arrive $0xFFFF  }
0x346: {  	p0 =	sne.s32 s0, $0x0;
	s0 =	rddreg [dreg:$0x5]  }
0x347: {  	s0 =	sadd.s32 @!p0 $0x100000, s0  }
0x348: {  	[sflag:s0] =	ssyncadd.tile.s32 @!p0 $0x1;
	_ =	shalt  }
.Lfunc_end2:
_tile_overlayer_lowered:
.L_overlay_start_2:
0x349: {  	(tag) =	ssettag $0x2  }
0x34a: {  	s0 =	rddreg [dreg:$0x0];
	s2 =	stileid.u32  }
0x34b: {  	s1 =	rddreg [dreg:$0x1];
	p0 =	sne.s32 s2, $0x0  }
0x34c: {  	s3 =	rddreg [dreg:$0x2];
	[bflag:$0x3] =	sbarrier.arrive $0xFFFF;
	s2 =	simm.s32 @!p0 $0x1C04  }
0x34d: {  	[timem:s3], [sflag:s2] =	dma.local @!p0 [hbm:s0], s1  }
0x34e: {  	s0 =	simm.s32 @!p0 $0x4  }
0x34f: {  	_ =	swait.ge @!p0 [sflag:s0], s1  }
0x350: {  	s1 =	ssub.s32 @!p0 $0x0, s1;
	[sflag:s0] =	ssyncset.done @!p0 $0x0  }
0x351: {  	[sflag:s0] =	ssyncadd.s32 @!p0 s1  }
0x352: {  	[bflag:$0x3] =	sbarrier.arrive $0xFFFF  }
0x353: {  	_ =	shalt  }

</sc_bundles>
